<compile_context>
chip_gen: v7x
topology: tpu7x:2x2x1
jax: 0.10.2.dev20260603
libtpu: 0.0.44.dev20260713+nightly
codegen_flags: <defaults>
</compile_context>

<pallas_src>
import functools

import jax
import jax.numpy as jnp
from jax import lax
from jax.experimental import pallas as pl
from jax.experimental.pallas import tpu as pltpu
from jax.experimental.pallas import tpu_sc as plsc

_D = 128


def _sc_gather_rows(table, src, dst):
    E = src.shape[0]
    D = table.shape[1]
    NW = 32
    per_w = E // NW
    CH = 1000
    nch = per_w // CH
    mesh = plsc.VectorSubcoreMesh(core_axis_name="c", subcore_axis_name="s")

    @functools.partial(
        pl.kernel, mesh=mesh,
        out_type=[jax.ShapeDtypeStruct((E, D), jnp.float32),
                  jax.ShapeDtypeStruct((E, D), jnp.float32)],
        scratch_types=[pltpu.VMEM((CH,), jnp.int32),
                       pltpu.VMEM((CH, D), jnp.float32),
                       pltpu.SemaphoreType.DMA],
    )
    def k(table_hbm, src_hbm, dst_hbm, osrc_hbm, odst_hbm, idx_v, rows_v,
          sem):
        wid = lax.axis_index("s") * 2 + lax.axis_index("c")
        base = wid * per_w
        for ihbm, ohbm in ((src_hbm, osrc_hbm), (dst_hbm, odst_hbm)):
            for c in range(nch):
                off = base + c * CH
                pltpu.sync_copy(ihbm.at[pl.ds(off, CH)], idx_v)
                pltpu.async_copy(table_hbm.at[idx_v], rows_v, sem).wait()
                pltpu.sync_copy(rows_v, ohbm.at[pl.ds(off, CH)])

    return k(table, src, dst)


def _logits_body(hsrc_ref, hdst_ref, rel_ref, w1q_ref, w2q_ref, w1k_ref,
                 w2k_ref, aq_ref, bq_ref, out_ref):
    hsrc = hsrc_ref[0]
    hdst = hdst_ref[0]
    rel = rel_ref[0]
    a = (jnp.dot(hsrc, w1q_ref[...], preferred_element_type=jnp.float32)
         + jnp.dot(rel, w2q_ref[...], preferred_element_type=jnp.float32)
         + aq_ref[0])
    b = (jnp.dot(hdst, w1k_ref[...], preferred_element_type=jnp.float32)
         + jnp.dot(rel, w2k_ref[...], preferred_element_type=jnp.float32)
         + bq_ref[0])
    out_ref[...] = jnp.sum(a * b, axis=1)[None, None, :]


def _final_body(agg_ref, h_ref, deg_ref, wl_ref, bl_ref, out_ref):
    x = jnp.where(deg_ref[...] > 0.0, agg_ref[...], h_ref[...])
    y = jnp.dot(x, wl_ref[...].T, preferred_element_type=jnp.float32)
    y = y + bl_ref[...]
    out_ref[...] = jnp.where(y >= 0.0, y, 0.01 * y)


def kernel(visited_node_score, selected_edges, visited_node_representation,
           rel_emb, query_src_ts_emb, query_rel_emb, Wq, Wk, W_lin, b_lin,
           max_edges):
    H = visited_node_representation
    N = H.shape[0]
    E = selected_edges.shape[0]
    Q = query_src_ts_emb.shape[0]
    PER_Q = E // Q
    D = _D

    qidx = selected_edges[:, 0]
    src = selected_edges[:, 6]
    dst = selected_edges[:, 7]

    Cq = jnp.concatenate([query_src_ts_emb, query_rel_emb], axis=1)
    W1qT = Wq[:, :D].T
    W2qT = Wq[:, D:2 * D].T
    W1kT = Wk[:, :D].T
    W2kT = Wk[:, D:2 * D].T
    Aq = Cq @ Wq[:, 2 * D:].T
    Bq = Cq @ Wk[:, 2 * D:].T

    hsrc2, hdst2 = _sc_gather_rows(H, src, dst)
    hsrc = hsrc2.reshape(Q, PER_Q, D)
    hdst = hdst2.reshape(Q, PER_Q, D)
    rel3 = rel_emb.reshape(Q, PER_Q, D)

    qblk3 = lambda i: (i, 0, 0)
    full = lambda i: (0, 0)
    logits = pl.pallas_call(
        _logits_body,
        grid=(Q,),
        in_specs=[
            pl.BlockSpec((1, PER_Q, D), qblk3),
            pl.BlockSpec((1, PER_Q, D), qblk3),
            pl.BlockSpec((1, PER_Q, D), qblk3),
            pl.BlockSpec((D, 4 * D), full),
            pl.BlockSpec((D, 4 * D), full),
            pl.BlockSpec((D, 4 * D), full),
            pl.BlockSpec((D, 4 * D), full),
            pl.BlockSpec((1, 1, 4 * D), qblk3),
            pl.BlockSpec((1, 1, 4 * D), qblk3),
        ],
        out_specs=pl.BlockSpec((1, 1, PER_Q), qblk3),
        out_shape=jax.ShapeDtypeStruct((Q, 1, PER_Q), jnp.float32),
    )(hsrc, hdst, rel3, W1qT, W2qT, W1kT, W2kT,
      Aq.reshape(Q, 1, 4 * D), Bq.reshape(Q, 1, 4 * D))
    logits = logits.reshape(E)

    mx = jax.ops.segment_max(logits, src, num_segments=N)
    mx = jnp.where(jnp.isfinite(mx), mx, 0.0)
    ex = jnp.exp(logits - mx[src])
    s = jax.ops.segment_sum(ex, src, num_segments=N)
    soft = ex / (s[src] + 1e-16)

    src_score = visited_node_score[src]
    target_score = soft * src_score

    ts = target_score.reshape(Q, PER_Q)
    _, topi = jax.lax.top_k(ts, 500)
    orig_indices = (jnp.arange(Q, dtype=jnp.int32)[:, None] * PER_Q
                    + topi).reshape(-1)

    p_src = src[orig_indices]
    p_dst = dst[orig_indices]
    p_soft = soft[orig_indices]
    p_src_score = src_score[orig_indices]

    updated_node_score = jax.ops.segment_sum(p_soft * p_src_score, p_dst,
                                             num_segments=N)
    agg = jax.ops.segment_sum(p_soft[:, None] * H[p_dst], p_src,
                              num_segments=N)
    deg = jax.ops.segment_sum(jnp.ones_like(p_soft), p_src, num_segments=N)

    BN = 2000
    node = lambda i: (i, 0)
    updated_repr = pl.pallas_call(
        _final_body,
        grid=(N // BN,),
        in_specs=[
            pl.BlockSpec((BN, D), node),
            pl.BlockSpec((BN, D), node),
            pl.BlockSpec((BN, 1), node),
            pl.BlockSpec((D, D), full),
            pl.BlockSpec((1, D), full),
        ],
        out_specs=pl.BlockSpec((BN, D), node),
        out_shape=jax.ShapeDtypeStruct((N, D), jnp.float32),
    )(agg, H, deg[:, None], W_lin, b_lin[None, :])

    return updated_node_score, updated_repr, orig_indices

# --- scband reference (transcript-rebuilt; emitter-appended) ---
"""Pipeline reference for scband-attention-flow-21079699489028 (READ-ONLY COPY).

The authoritative reference and input builder live on the scoring server;
editing this copy changes nothing except your own understanding.
"""

import jax, jax.numpy as jnp
import numpy as np

N = 10000
D = 128
Q = 64
PER_Q = 2500
E = Q * PER_Q
RATIO_UPDATE = 0.0


def setup_inputs(seed: int = 0):
    key = jax.random.key(seed)
    ks = jax.random.split(key, 12)
    visited_node_score = jax.random.uniform(ks[0], (N,), dtype=jnp.float32)
    qidx = jnp.repeat(jnp.arange(Q, dtype=jnp.int32), PER_Q)
    src = jax.random.randint(ks[1], (E,), 0, N, dtype=jnp.int32)
    dst = jax.random.randint(ks[2], (E,), 0, N, dtype=jnp.int32)
    selected_edges = jnp.zeros((E, 8), dtype=jnp.int32)
    selected_edges = selected_edges.at[:, 0].set(qidx)
    selected_edges = selected_edges.at[:, 6].set(src)
    selected_edges = selected_edges.at[:, 7].set(dst)
    visited_node_representation = jax.random.normal(ks[3], (N, D), dtype=jnp.float32)
    rel_emb = jax.random.normal(ks[4], (E, D), dtype=jnp.float32)
    query_src_ts_emb = jax.random.normal(ks[5], (Q, D), dtype=jnp.float32)
    query_rel_emb = jax.random.normal(ks[6], (Q, D), dtype=jnp.float32)
    d_in = 4 * D
    Wq = jax.random.normal(ks[7], (d_in, d_in), dtype=jnp.float32) * np.sqrt(2.0 / d_in)
    Wk = jax.random.normal(ks[8], (d_in, d_in), dtype=jnp.float32) * np.sqrt(2.0 / d_in)
    W_lin = jax.random.normal(ks[9], (D, D), dtype=jnp.float32) * np.sqrt(2.0 / (D + D))
    b_lin = jnp.zeros((D,), dtype=jnp.float32)
    return {
        'visited_node_score': visited_node_score,
        'selected_edges': selected_edges,
        'visited_node_representation': visited_node_representation,
        'rel_emb': rel_emb,
        'query_src_ts_emb': query_src_ts_emb,
        'query_rel_emb': query_rel_emb,
        'Wq': Wq, 'Wk': Wk, 'W_lin': W_lin, 'b_lin': b_lin,
        'max_edges': 500,
    }


def _segment_softmax(logits, seg, num_segments):
    mx = jax.ops.segment_max(logits, seg, num_segments=num_segments)
    mx = jnp.where(jnp.isfinite(mx), mx, 0.0)
    ex = jnp.exp(logits - mx[seg])
    s = jax.ops.segment_sum(ex, seg, num_segments=num_segments)
    return ex / (s[seg] + 1e-16)


def _attention_score(qidx, h_vi, h_vj, rel, qs_emb, qr_emb, Wq, Wk):
    # G3 bilinear: sum(Wq @ left * Wk @ right)
    qs = qs_emb[qidx]
    qr = qr_emb[qidx]
    left = jnp.concatenate([h_vi, rel, qs, qr], axis=-1)
    right = jnp.concatenate([h_vj, rel, qs, qr], axis=-1)
    return jnp.sum((left @ Wq.T) * (right @ Wk.T), axis=-1)


def reference(visited_node_score, selected_edges, visited_node_representation,
              rel_emb, query_src_ts_emb, query_rel_emb, Wq, Wk, W_lin, b_lin, max_edges):
    qidx = selected_edges[:, 0]
    src = selected_edges[:, 6]
    dst = selected_edges[:, 7]
    h_vi = visited_node_representation[src]
    h_vj = visited_node_representation[dst]
    logits = _attention_score(qidx, h_vi, h_vj, rel_emb, query_src_ts_emb, query_rel_emb, Wq, Wk)
    src_score = visited_node_score[src]
    soft = _segment_softmax(logits, src, N)
    target_score = soft * src_score
    # top-k pruning per query subgraph (edges contiguous per query, PER_Q each)
    ts = target_score.reshape(Q, PER_Q)
    _, topi = jax.lax.top_k(ts, 500)
    orig_indices = (jnp.arange(Q, dtype=jnp.int32)[:, None] * PER_Q + topi).reshape(-1)
    orig_indices = orig_indices * (max_edges // max_edges)
    p_src = src[orig_indices]
    p_dst = dst[orig_indices]
    p_soft = soft[orig_indices]
    p_src_score = src_score[orig_indices]
    # node score aggregation == 'sum': sparse mm == scatter-add over dst nodes
    updated_node_score = jax.ops.segment_sum(p_soft * p_src_score, p_dst, num_segments=N)
    # update node representations along pruned edges; identity for non-src nodes
    agg = jax.ops.segment_sum((1.0 - RATIO_UPDATE) * p_soft[:, None] * visited_node_representation[p_dst],
                              p_src, num_segments=N)
    deg = jax.ops.segment_sum(jnp.ones((p_src.shape[0],), jnp.float32), p_src, num_segments=N)
    is_src = (deg > 0)[:, None]
    updated_repr = jnp.where(is_src, RATIO_UPDATE * visited_node_representation + agg,
                             visited_node_representation)
    # bypass_forward: LeakyReLU(Linear(x))
    updated_repr = updated_repr @ W_lin.T + b_lin
    updated_repr = jnp.where(updated_repr >= 0, updated_repr, 0.01 * updated_repr)
    return updated_node_score, updated_repr, orig_indices

if __name__ == "__main__":
    import jax
    _d = setup_inputs()
    print(jax.jit(kernel)(*tuple(_d.values())))

</pallas_src>

<mosaic_0001>
#map = affine_map<(d0, d1) -> (0, 0)>
#map1 = affine_map<(d0, d1) -> (0)>
module attributes {stable_mosaic.version = 14 : i64} {
  func.func @k(%arg0: i32, %arg1: i32, %arg2: memref<10000x128xf32, #tpu.memory_space<hbm>>, %arg3: memref<160000xi32, #tpu.memory_space<hbm>>, %arg4: memref<160000xi32, #tpu.memory_space<hbm>>, %arg5: memref<160000x128xf32, #tpu.memory_space<hbm>>, %arg6: memref<160000x128xf32, #tpu.memory_space<hbm>>, %arg7: memref<1000xi32, #tpu.memory_space<vmem>>, %arg8: memref<1000x128xf32, #tpu.memory_space<vmem>>, %arg9: memref<!tpu.dma_semaphore, #tpu.memory_space<semaphore_mem>>) attributes {dimension_semantics = [#tpu.dimension_semantics<core_parallel>, #tpu.dimension_semantics<subcore_parallel>], iteration_bounds = array<i64: 2, 16>, scalar_prefetch = 0 : i64, scratch_operands = 3 : i64, tpu.core_type = #tpu.core_type<sc_vector_subcore>, window_params = [{transform_indices = #map}, {transform_indices = #map1}, {transform_indices = #map1}, {transform_indices = #map}, {transform_indices = #map}]} {
    %mul3A = arith.constant 2 : i32
    %mul3A_0 = arith.muli %arg1, %mul3A : i32
    %add3A = arith.addi %mul3A_0, %arg0 : i32
    %mul3A_1 = arith.constant 5000 : i32
    %mul3A_2 = arith.muli %add3A, %mul3A_1 : i32
    %add3A_3 = arith.constant 0 : i32
    %add3A_4 = arith.addi %mul3A_2, %add3A_3 : i32
    "tpu.region"() ({
      %run_scoped3A = tpu.sem_alloc : memref<!tpu.dma_semaphore, #tpu.memory_space<semaphore_mem>>
      %dma_start3A_81 = tpu.memref_slice %arg3[%add3A_4] : memref<160000xi32, #tpu.memory_space<hbm>> -> memref<1000xi32, #tpu.memory_space<hbm>>
      %dma_start3A_82 = tpu.memref_slice %arg3[%add3A_4] : memref<160000xi32, #tpu.memory_space<hbm>> -> memref<1000xi32, #tpu.memory_space<hbm>>
      tpu.enqueue_dma source(%dma_start3A_82 : memref<1000xi32, #tpu.memory_space<hbm>>) target(%arg7 : memref<1000xi32, #tpu.memory_space<vmem>>) target_semaphore(%run_scoped3A : memref<!tpu.dma_semaphore, #tpu.memory_space<semaphore_mem>>)
      %dma_wait3A_83 = tpu.memref_slice %arg3[%add3A_4] : memref<160000xi32, #tpu.memory_space<hbm>> -> memref<1000xi32, #tpu.memory_space<hbm>>
      %dma_wait3A_84 = tpu.memref_slice %arg3[%add3A_4] : memref<160000xi32, #tpu.memory_space<hbm>> -> memref<1000xi32, #tpu.memory_space<hbm>>
      tpu.wait_dma2 semaphore(%run_scoped3A : memref<!tpu.dma_semaphore, #tpu.memory_space<semaphore_mem>>) src(%dma_wait3A_84 : memref<1000xi32, #tpu.memory_space<hbm>>) dst(%arg7 : memref<1000xi32, #tpu.memory_space<vmem>>)
      tpu.yield
    }) : () -> ()
    %dma_start3A = arith.constant 0 : i32
    %dma_start3A_5 = arith.constant 0 : i32
    %dma_start3A_6 = tpu.memref_slice %arg2[%dma_start3A, %dma_start3A_5] : memref<10000x128xf32, #tpu.memory_space<hbm>> -> memref<10000x128xf32, #tpu.memory_space<hbm>>
    tpu.enqueue_indirect_dma source(%dma_start3A_6 : memref<10000x128xf32, #tpu.memory_space<hbm>>) target(%arg8 : memref<1000x128xf32, #tpu.memory_space<vmem>>) offsets(%arg7 : memref<1000xi32, #tpu.memory_space<vmem>>) semaphore(%arg9 : memref<!tpu.dma_semaphore, #tpu.memory_space<semaphore_mem>>)
    %dma_wait3A = arith.constant 0 : i32
    %dma_wait3A_7 = arith.constant 0 : i32
    %dma_wait3A_8 = tpu.memref_slice %arg2[%dma_wait3A, %dma_wait3A_7] : memref<10000x128xf32, #tpu.memory_space<hbm>> -> memref<10000x128xf32, #tpu.memory_space<hbm>>
    tpu.wait_indirect_dma semaphore(%arg9 : memref<!tpu.dma_semaphore, #tpu.memory_space<semaphore_mem>>) src(%dma_wait3A_8 : memref<10000x128xf32, #tpu.memory_space<hbm>>) dst(%arg8 : memref<1000x128xf32, #tpu.memory_space<vmem>>)
    "tpu.region"() ({
      %run_scoped3A = tpu.sem_alloc : memref<!tpu.dma_semaphore, #tpu.memory_space<semaphore_mem>>
      %dma_start3A_81 = arith.constant 0 : i32
      %dma_start3A_82 = tpu.memref_slice %arg5[%add3A_4, %dma_start3A_81] : memref<160000x128xf32, #tpu.memory_space<hbm>> -> memref<1000x128xf32, #tpu.memory_space<hbm>>
      %dma_start3A_83 = arith.constant 0 : i32
      %dma_start3A_84 = tpu.memref_slice %arg5[%add3A_4, %dma_start3A_83] : memref<160000x128xf32, #tpu.memory_space<hbm>> -> memref<1000x128xf32, #tpu.memory_space<hbm>>
      tpu.enqueue_dma source(%arg8 : memref<1000x128xf32, #tpu.memory_space<vmem>>) target(%dma_start3A_84 : memref<1000x128xf32, #tpu.memory_space<hbm>>) target_semaphore(%run_scoped3A : memref<!tpu.dma_semaphore, #tpu.memory_space<semaphore_mem>>)
      %dma_wait3A_85 = arith.constant 0 : i32
      %dma_wait3A_86 = tpu.memref_slice %arg5[%add3A_4, %dma_wait3A_85] : memref<160000x128xf32, #tpu.memory_space<hbm>> -> memref<1000x128xf32, #tpu.memory_space<hbm>>
      %dma_wait3A_87 = arith.constant 0 : i32
      %dma_wait3A_88 = tpu.memref_slice %arg5[%add3A_4, %dma_wait3A_87] : memref<160000x128xf32, #tpu.memory_space<hbm>> -> memref<1000x128xf32, #tpu.memory_space<hbm>>
      tpu.wait_dma2 semaphore(%run_scoped3A : memref<!tpu.dma_semaphore, #tpu.memory_space<semaphore_mem>>) src(%arg8 : memref<1000x128xf32, #tpu.memory_space<vmem>>) dst(%dma_wait3A_88 : memref<1000x128xf32, #tpu.memory_space<hbm>>)
      tpu.yield
    }) : () -> ()
    %add3A_9 = arith.constant 1000 : i32
    %add3A_10 = arith.addi %mul3A_2, %add3A_9 : i32
    "tpu.region"() ({
      %run_scoped3A = tpu.sem_alloc : memref<!tpu.dma_semaphore, #tpu.memory_space<semaphore_mem>>
      %dma_start3A_81 = tpu.memref_slice %arg3[%add3A_10] : memref<160000xi32, #tpu.memory_space<hbm>> -> memref<1000xi32, #tpu.memory_space<hbm>>
      %dma_start3A_82 = tpu.memref_slice %arg3[%add3A_10] : memref<160000xi32, #tpu.memory_space<hbm>> -> memref<1000xi32, #tpu.memory_space<hbm>>
      tpu.enqueue_dma source(%dma_start3A_82 : memref<1000xi32, #tpu.memory_space<hbm>>) target(%arg7 : memref<1000xi32, #tpu.memory_space<vmem>>) target_semaphore(%run_scoped3A : memref<!tpu.dma_semaphore, #tpu.memory_space<semaphore_mem>>)
      %dma_wait3A_83 = tpu.memref_slice %arg3[%add3A_10] : memref<160000xi32, #tpu.memory_space<hbm>> -> memref<1000xi32, #tpu.memory_space<hbm>>
      %dma_wait3A_84 = tpu.memref_slice %arg3[%add3A_10] : memref<160000xi32, #tpu.memory_space<hbm>> -> memref<1000xi32, #tpu.memory_space<hbm>>
      tpu.wait_dma2 semaphore(%run_scoped3A : memref<!tpu.dma_semaphore, #tpu.memory_space<semaphore_mem>>) src(%dma_wait3A_84 : memref<1000xi32, #tpu.memory_space<hbm>>) dst(%arg7 : memref<1000xi32, #tpu.memory_space<vmem>>)
      tpu.yield
    }) : () -> ()
    %dma_start3A_11 = arith.constant 0 : i32
    %dma_start3A_12 = arith.constant 0 : i32
    %dma_start3A_13 = tpu.memref_slice %arg2[%dma_start3A_11, %dma_start3A_12] : memref<10000x128xf32, #tpu.memory_space<hbm>> -> memref<10000x128xf32, #tpu.memory_space<hbm>>
    tpu.enqueue_indirect_dma source(%dma_start3A_13 : memref<10000x128xf32, #tpu.memory_space<hbm>>) target(%arg8 : memref<1000x128xf32, #tpu.memory_space<vmem>>) offsets(%arg7 : memref<1000xi32, #tpu.memory_space<vmem>>) semaphore(%arg9 : memref<!tpu.dma_semaphore, #tpu.memory_space<semaphore_mem>>)
    %dma_wait3A_14 = arith.constant 0 : i32
    %dma_wait3A_15 = arith.constant 0 : i32
    %dma_wait3A_16 = tpu.memref_slice %arg2[%dma_wait3A_14, %dma_wait3A_15] : memref<10000x128xf32, #tpu.memory_space<hbm>> -> memref<10000x128xf32, #tpu.memory_space<hbm>>
    tpu.wait_indirect_dma semaphore(%arg9 : memref<!tpu.dma_semaphore, #tpu.memory_space<semaphore_mem>>) src(%dma_wait3A_16 : memref<10000x128xf32, #tpu.memory_space<hbm>>) dst(%arg8 : memref<1000x128xf32, #tpu.memory_space<vmem>>)
    "tpu.region"() ({
      %run_scoped3A = tpu.sem_alloc : memref<!tpu.dma_semaphore, #tpu.memory_space<semaphore_mem>>
      %dma_start3A_81 = arith.constant 0 : i32
      %dma_start3A_82 = tpu.memref_slice %arg5[%add3A_10, %dma_start3A_81] : memref<160000x128xf32, #tpu.memory_space<hbm>> -> memref<1000x128xf32, #tpu.memory_space<hbm>>
      %dma_start3A_83 = arith.constant 0 : i32
      %dma_start3A_84 = tpu.memref_slice %arg5[%add3A_10, %dma_start3A_83] : memref<160000x128xf32, #tpu.memory_space<hbm>> -> memref<1000x128xf32, #tpu.memory_space<hbm>>
      tpu.enqueue_dma source(%arg8 : memref<1000x128xf32, #tpu.memory_space<vmem>>) target(%dma_start3A_84 : memref<1000x128xf32, #tpu.memory_space<hbm>>) target_semaphore(%run_scoped3A : memref<!tpu.dma_semaphore, #tpu.memory_space<semaphore_mem>>)
      %dma_wait3A_85 = arith.constant 0 : i32
      %dma_wait3A_86 = tpu.memref_slice %arg5[%add3A_10, %dma_wait3A_85] : memref<160000x128xf32, #tpu.memory_space<hbm>> -> memref<1000x128xf32, #tpu.memory_space<hbm>>
      %dma_wait3A_87 = arith.constant 0 : i32
      %dma_wait3A_88 = tpu.memref_slice %arg5[%add3A_10, %dma_wait3A_87] : memref<160000x128xf32, #tpu.memory_space<hbm>> -> memref<1000x128xf32, #tpu.memory_space<hbm>>
      tpu.wait_dma2 semaphore(%run_scoped3A : memref<!tpu.dma_semaphore, #tpu.memory_space<semaphore_mem>>) src(%arg8 : memref<1000x128xf32, #tpu.memory_space<vmem>>) dst(%dma_wait3A_88 : memref<1000x128xf32, #tpu.memory_space<hbm>>)
      tpu.yield
    }) : () -> ()
    %add3A_17 = arith.constant 2000 : i32
    %add3A_18 = arith.addi %mul3A_2, %add3A_17 : i32
    "tpu.region"() ({
      %run_scoped3A = tpu.sem_alloc : memref<!tpu.dma_semaphore, #tpu.memory_space<semaphore_mem>>
      %dma_start3A_81 = tpu.memref_slice %arg3[%add3A_18] : memref<160000xi32, #tpu.memory_space<hbm>> -> memref<1000xi32, #tpu.memory_space<hbm>>
      %dma_start3A_82 = tpu.memref_slice %arg3[%add3A_18] : memref<160000xi32, #tpu.memory_space<hbm>> -> memref<1000xi32, #tpu.memory_space<hbm>>
      tpu.enqueue_dma source(%dma_start3A_82 : memref<1000xi32, #tpu.memory_space<hbm>>) target(%arg7 : memref<1000xi32, #tpu.memory_space<vmem>>) target_semaphore(%run_scoped3A : memref<!tpu.dma_semaphore, #tpu.memory_space<semaphore_mem>>)
      %dma_wait3A_83 = tpu.memref_slice %arg3[%add3A_18] : memref<160000xi32, #tpu.memory_space<hbm>> -> memref<1000xi32, #tpu.memory_space<hbm>>
      %dma_wait3A_84 = tpu.memref_slice %arg3[%add3A_18] : memref<160000xi32, #tpu.memory_space<hbm>> -> memref<1000xi32, #tpu.memory_space<hbm>>
      tpu.wait_dma2 semaphore(%run_scoped3A : memref<!tpu.dma_semaphore, #tpu.memory_space<semaphore_mem>>) src(%dma_wait3A_84 : memref<1000xi32, #tpu.memory_space<hbm>>) dst(%arg7 : memref<1000xi32, #tpu.memory_space<vmem>>)
      tpu.yield
    }) : () -> ()
    %dma_start3A_19 = arith.constant 0 : i32
    %dma_start3A_20 = arith.constant 0 : i32
    %dma_start3A_21 = tpu.memref_slice %arg2[%dma_start3A_19, %dma_start3A_20] : memref<10000x128xf32, #tpu.memory_space<hbm>> -> memref<10000x128xf32, #tpu.memory_space<hbm>>
    tpu.enqueue_indirect_dma source(%dma_start3A_21 : memref<10000x128xf32, #tpu.memory_space<hbm>>) target(%arg8 : memref<1000x128xf32, #tpu.memory_space<vmem>>) offsets(%arg7 : memref<1000xi32, #tpu.memory_space<vmem>>) semaphore(%arg9 : memref<!tpu.dma_semaphore, #tpu.memory_space<semaphore_mem>>)
    %dma_wait3A_22 = arith.constant 0 : i32
    %dma_wait3A_23 = arith.constant 0 : i32
    %dma_wait3A_24 = tpu.memref_slice %arg2[%dma_wait3A_22, %dma_wait3A_23] : memref<10000x128xf32, #tpu.memory_space<hbm>> -> memref<10000x128xf32, #tpu.memory_space<hbm>>
    tpu.wait_indirect_dma semaphore(%arg9 : memref<!tpu.dma_semaphore, #tpu.memory_space<semaphore_mem>>) src(%dma_wait3A_24 : memref<10000x128xf32, #tpu.memory_space<hbm>>) dst(%arg8 : memref<1000x128xf32, #tpu.memory_space<vmem>>)
    "tpu.region"() ({
      %run_scoped3A = tpu.sem_alloc : memref<!tpu.dma_semaphore, #tpu.memory_space<semaphore_mem>>
      %dma_start3A_81 = arith.constant 0 : i32
      %dma_start3A_82 = tpu.memref_slice %arg5[%add3A_18, %dma_start3A_81] : memref<160000x128xf32, #tpu.memory_space<hbm>> -> memref<1000x128xf32, #tpu.memory_space<hbm>>
      %dma_start3A_83 = arith.constant 0 : i32
      %dma_start3A_84 = tpu.memref_slice %arg5[%add3A_18, %dma_start3A_83] : memref<160000x128xf32, #tpu.memory_space<hbm>> -> memref<1000x128xf32, #tpu.memory_space<hbm>>
      tpu.enqueue_dma source(%arg8 : memref<1000x128xf32, #tpu.memory_space<vmem>>) target(%dma_start3A_84 : memref<1000x128xf32, #tpu.memory_space<hbm>>) target_semaphore(%run_scoped3A : memref<!tpu.dma_semaphore, #tpu.memory_space<semaphore_mem>>)
      %dma_wait3A_85 = arith.constant 0 : i32
      %dma_wait3A_86 = tpu.memref_slice %arg5[%add3A_18, %dma_wait3A_85] : memref<160000x128xf32, #tpu.memory_space<hbm>> -> memref<1000x128xf32, #tpu.memory_space<hbm>>
      %dma_wait3A_87 = arith.constant 0 : i32
      %dma_wait3A_88 = tpu.memref_slice %arg5[%add3A_18, %dma_wait3A_87] : memref<160000x128xf32, #tpu.memory_space<hbm>> -> memref<1000x128xf32, #tpu.memory_space<hbm>>
      tpu.wait_dma2 semaphore(%run_scoped3A : memref<!tpu.dma_semaphore, #tpu.memory_space<semaphore_mem>>) src(%arg8 : memref<1000x128xf32, #tpu.memory_space<vmem>>) dst(%dma_wait3A_88 : memref<1000x128xf32, #tpu.memory_space<hbm>>)
      tpu.yield
    }) : () -> ()
    %add3A_25 = arith.constant 3000 : i32
    %add3A_26 = arith.addi %mul3A_2, %add3A_25 : i32
    "tpu.region"() ({
      %run_scoped3A = tpu.sem_alloc : memref<!tpu.dma_semaphore, #tpu.memory_space<semaphore_mem>>
      %dma_start3A_81 = tpu.memref_slice %arg3[%add3A_26] : memref<160000xi32, #tpu.memory_space<hbm>> -> memref<1000xi32, #tpu.memory_space<hbm>>
      %dma_start3A_82 = tpu.memref_slice %arg3[%add3A_26] : memref<160000xi32, #tpu.memory_space<hbm>> -> memref<1000xi32, #tpu.memory_space<hbm>>
      tpu.enqueue_dma source(%dma_start3A_82 : memref<1000xi32, #tpu.memory_space<hbm>>) target(%arg7 : memref<1000xi32, #tpu.memory_space<vmem>>) target_semaphore(%run_scoped3A : memref<!tpu.dma_semaphore, #tpu.memory_space<semaphore_mem>>)
      %dma_wait3A_83 = tpu.memref_slice %arg3[%add3A_26] : memref<160000xi32, #tpu.memory_space<hbm>> -> memref<1000xi32, #tpu.memory_space<hbm>>
      %dma_wait3A_84 = tpu.memref_slice %arg3[%add3A_26] : memref<160000xi32, #tpu.memory_space<hbm>> -> memref<1000xi32, #tpu.memory_space<hbm>>
      tpu.wait_dma2 semaphore(%run_scoped3A : memref<!tpu.dma_semaphore, #tpu.memory_space<semaphore_mem>>) src(%dma_wait3A_84 : memref<1000xi32, #tpu.memory_space<hbm>>) dst(%arg7 : memref<1000xi32, #tpu.memory_space<vmem>>)
      tpu.yield
    }) : () -> ()
    %dma_start3A_27 = arith.constant 0 : i32
    %dma_start3A_28 = arith.constant 0 : i32
    %dma_start3A_29 = tpu.memref_slice %arg2[%dma_start3A_27, %dma_start3A_28] : memref<10000x128xf32, #tpu.memory_space<hbm>> -> memref<10000x128xf32, #tpu.memory_space<hbm>>
    tpu.enqueue_indirect_dma source(%dma_start3A_29 : memref<10000x128xf32, #tpu.memory_space<hbm>>) target(%arg8 : memref<1000x128xf32, #tpu.memory_space<vmem>>) offsets(%arg7 : memref<1000xi32, #tpu.memory_space<vmem>>) semaphore(%arg9 : memref<!tpu.dma_semaphore, #tpu.memory_space<semaphore_mem>>)
    %dma_wait3A_30 = arith.constant 0 : i32
    %dma_wait3A_31 = arith.constant 0 : i32
    %dma_wait3A_32 = tpu.memref_slice %arg2[%dma_wait3A_30, %dma_wait3A_31] : memref<10000x128xf32, #tpu.memory_space<hbm>> -> memref<10000x128xf32, #tpu.memory_space<hbm>>
    tpu.wait_indirect_dma semaphore(%arg9 : memref<!tpu.dma_semaphore, #tpu.memory_space<semaphore_mem>>) src(%dma_wait3A_32 : memref<10000x128xf32, #tpu.memory_space<hbm>>) dst(%arg8 : memref<1000x128xf32, #tpu.memory_space<vmem>>)
    "tpu.region"() ({
      %run_scoped3A = tpu.sem_alloc : memref<!tpu.dma_semaphore, #tpu.memory_space<semaphore_mem>>
      %dma_start3A_81 = arith.constant 0 : i32
      %dma_start3A_82 = tpu.memref_slice %arg5[%add3A_26, %dma_start3A_81] : memref<160000x128xf32, #tpu.memory_space<hbm>> -> memref<1000x128xf32, #tpu.memory_space<hbm>>
      %dma_start3A_83 = arith.constant 0 : i32
      %dma_start3A_84 = tpu.memref_slice %arg5[%add3A_26, %dma_start3A_83] : memref<160000x128xf32, #tpu.memory_space<hbm>> -> memref<1000x128xf32, #tpu.memory_space<hbm>>
      tpu.enqueue_dma source(%arg8 : memref<1000x128xf32, #tpu.memory_space<vmem>>) target(%dma_start3A_84 : memref<1000x128xf32, #tpu.memory_space<hbm>>) target_semaphore(%run_scoped3A : memref<!tpu.dma_semaphore, #tpu.memory_space<semaphore_mem>>)
      %dma_wait3A_85 = arith.constant 0 : i32
      %dma_wait3A_86 = tpu.memref_slice %arg5[%add3A_26, %dma_wait3A_85] : memref<160000x128xf32, #tpu.memory_space<hbm>> -> memref<1000x128xf32, #tpu.memory_space<hbm>>
      %dma_wait3A_87 = arith.constant 0 : i32
      %dma_wait3A_88 = tpu.memref_slice %arg5[%add3A_26, %dma_wait3A_87] : memref<160000x128xf32, #tpu.memory_space<hbm>> -> memref<1000x128xf32, #tpu.memory_space<hbm>>
      tpu.wait_dma2 semaphore(%run_scoped3A : memref<!tpu.dma_semaphore, #tpu.memory_space<semaphore_mem>>) src(%arg8 : memref<1000x128xf32, #tpu.memory_space<vmem>>) dst(%dma_wait3A_88 : memref<1000x128xf32, #tpu.memory_space<hbm>>)
      tpu.yield
    }) : () -> ()
    %add3A_33 = arith.constant 4000 : i32
    %add3A_34 = arith.addi %mul3A_2, %add3A_33 : i32
    "tpu.region"() ({
      %run_scoped3A = tpu.sem_alloc : memref<!tpu.dma_semaphore, #tpu.memory_space<semaphore_mem>>
      %dma_start3A_81 = tpu.memref_slice %arg3[%add3A_34] : memref<160000xi32, #tpu.memory_space<hbm>> -> memref<1000xi32, #tpu.memory_space<hbm>>
      %dma_start3A_82 = tpu.memref_slice %arg3[%add3A_34] : memref<160000xi32, #tpu.memory_space<hbm>> -> memref<1000xi32, #tpu.memory_space<hbm>>
      tpu.enqueue_dma source(%dma_start3A_82 : memref<1000xi32, #tpu.memory_space<hbm>>) target(%arg7 : memref<1000xi32, #tpu.memory_space<vmem>>) target_semaphore(%run_scoped3A : memref<!tpu.dma_semaphore, #tpu.memory_space<semaphore_mem>>)
      %dma_wait3A_83 = tpu.memref_slice %arg3[%add3A_34] : memref<160000xi32, #tpu.memory_space<hbm>> -> memref<1000xi32, #tpu.memory_space<hbm>>
      %dma_wait3A_84 = tpu.memref_slice %arg3[%add3A_34] : memref<160000xi32, #tpu.memory_space<hbm>> -> memref<1000xi32, #tpu.memory_space<hbm>>
      tpu.wait_dma2 semaphore(%run_scoped3A : memref<!tpu.dma_semaphore, #tpu.memory_space<semaphore_mem>>) src(%dma_wait3A_84 : memref<1000xi32, #tpu.memory_space<hbm>>) dst(%arg7 : memref<1000xi32, #tpu.memory_space<vmem>>)
      tpu.yield
    }) : () -> ()
    %dma_start3A_35 = arith.constant 0 : i32
    %dma_start3A_36 = arith.constant 0 : i32
    %dma_start3A_37 = tpu.memref_slice %arg2[%dma_start3A_35, %dma_start3A_36] : memref<10000x128xf32, #tpu.memory_space<hbm>> -> memref<10000x128xf32, #tpu.memory_space<hbm>>
    tpu.enqueue_indirect_dma source(%dma_start3A_37 : memref<10000x128xf32, #tpu.memory_space<hbm>>) target(%arg8 : memref<1000x128xf32, #tpu.memory_space<vmem>>) offsets(%arg7 : memref<1000xi32, #tpu.memory_space<vmem>>) semaphore(%arg9 : memref<!tpu.dma_semaphore, #tpu.memory_space<semaphore_mem>>)
    %dma_wait3A_38 = arith.constant 0 : i32
    %dma_wait3A_39 = arith.constant 0 : i32
    %dma_wait3A_40 = tpu.memref_slice %arg2[%dma_wait3A_38, %dma_wait3A_39] : memref<10000x128xf32, #tpu.memory_space<hbm>> -> memref<10000x128xf32, #tpu.memory_space<hbm>>
    tpu.wait_indirect_dma semaphore(%arg9 : memref<!tpu.dma_semaphore, #tpu.memory_space<semaphore_mem>>) src(%dma_wait3A_40 : memref<10000x128xf32, #tpu.memory_space<hbm>>) dst(%arg8 : memref<1000x128xf32, #tpu.memory_space<vmem>>)
    "tpu.region"() ({
      %run_scoped3A = tpu.sem_alloc : memref<!tpu.dma_semaphore, #tpu.memory_space<semaphore_mem>>
      %dma_start3A_81 = arith.constant 0 : i32
      %dma_start3A_82 = tpu.memref_slice %arg5[%add3A_34, %dma_start3A_81] : memref<160000x128xf32, #tpu.memory_space<hbm>> -> memref<1000x128xf32, #tpu.memory_space<hbm>>
      %dma_start3A_83 = arith.constant 0 : i32
      %dma_start3A_84 = tpu.memref_slice %arg5[%add3A_34, %dma_start3A_83] : memref<160000x128xf32, #tpu.memory_space<hbm>> -> memref<1000x128xf32, #tpu.memory_space<hbm>>
      tpu.enqueue_dma source(%arg8 : memref<1000x128xf32, #tpu.memory_space<vmem>>) target(%dma_start3A_84 : memref<1000x128xf32, #tpu.memory_space<hbm>>) target_semaphore(%run_scoped3A : memref<!tpu.dma_semaphore, #tpu.memory_space<semaphore_mem>>)
      %dma_wait3A_85 = arith.constant 0 : i32
      %dma_wait3A_86 = tpu.memref_slice %arg5[%add3A_34, %dma_wait3A_85] : memref<160000x128xf32, #tpu.memory_space<hbm>> -> memref<1000x128xf32, #tpu.memory_space<hbm>>
      %dma_wait3A_87 = arith.constant 0 : i32
      %dma_wait3A_88 = tpu.memref_slice %arg5[%add3A_34, %dma_wait3A_87] : memref<160000x128xf32, #tpu.memory_space<hbm>> -> memref<1000x128xf32, #tpu.memory_space<hbm>>
      tpu.wait_dma2 semaphore(%run_scoped3A : memref<!tpu.dma_semaphore, #tpu.memory_space<semaphore_mem>>) src(%arg8 : memref<1000x128xf32, #tpu.memory_space<vmem>>) dst(%dma_wait3A_88 : memref<1000x128xf32, #tpu.memory_space<hbm>>)
      tpu.yield
    }) : () -> ()
    %add3A_41 = arith.constant 0 : i32
    %add3A_42 = arith.addi %mul3A_2, %add3A_41 : i32
    "tpu.region"() ({
      %run_scoped3A = tpu.sem_alloc : memref<!tpu.dma_semaphore, #tpu.memory_space<semaphore_mem>>
      %dma_start3A_81 = tpu.memref_slice %arg4[%add3A_42] : memref<160000xi32, #tpu.memory_space<hbm>> -> memref<1000xi32, #tpu.memory_space<hbm>>
      %dma_start3A_82 = tpu.memref_slice %arg4[%add3A_42] : memref<160000xi32, #tpu.memory_space<hbm>> -> memref<1000xi32, #tpu.memory_space<hbm>>
      tpu.enqueue_dma source(%dma_start3A_82 : memref<1000xi32, #tpu.memory_space<hbm>>) target(%arg7 : memref<1000xi32, #tpu.memory_space<vmem>>) target_semaphore(%run_scoped3A : memref<!tpu.dma_semaphore, #tpu.memory_space<semaphore_mem>>)
      %dma_wait3A_83 = tpu.memref_slice %arg4[%add3A_42] : memref<160000xi32, #tpu.memory_space<hbm>> -> memref<1000xi32, #tpu.memory_space<hbm>>
      %dma_wait3A_84 = tpu.memref_slice %arg4[%add3A_42] : memref<160000xi32, #tpu.memory_space<hbm>> -> memref<1000xi32, #tpu.memory_space<hbm>>
      tpu.wait_dma2 semaphore(%run_scoped3A : memref<!tpu.dma_semaphore, #tpu.memory_space<semaphore_mem>>) src(%dma_wait3A_84 : memref<1000xi32, #tpu.memory_space<hbm>>) dst(%arg7 : memref<1000xi32, #tpu.memory_space<vmem>>)
      tpu.yield
    }) : () -> ()
    %dma_start3A_43 = arith.constant 0 : i32
    %dma_start3A_44 = arith.constant 0 : i32
    %dma_start3A_45 = tpu.memref_slice %arg2[%dma_start3A_43, %dma_start3A_44] : memref<10000x128xf32, #tpu.memory_space<hbm>> -> memref<10000x128xf32, #tpu.memory_space<hbm>>
    tpu.enqueue_indirect_dma source(%dma_start3A_45 : memref<10000x128xf32, #tpu.memory_space<hbm>>) target(%arg8 : memref<1000x128xf32, #tpu.memory_space<vmem>>) offsets(%arg7 : memref<1000xi32, #tpu.memory_space<vmem>>) semaphore(%arg9 : memref<!tpu.dma_semaphore, #tpu.memory_space<semaphore_mem>>)
    %dma_wait3A_46 = arith.constant 0 : i32
    %dma_wait3A_47 = arith.constant 0 : i32
    %dma_wait3A_48 = tpu.memref_slice %arg2[%dma_wait3A_46, %dma_wait3A_47] : memref<10000x128xf32, #tpu.memory_space<hbm>> -> memref<10000x128xf32, #tpu.memory_space<hbm>>
    tpu.wait_indirect_dma semaphore(%arg9 : memref<!tpu.dma_semaphore, #tpu.memory_space<semaphore_mem>>) src(%dma_wait3A_48 : memref<10000x128xf32, #tpu.memory_space<hbm>>) dst(%arg8 : memref<1000x128xf32, #tpu.memory_space<vmem>>)
    "tpu.region"() ({
      %run_scoped3A = tpu.sem_alloc : memref<!tpu.dma_semaphore, #tpu.memory_space<semaphore_mem>>
      %dma_start3A_81 = arith.constant 0 : i32
      %dma_start3A_82 = tpu.memref_slice %arg6[%add3A_42, %dma_start3A_81] : memref<160000x128xf32, #tpu.memory_space<hbm>> -> memref<1000x128xf32, #tpu.memory_space<hbm>>
      %dma_start3A_83 = arith.constant 0 : i32
      %dma_start3A_84 = tpu.memref_slice %arg6[%add3A_42, %dma_start3A_83] : memref<160000x128xf32, #tpu.memory_space<hbm>> -> memref<1000x128xf32, #tpu.memory_space<hbm>>
      tpu.enqueue_dma source(%arg8 : memref<1000x128xf32, #tpu.memory_space<vmem>>) target(%dma_start3A_84 : memref<1000x128xf32, #tpu.memory_space<hbm>>) target_semaphore(%run_scoped3A : memref<!tpu.dma_semaphore, #tpu.memory_space<semaphore_mem>>)
      %dma_wait3A_85 = arith.constant 0 : i32
      %dma_wait3A_86 = tpu.memref_slice %arg6[%add3A_42, %dma_wait3A_85] : memref<160000x128xf32, #tpu.memory_space<hbm>> -> memref<1000x128xf32, #tpu.memory_space<hbm>>
      %dma_wait3A_87 = arith.constant 0 : i32
      %dma_wait3A_88 = tpu.memref_slice %arg6[%add3A_42, %dma_wait3A_87] : memref<160000x128xf32, #tpu.memory_space<hbm>> -> memref<1000x128xf32, #tpu.memory_space<hbm>>
      tpu.wait_dma2 semaphore(%run_scoped3A : memref<!tpu.dma_semaphore, #tpu.memory_space<semaphore_mem>>) src(%arg8 : memref<1000x128xf32, #tpu.memory_space<vmem>>) dst(%dma_wait3A_88 : memref<1000x128xf32, #tpu.memory_space<hbm>>)
      tpu.yield
    }) : () -> ()
    %add3A_49 = arith.constant 1000 : i32
    %add3A_50 = arith.addi %mul3A_2, %add3A_49 : i32
    "tpu.region"() ({
      %run_scoped3A = tpu.sem_alloc : memref<!tpu.dma_semaphore, #tpu.memory_space<semaphore_mem>>
      %dma_start3A_81 = tpu.memref_slice %arg4[%add3A_50] : memref<160000xi32, #tpu.memory_space<hbm>> -> memref<1000xi32, #tpu.memory_space<hbm>>
      %dma_start3A_82 = tpu.memref_slice %arg4[%add3A_50] : memref<160000xi32, #tpu.memory_space<hbm>> -> memref<1000xi32, #tpu.memory_space<hbm>>
      tpu.enqueue_dma source(%dma_start3A_82 : memref<1000xi32, #tpu.memory_space<hbm>>) target(%arg7 : memref<1000xi32, #tpu.memory_space<vmem>>) target_semaphore(%run_scoped3A : memref<!tpu.dma_semaphore, #tpu.memory_space<semaphore_mem>>)
      %dma_wait3A_83 = tpu.memref_slice %arg4[%add3A_50] : memref<160000xi32, #tpu.memory_space<hbm>> -> memref<1000xi32, #tpu.memory_space<hbm>>
      %dma_wait3A_84 = tpu.memref_slice %arg4[%add3A_50] : memref<160000xi32, #tpu.memory_space<hbm>> -> memref<1000xi32, #tpu.memory_space<hbm>>
      tpu.wait_dma2 semaphore(%run_scoped3A : memref<!tpu.dma_semaphore, #tpu.memory_space<semaphore_mem>>) src(%dma_wait3A_84 : memref<1000xi32, #tpu.memory_space<hbm>>) dst(%arg7 : memref<1000xi32, #tpu.memory_space<vmem>>)
      tpu.yield
    }) : () -> ()
    %dma_start3A_51 = arith.constant 0 : i32
    %dma_start3A_52 = arith.constant 0 : i32
    %dma_start3A_53 = tpu.memref_slice %arg2[%dma_start3A_51, %dma_start3A_52] : memref<10000x128xf32, #tpu.memory_space<hbm>> -> memref<10000x128xf32, #tpu.memory_space<hbm>>
    tpu.enqueue_indirect_dma source(%dma_start3A_53 : memref<10000x128xf32, #tpu.memory_space<hbm>>) target(%arg8 : memref<1000x128xf32, #tpu.memory_space<vmem>>) offsets(%arg7 : memref<1000xi32, #tpu.memory_space<vmem>>) semaphore(%arg9 : memref<!tpu.dma_semaphore, #tpu.memory_space<semaphore_mem>>)
    %dma_wait3A_54 = arith.constant 0 : i32
    %dma_wait3A_55 = arith.constant 0 : i32
    %dma_wait3A_56 = tpu.memref_slice %arg2[%dma_wait3A_54, %dma_wait3A_55] : memref<10000x128xf32, #tpu.memory_space<hbm>> -> memref<10000x128xf32, #tpu.memory_space<hbm>>
    tpu.wait_indirect_dma semaphore(%arg9 : memref<!tpu.dma_semaphore, #tpu.memory_space<semaphore_mem>>) src(%dma_wait3A_56 : memref<10000x128xf32, #tpu.memory_space<hbm>>) dst(%arg8 : memref<1000x128xf32, #tpu.memory_space<vmem>>)
    "tpu.region"() ({
      %run_scoped3A = tpu.sem_alloc : memref<!tpu.dma_semaphore, #tpu.memory_space<semaphore_mem>>
      %dma_start3A_81 = arith.constant 0 : i32
      %dma_start3A_82 = tpu.memref_slice %arg6[%add3A_50, %dma_start3A_81] : memref<160000x128xf32, #tpu.memory_space<hbm>> -> memref<1000x128xf32, #tpu.memory_space<hbm>>
      %dma_start3A_83 = arith.constant 0 : i32
      %dma_start3A_84 = tpu.memref_slice %arg6[%add3A_50, %dma_start3A_83] : memref<160000x128xf32, #tpu.memory_space<hbm>> -> memref<1000x128xf32, #tpu.memory_space<hbm>>
      tpu.enqueue_dma source(%arg8 : memref<1000x128xf32, #tpu.memory_space<vmem>>) target(%dma_start3A_84 : memref<1000x128xf32, #tpu.memory_space<hbm>>) target_semaphore(%run_scoped3A : memref<!tpu.dma_semaphore, #tpu.memory_space<semaphore_mem>>)
      %dma_wait3A_85 = arith.constant 0 : i32
      %dma_wait3A_86 = tpu.memref_slice %arg6[%add3A_50, %dma_wait3A_85] : memref<160000x128xf32, #tpu.memory_space<hbm>> -> memref<1000x128xf32, #tpu.memory_space<hbm>>
      %dma_wait3A_87 = arith.constant 0 : i32
      %dma_wait3A_88 = tpu.memref_slice %arg6[%add3A_50, %dma_wait3A_87] : memref<160000x128xf32, #tpu.memory_space<hbm>> -> memref<1000x128xf32, #tpu.memory_space<hbm>>
      tpu.wait_dma2 semaphore(%run_scoped3A : memref<!tpu.dma_semaphore, #tpu.memory_space<semaphore_mem>>) src(%arg8 : memref<1000x128xf32, #tpu.memory_space<vmem>>) dst(%dma_wait3A_88 : memref<1000x128xf32, #tpu.memory_space<hbm>>)
      tpu.yield
    }) : () -> ()
    %add3A_57 = arith.constant 2000 : i32
    %add3A_58 = arith.addi %mul3A_2, %add3A_57 : i32
    "tpu.region"() ({
      %run_scoped3A = tpu.sem_alloc : memref<!tpu.dma_semaphore, #tpu.memory_space<semaphore_mem>>
      %dma_start3A_81 = tpu.memref_slice %arg4[%add3A_58] : memref<160000xi32, #tpu.memory_space<hbm>> -> memref<1000xi32, #tpu.memory_space<hbm>>
      %dma_start3A_82 = tpu.memref_slice %arg4[%add3A_58] : memref<160000xi32, #tpu.memory_space<hbm>> -> memref<1000xi32, #tpu.memory_space<hbm>>
      tpu.enqueue_dma source(%dma_start3A_82 : memref<1000xi32, #tpu.memory_space<hbm>>) target(%arg7 : memref<1000xi32, #tpu.memory_space<vmem>>) target_semaphore(%run_scoped3A : memref<!tpu.dma_semaphore, #tpu.memory_space<semaphore_mem>>)
      %dma_wait3A_83 = tpu.memref_slice %arg4[%add3A_58] : memref<160000xi32, #tpu.memory_space<hbm>> -> memref<1000xi32, #tpu.memory_space<hbm>>
      %dma_wait3A_84 = tpu.memref_slice %arg4[%add3A_58] : memref<160000xi32, #tpu.memory_space<hbm>> -> memref<1000xi32, #tpu.memory_space<hbm>>
      tpu.wait_dma2 semaphore(%run_scoped3A : memref<!tpu.dma_semaphore, #tpu.memory_space<semaphore_mem>>) src(%dma_wait3A_84 : memref<1000xi32, #tpu.memory_space<hbm>>) dst(%arg7 : memref<1000xi32, #tpu.memory_space<vmem>>)
      tpu.yield
    }) : () -> ()
    %dma_start3A_59 = arith.constant 0 : i32
    %dma_start3A_60 = arith.constant 0 : i32
    %dma_start3A_61 = tpu.memref_slice %arg2[%dma_start3A_59, %dma_start3A_60] : memref<10000x128xf32, #tpu.memory_space<hbm>> -> memref<10000x128xf32, #tpu.memory_space<hbm>>
    tpu.enqueue_indirect_dma source(%dma_start3A_61 : memref<10000x128xf32, #tpu.memory_space<hbm>>) target(%arg8 : memref<1000x128xf32, #tpu.memory_space<vmem>>) offsets(%arg7 : memref<1000xi32, #tpu.memory_space<vmem>>) semaphore(%arg9 : memref<!tpu.dma_semaphore, #tpu.memory_space<semaphore_mem>>)
    %dma_wait3A_62 = arith.constant 0 : i32
    %dma_wait3A_63 = arith.constant 0 : i32
    %dma_wait3A_64 = tpu.memref_slice %arg2[%dma_wait3A_62, %dma_wait3A_63] : memref<10000x128xf32, #tpu.memory_space<hbm>> -> memref<10000x128xf32, #tpu.memory_space<hbm>>
    tpu.wait_indirect_dma semaphore(%arg9 : memref<!tpu.dma_semaphore, #tpu.memory_space<semaphore_mem>>) src(%dma_wait3A_64 : memref<10000x128xf32, #tpu.memory_space<hbm>>) dst(%arg8 : memref<1000x128xf32, #tpu.memory_space<vmem>>)
    "tpu.region"() ({
      %run_scoped3A = tpu.sem_alloc : memref<!tpu.dma_semaphore, #tpu.memory_space<semaphore_mem>>
      %dma_start3A_81 = arith.constant 0 : i32
      %dma_start3A_82 = tpu.memref_slice %arg6[%add3A_58, %dma_start3A_81] : memref<160000x128xf32, #tpu.memory_space<hbm>> -> memref<1000x128xf32, #tpu.memory_space<hbm>>
      %dma_start3A_83 = arith.constant 0 : i32
      %dma_start3A_84 = tpu.memref_slice %arg6[%add3A_58, %dma_start3A_83] : memref<160000x128xf32, #tpu.memory_space<hbm>> -> memref<1000x128xf32, #tpu.memory_space<hbm>>
      tpu.enqueue_dma source(%arg8 : memref<1000x128xf32, #tpu.memory_space<vmem>>) target(%dma_start3A_84 : memref<1000x128xf32, #tpu.memory_space<hbm>>) target_semaphore(%run_scoped3A : memref<!tpu.dma_semaphore, #tpu.memory_space<semaphore_mem>>)
      %dma_wait3A_85 = arith.constant 0 : i32
      %dma_wait3A_86 = tpu.memref_slice %arg6[%add3A_58, %dma_wait3A_85] : memref<160000x128xf32, #tpu.memory_space<hbm>> -> memref<1000x128xf32, #tpu.memory_space<hbm>>
      %dma_wait3A_87 = arith.constant 0 : i32
      %dma_wait3A_88 = tpu.memref_slice %arg6[%add3A_58, %dma_wait3A_87] : memref<160000x128xf32, #tpu.memory_space<hbm>> -> memref<1000x128xf32, #tpu.memory_space<hbm>>
      tpu.wait_dma2 semaphore(%run_scoped3A : memref<!tpu.dma_semaphore, #tpu.memory_space<semaphore_mem>>) src(%arg8 : memref<1000x128xf32, #tpu.memory_space<vmem>>) dst(%dma_wait3A_88 : memref<1000x128xf32, #tpu.memory_space<hbm>>)
      tpu.yield
    }) : () -> ()
    %add3A_65 = arith.constant 3000 : i32
    %add3A_66 = arith.addi %mul3A_2, %add3A_65 : i32
    "tpu.region"() ({
      %run_scoped3A = tpu.sem_alloc : memref<!tpu.dma_semaphore, #tpu.memory_space<semaphore_mem>>
      %dma_start3A_81 = tpu.memref_slice %arg4[%add3A_66] : memref<160000xi32, #tpu.memory_space<hbm>> -> memref<1000xi32, #tpu.memory_space<hbm>>
      %dma_start3A_82 = tpu.memref_slice %arg4[%add3A_66] : memref<160000xi32, #tpu.memory_space<hbm>> -> memref<1000xi32, #tpu.memory_space<hbm>>
      tpu.enqueue_dma source(%dma_start3A_82 : memref<1000xi32, #tpu.memory_space<hbm>>) target(%arg7 : memref<1000xi32, #tpu.memory_space<vmem>>) target_semaphore(%run_scoped3A : memref<!tpu.dma_semaphore, #tpu.memory_space<semaphore_mem>>)
      %dma_wait3A_83 = tpu.memref_slice %arg4[%add3A_66] : memref<160000xi32, #tpu.memory_space<hbm>> -> memref<1000xi32, #tpu.memory_space<hbm>>
      %dma_wait3A_84 = tpu.memref_slice %arg4[%add3A_66] : memref<160000xi32, #tpu.memory_space<hbm>> -> memref<1000xi32, #tpu.memory_space<hbm>>
      tpu.wait_dma2 semaphore(%run_scoped3A : memref<!tpu.dma_semaphore, #tpu.memory_space<semaphore_mem>>) src(%dma_wait3A_84 : memref<1000xi32, #tpu.memory_space<hbm>>) dst(%arg7 : memref<1000xi32, #tpu.memory_space<vmem>>)
      tpu.yield
    }) : () -> ()
    %dma_start3A_67 = arith.constant 0 : i32
    %dma_start3A_68 = arith.constant 0 : i32
    %dma_start3A_69 = tpu.memref_slice %arg2[%dma_start3A_67, %dma_start3A_68] : memref<10000x128xf32, #tpu.memory_space<hbm>> -> memref<10000x128xf32, #tpu.memory_space<hbm>>
    tpu.enqueue_indirect_dma source(%dma_start3A_69 : memref<10000x128xf32, #tpu.memory_space<hbm>>) target(%arg8 : memref<1000x128xf32, #tpu.memory_space<vmem>>) offsets(%arg7 : memref<1000xi32, #tpu.memory_space<vmem>>) semaphore(%arg9 : memref<!tpu.dma_semaphore, #tpu.memory_space<semaphore_mem>>)
    %dma_wait3A_70 = arith.constant 0 : i32
    %dma_wait3A_71 = arith.constant 0 : i32
    %dma_wait3A_72 = tpu.memref_slice %arg2[%dma_wait3A_70, %dma_wait3A_71] : memref<10000x128xf32, #tpu.memory_space<hbm>> -> memref<10000x128xf32, #tpu.memory_space<hbm>>
    tpu.wait_indirect_dma semaphore(%arg9 : memref<!tpu.dma_semaphore, #tpu.memory_space<semaphore_mem>>) src(%dma_wait3A_72 : memref<10000x128xf32, #tpu.memory_space<hbm>>) dst(%arg8 : memref<1000x128xf32, #tpu.memory_space<vmem>>)
    "tpu.region"() ({
      %run_scoped3A = tpu.sem_alloc : memref<!tpu.dma_semaphore, #tpu.memory_space<semaphore_mem>>
      %dma_start3A_81 = arith.constant 0 : i32
      %dma_start3A_82 = tpu.memref_slice %arg6[%add3A_66, %dma_start3A_81] : memref<160000x128xf32, #tpu.memory_space<hbm>> -> memref<1000x128xf32, #tpu.memory_space<hbm>>
      %dma_start3A_83 = arith.constant 0 : i32
      %dma_start3A_84 = tpu.memref_slice %arg6[%add3A_66, %dma_start3A_83] : memref<160000x128xf32, #tpu.memory_space<hbm>> -> memref<1000x128xf32, #tpu.memory_space<hbm>>
      tpu.enqueue_dma source(%arg8 : memref<1000x128xf32, #tpu.memory_space<vmem>>) target(%dma_start3A_84 : memref<1000x128xf32, #tpu.memory_space<hbm>>) target_semaphore(%run_scoped3A : memref<!tpu.dma_semaphore, #tpu.memory_space<semaphore_mem>>)
      %dma_wait3A_85 = arith.constant 0 : i32
      %dma_wait3A_86 = tpu.memref_slice %arg6[%add3A_66, %dma_wait3A_85] : memref<160000x128xf32, #tpu.memory_space<hbm>> -> memref<1000x128xf32, #tpu.memory_space<hbm>>
      %dma_wait3A_87 = arith.constant 0 : i32
      %dma_wait3A_88 = tpu.memref_slice %arg6[%add3A_66, %dma_wait3A_87] : memref<160000x128xf32, #tpu.memory_space<hbm>> -> memref<1000x128xf32, #tpu.memory_space<hbm>>
      tpu.wait_dma2 semaphore(%run_scoped3A : memref<!tpu.dma_semaphore, #tpu.memory_space<semaphore_mem>>) src(%arg8 : memref<1000x128xf32, #tpu.memory_space<vmem>>) dst(%dma_wait3A_88 : memref<1000x128xf32, #tpu.memory_space<hbm>>)
      tpu.yield
    }) : () -> ()
    %add3A_73 = arith.constant 4000 : i32
    %add3A_74 = arith.addi %mul3A_2, %add3A_73 : i32
    "tpu.region"() ({
      %run_scoped3A = tpu.sem_alloc : memref<!tpu.dma_semaphore, #tpu.memory_space<semaphore_mem>>
      %dma_start3A_81 = tpu.memref_slice %arg4[%add3A_74] : memref<160000xi32, #tpu.memory_space<hbm>> -> memref<1000xi32, #tpu.memory_space<hbm>>
      %dma_start3A_82 = tpu.memref_slice %arg4[%add3A_74] : memref<160000xi32, #tpu.memory_space<hbm>> -> memref<1000xi32, #tpu.memory_space<hbm>>
      tpu.enqueue_dma source(%dma_start3A_82 : memref<1000xi32, #tpu.memory_space<hbm>>) target(%arg7 : memref<1000xi32, #tpu.memory_space<vmem>>) target_semaphore(%run_scoped3A : memref<!tpu.dma_semaphore, #tpu.memory_space<semaphore_mem>>)
      %dma_wait3A_83 = tpu.memref_slice %arg4[%add3A_74] : memref<160000xi32, #tpu.memory_space<hbm>> -> memref<1000xi32, #tpu.memory_space<hbm>>
      %dma_wait3A_84 = tpu.memref_slice %arg4[%add3A_74] : memref<160000xi32, #tpu.memory_space<hbm>> -> memref<1000xi32, #tpu.memory_space<hbm>>
      tpu.wait_dma2 semaphore(%run_scoped3A : memref<!tpu.dma_semaphore, #tpu.memory_space<semaphore_mem>>) src(%dma_wait3A_84 : memref<1000xi32, #tpu.memory_space<hbm>>) dst(%arg7 : memref<1000xi32, #tpu.memory_space<vmem>>)
      tpu.yield
    }) : () -> ()
    %dma_start3A_75 = arith.constant 0 : i32
    %dma_start3A_76 = arith.constant 0 : i32
    %dma_start3A_77 = tpu.memref_slice %arg2[%dma_start3A_75, %dma_start3A_76] : memref<10000x128xf32, #tpu.memory_space<hbm>> -> memref<10000x128xf32, #tpu.memory_space<hbm>>
    tpu.enqueue_indirect_dma source(%dma_start3A_77 : memref<10000x128xf32, #tpu.memory_space<hbm>>) target(%arg8 : memref<1000x128xf32, #tpu.memory_space<vmem>>) offsets(%arg7 : memref<1000xi32, #tpu.memory_space<vmem>>) semaphore(%arg9 : memref<!tpu.dma_semaphore, #tpu.memory_space<semaphore_mem>>)
    %dma_wait3A_78 = arith.constant 0 : i32
    %dma_wait3A_79 = arith.constant 0 : i32
    %dma_wait3A_80 = tpu.memref_slice %arg2[%dma_wait3A_78, %dma_wait3A_79] : memref<10000x128xf32, #tpu.memory_space<hbm>> -> memref<10000x128xf32, #tpu.memory_space<hbm>>
    tpu.wait_indirect_dma semaphore(%arg9 : memref<!tpu.dma_semaphore, #tpu.memory_space<semaphore_mem>>) src(%dma_wait3A_80 : memref<10000x128xf32, #tpu.memory_space<hbm>>) dst(%arg8 : memref<1000x128xf32, #tpu.memory_space<vmem>>)
    "tpu.region"() ({
      %run_scoped3A = tpu.sem_alloc : memref<!tpu.dma_semaphore, #tpu.memory_space<semaphore_mem>>
      %dma_start3A_81 = arith.constant 0 : i32
      %dma_start3A_82 = tpu.memref_slice %arg6[%add3A_74, %dma_start3A_81] : memref<160000x128xf32, #tpu.memory_space<hbm>> -> memref<1000x128xf32, #tpu.memory_space<hbm>>
      %dma_start3A_83 = arith.constant 0 : i32
      %dma_start3A_84 = tpu.memref_slice %arg6[%add3A_74, %dma_start3A_83] : memref<160000x128xf32, #tpu.memory_space<hbm>> -> memref<1000x128xf32, #tpu.memory_space<hbm>>
      tpu.enqueue_dma source(%arg8 : memref<1000x128xf32, #tpu.memory_space<vmem>>) target(%dma_start3A_84 : memref<1000x128xf32, #tpu.memory_space<hbm>>) target_semaphore(%run_scoped3A : memref<!tpu.dma_semaphore, #tpu.memory_space<semaphore_mem>>)
      %dma_wait3A_85 = arith.constant 0 : i32
      %dma_wait3A_86 = tpu.memref_slice %arg6[%add3A_74, %dma_wait3A_85] : memref<160000x128xf32, #tpu.memory_space<hbm>> -> memref<1000x128xf32, #tpu.memory_space<hbm>>
      %dma_wait3A_87 = arith.constant 0 : i32
      %dma_wait3A_88 = tpu.memref_slice %arg6[%add3A_74, %dma_wait3A_87] : memref<160000x128xf32, #tpu.memory_space<hbm>> -> memref<1000x128xf32, #tpu.memory_space<hbm>>
      tpu.wait_dma2 semaphore(%run_scoped3A : memref<!tpu.dma_semaphore, #tpu.memory_space<semaphore_mem>>) src(%arg8 : memref<1000x128xf32, #tpu.memory_space<vmem>>) dst(%dma_wait3A_88 : memref<1000x128xf32, #tpu.memory_space<hbm>>)
      tpu.yield
    }) : () -> ()
    return
  }
}

module attributes {stable_mosaic.version = 14 : i64} {
  func.func @_logits_body(%arg0: i32, %arg1: memref<1x2500x128xf32, #tpu.memory_space<vmem>>, %arg2: memref<1x2500x128xf32, #tpu.memory_space<vmem>>, %arg3: memref<1x2500x128xf32, #tpu.memory_space<vmem>>, %arg4: memref<128x512xf32, #tpu.memory_space<vmem>>, %arg5: memref<128x512xf32, #tpu.memory_space<vmem>>, %arg6: memref<128x512xf32, #tpu.memory_space<vmem>>, %arg7: memref<128x512xf32, #tpu.memory_space<vmem>>, %arg8: memref<1x1x512xf32, #tpu.memory_space<vmem>>, %arg9: memref<1x1x512xf32, #tpu.memory_space<vmem>>, %arg10: memref<1x1x2500xf32, #tpu.memory_space<vmem>>) attributes {dimension_semantics = [#tpu.dimension_semantics<arbitrary>], iteration_bounds = array<i64: 64>, scalar_prefetch = 0 : i64, scratch_operands = 0 : i64, tpu.core_type = #tpu.core_type<tc>, window_params = [{transform_indices = @transform_0, window_bounds = array<i64: 1, 2500, 128>}, {transform_indices = @transform_1, window_bounds = array<i64: 1, 2500, 128>}, {transform_indices = @transform_2, window_bounds = array<i64: 1, 2500, 128>}, {pipeline_mode = #tpu.pipeline_mode<synchronous>, transform_indices = @transform_3, window_bounds = array<i64: 128, 512>}, {pipeline_mode = #tpu.pipeline_mode<synchronous>, transform_indices = @transform_4, window_bounds = array<i64: 128, 512>}, {pipeline_mode = #tpu.pipeline_mode<synchronous>, transform_indices = @transform_5, window_bounds = array<i64: 128, 512>}, {pipeline_mode = #tpu.pipeline_mode<synchronous>, transform_indices = @transform_6, window_bounds = array<i64: 128, 512>}, {transform_indices = @transform_7, window_bounds = array<i64: 1, 1, 512>}, {transform_indices = @transform_8, window_bounds = array<i64: 1, 1, 512>}, {transform_indices = @transform_9, window_bounds = array<i64: 1, 1, 2500>}]} {
    %get3A = arith.constant 0 : index
    %get3A_0 = arith.constant 0 : index
    %get3A_1 = arith.constant 0 : index
    %get3A_2 = vector.load %arg1[%get3A, %get3A_0, %get3A_1] : memref<1x2500x128xf32, #tpu.memory_space<vmem>>, vector<1x2500x128xf32>
    %get3A_3 = vector.shape_cast %get3A_2 : vector<1x2500x128xf32> to vector<2500x128xf32>
    %get3A_4 = arith.constant 0 : index
    %get3A_5 = arith.constant 0 : index
    %get3A_6 = arith.constant 0 : index
    %get3A_7 = vector.load %arg2[%get3A_4, %get3A_5, %get3A_6] : memref<1x2500x128xf32, #tpu.memory_space<vmem>>, vector<1x2500x128xf32>
    %get3A_8 = vector.shape_cast %get3A_7 : vector<1x2500x128xf32> to vector<2500x128xf32>
    %get3A_9 = arith.constant 0 : index
    %get3A_10 = arith.constant 0 : index
    %get3A_11 = arith.constant 0 : index
    %get3A_12 = vector.load %arg3[%get3A_9, %get3A_10, %get3A_11] : memref<1x2500x128xf32, #tpu.memory_space<vmem>>, vector<1x2500x128xf32>
    %get3A_13 = vector.shape_cast %get3A_12 : vector<1x2500x128xf32> to vector<2500x128xf32>
    %get3A_14 = arith.constant 0 : index
    %get3A_15 = arith.constant 0 : index
    %get3A_16 = vector.load %arg4[%get3A_14, %get3A_15] : memref<128x512xf32, #tpu.memory_space<vmem>>, vector<128x512xf32>
    %dot_general3A = arith.constant dense<0.000000e+00> : vector<2500x512xf32>
    %dot_general3A_17 = tpu.matmul %get3A_3, %get3A_16, %dot_general3A {dimension_numbers = #tpu.dot_dimension_numbers<[1], [0], [0], [1], [0, 0, 1, 1], [], []>, transpose_lhs_hint = false} : vector<2500x128xf32>, vector<128x512xf32>, vector<2500x512xf32> -> vector<2500x512xf32>
    %get3A_18 = arith.constant 0 : index
    %get3A_19 = arith.constant 0 : index
    %get3A_20 = vector.load %arg5[%get3A_18, %get3A_19] : memref<128x512xf32, #tpu.memory_space<vmem>>, vector<128x512xf32>
    %dot_general3A_21 = arith.constant dense<0.000000e+00> : vector<2500x512xf32>
    %dot_general3A_22 = tpu.matmul %get3A_13, %get3A_20, %dot_general3A_21 {dimension_numbers = #tpu.dot_dimension_numbers<[1], [0], [0], [1], [0, 0, 1, 1], [], []>, transpose_lhs_hint = false} : vector<2500x128xf32>, vector<128x512xf32>, vector<2500x512xf32> -> vector<2500x512xf32>
    %add3A = arith.addf %dot_general3A_17, %dot_general3A_22 : vector<2500x512xf32>
    %get3A_23 = arith.constant 0 : index
    %get3A_24 = arith.constant 0 : index
    %get3A_25 = arith.constant 0 : index
    %get3A_26 = vector.load %arg8[%get3A_23, %get3A_24, %get3A_25] : memref<1x1x512xf32, #tpu.memory_space<vmem>>, vector<1x1x512xf32>
    %get3A_27 = vector.shape_cast %get3A_26 : vector<1x1x512xf32> to vector<1x512xf32>
    %add3A_28 = vector.broadcast %get3A_27 : vector<1x512xf32> to vector<2500x512xf32>
    %add3A_29 = arith.addf %add3A, %add3A_28 : vector<2500x512xf32>
    %get3A_30 = arith.constant 0 : index
    %get3A_31 = arith.constant 0 : index
    %get3A_32 = vector.load %arg6[%get3A_30, %get3A_31] : memref<128x512xf32, #tpu.memory_space<vmem>>, vector<128x512xf32>
    %dot_general3A_33 = arith.constant dense<0.000000e+00> : vector<2500x512xf32>
    %dot_general3A_34 = tpu.matmul %get3A_8, %get3A_32, %dot_general3A_33 {dimension_numbers = #tpu.dot_dimension_numbers<[1], [0], [0], [1], [0, 0, 1, 1], [], []>, transpose_lhs_hint = false} : vector<2500x128xf32>, vector<128x512xf32>, vector<2500x512xf32> -> vector<2500x512xf32>
    %get3A_35 = arith.constant 0 : index
    %get3A_36 = arith.constant 0 : index
    %get3A_37 = vector.load %arg7[%get3A_35, %get3A_36] : memref<128x512xf32, #tpu.memory_space<vmem>>, vector<128x512xf32>
    %dot_general3A_38 = arith.constant dense<0.000000e+00> : vector<2500x512xf32>
    %dot_general3A_39 = tpu.matmul %get3A_13, %get3A_37, %dot_general3A_38 {dimension_numbers = #tpu.dot_dimension_numbers<[1], [0], [0], [1], [0, 0, 1, 1], [], []>, transpose_lhs_hint = false} : vector<2500x128xf32>, vector<128x512xf32>, vector<2500x512xf32> -> vector<2500x512xf32>
    %add3A_40 = arith.addf %dot_general3A_34, %dot_general3A_39 : vector<2500x512xf32>
    %get3A_41 = arith.constant 0 : index
    %get3A_42 = arith.constant 0 : index
    %get3A_43 = arith.constant 0 : index
    %get3A_44 = vector.load %arg9[%get3A_41, %get3A_42, %get3A_43] : memref<1x1x512xf32, #tpu.memory_space<vmem>>, vector<1x1x512xf32>
    %get3A_45 = vector.shape_cast %get3A_44 : vector<1x1x512xf32> to vector<1x512xf32>
    %add3A_46 = vector.broadcast %get3A_45 : vector<1x512xf32> to vector<2500x512xf32>
    %add3A_47 = arith.addf %add3A_40, %add3A_46 : vector<2500x512xf32>
    %mul3A = arith.mulf %add3A_29, %add3A_47 : vector<2500x512xf32>
    %reduce_sum3A = arith.constant dense<0.000000e+00> : vector<2500xf32>
    %reduce_sum3A_48 = vector.multi_reduction <add>, %mul3A, %reduce_sum3A [1] : vector<2500x512xf32> to vector<2500xf32>
    %broadcast_in_dim3A = vector.shape_cast %reduce_sum3A_48 : vector<2500xf32> to vector<1x1x2500xf32>
    %swap3A = arith.constant 0 : index
    %swap3A_49 = arith.constant 0 : index
    %swap3A_50 = arith.constant 0 : index
    %swap3A_51 = vector.load %arg10[%swap3A, %swap3A_49, %swap3A_50] : memref<1x1x2500xf32, #tpu.memory_space<vmem>>, vector<1x1x2500xf32>
    tpu.vector_store %arg10[%swap3A, %swap3A_49, %swap3A_50], %broadcast_in_dim3A {strides = array<i32>} : memref<1x1x2500xf32, #tpu.memory_space<vmem>>, vector<1x1x2500xf32>,
    return
  }
  func.func @transform_0(%arg0: i32) -> (i32, i32, i32) {
    %c0_i32 = arith.constant 0 : i32
    %c0_i32_0 = arith.constant 0 : i32
    %c0_i32_1 = arith.constant 0 : i32
    return %arg0, %c0_i32, %c0_i32_0 : i32, i32, i32
  }
  func.func @transform_1(%arg0: i32) -> (i32, i32, i32) {
    %c0_i32 = arith.constant 0 : i32
    %c0_i32_0 = arith.constant 0 : i32
    %c0_i32_1 = arith.constant 0 : i32
    return %arg0, %c0_i32, %c0_i32_0 : i32, i32, i32
  }
  func.func @transform_2(%arg0: i32) -> (i32, i32, i32) {
    %c0_i32 = arith.constant 0 : i32
    %c0_i32_0 = arith.constant 0 : i32
    %c0_i32_1 = arith.constant 0 : i32
    return %arg0, %c0_i32, %c0_i32_0 : i32, i32, i32
  }
  func.func @transform_3(%arg0: i32) -> (i32, i32) {
    %c0_i32 = arith.constant 0 : i32
    %c0_i32_0 = arith.constant 0 : i32
    %c0_i32_1 = arith.constant 0 : i32
    return %c0_i32, %c0_i32_0 : i32, i32
  }
  func.func @transform_4(%arg0: i32) -> (i32, i32) {
    %c0_i32 = arith.constant 0 : i32
    %c0_i32_0 = arith.constant 0 : i32
    %c0_i32_1 = arith.constant 0 : i32
    return %c0_i32, %c0_i32_0 : i32, i32
  }
  func.func @transform_5(%arg0: i32) -> (i32, i32) {
    %c0_i32 = arith.constant 0 : i32
    %c0_i32_0 = arith.constant 0 : i32
    %c0_i32_1 = arith.constant 0 : i32
    return %c0_i32, %c0_i32_0 : i32, i32
  }
  func.func @transform_6(%arg0: i32) -> (i32, i32) {
    %c0_i32 = arith.constant 0 : i32
    %c0_i32_0 = arith.constant 0 : i32
    %c0_i32_1 = arith.constant 0 : i32
    return %c0_i32, %c0_i32_0 : i32, i32
  }
  func.func @transform_7(%arg0: i32) -> (i32, i32, i32) {
    %c0_i32 = arith.constant 0 : i32
    %c0_i32_0 = arith.constant 0 : i32
    %c0_i32_1 = arith.constant 0 : i32
    return %arg0, %c0_i32, %c0_i32_0 : i32, i32, i32
  }
  func.func @transform_8(%arg0: i32) -> (i32, i32, i32) {
    %c0_i32 = arith.constant 0 : i32
    %c0_i32_0 = arith.constant 0 : i32
    %c0_i32_1 = arith.constant 0 : i32
    return %arg0, %c0_i32, %c0_i32_0 : i32, i32, i32
  }
  func.func @transform_9(%arg0: i32) -> (i32, i32, i32) {
    %c0_i32 = arith.constant 0 : i32
    %c0_i32_0 = arith.constant 0 : i32
    %c0_i32_1 = arith.constant 0 : i32
    return %arg0, %c0_i32, %c0_i32_0 : i32, i32, i32
  }
}

module attributes {stable_mosaic.version = 14 : i64} {
  func.func @_final_body(%arg0: i32, %arg1: memref<2000x128xf32, #tpu.memory_space<vmem>>, %arg2: memref<2000x128xf32, #tpu.memory_space<vmem>>, %arg3: memref<2000x1xf32, #tpu.memory_space<vmem>>, %arg4: memref<128x128xf32, #tpu.memory_space<vmem>>, %arg5: memref<1x128xf32, #tpu.memory_space<vmem>>, %arg6: memref<2000x128xf32, #tpu.memory_space<vmem>>) attributes {dimension_semantics = [#tpu.dimension_semantics<arbitrary>], iteration_bounds = array<i64: 5>, scalar_prefetch = 0 : i64, scratch_operands = 0 : i64, tpu.core_type = #tpu.core_type<tc>, window_params = [{transform_indices = @transform_0, window_bounds = array<i64: 2000, 128>}, {transform_indices = @transform_1, window_bounds = array<i64: 2000, 128>}, {transform_indices = @transform_2, window_bounds = array<i64: 2000, 1>}, {pipeline_mode = #tpu.pipeline_mode<synchronous>, transform_indices = @transform_3, window_bounds = array<i64: 128, 128>}, {pipeline_mode = #tpu.pipeline_mode<synchronous>, transform_indices = @transform_4, window_bounds = array<i64: 1, 128>}, {transform_indices = @transform_5, window_bounds = array<i64: 2000, 128>}]} {
    %get3A = arith.constant 0 : index
    %get3A_0 = arith.constant 0 : index
    %get3A_1 = vector.load %arg3[%get3A, %get3A_0] : memref<2000x1xf32, #tpu.memory_space<vmem>>, vector<2000x1xf32>
    %gt3A = arith.constant 0.000000e+00 : f32
    %gt3A_2 = vector.broadcast %gt3A : f32 to vector<2000x1xf32>
    %gt3A_3 = arith.cmpf ogt, %get3A_1, %gt3A_2 : vector<2000x1xf32>
    %get3A_4 = arith.constant 0 : index
    %get3A_5 = arith.constant 0 : index
    %get3A_6 = vector.load %arg1[%get3A_4, %get3A_5] : memref<2000x128xf32, #tpu.memory_space<vmem>>, vector<2000x128xf32>
    %get3A_7 = arith.constant 0 : index
    %get3A_8 = arith.constant 0 : index
    %get3A_9 = vector.load %arg2[%get3A_7, %get3A_8] : memref<2000x128xf32, #tpu.memory_space<vmem>>, vector<2000x128xf32>
    %broadcast_in_dim3A = vector.shape_cast %gt3A_3 : vector<2000x1xi1> to vector<2000x1xi1>
    %broadcast_in_dim3A_10 = vector.broadcast %broadcast_in_dim3A : vector<2000x1xi1> to vector<2000x128xi1>
    %select_n3A = arith.select %broadcast_in_dim3A_10, %get3A_6, %get3A_9 : vector<2000x128xi1>, vector<2000x128xf32>
    %get3A_11 = arith.constant 0 : index
    %get3A_12 = arith.constant 0 : index
    %get3A_13 = vector.load %arg4[%get3A_11, %get3A_12] : memref<128x128xf32, #tpu.memory_space<vmem>>, vector<128x128xf32>
    %transpose3A = tpu.transpose %get3A_13, [1, 0] : vector<128x128xf32> -> vector<128x128xf32>
    %dot_general3A = arith.constant dense<0.000000e+00> : vector<2000x128xf32>
    %dot_general3A_14 = tpu.matmul %select_n3A, %transpose3A, %dot_general3A {dimension_numbers = #tpu.dot_dimension_numbers<[1], [0], [0], [1], [0, 0, 1, 1], [], []>, transpose_lhs_hint = false} : vector<2000x128xf32>, vector<128x128xf32>, vector<2000x128xf32> -> vector<2000x128xf32>
    %get3A_15 = arith.constant 0 : index
    %get3A_16 = arith.constant 0 : index
    %get3A_17 = vector.load %arg5[%get3A_15, %get3A_16] : memref<1x128xf32, #tpu.memory_space<vmem>>, vector<1x128xf32>
    %add3A = vector.broadcast %get3A_17 : vector<1x128xf32> to vector<2000x128xf32>
    %add3A_18 = arith.addf %dot_general3A_14, %add3A : vector<2000x128xf32>
    %ge3A = arith.constant 0.000000e+00 : f32
    %ge3A_19 = vector.broadcast %ge3A : f32 to vector<2000x128xf32>
    %ge3A_20 = arith.cmpf oge, %add3A_18, %ge3A_19 : vector<2000x128xf32>
    %mul3A = arith.constant 0.00999999977 : f32
    %mul3A_21 = vector.broadcast %mul3A : f32 to vector<2000x128xf32>
    %mul3A_22 = arith.mulf %mul3A_21, %add3A_18 : vector<2000x128xf32>
    %select_n3A_23 = arith.select %ge3A_20, %add3A_18, %mul3A_22 : vector<2000x128xi1>, vector<2000x128xf32>
    %swap3A = arith.constant 0 : index
    %swap3A_24 = arith.constant 0 : index
    %swap3A_25 = vector.load %arg6[%swap3A, %swap3A_24] : memref<2000x128xf32, #tpu.memory_space<vmem>>, vector<2000x128xf32>
    tpu.vector_store %arg6[%swap3A, %swap3A_24], %select_n3A_23 {strides = array<i32>} : memref<2000x128xf32, #tpu.memory_space<vmem>>, vector<2000x128xf32>,
    return
  }
  func.func @transform_0(%arg0: i32) -> (i32, i32) {
    %c0_i32 = arith.constant 0 : i32
    %c0_i32_0 = arith.constant 0 : i32
    return %arg0, %c0_i32 : i32, i32
  }
  func.func @transform_1(%arg0: i32) -> (i32, i32) {
    %c0_i32 = arith.constant 0 : i32
    %c0_i32_0 = arith.constant 0 : i32
    return %arg0, %c0_i32 : i32, i32
  }
  func.func @transform_2(%arg0: i32) -> (i32, i32) {
    %c0_i32 = arith.constant 0 : i32
    %c0_i32_0 = arith.constant 0 : i32
    return %arg0, %c0_i32 : i32, i32
  }
  func.func @transform_3(%arg0: i32) -> (i32, i32) {
    %c0_i32 = arith.constant 0 : i32
    %c0_i32_0 = arith.constant 0 : i32
    %c0_i32_1 = arith.constant 0 : i32
    return %c0_i32, %c0_i32_0 : i32, i32
  }
  func.func @transform_4(%arg0: i32) -> (i32, i32) {
    %c0_i32 = arith.constant 0 : i32
    %c0_i32_0 = arith.constant 0 : i32
    %c0_i32_1 = arith.constant 0 : i32
    return %c0_i32, %c0_i32_0 : i32, i32
  }
  func.func @transform_5(%arg0: i32) -> (i32, i32) {
    %c0_i32 = arith.constant 0 : i32
    %c0_i32_0 = arith.constant 0 : i32
    return %arg0, %c0_i32 : i32, i32
  }
}

</mosaic_0001>

<sc_bundles>
// kernel: gather_offload_async_start.1
scs
__scs_entry_jumppad:
0x0: {  	(pc) =	sbr.rel $0x88, $3  }
0x1: {  	(tag) =	ssettag $0x0;
	lr =	simm.s32 $0x1  }
0x2: {  	[smem:$0x3F97] =	sst lr;
	_ =	strace $0xD0000000  }
0x3: {  	_ = 	snop  }
0x4: {  	_ = 	snop  }
0x5: {  	_ = 	snop  }
0x6: {  	_ = 	snop  }
0x7: {  	_ = 	snop  }
__scs_overlays_trampoline_lowered:
0x8: {  	[smem:$0x3FA6] =	sst s0  }
0x9: {  	[smem:$0x3FA7] =	sst s1  }
0xa: {  	[smem:$0x3FA8] =	sst s2  }
0xb: {  	[smem:$0x3FA9] =	sst s3  }
0xc: {  	[smem:$0x3FAA] =	sst s4  }
0xd: {  	[smem:$0x3FAB] =	sst s5  }
0xe: {  	[smem:$0x3FAC] =	sst s6  }
0xf: {  	[smem:$0x3FAD] =	sst s7  }
0x10: {  	[smem:$0x3FAE] =	sst s8  }
0x11: {  	[smem:$0x3FAF] =	sst s9;
	s0 =	simm.s32 @!p0 $0x0  }
0x12: {  	s1 =	sld [smem:$0x3F95];
	s0 =	simm.s32 @p0 $0x1  }
0x13: {  	[smem:$0x3FB0] =	sst s0;
	s0 =	simm.s32 @!p1 $0x0  }
0x14: {  	s2 =	sld [smem:$0x3F94];
	s0 =	simm.s32 @p1 $0x1  }
0x15: {  	[smem:$0x3FB1] =	sst s0;
	s0 =	simm.s32 @!p2 $0x0  }
0x16: {  	s3 =	sld [smem:$0x3FDB];
	s0 =	simm.s32 @p2 $0x1  }
0x17: {  	s4 =	simm.s32 $0x1BF5;
	[smem:$0x3FB3] =	sst s0  }
0x18: {  	s0 =	sld [smem:$0x3F96];
	_ =	swait.ge [sflag:s4], $0x0  }
0x19: {  	s7 =	sld [smem:$0x3F97]  }
0x1a: {  	s8 =	sadd.s32 $0xFFFFE003, lr  }
0x1b: {  	s9 =	sadd.s32 $0xFFFFFEF7, lr;
	s5 =	simm.s32 $0xFFFFFFFF;
	p2 =	slt.u32 s8, $0xFFFFF086  }
0x1c: {  	p1 =	slt.u32 s9, $0xF7A;
	s5 =	simm.s32 @!p2 $0x0  }
0x1d: {  	s5 =	simm.s32 @p1 $0x1;
	p0 =	seq.s32 s7, s2  }
0x1e: {  	s7 =	smul.u32 @!p0 $0xF7A, s2;
	p2 =	seq.s32 @!p0 s5, $0x0  }
0x1f: {  	s9 =	smul.u32 $0xF7A, s1;
	s8 =	simm.s32 @!p0 $0x1BF5;
	p2 =	por !p2, p0  }
0x20: {  	[sflag:s8] =	ssyncset.s32 @!p0 $0xFFFFF086;
	s6 =	sadd.s32 @!p0 s3, s7;
	s7 =	simm.s32 @!p0 $0x108  }
0x21: {  	s3 =	sadd.s32 s3, s9;
	s6 =	sadd.s32 @!p0 $0x88, s6;
	s7 =	simm.s32 @p2 $0x1082  }
0x22: {  	[simem:s7], [sflag:s8] =	dma.local @!p0 [hbm:s6], $0xF7A  }
0x23: {  	s9 =	sor.u32 $0xD0000000, s2;
	s6 =	simm.s32 $0x108;
	_ =	swait.ge @!p0 [sflag:s8], $0x0  }
0x24: {  	s3 =	sadd.s32 $0x88, s3;
	s6 =	simm.s32 @!p1 $0x1082;
	[sflag:s4] =	ssyncset.s32 $0xFFFFF086  }
0x25: {  	[simem:s6], [sflag:s4] =	dma.local [hbm:s3], $0xF7A  }
0x26: {  	[smem:$0x3F97] =	sst s1;
	(tag) =	ssettag s2;
	_ =	strace s9  }
0x27: {  	s1 =	sld [smem:$0x3FA7]  }
0x28: {  	s2 =	sld [smem:$0x3FA8]  }
0x29: {  	s4 =	sld [smem:$0x3FAA]  }
0x2a: {  	p0 =	seq.s32 s5, $0x0;
	s5 =	sld [smem:$0x3FAB]  }
0x2b: {  	s6 =	sld [smem:$0x3FAC]  }
0x2c: {  	s7 =	sld [smem:$0x3FAD]  }
0x2d: {  	s3 =	simm.s32 $0x108;
	s8 =	sld [smem:$0x3FAE]  }
0x2e: {  	s3 =	simm.s32 @!p0 $0x1082;
	s9 =	sld [smem:$0x3FAF]  }
0x2f: {  	lr =	sadd.s32 s0, s3;
	s0 =	sld [smem:$0x3FA6]  }
0x30: {  	s3 =	sld [smem:$0x3FA9]  }
0x31: {  	[smem:$0x3FB2] =	sst s10  }
0x32: {  	s10 =	sld [smem:$0x3FB0];
	_ =	sdelay $0x3  }
0x33: {  	p0 =	seq.s32 s10, $0x1;
	s10 =	sld [smem:$0x3FB2];
	_ =	sdelay $0x3  }
0x34: {  	[smem:$0x3FB2] =	sst s10  }
0x35: {  	s10 =	sld [smem:$0x3FB1];
	_ =	sdelay $0x3  }
0x36: {  	p1 =	seq.s32 s10, $0x1;
	s10 =	sld [smem:$0x3FB2];
	_ =	sdelay $0x3  }
0x37: {  	[smem:$0x3FB2] =	sst s10  }
0x38: {  	s10 =	sld [smem:$0x3FB3]  }
0x39: {  	_ = 	snop;
	(pc) =	sbr.ind lr, $3  }
0x3a: {  	_ = 	snop  }
0x3b: {  	_ = 	snop  }
0x3c: {  	p2 =	seq.s32 s10, $0x1;
	s10 =	sld [smem:$0x3FB2]  }
0x3d: {  	_ =	shalt  }
0x3e: {  	_ =	shalt  }
0x3f: {  	_ =	shalt  }
0x40: {  	_ =	shalt  }
0x41: {  	_ =	shalt  }
0x42: {  	_ =	shalt  }
0x43: {  	_ =	shalt  }
0x44: {  	_ =	shalt  }
0x45: {  	_ =	shalt  }
0x46: {  	_ =	shalt  }
0x47: {  	_ =	shalt  }
0x48: {  	_ =	shalt  }
0x49: {  	_ =	shalt  }
0x4a: {  	_ =	shalt  }
0x4b: {  	_ =	shalt  }
0x4c: {  	_ =	shalt  }
0x4d: {  	_ =	shalt  }
0x4e: {  	_ =	shalt  }
0x4f: {  	_ =	shalt  }
0x50: {  	_ =	shalt  }
0x51: {  	_ =	shalt  }
0x52: {  	_ =	shalt  }
0x53: {  	_ =	shalt  }
0x54: {  	_ =	shalt  }
0x55: {  	_ =	shalt  }
0x56: {  	_ =	shalt  }
0x57: {  	_ =	shalt  }
0x58: {  	_ =	shalt  }
0x59: {  	_ =	shalt  }
0x5a: {  	_ =	shalt  }
0x5b: {  	_ =	shalt  }
0x5c: {  	_ =	shalt  }
0x5d: {  	_ =	shalt  }
0x5e: {  	_ =	shalt  }
0x5f: {  	_ =	shalt  }
0x60: {  	_ =	shalt  }
0x61: {  	_ =	shalt  }
0x62: {  	_ =	shalt  }
0x63: {  	_ =	shalt  }
0x64: {  	_ =	shalt  }
0x65: {  	_ =	shalt  }
0x66: {  	_ =	shalt  }
0x67: {  	_ =	shalt  }
0x68: {  	_ =	shalt  }
0x69: {  	_ =	shalt  }
0x6a: {  	_ =	shalt  }
0x6b: {  	_ =	shalt  }
0x6c: {  	_ =	shalt  }
0x6d: {  	_ =	shalt  }
0x6e: {  	_ =	shalt  }
0x6f: {  	_ =	shalt  }
0x70: {  	_ =	shalt  }
0x71: {  	_ =	shalt  }
0x72: {  	_ =	shalt  }
0x73: {  	_ =	shalt  }
0x74: {  	_ =	shalt  }
0x75: {  	_ =	shalt  }
0x76: {  	_ =	shalt  }
0x77: {  	_ =	shalt  }
0x78: {  	_ =	shalt  }
0x79: {  	_ =	shalt  }
0x7a: {  	_ =	shalt  }
0x7b: {  	_ =	shalt  }
0x7c: {  	_ =	shalt  }
0x7d: {  	_ =	shalt  }
0x7e: {  	_ =	shalt  }
0x7f: {  	_ =	shalt  }
0x80: {  	_ =	shalt  }
0x81: {  	_ =	shalt  }
0x82: {  	_ =	shalt  }
0x83: {  	_ =	shalt  }
0x84: {  	_ =	shalt  }
0x85: {  	_ =	shalt  }
0x86: {  	_ =	shalt  }
0x87: {  	_ =	shalt  }
.Lfunc_end0:
.L_simem_size_0:
called_computation.6_lowered:
.L_overlay_start_0:
0x88: {  	s2 =	sld [smem:$0x3FD9]  }
0x89: {  	s3 =	sld [smem:$0x3FFE];
	_ =	sdelay $0x1  }
0x8a: {  	s1 =	srdreg.scid  }
0x8b: {  	s0 =	sand.u32 $0x1, s1  }
0x8c: {  	s14 =	sshll.u32 s0, $0xA;
	s2 =	sadd.s32 s3, s2  }
0x8d: {  	s2 =	sadd.s32 s2, s14  }
0x8e: {  	[smem:$0x3FBE] =	sst s2  }
0x8f: {  	_ = 	snop  }
0x90: {  	s2 =	sld [smem:$0x3FD0];
	_ =	sdelay $0x2  }
0x91: {  	s15 =	simm.s32 $0xE;
	s4 =	simm.s32 $0x10  }
0x92: {  	[smem:s4], [sflag:s15] =	dma.local [hbm:s2], $0x1  }
0x93: {  	_ =	swait.eq [sflag:s15], $0x1  }
0x94: {  	[sflag:s15] =	ssyncset.done $0x0  }
0x95: {  	[sflag:s15] =	ssyncadd.s32 $0xFFFFFFFF  }
0x96: {  	s16 =	sld [smem:$0x12];
	(tm) =	ssettm $0x1  }
0x97: {  	s17 =	sld [smem:$0x3FFB];
	_ =	sdelay $0x3  }
0x98: {  	_ =	strace s17  }
0x99: {  	s3 =	sld [smem:$0x3FFC];
	_ =	sdelay $0x3  }
0x9a: {  	_ =	strace s3  }
0x9b: {  	s3 =	sld [smem:$0x3FFD];
	_ =	sdelay $0x3  }
0x9c: {  	_ =	strace s3  }
0x9d: {  	_ =	strace $0x8FFFFFFF  }
0x9e: {  	s18 =	sld [smem:$0x3FDB];
	_ =	sdelay $0x1  }
0x9f: {  	s19 =	simm.s32 $_scs_section_size  }
0xa0: {  	s5 =	simm.s32 $_size__tile_overlayer_lowered;
	s6 =	simm.s32 $_tile_overlayer_lowered  }
0xa1: {  	s22 =	simm.s32 $0x1BFF;
	s21 =	sshll.u32 s6, $0x1;
	s3 =	sadd.s32 s19, s18  }
0xa2: {  	s7 =	simm.s32 $0x0;
	s20 =	sshll.u32 s5, $0x1;
	s5 =	sadd.s32 s21, s3  }
0xa3: {  	[timem:s7], [sflag:s22] =	dma.local [hbm:s5], s20  }
0xa4: {  	_ =	swait.ge [sflag:s22], s20  }
0xa5: {  	s4 =	ssub.s32 $0x0, s20;
	[sflag:s22] =	ssyncset.done $0x0  }
0xa6: {  	[sflag:s22] =	ssyncadd.s32 s4;
	_ =	sdelay $0x1  }
0xa7: {  	s23 =	simm.s32 $0x1B8B  }
0xa8: {  	_ =	swait.ge [sflag:s23], $0x1  }
0xa9: {  	[sflag:s23] =	ssyncset.done $0x0  }
0xaa: {  	s25 =	simm.s32 $0x1B8E;
	s24 =	sld [smem:$0x3FFE];
	[sflag:s23] =	ssyncadd.s32 $0xFFFFFFFF  }
0xab: {  	s26 =	simm.s32 $execute0_lowered;
	[smem:$0x3FD2] =	sst s25  }
0xac: {  	s5 =	sshll.u32 s26, $0x1;
	_ =	strace $0x80000052;
	[dreg:$0x1] =	wrdreg $0xFFFFFFFF  }
0xad: {  	s28 =	simm.s32 $_size_execute0_lowered;
	s3 =	sadd.s32 s3, s5;
	[dreg:$0x0] =	wrdreg $0x0  }
0xae: {  	s5 =	sshll.u32 s28, $0x1;
	[dreg:$0x2] =	wrdreg s3  }
0xaf: {  	[dreg:$0x3] =	wrdreg s5  }
0xb0: {  	[dreg:$0x4] =	wrdreg $0xC0  }
0xb1: {  	_ =	task [dreg:s7], $0x5FFFF  }
0xb2: {  	[dreg:$0x1] =	wrdreg $0xFFFFFFFF  }
0xb3: {  	[dreg:$0x0] =	wrdreg $0x60  }
0xb4: {  	[dreg:$0x2] =	wrdreg s24  }
0xb5: {  	[dreg:$0x3] =	wrdreg s16  }
0xb6: {  	[dreg:$0x4] =	wrdreg $0x9  }
0xb7: {  	_ =	task.clear_ibuf [dreg:s7], $0x5FFFF;
	_ =	strace $0x90000052  }
0xb8: {  	s29 =	simm.s32 $0x9;
	_ =	strace $0x80000054  }
0xb9: {  	_ =	swait.ge [sflag:s29], $0x1  }
0xba: {  	[sflag:s29] =	ssyncadd.s32 $0xFFFFFFFF  }
0xbb: {  	_ =	strace $0x90000054  }
0xbc: {  	_ =	sfence  }
0xbd: {  	s30 =	sld [smem:$0x0];
	_ =	sdelay $0x2  }
0xbe: {  	s31 =	sshll.u32 s1, $0xD;
	s1 =	sshrl.u32 s1, $0x2  }
0xbf: {  	s3 =	sand.u32 $0x4000, s31;
	s1 =	sadd.s32 s1, s30  }
0xc0: {  	s0 =	sor.u32 s3, s0;
	s1 =	sshll.u32 s1, $0x11  }
0xc1: {  	s0 =	sor.u32 s1, s0  }
0xc2: {  	s0 =	sadd.s32 $0x8F2B, s0  }
0xc3: {  	[sflag:s0] =	ssyncadd.remote.s32 $0x1  }
0xc4: {  	_ =	sfence.sel $0xFFFF  }
0xc5: {  	[dreg:$0x0] =	wrdreg $0xFFFFFFFF;
	(pc) =	sbr.abs _section_cstart, $3  }
0xc6: {  	[dreg:$0x1] =	wrdreg $0xFFFFFFFF  }
0xc7: {  	_ =	task.clear_ibuf [dreg:s7], $0x2FFFF;
	_ =	strace $0x9FFFFFFF  }
0xc8: {  	(tm) =	ssettm $0x7FFFFFFF  }
0xc9: {  	_ =	shalt  }
tec
execute0_lowered:
.L_overlay_start_1:
0x0: {  	(tag) =	ssettag $0x1  }
0x1: {  	s2 =	rddreg [dreg:$0x0]  }
0x2: {  	s0 =	stileid.u32;
	s1 =	srdreg.scid  }
0x3: {  	s3 =	rddreg [dreg:$0x1];
	s8 =	simm.s32 $0x1;
	s9 =	simm.s32 $0x3  }
0x4: {  	s10 =	simm.s32 $0x0;
	s4 =	sand.u32 $0x1, s1;
	s5 =	sshll.u32 s0, $0x1  }
0x5: {  	s13 =	simm.s32 $0x0;
	s12 =	simm.s32 $0x0;
	s6 =	sor.u32 s5, s4  }
0x6: {  	s1 =	rddreg [dreg:$0x2];
	_ =	strace $0x80000053;
	s4 =	smul.u32 $0x320, s6  }
0x7: {  	s5 =	simm.s32 $0x1;
	p0 =	slt.u32 s6, $0x9;
	s6 =	simm.s32 $0x6400  }
.Ltmp0:
0x8: {  	s6 =	simm.s32 @!p0 $0x0;
	s7 =	ssub.s32 $0x7D00, s4;
	(pc) =	sbr.rel .LBB2_1-.Ltmp0, $4  }
0x9: {  	s8 =	simm.s32 @!p0 $0x0;
	p0 =	sne.s32 s7, s6;
	s7 =	simm.s32 $0x1  }
0xa: {  	[sflag:s5] =	ssyncpa.u1 $0x0;
	s6 =	simm.s32 $0x2;
	s7 =	simm.s32 @!p0 $0x0  }
0xb: {  	s11 =	smov.u32 s4;
	[sflag:s6] =	ssyncpa.u1 $0x0;
	s7 =	sadd.s32 s8, s7  }
0xc: {  	vm0 =	vmmov $0xffff;
	s8 =	sadd.s32 $0xB000, s2;
	[sflag:s9] =	ssyncpa.u1 $0x0;
	s9 =	sadd.s32 $0x1, s7  }
.LBB2_4:
0xd: {  	v2 =	vnsel vm1, $0x0, v2  }
0xe: {  	vm1 =	vgt.s32 v0, $0x0;
	v2 =	vmin.u32 v2, $0x270FF  }
0xf: {  	v0 =	vnsel vm1, $0x0, v0  }
0x10: {  	v0 =	vmin.u32 v0, $0x270FF  }
0x11: {  	[tilespmem:s18], [sflag:$0x1] =	stream.indirect_vreg.gather [hbm4b:s2+s10], $0x1, v1, vm0, $0x4038;
	[tilespmem:$0xC80] =	vst v63  }
0x12: {  	(ifvalue) =	ssetifvalue $0x7FFFFFFF  }
0x13: {  	[tilespmem:s15], [sflag:$0x1] =	stream.indirect_vreg.gather [hbm4b:s2+s10], $0x1, v2, vm0, $0x4038;
	[tilespmem:$0xC80] =	vst v63  }
0x14: {  	s29 =	sadd.s32 $0x10, s15;
	(ifvalue) =	ssetifvalue $0x7FFFFFFF  }
0x15: {  	[tilespmem:s29], [sflag:$0x1] =	stream.indirect_vreg.gather [hbm4b:s2+s10], $0x1, v0, vm0, $0x4038;
	[tilespmem:$0xC80] =	vst v63  }
0x16: {  	_ =	swait.ge [sflag:s5], $0x320  }
0x17: {  	s30 =	sshrl.u32 s13, $0x3;
	[sflag:s5] =	ssyncset.done $0x0  }
0x18: {  	s31 =	sand.u32 $0x7, s13;
	s15 =	sadd.s32 s8, s30;
	[sflag:s5] =	ssyncadd.s32 $0xFFFFFCE0  }
0x19: {  	[hbm4b:s15+s31] =	stream.linear.scatter [tilespmem:s14], [sflag:$0x3], $0x320, $0x38;
	[tilespmem:$0xC80] =	vst v63  }
.LBB2_5:
0x1a: {  	s15 =	sadd.s32 $0x6400, s11  }
0x1b: {  	p1 =	sgt.s32 s15, $0x7CFF  }
0x1c: {  	s15 =	smov.u32 @p1 s4;
	p1 =	sne.s32 s12, s9  }
.Ltmp1:
0x1d: {  	p0 =	slt.u32 s12, $0x2;
	(pc) =	sbr.rel @!p1 .LBB2_6-.Ltmp1, $4  }
0x1e: {  	s14 =	simm.s32 @!p0 $0x3  }
0x1f: {  	_ =	swait.ge @!p0 [sflag:s14], $0x320  }
0x20: {  	s16 =	sadd.s32 $0x1, s12;
	s13 =	smov.u32 s11;
	[sflag:s14] =	ssyncset.done @!p0 $0x0  }
0x21: {  	s12 =	smov.u32 s16;
	s11 =	smov.u32 s15;
	[sflag:s14] =	ssyncadd.s32 @!p0 $0xFFFFFCE0  }
.LBB2_1:
0x22: {  	p0 =	sge.u32 s12, s7  }
0x23: {  	s14 =	sxor.u32 @!p0 $0x1, s12  }
0x24: {  	s14 =	smul.u32 @!p0 $0xC80, s14  }
0x25: {  	s31 =	sadd.s32 $0xFFFFFFFF, s12;
	s15 =	sshrl.u32 @!p0 s11, $0x3  }
0x26: {  	s16 =	sand.u32 @!p0 $0x7, s11;
	s15 =	sadd.s32 @!p0 s3, s15;
	s14 =	sshra.s32 @!p0 s14, $0x2  }
0x27: {  	[tilespmem:s14], [sflag:$0x2] =	stream.linear.gather @!p0 [hbm4b:s15+s16], $0x320, $0x38;
	[tilespmem:$0xC80] =	vst v63  }
0x28: {  	p0 =	sge.u32 s31, s7  }
.Ltmp2:
0x29: {  	_ = 	snop;
	(pc) =	sbr.rel @p0 .LBB2_5-.Ltmp2, $1  }
0x2a: {  	_ =	sdelay $0x3  }
0x2b: {  	s14 =	sand.u32 $0x1, s12  }
0x2c: {  	_ =	swait.ge [sflag:s6], $0x320;
	p0 =	seq.s32 s14, $0x1;
	s14 =	simm.s32 $0x320  }
0x2d: {  	[sflag:s6] =	ssyncset.done $0x0;
	s14 =	simm.s32 @!p0 $0x0  }
0x2e: {  	[sflag:s6] =	ssyncadd.s32 $0xFFFFFCE0;
	(ifvalue) =	ssetifvalue $0x7FFFFFFF;
	v0 =	vld.msk [tilespmem:s14+$0x0 ss:$0x1], $0xffff;
	_ =	sdelay $0x4  }
0x2f: {  	s15 =	sadd.s32 $0x10, s14;
	vm1 =	vgt.s32 v0, $0x0  }
0x30: {  	v2 =	vld.msk [tilespmem:s15+$0x0 ss:$0x1], $0xffff;
	v1 =	vnsel vm1, $0x0, v0  }
0x31: {  	v1 =	vmin.u32 v1, $0x270FF;
	_ =	sdelay $0x2  }
0x32: {  	s17 =	simm.s32 $0x20;
	s14 =	sadd.s32 $0x640, s14;
	s16 =	sadd.s32 $0x10, s15  }
0x33: {  	s15 =	sadd.s32 $0x10, s14;
	s18 =	smov.u32 s14;
	v0 =	vld.msk [tilespmem:s16+$0x0 ss:$0x1], $0xffff;
	vm1 =	vgt.s32 v2, $0x0;
	(ifvalue) =	ssetifvalue $0x7FFFFFFF  }
.LBB2_3:
0x34: {  	[tilespmem:s18], [sflag:$0x1] =	stream.indirect_vreg.gather [hbm4b:s2+s10], $0x1, v1, vm0, $0x4038;
	[tilespmem:$0xC80] =	vst v63  }
0x35: {  	s17 =	sadd.s32 $0x10, s17  }
0x36: {  	v2 =	vnsel vm1, $0x0, v2;
	p0 =	slt.u32 s17, $0x310  }
.Ltmp3:
0x37: {  	s18 =	smov.u32 s15;
	v1 =	vmin.u32 v2, $0x270FF;
	(pc) =	sbr.rel @p0 .LBB2_3-.Ltmp3, $3  }
0x38: {  	_ =	sdelay $0x1  }
0x39: {  	s16 =	sadd.s32 $0x10, s16  }
0x3a: {  	vm1 =	vgt.s32 v0, $0x0;
	s15 =	sadd.s32 $0x10, s15;
	v2 =	vmov v0;
	(ifvalue) =	ssetifvalue $0x7FFFFFFF;
	v0 =	vld.msk [tilespmem:s16+$0x0 ss:$0x1], $0xffff  }
.Ltmp4:
0x3b: {  	_ = 	snop;
	(pc) =	sbr.rel .LBB2_4-.Ltmp4, $1  }
0x3c: {  	_ =	sdelay $0x3  }
.LBB2_6:
0x3d: {  	_ =	sfence.sel $0x180000  }
0x3e: {  	s2 =	simm.s32 $0x2;
	[bflag:$0x0] =	sbarrier.arrive $0xFFFF  }
0x3f: {  	s30 =	simm.s32 $0x3;
	[sflag:s2] =	ssyncpa.u1 $0x1  }
0x40: {  	s31 =	simm.s32 $0x1;
	[sflag:s30] =	ssyncpa.u1 $0x1  }
0x41: {  	[sflag:s31] =	ssyncpa.u1 $0x1  }
0x42: {  	p0 =	sne.s32 s0, $0x0;
	_ =	strace $0x90000053  }
0x43: {  	s0 =	sadd.s32 @!p0 $0x100000, s1;
	[bflag:$0x2] =	sbarrier.arrive $0xFFFF  }
0x44: {  	[sflag:s0] =	ssyncadd.tile.s32 @!p0 $0x1;
	_ =	shalt  }
.Lfunc_end2:
_tile_overlayer_lowered:
.L_overlay_start_2:
0x45: {  	(tag) =	ssettag $0x2  }
0x46: {  	s0 =	rddreg [dreg:$0x0];
	s2 =	stileid.u32  }
0x47: {  	s1 =	rddreg [dreg:$0x1];
	p0 =	sne.s32 s2, $0x0  }
0x48: {  	s3 =	rddreg [dreg:$0x2];
	[bflag:$0x3] =	sbarrier.arrive $0xFFFF;
	s2 =	simm.s32 @!p0 $0x1C01  }
0x49: {  	[timem:s3], [sflag:s2] =	dma.local @!p0 [hbm:s0], s1  }
0x4a: {  	s0 =	simm.s32 @!p0 $0x1  }
0x4b: {  	_ =	swait.ge @!p0 [sflag:s0], s1  }
0x4c: {  	s1 =	ssub.s32 @!p0 $0x0, s1;
	[sflag:s0] =	ssyncset.done @!p0 $0x0  }
0x4d: {  	[sflag:s0] =	ssyncadd.s32 @!p0 s1  }
0x4e: {  	[bflag:$0x3] =	sbarrier.arrive $0xFFFF  }
0x4f: {  	_ =	shalt  }

// kernel: gather_offload_async_start.2
scs
__scs_entry_jumppad:
0x0: {  	(pc) =	sbr.rel $0x88, $3  }
0x1: {  	(tag) =	ssettag $0x0;
	lr =	simm.s32 $0x1  }
0x2: {  	[smem:$0x3F97] =	sst lr;
	_ =	strace $0xD0000000  }
0x3: {  	_ = 	snop  }
0x4: {  	_ = 	snop  }
0x5: {  	_ = 	snop  }
0x6: {  	_ = 	snop  }
0x7: {  	_ = 	snop  }
__scs_overlays_trampoline_lowered:
0x8: {  	[smem:$0x3FA6] =	sst s0  }
0x9: {  	[smem:$0x3FA7] =	sst s1  }
0xa: {  	[smem:$0x3FA8] =	sst s2  }
0xb: {  	[smem:$0x3FA9] =	sst s3  }
0xc: {  	[smem:$0x3FAA] =	sst s4  }
0xd: {  	[smem:$0x3FAB] =	sst s5  }
0xe: {  	[smem:$0x3FAC] =	sst s6  }
0xf: {  	[smem:$0x3FAD] =	sst s7  }
0x10: {  	[smem:$0x3FAE] =	sst s8  }
0x11: {  	[smem:$0x3FAF] =	sst s9;
	s0 =	simm.s32 @!p0 $0x0  }
0x12: {  	s1 =	sld [smem:$0x3F95];
	s0 =	simm.s32 @p0 $0x1  }
0x13: {  	[smem:$0x3FB0] =	sst s0;
	s0 =	simm.s32 @!p1 $0x0  }
0x14: {  	s2 =	sld [smem:$0x3F94];
	s0 =	simm.s32 @p1 $0x1  }
0x15: {  	[smem:$0x3FB1] =	sst s0;
	s0 =	simm.s32 @!p2 $0x0  }
0x16: {  	s3 =	sld [smem:$0x3FDB];
	s0 =	simm.s32 @p2 $0x1  }
0x17: {  	s4 =	simm.s32 $0x1BF5;
	[smem:$0x3FB3] =	sst s0  }
0x18: {  	s0 =	sld [smem:$0x3F96];
	_ =	swait.ge [sflag:s4], $0x0  }
0x19: {  	s7 =	sld [smem:$0x3F97]  }
0x1a: {  	s8 =	sadd.s32 $0xFFFFE003, lr  }
0x1b: {  	s9 =	sadd.s32 $0xFFFFFEF7, lr;
	s5 =	simm.s32 $0xFFFFFFFF;
	p2 =	slt.u32 s8, $0xFFFFF086  }
0x1c: {  	p1 =	slt.u32 s9, $0xF7A;
	s5 =	simm.s32 @!p2 $0x0  }
0x1d: {  	s5 =	simm.s32 @p1 $0x1;
	p0 =	seq.s32 s7, s2  }
0x1e: {  	s7 =	smul.u32 @!p0 $0xF7A, s2;
	p2 =	seq.s32 @!p0 s5, $0x0  }
0x1f: {  	s9 =	smul.u32 $0xF7A, s1;
	s8 =	simm.s32 @!p0 $0x1BF5;
	p2 =	por !p2, p0  }
0x20: {  	[sflag:s8] =	ssyncset.s32 @!p0 $0xFFFFF086;
	s6 =	sadd.s32 @!p0 s3, s7;
	s7 =	simm.s32 @!p0 $0x108  }
0x21: {  	s3 =	sadd.s32 s3, s9;
	s6 =	sadd.s32 @!p0 $0x88, s6;
	s7 =	simm.s32 @p2 $0x1082  }
0x22: {  	[simem:s7], [sflag:s8] =	dma.local @!p0 [hbm:s6], $0xF7A  }
0x23: {  	s9 =	sor.u32 $0xD0000000, s2;
	s6 =	simm.s32 $0x108;
	_ =	swait.ge @!p0 [sflag:s8], $0x0  }
0x24: {  	s3 =	sadd.s32 $0x88, s3;
	s6 =	simm.s32 @!p1 $0x1082;
	[sflag:s4] =	ssyncset.s32 $0xFFFFF086  }
0x25: {  	[simem:s6], [sflag:s4] =	dma.local [hbm:s3], $0xF7A  }
0x26: {  	[smem:$0x3F97] =	sst s1;
	(tag) =	ssettag s2;
	_ =	strace s9  }
0x27: {  	s1 =	sld [smem:$0x3FA7]  }
0x28: {  	s2 =	sld [smem:$0x3FA8]  }
0x29: {  	s4 =	sld [smem:$0x3FAA]  }
0x2a: {  	p0 =	seq.s32 s5, $0x0;
	s5 =	sld [smem:$0x3FAB]  }
0x2b: {  	s6 =	sld [smem:$0x3FAC]  }
0x2c: {  	s7 =	sld [smem:$0x3FAD]  }
0x2d: {  	s3 =	simm.s32 $0x108;
	s8 =	sld [smem:$0x3FAE]  }
0x2e: {  	s3 =	simm.s32 @!p0 $0x1082;
	s9 =	sld [smem:$0x3FAF]  }
0x2f: {  	lr =	sadd.s32 s0, s3;
	s0 =	sld [smem:$0x3FA6]  }
0x30: {  	s3 =	sld [smem:$0x3FA9]  }
0x31: {  	[smem:$0x3FB2] =	sst s10  }
0x32: {  	s10 =	sld [smem:$0x3FB0];
	_ =	sdelay $0x3  }
0x33: {  	p0 =	seq.s32 s10, $0x1;
	s10 =	sld [smem:$0x3FB2];
	_ =	sdelay $0x3  }
0x34: {  	[smem:$0x3FB2] =	sst s10  }
0x35: {  	s10 =	sld [smem:$0x3FB1];
	_ =	sdelay $0x3  }
0x36: {  	p1 =	seq.s32 s10, $0x1;
	s10 =	sld [smem:$0x3FB2];
	_ =	sdelay $0x3  }
0x37: {  	[smem:$0x3FB2] =	sst s10  }
0x38: {  	s10 =	sld [smem:$0x3FB3]  }
0x39: {  	_ = 	snop;
	(pc) =	sbr.ind lr, $3  }
0x3a: {  	_ = 	snop  }
0x3b: {  	_ = 	snop  }
0x3c: {  	p2 =	seq.s32 s10, $0x1;
	s10 =	sld [smem:$0x3FB2]  }
0x3d: {  	_ =	shalt  }
0x3e: {  	_ =	shalt  }
0x3f: {  	_ =	shalt  }
0x40: {  	_ =	shalt  }
0x41: {  	_ =	shalt  }
0x42: {  	_ =	shalt  }
0x43: {  	_ =	shalt  }
0x44: {  	_ =	shalt  }
0x45: {  	_ =	shalt  }
0x46: {  	_ =	shalt  }
0x47: {  	_ =	shalt  }
0x48: {  	_ =	shalt  }
0x49: {  	_ =	shalt  }
0x4a: {  	_ =	shalt  }
0x4b: {  	_ =	shalt  }
0x4c: {  	_ =	shalt  }
0x4d: {  	_ =	shalt  }
0x4e: {  	_ =	shalt  }
0x4f: {  	_ =	shalt  }
0x50: {  	_ =	shalt  }
0x51: {  	_ =	shalt  }
0x52: {  	_ =	shalt  }
0x53: {  	_ =	shalt  }
0x54: {  	_ =	shalt  }
0x55: {  	_ =	shalt  }
0x56: {  	_ =	shalt  }
0x57: {  	_ =	shalt  }
0x58: {  	_ =	shalt  }
0x59: {  	_ =	shalt  }
0x5a: {  	_ =	shalt  }
0x5b: {  	_ =	shalt  }
0x5c: {  	_ =	shalt  }
0x5d: {  	_ =	shalt  }
0x5e: {  	_ =	shalt  }
0x5f: {  	_ =	shalt  }
0x60: {  	_ =	shalt  }
0x61: {  	_ =	shalt  }
0x62: {  	_ =	shalt  }
0x63: {  	_ =	shalt  }
0x64: {  	_ =	shalt  }
0x65: {  	_ =	shalt  }
0x66: {  	_ =	shalt  }
0x67: {  	_ =	shalt  }
0x68: {  	_ =	shalt  }
0x69: {  	_ =	shalt  }
0x6a: {  	_ =	shalt  }
0x6b: {  	_ =	shalt  }
0x6c: {  	_ =	shalt  }
0x6d: {  	_ =	shalt  }
0x6e: {  	_ =	shalt  }
0x6f: {  	_ =	shalt  }
0x70: {  	_ =	shalt  }
0x71: {  	_ =	shalt  }
0x72: {  	_ =	shalt  }
0x73: {  	_ =	shalt  }
0x74: {  	_ =	shalt  }
0x75: {  	_ =	shalt  }
0x76: {  	_ =	shalt  }
0x77: {  	_ =	shalt  }
0x78: {  	_ =	shalt  }
0x79: {  	_ =	shalt  }
0x7a: {  	_ =	shalt  }
0x7b: {  	_ =	shalt  }
0x7c: {  	_ =	shalt  }
0x7d: {  	_ =	shalt  }
0x7e: {  	_ =	shalt  }
0x7f: {  	_ =	shalt  }
0x80: {  	_ =	shalt  }
0x81: {  	_ =	shalt  }
0x82: {  	_ =	shalt  }
0x83: {  	_ =	shalt  }
0x84: {  	_ =	shalt  }
0x85: {  	_ =	shalt  }
0x86: {  	_ =	shalt  }
0x87: {  	_ =	shalt  }
.Lfunc_end0:
.L_simem_size_0:
called_computation.7_lowered:
.L_overlay_start_0:
0x88: {  	s2 =	sld [smem:$0x3FD9]  }
0x89: {  	s3 =	sld [smem:$0x3FFE];
	_ =	sdelay $0x1  }
0x8a: {  	s1 =	srdreg.scid  }
0x8b: {  	s0 =	sand.u32 $0x1, s1  }
0x8c: {  	s15 =	sshll.u32 s0, $0xA;
	s2 =	sadd.s32 s3, s2  }
0x8d: {  	s2 =	sadd.s32 s2, s15  }
0x8e: {  	[smem:$0x3FBE] =	sst s2  }
0x8f: {  	_ = 	snop  }
0x90: {  	s2 =	sld [smem:$0x3FD0];
	_ =	sdelay $0x2  }
0x91: {  	s16 =	simm.s32 $0xE;
	s4 =	simm.s32 $0x10  }
0x92: {  	[smem:s4], [sflag:s16] =	dma.local [hbm:s2], $0x1  }
0x93: {  	_ =	swait.eq [sflag:s16], $0x1  }
0x94: {  	[sflag:s16] =	ssyncset.done $0x0  }
0x95: {  	[sflag:s16] =	ssyncadd.s32 $0xFFFFFFFF  }
0x96: {  	s17 =	sld [smem:$0x12];
	(tm) =	ssettm $0x1  }
0x97: {  	s18 =	sld [smem:$0x3FFB];
	_ =	sdelay $0x3  }
0x98: {  	_ =	strace s18  }
0x99: {  	s2 =	sld [smem:$0x3FFC];
	_ =	sdelay $0x3  }
0x9a: {  	_ =	strace s2  }
0x9b: {  	s2 =	sld [smem:$0x3FFD];
	_ =	sdelay $0x3  }
0x9c: {  	_ =	strace s2  }
0x9d: {  	_ =	strace $0x8FFFFFFF  }
0x9e: {  	s19 =	sld [smem:$0x3FDB];
	_ =	sdelay $0x1  }
0x9f: {  	s20 =	simm.s32 $_scs_section_size  }
0xa0: {  	s5 =	simm.s32 $_size__tile_overlayer_lowered;
	s6 =	simm.s32 $_tile_overlayer_lowered  }
0xa1: {  	s7 =	simm.s32 $0x1BFF;
	s21 =	sshll.u32 s6, $0x1;
	s4 =	sadd.s32 s20, s19  }
0xa2: {  	s22 =	simm.s32 $0x0;
	s5 =	sshll.u32 s5, $0x1;
	s6 =	sadd.s32 s21, s4  }
0xa3: {  	[timem:s22], [sflag:s7] =	dma.local [hbm:s6], s5  }
0xa4: {  	_ =	swait.ge [sflag:s7], s5  }
0xa5: {  	s5 =	ssub.s32 $0x0, s5;
	[sflag:s7] =	ssyncset.done $0x0  }
0xa6: {  	[sflag:s7] =	ssyncadd.s32 s5;
	_ =	sdelay $0x1  }
0xa7: {  	s23 =	simm.s32 $0x1B8B  }
0xa8: {  	_ =	swait.ge [sflag:s23], $0x1  }
0xa9: {  	[sflag:s23] =	ssyncset.done $0x0  }
0xaa: {  	[sflag:s23] =	ssyncadd.s32 $0xFFFFFFFF  }
0xab: {  	s5 =	sld [smem:$0x0]  }
0xac: {  	s6 =	sand.u32 $0xFFFFFFFE, s1  }
0xad: {  	p0 =	sne.s32 s1, s6  }
0xae: {  	s6 =	sshll.u32 @p0 s6, $0xE  }
0xaf: {  	s6 =	sadd.s32 @p0 $0x11B8D, s6;
	s7 =	sshll.u32 @p0 s5, $0x11  }
0xb0: {  	s6 =	sor.u32 @p0 s7, s6  }
0xb1: {  	[sflag:s6] =	ssyncadd.remote.s32 @p0 $0x1;
	_ =	sdelay $0x1  }
0xb2: {  	s6 =	simm.s32 @p0 $0x1B8D  }
0xb3: {  	_ =	swait.eq @p0 [sflag:s6], $0x1  }
0xb4: {  	[sflag:s6] =	ssyncadd.s32 @p0 $0xFFFFFFFF  }
0xb5: {  	s7 =	sshll.u32 @!p0 s1, $0xE  }
0xb6: {  	s7 =	sor.u32 @!p0 $0x4000, s7;
	s6 =	simm.s32 @!p0 $0x1B8D  }
0xb7: {  	s5 =	sshll.u32 @!p0 s5, $0x11;
	s7 =	sadd.s32 @!p0 $0x11B8D, s7;
	_ =	swait.eq @!p0 [sflag:s6], $0x1  }
0xb8: {  	s5 =	sor.u32 @!p0 s5, s7;
	[sflag:s6] =	ssyncadd.s32 @!p0 $0xFFFFFFFF  }
0xb9: {  	s25 =	simm.s32 $0x1B8E;
	s24 =	sld [smem:$0x3FFE];
	[sflag:s5] =	ssyncadd.remote.s32 @!p0 $0x1  }
0xba: {  	s26 =	simm.s32 $execute0_lowered;
	[smem:$0x3FD2] =	sst s25  }
0xbb: {  	s6 =	sshll.u32 s26, $0x1;
	_ =	strace $0x80000058;
	[dreg:$0x1] =	wrdreg $0xFFFFFFFF  }
0xbc: {  	s28 =	simm.s32 $_size_execute0_lowered;
	s4 =	sadd.s32 s4, s6;
	[dreg:$0x0] =	wrdreg $0x0  }
0xbd: {  	s6 =	sshll.u32 s28, $0x1;
	[dreg:$0x2] =	wrdreg s4  }
0xbe: {  	[dreg:$0x3] =	wrdreg s6  }
0xbf: {  	[dreg:$0x4] =	wrdreg $0xC0  }
0xc0: {  	_ =	task [dreg:s22], $0x5FFFF  }
0xc1: {  	[dreg:$0x1] =	wrdreg $0xFFFFFFFF  }
0xc2: {  	[dreg:$0x0] =	wrdreg $0x60  }
0xc3: {  	[dreg:$0x2] =	wrdreg s24  }
0xc4: {  	[dreg:$0x3] =	wrdreg s17  }
0xc5: {  	[dreg:$0x4] =	wrdreg $0xB  }
0xc6: {  	_ =	task.clear_ibuf [dreg:s22], $0x5FFFF;
	_ =	strace $0x90000058  }
0xc7: {  	s29 =	simm.s32 $0xB;
	_ =	strace $0x8000005A  }
0xc8: {  	_ =	swait.ge [sflag:s29], $0x1  }
0xc9: {  	[sflag:s29] =	ssyncadd.s32 $0xFFFFFFFF  }
0xca: {  	_ =	strace $0x9000005A  }
0xcb: {  	_ =	sfence  }
0xcc: {  	s30 =	sld [smem:$0x0];
	_ =	sdelay $0x2  }
0xcd: {  	s31 =	sshll.u32 s1, $0xD;
	s1 =	sshrl.u32 s1, $0x2  }
0xce: {  	s4 =	sand.u32 $0x4000, s31;
	s1 =	sadd.s32 s1, s30  }
0xcf: {  	s0 =	sor.u32 s4, s0;
	s1 =	sshll.u32 s1, $0x11  }
0xd0: {  	s0 =	sor.u32 s1, s0  }
0xd1: {  	s0 =	sadd.s32 $0x8F2B, s0  }
0xd2: {  	[sflag:s0] =	ssyncadd.remote.s32 $0x1  }
0xd3: {  	_ =	sfence.sel $0xFFFF  }
0xd4: {  	[dreg:$0x0] =	wrdreg $0xFFFFFFFF;
	(pc) =	sbr.abs _section_cstart, $3  }
0xd5: {  	[dreg:$0x1] =	wrdreg $0xFFFFFFFF  }
0xd6: {  	_ =	task.clear_ibuf [dreg:s22], $0x2FFFF;
	_ =	strace $0x9FFFFFFF  }
0xd7: {  	(tm) =	ssettm $0x7FFFFFFF  }
tec
execute0_lowered:
.L_overlay_start_1:
0x0: {  	(tag) =	ssettag $0x1  }
0x1: {  	s8 =	rddreg [dreg:$0x0];
	s0 =	stileid.u32  }
0x2: {  	s1 =	srdreg.scid;
	s2 =	rddreg [dreg:$0x1]  }
0x3: {  	s5 =	simm.s32 $0x1;
	s9 =	simm.s32 $0x1;
	s10 =	simm.s32 $0x3  }
0x4: {  	s13 =	simm.s32 $0x0;
	s3 =	sand.u32 $0x1, s1;
	s4 =	sshll.u32 s0, $0x1  }
0x5: {  	s12 =	simm.s32 $0x0;
	s1 =	rddreg [dreg:$0x2];
	s6 =	sor.u32 s4, s3  }
0x6: {  	_ =	strace $0x80000059;
	s3 =	sadd.s32 $0xF000, s8;
	s4 =	smul.u32 $0x320, s6  }
0x7: {  	[sflag:s5] =	ssyncpa.u1 $0x0;
	p0 =	slt.u32 s6, $0x9;
	s6 =	simm.s32 $0x6400  }
.Ltmp0:
0x8: {  	s6 =	simm.s32 @!p0 $0x0;
	s7 =	ssub.s32 $0x7D00, s4;
	(pc) =	sbr.rel .LBB2_1-.Ltmp0, $4  }
0x9: {  	s9 =	simm.s32 @!p0 $0x0;
	p0 =	sne.s32 s7, s6;
	s7 =	simm.s32 $0x1  }
0xa: {  	s8 =	sadd.s32 $0xC000, s8;
	s6 =	simm.s32 $0x2;
	s7 =	simm.s32 @!p0 $0x0  }
0xb: {  	s11 =	smov.u32 s4;
	[sflag:s6] =	ssyncpa.u1 $0x0;
	s7 =	sadd.s32 s9, s7  }
0xc: {  	vm0 =	vmmov $0xffff;
	[sflag:s10] =	ssyncpa.u1 $0x0;
	s10 =	simm.s32 $0x0;
	s9 =	sadd.s32 $0x1, s7  }
.LBB2_4:
0xd: {  	v2 =	vnsel vm1, $0x0, v2  }
0xe: {  	vm1 =	vgt.s32 v0, $0x0;
	v2 =	vmin.u32 v2, $0x270FF  }
0xf: {  	v0 =	vnsel vm1, $0x0, v0  }
0x10: {  	v0 =	vmin.u32 v0, $0x270FF  }
0x11: {  	[tilespmem:s18], [sflag:$0x1] =	stream.indirect_vreg.gather [hbm4b:s3+s10], $0x1, v1, vm0, $0x4038;
	[tilespmem:$0xC80] =	vst v63  }
0x12: {  	(ifvalue) =	ssetifvalue $0x7FFFFFFF  }
0x13: {  	[tilespmem:s15], [sflag:$0x1] =	stream.indirect_vreg.gather [hbm4b:s3+s10], $0x1, v2, vm0, $0x4038;
	[tilespmem:$0xC80] =	vst v63  }
0x14: {  	s29 =	sadd.s32 $0x10, s15;
	(ifvalue) =	ssetifvalue $0x7FFFFFFF  }
0x15: {  	[tilespmem:s29], [sflag:$0x1] =	stream.indirect_vreg.gather [hbm4b:s3+s10], $0x1, v0, vm0, $0x4038;
	[tilespmem:$0xC80] =	vst v63  }
0x16: {  	_ =	swait.ge [sflag:s5], $0x320  }
0x17: {  	s30 =	sshrl.u32 s13, $0x3;
	[sflag:s5] =	ssyncset.done $0x0  }
0x18: {  	s31 =	sand.u32 $0x7, s13;
	s15 =	sadd.s32 s8, s30;
	[sflag:s5] =	ssyncadd.s32 $0xFFFFFCE0  }
0x19: {  	[hbm4b:s15+s31] =	stream.linear.scatter [tilespmem:s14], [sflag:$0x3], $0x320, $0x38;
	[tilespmem:$0xC80] =	vst v63  }
.LBB2_5:
0x1a: {  	s15 =	sadd.s32 $0x6400, s11  }
0x1b: {  	p1 =	sgt.s32 s15, $0x7CFF  }
0x1c: {  	s15 =	smov.u32 @p1 s4;
	p1 =	sne.s32 s12, s9  }
.Ltmp1:
0x1d: {  	p0 =	slt.u32 s12, $0x2;
	(pc) =	sbr.rel @!p1 .LBB2_6-.Ltmp1, $4  }
0x1e: {  	s14 =	simm.s32 @!p0 $0x3  }
0x1f: {  	_ =	swait.ge @!p0 [sflag:s14], $0x320  }
0x20: {  	s16 =	sadd.s32 $0x1, s12;
	s13 =	smov.u32 s11;
	[sflag:s14] =	ssyncset.done @!p0 $0x0  }
0x21: {  	s12 =	smov.u32 s16;
	s11 =	smov.u32 s15;
	[sflag:s14] =	ssyncadd.s32 @!p0 $0xFFFFFCE0  }
.LBB2_1:
0x22: {  	p0 =	sge.u32 s12, s7  }
0x23: {  	s14 =	sxor.u32 @!p0 $0x1, s12  }
0x24: {  	s14 =	smul.u32 @!p0 $0xC80, s14  }
0x25: {  	s31 =	sadd.s32 $0xFFFFFFFF, s12;
	s15 =	sshrl.u32 @!p0 s11, $0x3  }
0x26: {  	s16 =	sand.u32 @!p0 $0x7, s11;
	s15 =	sadd.s32 @!p0 s2, s15;
	s14 =	sshra.s32 @!p0 s14, $0x2  }
0x27: {  	[tilespmem:s14], [sflag:$0x2] =	stream.linear.gather @!p0 [hbm4b:s15+s16], $0x320, $0x38;
	[tilespmem:$0xC80] =	vst v63  }
0x28: {  	p0 =	sge.u32 s31, s7  }
.Ltmp2:
0x29: {  	_ = 	snop;
	(pc) =	sbr.rel @p0 .LBB2_5-.Ltmp2, $1  }
0x2a: {  	_ =	sdelay $0x3  }
0x2b: {  	s14 =	sand.u32 $0x1, s12  }
0x2c: {  	_ =	swait.ge [sflag:s6], $0x320;
	p0 =	seq.s32 s14, $0x1;
	s14 =	simm.s32 $0x320  }
0x2d: {  	[sflag:s6] =	ssyncset.done $0x0;
	s14 =	simm.s32 @!p0 $0x0  }
0x2e: {  	[sflag:s6] =	ssyncadd.s32 $0xFFFFFCE0;
	(ifvalue) =	ssetifvalue $0x7FFFFFFF;
	v0 =	vld.msk [tilespmem:s14+$0x0 ss:$0x1], $0xffff;
	_ =	sdelay $0x4  }
0x2f: {  	s15 =	sadd.s32 $0x10, s14;
	vm1 =	vgt.s32 v0, $0x0  }
0x30: {  	v2 =	vld.msk [tilespmem:s15+$0x0 ss:$0x1], $0xffff;
	v1 =	vnsel vm1, $0x0, v0  }
0x31: {  	v1 =	vmin.u32 v1, $0x270FF;
	_ =	sdelay $0x2  }
0x32: {  	s17 =	simm.s32 $0x20;
	s14 =	sadd.s32 $0x640, s14;
	s16 =	sadd.s32 $0x10, s15  }
0x33: {  	s15 =	sadd.s32 $0x10, s14;
	s18 =	smov.u32 s14;
	v0 =	vld.msk [tilespmem:s16+$0x0 ss:$0x1], $0xffff;
	vm1 =	vgt.s32 v2, $0x0;
	(ifvalue) =	ssetifvalue $0x7FFFFFFF  }
.LBB2_3:
0x34: {  	[tilespmem:s18], [sflag:$0x1] =	stream.indirect_vreg.gather [hbm4b:s3+s10], $0x1, v1, vm0, $0x4038;
	[tilespmem:$0xC80] =	vst v63  }
0x35: {  	s17 =	sadd.s32 $0x10, s17  }
0x36: {  	v2 =	vnsel vm1, $0x0, v2;
	p0 =	slt.u32 s17, $0x310  }
.Ltmp3:
0x37: {  	s18 =	smov.u32 s15;
	v1 =	vmin.u32 v2, $0x270FF;
	(pc) =	sbr.rel @p0 .LBB2_3-.Ltmp3, $3  }
0x38: {  	_ =	sdelay $0x1  }
0x39: {  	s16 =	sadd.s32 $0x10, s16  }
0x3a: {  	vm1 =	vgt.s32 v0, $0x0;
	s15 =	sadd.s32 $0x10, s15;
	v2 =	vmov v0;
	(ifvalue) =	ssetifvalue $0x7FFFFFFF;
	v0 =	vld.msk [tilespmem:s16+$0x0 ss:$0x1], $0xffff  }
.Ltmp4:
0x3b: {  	_ = 	snop;
	(pc) =	sbr.rel .LBB2_4-.Ltmp4, $1  }
0x3c: {  	_ =	sdelay $0x3  }
.LBB2_6:
0x3d: {  	_ =	sfence.sel $0x180000  }
0x3e: {  	s2 =	simm.s32 $0x2;
	[bflag:$0x0] =	sbarrier.arrive $0xFFFF  }
0x3f: {  	s30 =	simm.s32 $0x3;
	[sflag:s2] =	ssyncpa.u1 $0x1  }
0x40: {  	s31 =	simm.s32 $0x1;
	[sflag:s30] =	ssyncpa.u1 $0x1  }
0x41: {  	[sflag:s31] =	ssyncpa.u1 $0x1  }
0x42: {  	p0 =	sne.s32 s0, $0x0;
	_ =	strace $0x90000059  }
0x43: {  	s0 =	sadd.s32 @!p0 $0x100000, s1;
	[bflag:$0x2] =	sbarrier.arrive $0xFFFF  }
0x44: {  	[sflag:s0] =	ssyncadd.tile.s32 @!p0 $0x1;
	_ =	shalt  }
.Lfunc_end2:
_tile_overlayer_lowered:
.L_overlay_start_2:
0x45: {  	(tag) =	ssettag $0x2  }
0x46: {  	s0 =	rddreg [dreg:$0x0];
	s2 =	stileid.u32  }
0x47: {  	s1 =	rddreg [dreg:$0x1];
	p0 =	sne.s32 s2, $0x0  }
0x48: {  	s3 =	rddreg [dreg:$0x2];
	[bflag:$0x3] =	sbarrier.arrive $0xFFFF;
	s2 =	simm.s32 @!p0 $0x1C01  }
0x49: {  	[timem:s3], [sflag:s2] =	dma.local @!p0 [hbm:s0], s1  }
0x4a: {  	s0 =	simm.s32 @!p0 $0x1  }
0x4b: {  	_ =	swait.ge @!p0 [sflag:s0], s1  }
0x4c: {  	s1 =	ssub.s32 @!p0 $0x0, s1;
	[sflag:s0] =	ssyncset.done @!p0 $0x0  }
0x4d: {  	[sflag:s0] =	ssyncadd.s32 @!p0 s1  }
0x4e: {  	[bflag:$0x3] =	sbarrier.arrive $0xFFFF  }
0x4f: {  	_ =	shalt  }

// kernel: gather_offload_async_start.3
scs
__scs_entry_jumppad:
0x0: {  	(pc) =	sbr.rel $0x88, $3  }
0x1: {  	(tag) =	ssettag $0x0;
	lr =	simm.s32 $0x1  }
0x2: {  	[smem:$0x3F97] =	sst lr;
	_ =	strace $0xD0000000  }
0x3: {  	_ = 	snop  }
0x4: {  	_ = 	snop  }
0x5: {  	_ = 	snop  }
0x6: {  	_ = 	snop  }
0x7: {  	_ = 	snop  }
__scs_overlays_trampoline_lowered:
0x8: {  	[smem:$0x3FA6] =	sst s0  }
0x9: {  	[smem:$0x3FA7] =	sst s1  }
0xa: {  	[smem:$0x3FA8] =	sst s2  }
0xb: {  	[smem:$0x3FA9] =	sst s3  }
0xc: {  	[smem:$0x3FAA] =	sst s4  }
0xd: {  	[smem:$0x3FAB] =	sst s5  }
0xe: {  	[smem:$0x3FAC] =	sst s6  }
0xf: {  	[smem:$0x3FAD] =	sst s7  }
0x10: {  	[smem:$0x3FAE] =	sst s8  }
0x11: {  	[smem:$0x3FAF] =	sst s9;
	s0 =	simm.s32 @!p0 $0x0  }
0x12: {  	s1 =	sld [smem:$0x3F95];
	s0 =	simm.s32 @p0 $0x1  }
0x13: {  	[smem:$0x3FB0] =	sst s0;
	s0 =	simm.s32 @!p1 $0x0  }
0x14: {  	s2 =	sld [smem:$0x3F94];
	s0 =	simm.s32 @p1 $0x1  }
0x15: {  	[smem:$0x3FB1] =	sst s0;
	s0 =	simm.s32 @!p2 $0x0  }
0x16: {  	s3 =	sld [smem:$0x3FDB];
	s0 =	simm.s32 @p2 $0x1  }
0x17: {  	s4 =	simm.s32 $0x1BF5;
	[smem:$0x3FB3] =	sst s0  }
0x18: {  	s0 =	sld [smem:$0x3F96];
	_ =	swait.ge [sflag:s4], $0x0  }
0x19: {  	s7 =	sld [smem:$0x3F97]  }
0x1a: {  	s8 =	sadd.s32 $0xFFFFE003, lr  }
0x1b: {  	s9 =	sadd.s32 $0xFFFFFEF7, lr;
	s5 =	simm.s32 $0xFFFFFFFF;
	p2 =	slt.u32 s8, $0xFFFFF086  }
0x1c: {  	p1 =	slt.u32 s9, $0xF7A;
	s5 =	simm.s32 @!p2 $0x0  }
0x1d: {  	s5 =	simm.s32 @p1 $0x1;
	p0 =	seq.s32 s7, s2  }
0x1e: {  	s7 =	smul.u32 @!p0 $0xF7A, s2;
	p2 =	seq.s32 @!p0 s5, $0x0  }
0x1f: {  	s9 =	smul.u32 $0xF7A, s1;
	s8 =	simm.s32 @!p0 $0x1BF5;
	p2 =	por !p2, p0  }
0x20: {  	[sflag:s8] =	ssyncset.s32 @!p0 $0xFFFFF086;
	s6 =	sadd.s32 @!p0 s3, s7;
	s7 =	simm.s32 @!p0 $0x108  }
0x21: {  	s3 =	sadd.s32 s3, s9;
	s6 =	sadd.s32 @!p0 $0x88, s6;
	s7 =	simm.s32 @p2 $0x1082  }
0x22: {  	[simem:s7], [sflag:s8] =	dma.local @!p0 [hbm:s6], $0xF7A  }
0x23: {  	s9 =	sor.u32 $0xD0000000, s2;
	s6 =	simm.s32 $0x108;
	_ =	swait.ge @!p0 [sflag:s8], $0x0  }
0x24: {  	s3 =	sadd.s32 $0x88, s3;
	s6 =	simm.s32 @!p1 $0x1082;
	[sflag:s4] =	ssyncset.s32 $0xFFFFF086  }
0x25: {  	[simem:s6], [sflag:s4] =	dma.local [hbm:s3], $0xF7A  }
0x26: {  	[smem:$0x3F97] =	sst s1;
	(tag) =	ssettag s2;
	_ =	strace s9  }
0x27: {  	s1 =	sld [smem:$0x3FA7]  }
0x28: {  	s2 =	sld [smem:$0x3FA8]  }
0x29: {  	s4 =	sld [smem:$0x3FAA]  }
0x2a: {  	p0 =	seq.s32 s5, $0x0;
	s5 =	sld [smem:$0x3FAB]  }
0x2b: {  	s6 =	sld [smem:$0x3FAC]  }
0x2c: {  	s7 =	sld [smem:$0x3FAD]  }
0x2d: {  	s3 =	simm.s32 $0x108;
	s8 =	sld [smem:$0x3FAE]  }
0x2e: {  	s3 =	simm.s32 @!p0 $0x1082;
	s9 =	sld [smem:$0x3FAF]  }
0x2f: {  	lr =	sadd.s32 s0, s3;
	s0 =	sld [smem:$0x3FA6]  }
0x30: {  	s3 =	sld [smem:$0x3FA9]  }
0x31: {  	[smem:$0x3FB2] =	sst s10  }
0x32: {  	s10 =	sld [smem:$0x3FB0];
	_ =	sdelay $0x3  }
0x33: {  	p0 =	seq.s32 s10, $0x1;
	s10 =	sld [smem:$0x3FB2];
	_ =	sdelay $0x3  }
0x34: {  	[smem:$0x3FB2] =	sst s10  }
0x35: {  	s10 =	sld [smem:$0x3FB1];
	_ =	sdelay $0x3  }
0x36: {  	p1 =	seq.s32 s10, $0x1;
	s10 =	sld [smem:$0x3FB2];
	_ =	sdelay $0x3  }
0x37: {  	[smem:$0x3FB2] =	sst s10  }
0x38: {  	s10 =	sld [smem:$0x3FB3]  }
0x39: {  	_ = 	snop;
	(pc) =	sbr.ind lr, $3  }
0x3a: {  	_ = 	snop  }
0x3b: {  	_ = 	snop  }
0x3c: {  	p2 =	seq.s32 s10, $0x1;
	s10 =	sld [smem:$0x3FB2]  }
0x3d: {  	_ =	shalt  }
0x3e: {  	_ =	shalt  }
0x3f: {  	_ =	shalt  }
0x40: {  	_ =	shalt  }
0x41: {  	_ =	shalt  }
0x42: {  	_ =	shalt  }
0x43: {  	_ =	shalt  }
0x44: {  	_ =	shalt  }
0x45: {  	_ =	shalt  }
0x46: {  	_ =	shalt  }
0x47: {  	_ =	shalt  }
0x48: {  	_ =	shalt  }
0x49: {  	_ =	shalt  }
0x4a: {  	_ =	shalt  }
0x4b: {  	_ =	shalt  }
0x4c: {  	_ =	shalt  }
0x4d: {  	_ =	shalt  }
0x4e: {  	_ =	shalt  }
0x4f: {  	_ =	shalt  }
0x50: {  	_ =	shalt  }
0x51: {  	_ =	shalt  }
0x52: {  	_ =	shalt  }
0x53: {  	_ =	shalt  }
0x54: {  	_ =	shalt  }
0x55: {  	_ =	shalt  }
0x56: {  	_ =	shalt  }
0x57: {  	_ =	shalt  }
0x58: {  	_ =	shalt  }
0x59: {  	_ =	shalt  }
0x5a: {  	_ =	shalt  }
0x5b: {  	_ =	shalt  }
0x5c: {  	_ =	shalt  }
0x5d: {  	_ =	shalt  }
0x5e: {  	_ =	shalt  }
0x5f: {  	_ =	shalt  }
0x60: {  	_ =	shalt  }
0x61: {  	_ =	shalt  }
0x62: {  	_ =	shalt  }
0x63: {  	_ =	shalt  }
0x64: {  	_ =	shalt  }
0x65: {  	_ =	shalt  }
0x66: {  	_ =	shalt  }
0x67: {  	_ =	shalt  }
0x68: {  	_ =	shalt  }
0x69: {  	_ =	shalt  }
0x6a: {  	_ =	shalt  }
0x6b: {  	_ =	shalt  }
0x6c: {  	_ =	shalt  }
0x6d: {  	_ =	shalt  }
0x6e: {  	_ =	shalt  }
0x6f: {  	_ =	shalt  }
0x70: {  	_ =	shalt  }
0x71: {  	_ =	shalt  }
0x72: {  	_ =	shalt  }
0x73: {  	_ =	shalt  }
0x74: {  	_ =	shalt  }
0x75: {  	_ =	shalt  }
0x76: {  	_ =	shalt  }
0x77: {  	_ =	shalt  }
0x78: {  	_ =	shalt  }
0x79: {  	_ =	shalt  }
0x7a: {  	_ =	shalt  }
0x7b: {  	_ =	shalt  }
0x7c: {  	_ =	shalt  }
0x7d: {  	_ =	shalt  }
0x7e: {  	_ =	shalt  }
0x7f: {  	_ =	shalt  }
0x80: {  	_ =	shalt  }
0x81: {  	_ =	shalt  }
0x82: {  	_ =	shalt  }
0x83: {  	_ =	shalt  }
0x84: {  	_ =	shalt  }
0x85: {  	_ =	shalt  }
0x86: {  	_ =	shalt  }
0x87: {  	_ =	shalt  }
.Lfunc_end0:
.L_simem_size_0:
called_computation.8_lowered:
.L_overlay_start_0:
0x88: {  	s2 =	sld [smem:$0x3FD9]  }
0x89: {  	s3 =	sld [smem:$0x3FFE];
	_ =	sdelay $0x1  }
0x8a: {  	s1 =	srdreg.scid  }
0x8b: {  	s0 =	sand.u32 $0x1, s1  }
0x8c: {  	s15 =	sshll.u32 s0, $0xA;
	s2 =	sadd.s32 s3, s2  }
0x8d: {  	s2 =	sadd.s32 s2, s15  }
0x8e: {  	[smem:$0x3FBE] =	sst s2  }
0x8f: {  	_ = 	snop  }
0x90: {  	s2 =	sld [smem:$0x3FD0];
	_ =	sdelay $0x2  }
0x91: {  	s16 =	simm.s32 $0xE;
	s4 =	simm.s32 $0x10  }
0x92: {  	[smem:s4], [sflag:s16] =	dma.local [hbm:s2], $0x1  }
0x93: {  	_ =	swait.eq [sflag:s16], $0x1  }
0x94: {  	[sflag:s16] =	ssyncset.done $0x0  }
0x95: {  	[sflag:s16] =	ssyncadd.s32 $0xFFFFFFFF  }
0x96: {  	s17 =	sld [smem:$0x12];
	(tm) =	ssettm $0x1  }
0x97: {  	s18 =	sld [smem:$0x3FFB];
	_ =	sdelay $0x3  }
0x98: {  	_ =	strace s18  }
0x99: {  	s2 =	sld [smem:$0x3FFC];
	_ =	sdelay $0x3  }
0x9a: {  	_ =	strace s2  }
0x9b: {  	s2 =	sld [smem:$0x3FFD];
	_ =	sdelay $0x3  }
0x9c: {  	_ =	strace s2  }
0x9d: {  	_ =	strace $0x8FFFFFFF  }
0x9e: {  	s19 =	sld [smem:$0x3FDB];
	_ =	sdelay $0x1  }
0x9f: {  	s20 =	simm.s32 $_scs_section_size  }
0xa0: {  	s5 =	simm.s32 $_size__tile_overlayer_lowered;
	s6 =	simm.s32 $_tile_overlayer_lowered  }
0xa1: {  	s7 =	simm.s32 $0x1BFF;
	s21 =	sshll.u32 s6, $0x1;
	s4 =	sadd.s32 s20, s19  }
0xa2: {  	s22 =	simm.s32 $0x0;
	s5 =	sshll.u32 s5, $0x1;
	s6 =	sadd.s32 s21, s4  }
0xa3: {  	[timem:s22], [sflag:s7] =	dma.local [hbm:s6], s5  }
0xa4: {  	_ =	swait.ge [sflag:s7], s5  }
0xa5: {  	s5 =	ssub.s32 $0x0, s5;
	[sflag:s7] =	ssyncset.done $0x0  }
0xa6: {  	[sflag:s7] =	ssyncadd.s32 s5;
	_ =	sdelay $0x1  }
0xa7: {  	s23 =	simm.s32 $0x1B8B  }
0xa8: {  	_ =	swait.ge [sflag:s23], $0x1  }
0xa9: {  	[sflag:s23] =	ssyncset.done $0x0  }
0xaa: {  	[sflag:s23] =	ssyncadd.s32 $0xFFFFFFFF  }
0xab: {  	s5 =	sld [smem:$0x0]  }
0xac: {  	s6 =	sand.u32 $0xFFFFFFFE, s1  }
0xad: {  	p0 =	sne.s32 s1, s6  }
0xae: {  	s6 =	sshll.u32 @p0 s6, $0xE  }
0xaf: {  	s6 =	sadd.s32 @p0 $0x11B8D, s6;
	s7 =	sshll.u32 @p0 s5, $0x11  }
0xb0: {  	s6 =	sor.u32 @p0 s7, s6  }
0xb1: {  	[sflag:s6] =	ssyncadd.remote.s32 @p0 $0x1;
	_ =	sdelay $0x1  }
0xb2: {  	s6 =	simm.s32 @p0 $0x1B8D  }
0xb3: {  	_ =	swait.eq @p0 [sflag:s6], $0x1  }
0xb4: {  	[sflag:s6] =	ssyncadd.s32 @p0 $0xFFFFFFFF  }
0xb5: {  	s7 =	sshll.u32 @!p0 s1, $0xE  }
0xb6: {  	s7 =	sor.u32 @!p0 $0x4000, s7;
	s6 =	simm.s32 @!p0 $0x1B8D  }
0xb7: {  	s5 =	sshll.u32 @!p0 s5, $0x11;
	s7 =	sadd.s32 @!p0 $0x11B8D, s7;
	_ =	swait.eq @!p0 [sflag:s6], $0x1  }
0xb8: {  	s5 =	sor.u32 @!p0 s5, s7;
	[sflag:s6] =	ssyncadd.s32 @!p0 $0xFFFFFFFF  }
0xb9: {  	s25 =	simm.s32 $0x1B8E;
	s24 =	sld [smem:$0x3FFE];
	[sflag:s5] =	ssyncadd.remote.s32 @!p0 $0x1  }
0xba: {  	s26 =	simm.s32 $execute0_lowered;
	[smem:$0x3FD2] =	sst s25  }
0xbb: {  	s6 =	sshll.u32 s26, $0x1;
	_ =	strace $0x8000005B;
	[dreg:$0x1] =	wrdreg $0xFFFFFFFF  }
0xbc: {  	s28 =	simm.s32 $_size_execute0_lowered;
	s4 =	sadd.s32 s4, s6;
	[dreg:$0x0] =	wrdreg $0x0  }
0xbd: {  	s6 =	sshll.u32 s28, $0x1;
	[dreg:$0x2] =	wrdreg s4  }
0xbe: {  	[dreg:$0x3] =	wrdreg s6  }
0xbf: {  	[dreg:$0x4] =	wrdreg $0xC0  }
0xc0: {  	_ =	task [dreg:s22], $0x5FFFF  }
0xc1: {  	[dreg:$0x1] =	wrdreg $0xFFFFFFFF  }
0xc2: {  	[dreg:$0x0] =	wrdreg $0x60  }
0xc3: {  	[dreg:$0x2] =	wrdreg s24  }
0xc4: {  	[dreg:$0x3] =	wrdreg s17  }
0xc5: {  	[dreg:$0x4] =	wrdreg $0xC  }
0xc6: {  	_ =	task.clear_ibuf [dreg:s22], $0x5FFFF;
	_ =	strace $0x9000005B  }
0xc7: {  	s29 =	simm.s32 $0xC;
	_ =	strace $0x8000005D  }
0xc8: {  	_ =	swait.ge [sflag:s29], $0x1  }
0xc9: {  	[sflag:s29] =	ssyncadd.s32 $0xFFFFFFFF  }
0xca: {  	_ =	strace $0x9000005D  }
0xcb: {  	_ =	sfence  }
0xcc: {  	s30 =	sld [smem:$0x0];
	_ =	sdelay $0x2  }
0xcd: {  	s31 =	sshll.u32 s1, $0xD;
	s1 =	sshrl.u32 s1, $0x2  }
0xce: {  	s4 =	sand.u32 $0x4000, s31;
	s1 =	sadd.s32 s1, s30  }
0xcf: {  	s0 =	sor.u32 s4, s0;
	s1 =	sshll.u32 s1, $0x11  }
0xd0: {  	s0 =	sor.u32 s1, s0  }
0xd1: {  	s0 =	sadd.s32 $0x8F2B, s0  }
0xd2: {  	[sflag:s0] =	ssyncadd.remote.s32 $0x1  }
0xd3: {  	_ =	sfence.sel $0xFFFF  }
0xd4: {  	[dreg:$0x0] =	wrdreg $0xFFFFFFFF;
	(pc) =	sbr.abs _section_cstart, $3  }
0xd5: {  	[dreg:$0x1] =	wrdreg $0xFFFFFFFF  }
0xd6: {  	_ =	task.clear_ibuf [dreg:s22], $0x2FFFF;
	_ =	strace $0x9FFFFFFF  }
0xd7: {  	(tm) =	ssettm $0x7FFFFFFF  }
tec
execute0_lowered:
.L_overlay_start_1:
0x0: {  	(tag) =	ssettag $0x1  }
0x1: {  	s2 =	rddreg [dreg:$0x0]  }
0x2: {  	s0 =	stileid.u32;
	s1 =	srdreg.scid  }
0x3: {  	s3 =	rddreg [dreg:$0x1];
	s8 =	simm.s32 $0x1;
	s9 =	simm.s32 $0x3  }
0x4: {  	s10 =	simm.s32 $0x0;
	s4 =	sand.u32 $0x1, s1;
	s5 =	sshll.u32 s0, $0x1  }
0x5: {  	s13 =	simm.s32 $0x0;
	s12 =	simm.s32 $0x0;
	s6 =	sor.u32 s5, s4  }
0x6: {  	s1 =	rddreg [dreg:$0x2];
	_ =	strace $0x8000005C;
	s4 =	smul.u32 $0x320, s6  }
0x7: {  	s5 =	simm.s32 $0x1;
	p0 =	slt.u32 s6, $0x9;
	s6 =	simm.s32 $0x6400  }
.Ltmp0:
0x8: {  	s6 =	simm.s32 @!p0 $0x0;
	s7 =	ssub.s32 $0x7D00, s4;
	(pc) =	sbr.rel .LBB2_1-.Ltmp0, $4  }
0x9: {  	s8 =	simm.s32 @!p0 $0x0;
	p0 =	sne.s32 s7, s6;
	s7 =	simm.s32 $0x1  }
0xa: {  	[sflag:s5] =	ssyncpa.u1 $0x0;
	s6 =	simm.s32 $0x2;
	s7 =	simm.s32 @!p0 $0x0  }
0xb: {  	s11 =	smov.u32 s4;
	[sflag:s6] =	ssyncpa.u1 $0x0;
	s7 =	sadd.s32 s8, s7  }
0xc: {  	vm0 =	vmmov $0xffff;
	s8 =	sadd.s32 $0x23600, s2;
	[sflag:s9] =	ssyncpa.u1 $0x0;
	s9 =	sadd.s32 $0x1, s7  }
.LBB2_4:
0xd: {  	v2 =	vnsel vm1, $0x0, v2  }
0xe: {  	vm1 =	vgt.s32 v0, $0x0;
	v2 =	vmin.u32 v2, $0x270FF  }
0xf: {  	v0 =	vnsel vm1, $0x0, v0  }
0x10: {  	v0 =	vmin.u32 v0, $0x270FF  }
0x11: {  	[tilespmem:s18], [sflag:$0x1] =	stream.indirect_vreg.gather [hbm4b:s8+s10], $0x1, v1, vm0, $0x4038;
	[tilespmem:$0xC80] =	vst v63  }
0x12: {  	(ifvalue) =	ssetifvalue $0x7FFFFFFF  }
0x13: {  	[tilespmem:s15], [sflag:$0x1] =	stream.indirect_vreg.gather [hbm4b:s8+s10], $0x1, v2, vm0, $0x4038;
	[tilespmem:$0xC80] =	vst v63  }
0x14: {  	s29 =	sadd.s32 $0x10, s15;
	(ifvalue) =	ssetifvalue $0x7FFFFFFF  }
0x15: {  	[tilespmem:s29], [sflag:$0x1] =	stream.indirect_vreg.gather [hbm4b:s8+s10], $0x1, v0, vm0, $0x4038;
	[tilespmem:$0xC80] =	vst v63  }
0x16: {  	_ =	swait.ge [sflag:s5], $0x320  }
0x17: {  	s30 =	sshrl.u32 s13, $0x3;
	[sflag:s5] =	ssyncset.done $0x0  }
0x18: {  	s31 =	sand.u32 $0x7, s13;
	s15 =	sadd.s32 s2, s30;
	[sflag:s5] =	ssyncadd.s32 $0xFFFFFCE0  }
0x19: {  	[hbm4b:s15+s31] =	stream.linear.scatter [tilespmem:s14], [sflag:$0x3], $0x320, $0x38;
	[tilespmem:$0xC80] =	vst v63  }
.LBB2_5:
0x1a: {  	s15 =	sadd.s32 $0x6400, s11  }
0x1b: {  	p1 =	sgt.s32 s15, $0x7CFF  }
0x1c: {  	s15 =	smov.u32 @p1 s4;
	p1 =	sne.s32 s12, s9  }
.Ltmp1:
0x1d: {  	p0 =	slt.u32 s12, $0x2;
	(pc) =	sbr.rel @!p1 .LBB2_6-.Ltmp1, $4  }
0x1e: {  	s14 =	simm.s32 @!p0 $0x3  }
0x1f: {  	_ =	swait.ge @!p0 [sflag:s14], $0x320  }
0x20: {  	s16 =	sadd.s32 $0x1, s12;
	s13 =	smov.u32 s11;
	[sflag:s14] =	ssyncset.done @!p0 $0x0  }
0x21: {  	s12 =	smov.u32 s16;
	s11 =	smov.u32 s15;
	[sflag:s14] =	ssyncadd.s32 @!p0 $0xFFFFFCE0  }
.LBB2_1:
0x22: {  	p0 =	sge.u32 s12, s7  }
0x23: {  	s14 =	sxor.u32 @!p0 $0x1, s12  }
0x24: {  	s14 =	smul.u32 @!p0 $0xC80, s14  }
0x25: {  	s31 =	sadd.s32 $0xFFFFFFFF, s12;
	s15 =	sshrl.u32 @!p0 s11, $0x3  }
0x26: {  	s16 =	sand.u32 @!p0 $0x7, s11;
	s15 =	sadd.s32 @!p0 s3, s15;
	s14 =	sshra.s32 @!p0 s14, $0x2  }
0x27: {  	[tilespmem:s14], [sflag:$0x2] =	stream.linear.gather @!p0 [hbm4b:s15+s16], $0x320, $0x38;
	[tilespmem:$0xC80] =	vst v63  }
0x28: {  	p0 =	sge.u32 s31, s7  }
.Ltmp2:
0x29: {  	_ = 	snop;
	(pc) =	sbr.rel @p0 .LBB2_5-.Ltmp2, $1  }
0x2a: {  	_ =	sdelay $0x3  }
0x2b: {  	s14 =	sand.u32 $0x1, s12  }
0x2c: {  	_ =	swait.ge [sflag:s6], $0x320;
	p0 =	seq.s32 s14, $0x1;
	s14 =	simm.s32 $0x320  }
0x2d: {  	[sflag:s6] =	ssyncset.done $0x0;
	s14 =	simm.s32 @!p0 $0x0  }
0x2e: {  	[sflag:s6] =	ssyncadd.s32 $0xFFFFFCE0;
	(ifvalue) =	ssetifvalue $0x7FFFFFFF;
	v0 =	vld.msk [tilespmem:s14+$0x0 ss:$0x1], $0xffff;
	_ =	sdelay $0x4  }
0x2f: {  	s15 =	sadd.s32 $0x10, s14;
	vm1 =	vgt.s32 v0, $0x0  }
0x30: {  	v2 =	vld.msk [tilespmem:s15+$0x0 ss:$0x1], $0xffff;
	v1 =	vnsel vm1, $0x0, v0  }
0x31: {  	v1 =	vmin.u32 v1, $0x270FF;
	_ =	sdelay $0x2  }
0x32: {  	s17 =	simm.s32 $0x20;
	s14 =	sadd.s32 $0x640, s14;
	s16 =	sadd.s32 $0x10, s15  }
0x33: {  	s15 =	sadd.s32 $0x10, s14;
	s18 =	smov.u32 s14;
	v0 =	vld.msk [tilespmem:s16+$0x0 ss:$0x1], $0xffff;
	vm1 =	vgt.s32 v2, $0x0;
	(ifvalue) =	ssetifvalue $0x7FFFFFFF  }
.LBB2_3:
0x34: {  	[tilespmem:s18], [sflag:$0x1] =	stream.indirect_vreg.gather [hbm4b:s8+s10], $0x1, v1, vm0, $0x4038;
	[tilespmem:$0xC80] =	vst v63  }
0x35: {  	s17 =	sadd.s32 $0x10, s17  }
0x36: {  	v2 =	vnsel vm1, $0x0, v2;
	p0 =	slt.u32 s17, $0x310  }
.Ltmp3:
0x37: {  	s18 =	smov.u32 s15;
	v1 =	vmin.u32 v2, $0x270FF;
	(pc) =	sbr.rel @p0 .LBB2_3-.Ltmp3, $3  }
0x38: {  	_ =	sdelay $0x1  }
0x39: {  	s16 =	sadd.s32 $0x10, s16  }
0x3a: {  	vm1 =	vgt.s32 v0, $0x0;
	s15 =	sadd.s32 $0x10, s15;
	v2 =	vmov v0;
	(ifvalue) =	ssetifvalue $0x7FFFFFFF;
	v0 =	vld.msk [tilespmem:s16+$0x0 ss:$0x1], $0xffff  }
.Ltmp4:
0x3b: {  	_ = 	snop;
	(pc) =	sbr.rel .LBB2_4-.Ltmp4, $1  }
0x3c: {  	_ =	sdelay $0x3  }
.LBB2_6:
0x3d: {  	_ =	sfence.sel $0x180000  }
0x3e: {  	s2 =	simm.s32 $0x2;
	[bflag:$0x0] =	sbarrier.arrive $0xFFFF  }
0x3f: {  	s30 =	simm.s32 $0x3;
	[sflag:s2] =	ssyncpa.u1 $0x1  }
0x40: {  	s31 =	simm.s32 $0x1;
	[sflag:s30] =	ssyncpa.u1 $0x1  }
0x41: {  	[sflag:s31] =	ssyncpa.u1 $0x1  }
0x42: {  	p0 =	sne.s32 s0, $0x0;
	_ =	strace $0x9000005C  }
0x43: {  	s0 =	sadd.s32 @!p0 $0x100000, s1;
	[bflag:$0x2] =	sbarrier.arrive $0xFFFF  }
0x44: {  	[sflag:s0] =	ssyncadd.tile.s32 @!p0 $0x1;
	_ =	shalt  }
.Lfunc_end2:
_tile_overlayer_lowered:
.L_overlay_start_2:
0x45: {  	(tag) =	ssettag $0x2  }
0x46: {  	s0 =	rddreg [dreg:$0x0];
	s2 =	stileid.u32  }
0x47: {  	s1 =	rddreg [dreg:$0x1];
	p0 =	sne.s32 s2, $0x0  }
0x48: {  	s3 =	rddreg [dreg:$0x2];
	[bflag:$0x3] =	sbarrier.arrive $0xFFFF;
	s2 =	simm.s32 @!p0 $0x1C01  }
0x49: {  	[timem:s3], [sflag:s2] =	dma.local @!p0 [hbm:s0], s1  }
0x4a: {  	s0 =	simm.s32 @!p0 $0x1  }
0x4b: {  	_ =	swait.ge @!p0 [sflag:s0], s1  }
0x4c: {  	s1 =	ssub.s32 @!p0 $0x0, s1;
	[sflag:s0] =	ssyncset.done @!p0 $0x0  }
0x4d: {  	[sflag:s0] =	ssyncadd.s32 @!p0 s1  }
0x4e: {  	[bflag:$0x3] =	sbarrier.arrive $0xFFFF  }
0x4f: {  	_ =	shalt  }

// kernel: gather_offload_async_start
scs
__scs_entry_jumppad:
0x0: {  	(pc) =	sbr.rel $0x88, $3  }
0x1: {  	(tag) =	ssettag $0x0;
	lr =	simm.s32 $0x1  }
0x2: {  	[smem:$0x3F97] =	sst lr;
	_ =	strace $0xD0000000  }
0x3: {  	_ = 	snop  }
0x4: {  	_ = 	snop  }
0x5: {  	_ = 	snop  }
0x6: {  	_ = 	snop  }
0x7: {  	_ = 	snop  }
__scs_overlays_trampoline_lowered:
0x8: {  	[smem:$0x3FA6] =	sst s0  }
0x9: {  	[smem:$0x3FA7] =	sst s1  }
0xa: {  	[smem:$0x3FA8] =	sst s2  }
0xb: {  	[smem:$0x3FA9] =	sst s3  }
0xc: {  	[smem:$0x3FAA] =	sst s4  }
0xd: {  	[smem:$0x3FAB] =	sst s5  }
0xe: {  	[smem:$0x3FAC] =	sst s6  }
0xf: {  	[smem:$0x3FAD] =	sst s7  }
0x10: {  	[smem:$0x3FAE] =	sst s8  }
0x11: {  	[smem:$0x3FAF] =	sst s9;
	s0 =	simm.s32 @!p0 $0x0  }
0x12: {  	s1 =	sld [smem:$0x3F95];
	s0 =	simm.s32 @p0 $0x1  }
0x13: {  	[smem:$0x3FB0] =	sst s0;
	s0 =	simm.s32 @!p1 $0x0  }
0x14: {  	s2 =	sld [smem:$0x3F94];
	s0 =	simm.s32 @p1 $0x1  }
0x15: {  	[smem:$0x3FB1] =	sst s0;
	s0 =	simm.s32 @!p2 $0x0  }
0x16: {  	s3 =	sld [smem:$0x3FDB];
	s0 =	simm.s32 @p2 $0x1  }
0x17: {  	s4 =	simm.s32 $0x1BF5;
	[smem:$0x3FB3] =	sst s0  }
0x18: {  	s0 =	sld [smem:$0x3F96];
	_ =	swait.ge [sflag:s4], $0x0  }
0x19: {  	s7 =	sld [smem:$0x3F97]  }
0x1a: {  	s8 =	sadd.s32 $0xFFFFE003, lr  }
0x1b: {  	s9 =	sadd.s32 $0xFFFFFEF7, lr;
	s5 =	simm.s32 $0xFFFFFFFF;
	p2 =	slt.u32 s8, $0xFFFFF086  }
0x1c: {  	p1 =	slt.u32 s9, $0xF7A;
	s5 =	simm.s32 @!p2 $0x0  }
0x1d: {  	s5 =	simm.s32 @p1 $0x1;
	p0 =	seq.s32 s7, s2  }
0x1e: {  	s7 =	smul.u32 @!p0 $0xF7A, s2;
	p2 =	seq.s32 @!p0 s5, $0x0  }
0x1f: {  	s9 =	smul.u32 $0xF7A, s1;
	s8 =	simm.s32 @!p0 $0x1BF5;
	p2 =	por !p2, p0  }
0x20: {  	[sflag:s8] =	ssyncset.s32 @!p0 $0xFFFFF086;
	s6 =	sadd.s32 @!p0 s3, s7;
	s7 =	simm.s32 @!p0 $0x108  }
0x21: {  	s3 =	sadd.s32 s3, s9;
	s6 =	sadd.s32 @!p0 $0x88, s6;
	s7 =	simm.s32 @p2 $0x1082  }
0x22: {  	[simem:s7], [sflag:s8] =	dma.local @!p0 [hbm:s6], $0xF7A  }
0x23: {  	s9 =	sor.u32 $0xD0000000, s2;
	s6 =	simm.s32 $0x108;
	_ =	swait.ge @!p0 [sflag:s8], $0x0  }
0x24: {  	s3 =	sadd.s32 $0x88, s3;
	s6 =	simm.s32 @!p1 $0x1082;
	[sflag:s4] =	ssyncset.s32 $0xFFFFF086  }
0x25: {  	[simem:s6], [sflag:s4] =	dma.local [hbm:s3], $0xF7A  }
0x26: {  	[smem:$0x3F97] =	sst s1;
	(tag) =	ssettag s2;
	_ =	strace s9  }
0x27: {  	s1 =	sld [smem:$0x3FA7]  }
0x28: {  	s2 =	sld [smem:$0x3FA8]  }
0x29: {  	s4 =	sld [smem:$0x3FAA]  }
0x2a: {  	p0 =	seq.s32 s5, $0x0;
	s5 =	sld [smem:$0x3FAB]  }
0x2b: {  	s6 =	sld [smem:$0x3FAC]  }
0x2c: {  	s7 =	sld [smem:$0x3FAD]  }
0x2d: {  	s3 =	simm.s32 $0x108;
	s8 =	sld [smem:$0x3FAE]  }
0x2e: {  	s3 =	simm.s32 @!p0 $0x1082;
	s9 =	sld [smem:$0x3FAF]  }
0x2f: {  	lr =	sadd.s32 s0, s3;
	s0 =	sld [smem:$0x3FA6]  }
0x30: {  	s3 =	sld [smem:$0x3FA9]  }
0x31: {  	[smem:$0x3FB2] =	sst s10  }
0x32: {  	s10 =	sld [smem:$0x3FB0];
	_ =	sdelay $0x3  }
0x33: {  	p0 =	seq.s32 s10, $0x1;
	s10 =	sld [smem:$0x3FB2];
	_ =	sdelay $0x3  }
0x34: {  	[smem:$0x3FB2] =	sst s10  }
0x35: {  	s10 =	sld [smem:$0x3FB1];
	_ =	sdelay $0x3  }
0x36: {  	p1 =	seq.s32 s10, $0x1;
	s10 =	sld [smem:$0x3FB2];
	_ =	sdelay $0x3  }
0x37: {  	[smem:$0x3FB2] =	sst s10  }
0x38: {  	s10 =	sld [smem:$0x3FB3]  }
0x39: {  	_ = 	snop;
	(pc) =	sbr.ind lr, $3  }
0x3a: {  	_ = 	snop  }
0x3b: {  	_ = 	snop  }
0x3c: {  	p2 =	seq.s32 s10, $0x1;
	s10 =	sld [smem:$0x3FB2]  }
0x3d: {  	_ =	shalt  }
0x3e: {  	_ =	shalt  }
0x3f: {  	_ =	shalt  }
0x40: {  	_ =	shalt  }
0x41: {  	_ =	shalt  }
0x42: {  	_ =	shalt  }
0x43: {  	_ =	shalt  }
0x44: {  	_ =	shalt  }
0x45: {  	_ =	shalt  }
0x46: {  	_ =	shalt  }
0x47: {  	_ =	shalt  }
0x48: {  	_ =	shalt  }
0x49: {  	_ =	shalt  }
0x4a: {  	_ =	shalt  }
0x4b: {  	_ =	shalt  }
0x4c: {  	_ =	shalt  }
0x4d: {  	_ =	shalt  }
0x4e: {  	_ =	shalt  }
0x4f: {  	_ =	shalt  }
0x50: {  	_ =	shalt  }
0x51: {  	_ =	shalt  }
0x52: {  	_ =	shalt  }
0x53: {  	_ =	shalt  }
0x54: {  	_ =	shalt  }
0x55: {  	_ =	shalt  }
0x56: {  	_ =	shalt  }
0x57: {  	_ =	shalt  }
0x58: {  	_ =	shalt  }
0x59: {  	_ =	shalt  }
0x5a: {  	_ =	shalt  }
0x5b: {  	_ =	shalt  }
0x5c: {  	_ =	shalt  }
0x5d: {  	_ =	shalt  }
0x5e: {  	_ =	shalt  }
0x5f: {  	_ =	shalt  }
0x60: {  	_ =	shalt  }
0x61: {  	_ =	shalt  }
0x62: {  	_ =	shalt  }
0x63: {  	_ =	shalt  }
0x64: {  	_ =	shalt  }
0x65: {  	_ =	shalt  }
0x66: {  	_ =	shalt  }
0x67: {  	_ =	shalt  }
0x68: {  	_ =	shalt  }
0x69: {  	_ =	shalt  }
0x6a: {  	_ =	shalt  }
0x6b: {  	_ =	shalt  }
0x6c: {  	_ =	shalt  }
0x6d: {  	_ =	shalt  }
0x6e: {  	_ =	shalt  }
0x6f: {  	_ =	shalt  }
0x70: {  	_ =	shalt  }
0x71: {  	_ =	shalt  }
0x72: {  	_ =	shalt  }
0x73: {  	_ =	shalt  }
0x74: {  	_ =	shalt  }
0x75: {  	_ =	shalt  }
0x76: {  	_ =	shalt  }
0x77: {  	_ =	shalt  }
0x78: {  	_ =	shalt  }
0x79: {  	_ =	shalt  }
0x7a: {  	_ =	shalt  }
0x7b: {  	_ =	shalt  }
0x7c: {  	_ =	shalt  }
0x7d: {  	_ =	shalt  }
0x7e: {  	_ =	shalt  }
0x7f: {  	_ =	shalt  }
0x80: {  	_ =	shalt  }
0x81: {  	_ =	shalt  }
0x82: {  	_ =	shalt  }
0x83: {  	_ =	shalt  }
0x84: {  	_ =	shalt  }
0x85: {  	_ =	shalt  }
0x86: {  	_ =	shalt  }
0x87: {  	_ =	shalt  }
.Lfunc_end0:
.L_simem_size_0:
called_computation.5_lowered:
.L_overlay_start_0:
0x88: {  	s2 =	sld [smem:$0x3FD9]  }
0x89: {  	s3 =	sld [smem:$0x3FFE];
	_ =	sdelay $0x1  }
0x8a: {  	s1 =	srdreg.scid  }
0x8b: {  	s0 =	sand.u32 $0x1, s1  }
0x8c: {  	s14 =	sshll.u32 s0, $0xA;
	s2 =	sadd.s32 s3, s2  }
0x8d: {  	s2 =	sadd.s32 s2, s14  }
0x8e: {  	[smem:$0x3FBE] =	sst s2  }
0x8f: {  	_ = 	snop  }
0x90: {  	s2 =	sld [smem:$0x3FD0];
	_ =	sdelay $0x2  }
0x91: {  	s15 =	simm.s32 $0xE;
	s4 =	simm.s32 $0x10  }
0x92: {  	[smem:s4], [sflag:s15] =	dma.local [hbm:s2], $0x1  }
0x93: {  	_ =	swait.eq [sflag:s15], $0x1  }
0x94: {  	[sflag:s15] =	ssyncset.done $0x0  }
0x95: {  	s16 =	sld [smem:$0x11];
	[sflag:s15] =	ssyncadd.s32 $0xFFFFFFFF  }
0x96: {  	s17 =	sld [smem:$0x12];
	(tm) =	ssettm $0x1  }
0x97: {  	s18 =	sld [smem:$0x3FFB];
	_ =	sdelay $0x3  }
0x98: {  	_ =	strace s18  }
0x99: {  	s4 =	sld [smem:$0x3FFC];
	_ =	sdelay $0x3  }
0x9a: {  	_ =	strace s4  }
0x9b: {  	s4 =	sld [smem:$0x3FFD];
	_ =	sdelay $0x3  }
0x9c: {  	_ =	strace s4  }
0x9d: {  	_ =	strace $0x8FFFFFFF  }
0x9e: {  	s19 =	sld [smem:$0x3FDB];
	_ =	sdelay $0x1  }
0x9f: {  	s5 =	simm.s32 $_scs_section_size  }
0xa0: {  	s6 =	simm.s32 $_size__tile_overlayer_lowered;
	s7 =	simm.s32 $_tile_overlayer_lowered  }
0xa1: {  	s22 =	simm.s32 $0x1BFF;
	s21 =	sshll.u32 s7, $0x1;
	s4 =	sadd.s32 s5, s19  }
0xa2: {  	s8 =	simm.s32 $0x0;
	s20 =	sshll.u32 s6, $0x1;
	s6 =	sadd.s32 s21, s4  }
0xa3: {  	[timem:s8], [sflag:s22] =	dma.local [hbm:s6], s20  }
0xa4: {  	_ =	swait.ge [sflag:s22], s20  }
0xa5: {  	s5 =	ssub.s32 $0x0, s20;
	[sflag:s22] =	ssyncset.done $0x0  }
0xa6: {  	[sflag:s22] =	ssyncadd.s32 s5;
	_ =	sdelay $0x1  }
0xa7: {  	s23 =	simm.s32 $0x1B8B  }
0xa8: {  	_ =	swait.ge [sflag:s23], $0x1  }
0xa9: {  	[sflag:s23] =	ssyncset.done $0x0  }
0xaa: {  	s25 =	simm.s32 $0x1B8E;
	s24 =	sld [smem:$0x3FFE];
	[sflag:s23] =	ssyncadd.s32 $0xFFFFFFFF  }
0xab: {  	s26 =	simm.s32 $execute0_lowered;
	[smem:$0x3FD2] =	sst s25  }
0xac: {  	s6 =	sshll.u32 s26, $0x1;
	_ =	strace $0x80000055;
	[dreg:$0x1] =	wrdreg $0xFFFFFFFF  }
0xad: {  	s28 =	simm.s32 $_size_execute0_lowered;
	s4 =	sadd.s32 s4, s6;
	[dreg:$0x0] =	wrdreg $0x0  }
0xae: {  	s6 =	sshll.u32 s28, $0x1;
	[dreg:$0x2] =	wrdreg s4  }
0xaf: {  	[dreg:$0x3] =	wrdreg s6  }
0xb0: {  	[dreg:$0x4] =	wrdreg $0xC0  }
0xb1: {  	_ =	task [dreg:s8], $0x5FFFF  }
0xb2: {  	[dreg:$0x1] =	wrdreg $0xFFFFFFFF  }
0xb3: {  	[dreg:$0x0] =	wrdreg $0x60  }
0xb4: {  	[dreg:$0x2] =	wrdreg s24  }
0xb5: {  	[dreg:$0x3] =	wrdreg s17  }
0xb6: {  	[dreg:$0x4] =	wrdreg s16  }
0xb7: {  	[dreg:$0x5] =	wrdreg $0x9  }
0xb8: {  	_ =	task.clear_ibuf [dreg:s8], $0x6FFFF;
	_ =	strace $0x90000055  }
0xb9: {  	s29 =	simm.s32 $0x9;
	_ =	strace $0x80000057  }
0xba: {  	_ =	swait.ge [sflag:s29], $0x1  }
0xbb: {  	[sflag:s29] =	ssyncadd.s32 $0xFFFFFFFF  }
0xbc: {  	_ =	strace $0x90000057  }
0xbd: {  	_ =	sfence  }
0xbe: {  	s30 =	sld [smem:$0x0];
	_ =	sdelay $0x2  }
0xbf: {  	s31 =	sshll.u32 s1, $0xD;
	s1 =	sshrl.u32 s1, $0x2  }
0xc0: {  	s3 =	sand.u32 $0x4000, s31;
	s1 =	sadd.s32 s1, s30  }
0xc1: {  	s0 =	sor.u32 s3, s0;
	s1 =	sshll.u32 s1, $0x11  }
0xc2: {  	s0 =	sor.u32 s1, s0  }
0xc3: {  	s0 =	sadd.s32 $0x8F2B, s0  }
0xc4: {  	[sflag:s0] =	ssyncadd.remote.s32 $0x1  }
0xc5: {  	_ =	sfence.sel $0xFFFF  }
0xc6: {  	[dreg:$0x0] =	wrdreg $0xFFFFFFFF;
	(pc) =	sbr.abs _section_cstart, $3  }
0xc7: {  	[dreg:$0x1] =	wrdreg $0xFFFFFFFF  }
0xc8: {  	_ =	task.clear_ibuf [dreg:s8], $0x2FFFF;
	_ =	strace $0x9FFFFFFF  }
0xc9: {  	(tm) =	ssettm $0x7FFFFFFF  }
tec
execute0_lowered:
.L_overlay_start_1:
0x0: {  	(tag) =	ssettag $0x1  }
0x1: {  	s8 =	rddreg [dreg:$0x0]  }
0x2: {  	s2 =	rddreg [dreg:$0x1]  }
0x3: {  	s0 =	stileid.u32;
	s1 =	srdreg.scid  }
0x4: {  	s3 =	rddreg [dreg:$0x2];
	s9 =	simm.s32 $0x1;
	s10 =	simm.s32 $0x3  }
0x5: {  	s13 =	simm.s32 $0x0;
	s4 =	sand.u32 $0x1, s1;
	s5 =	sshll.u32 s0, $0x1  }
0x6: {  	s12 =	simm.s32 $0x0;
	s1 =	rddreg [dreg:$0x3];
	s6 =	sor.u32 s5, s4  }
0x7: {  	_ =	strace $0x80000056;
	s8 =	sadd.s32 $0x5000, s8;
	s4 =	smul.u32 $0x320, s6  }
0x8: {  	s5 =	simm.s32 $0x1;
	p0 =	slt.u32 s6, $0x9;
	s6 =	simm.s32 $0x6400  }
.Ltmp0:
0x9: {  	s6 =	simm.s32 @!p0 $0x0;
	s7 =	ssub.s32 $0x7D00, s4;
	(pc) =	sbr.rel .LBB2_1-.Ltmp0, $4  }
0xa: {  	s9 =	simm.s32 @!p0 $0x0;
	p0 =	sne.s32 s7, s6;
	s7 =	simm.s32 $0x1  }
0xb: {  	[sflag:s5] =	ssyncpa.u1 $0x0;
	s6 =	simm.s32 $0x2;
	s7 =	simm.s32 @!p0 $0x0  }
0xc: {  	s11 =	smov.u32 s4;
	[sflag:s6] =	ssyncpa.u1 $0x0;
	s7 =	sadd.s32 s9, s7  }
0xd: {  	vm0 =	vmmov $0xffff;
	[sflag:s10] =	ssyncpa.u1 $0x0;
	s10 =	simm.s32 $0x0;
	s9 =	sadd.s32 $0x1, s7  }
.LBB2_4:
0xe: {  	v2 =	vnsel vm1, $0x0, v2  }
0xf: {  	vm1 =	vgt.s32 v0, $0x0;
	v2 =	vmin.u32 v2, $0x270FF  }
0x10: {  	v0 =	vnsel vm1, $0x0, v0  }
0x11: {  	v0 =	vmin.u32 v0, $0x270FF  }
0x12: {  	[tilespmem:s18], [sflag:$0x1] =	stream.indirect_vreg.gather [hbm4b:s8+s10], $0x1, v1, vm0, $0x4038;
	[tilespmem:$0xC80] =	vst v63  }
0x13: {  	(ifvalue) =	ssetifvalue $0x7FFFFFFF  }
0x14: {  	[tilespmem:s15], [sflag:$0x1] =	stream.indirect_vreg.gather [hbm4b:s8+s10], $0x1, v2, vm0, $0x4038;
	[tilespmem:$0xC80] =	vst v63  }
0x15: {  	s29 =	sadd.s32 $0x10, s15;
	(ifvalue) =	ssetifvalue $0x7FFFFFFF  }
0x16: {  	[tilespmem:s29], [sflag:$0x1] =	stream.indirect_vreg.gather [hbm4b:s8+s10], $0x1, v0, vm0, $0x4038;
	[tilespmem:$0xC80] =	vst v63  }
0x17: {  	_ =	swait.ge [sflag:s5], $0x320  }
0x18: {  	s30 =	sshrl.u32 s13, $0x3;
	[sflag:s5] =	ssyncset.done $0x0  }
0x19: {  	s31 =	sand.u32 $0x7, s13;
	s15 =	sadd.s32 s3, s30;
	[sflag:s5] =	ssyncadd.s32 $0xFFFFFCE0  }
0x1a: {  	[hbm4b:s15+s31] =	stream.linear.scatter [tilespmem:s14], [sflag:$0x3], $0x320, $0x38;
	[tilespmem:$0xC80] =	vst v63  }
.LBB2_5:
0x1b: {  	s15 =	sadd.s32 $0x6400, s11  }
0x1c: {  	p1 =	sgt.s32 s15, $0x7CFF  }
0x1d: {  	s15 =	smov.u32 @p1 s4;
	p1 =	sne.s32 s12, s9  }
.Ltmp1:
0x1e: {  	p0 =	slt.u32 s12, $0x2;
	(pc) =	sbr.rel @!p1 .LBB2_6-.Ltmp1, $4  }
0x1f: {  	s14 =	simm.s32 @!p0 $0x3  }
0x20: {  	_ =	swait.ge @!p0 [sflag:s14], $0x320  }
0x21: {  	s16 =	sadd.s32 $0x1, s12;
	s13 =	smov.u32 s11;
	[sflag:s14] =	ssyncset.done @!p0 $0x0  }
0x22: {  	s12 =	smov.u32 s16;
	s11 =	smov.u32 s15;
	[sflag:s14] =	ssyncadd.s32 @!p0 $0xFFFFFCE0  }
.LBB2_1:
0x23: {  	p0 =	sge.u32 s12, s7  }
0x24: {  	s14 =	sxor.u32 @!p0 $0x1, s12  }
0x25: {  	s14 =	smul.u32 @!p0 $0xC80, s14  }
0x26: {  	s31 =	sadd.s32 $0xFFFFFFFF, s12;
	s15 =	sshrl.u32 @!p0 s11, $0x3  }
0x27: {  	s16 =	sand.u32 @!p0 $0x7, s11;
	s15 =	sadd.s32 @!p0 s2, s15;
	s14 =	sshra.s32 @!p0 s14, $0x2  }
0x28: {  	[tilespmem:s14], [sflag:$0x2] =	stream.linear.gather @!p0 [hbm4b:s15+s16], $0x320, $0x38;
	[tilespmem:$0xC80] =	vst v63  }
0x29: {  	p0 =	sge.u32 s31, s7  }
.Ltmp2:
0x2a: {  	_ = 	snop;
	(pc) =	sbr.rel @p0 .LBB2_5-.Ltmp2, $1  }
0x2b: {  	_ =	sdelay $0x3  }
0x2c: {  	s14 =	sand.u32 $0x1, s12  }
0x2d: {  	_ =	swait.ge [sflag:s6], $0x320;
	p0 =	seq.s32 s14, $0x1;
	s14 =	simm.s32 $0x320  }
0x2e: {  	[sflag:s6] =	ssyncset.done $0x0;
	s14 =	simm.s32 @!p0 $0x0  }
0x2f: {  	[sflag:s6] =	ssyncadd.s32 $0xFFFFFCE0;
	(ifvalue) =	ssetifvalue $0x7FFFFFFF;
	v0 =	vld.msk [tilespmem:s14+$0x0 ss:$0x1], $0xffff;
	_ =	sdelay $0x4  }
0x30: {  	s15 =	sadd.s32 $0x10, s14;
	vm1 =	vgt.s32 v0, $0x0  }
0x31: {  	v2 =	vld.msk [tilespmem:s15+$0x0 ss:$0x1], $0xffff;
	v1 =	vnsel vm1, $0x0, v0  }
0x32: {  	v1 =	vmin.u32 v1, $0x270FF;
	_ =	sdelay $0x2  }
0x33: {  	s17 =	simm.s32 $0x20;
	s14 =	sadd.s32 $0x640, s14;
	s16 =	sadd.s32 $0x10, s15  }
0x34: {  	s15 =	sadd.s32 $0x10, s14;
	s18 =	smov.u32 s14;
	v0 =	vld.msk [tilespmem:s16+$0x0 ss:$0x1], $0xffff;
	vm1 =	vgt.s32 v2, $0x0;
	(ifvalue) =	ssetifvalue $0x7FFFFFFF  }
.LBB2_3:
0x35: {  	[tilespmem:s18], [sflag:$0x1] =	stream.indirect_vreg.gather [hbm4b:s8+s10], $0x1, v1, vm0, $0x4038;
	[tilespmem:$0xC80] =	vst v63  }
0x36: {  	s17 =	sadd.s32 $0x10, s17  }
0x37: {  	v2 =	vnsel vm1, $0x0, v2;
	p0 =	slt.u32 s17, $0x310  }
.Ltmp3:
0x38: {  	s18 =	smov.u32 s15;
	v1 =	vmin.u32 v2, $0x270FF;
	(pc) =	sbr.rel @p0 .LBB2_3-.Ltmp3, $3  }
0x39: {  	_ =	sdelay $0x1  }
0x3a: {  	s16 =	sadd.s32 $0x10, s16  }
0x3b: {  	vm1 =	vgt.s32 v0, $0x0;
	s15 =	sadd.s32 $0x10, s15;
	v2 =	vmov v0;
	(ifvalue) =	ssetifvalue $0x7FFFFFFF;
	v0 =	vld.msk [tilespmem:s16+$0x0 ss:$0x1], $0xffff  }
.Ltmp4:
0x3c: {  	_ = 	snop;
	(pc) =	sbr.rel .LBB2_4-.Ltmp4, $1  }
0x3d: {  	_ =	sdelay $0x3  }
.LBB2_6:
0x3e: {  	_ =	sfence.sel $0x180000  }
0x3f: {  	s2 =	simm.s32 $0x2;
	[bflag:$0x0] =	sbarrier.arrive $0xFFFF  }
0x40: {  	s30 =	simm.s32 $0x3;
	[sflag:s2] =	ssyncpa.u1 $0x1  }
0x41: {  	s31 =	simm.s32 $0x1;
	[sflag:s30] =	ssyncpa.u1 $0x1  }
0x42: {  	[sflag:s31] =	ssyncpa.u1 $0x1  }
0x43: {  	p0 =	sne.s32 s0, $0x0;
	_ =	strace $0x90000056  }
0x44: {  	s0 =	sadd.s32 @!p0 $0x100000, s1;
	[bflag:$0x2] =	sbarrier.arrive $0xFFFF  }
0x45: {  	[sflag:s0] =	ssyncadd.tile.s32 @!p0 $0x1;
	_ =	shalt  }
.Lfunc_end2:
_tile_overlayer_lowered:
.L_overlay_start_2:
0x46: {  	(tag) =	ssettag $0x2  }
0x47: {  	s0 =	rddreg [dreg:$0x0];
	s2 =	stileid.u32  }
0x48: {  	s1 =	rddreg [dreg:$0x1];
	p0 =	sne.s32 s2, $0x0  }
0x49: {  	s3 =	rddreg [dreg:$0x2];
	[bflag:$0x3] =	sbarrier.arrive $0xFFFF;
	s2 =	simm.s32 @!p0 $0x1C01  }
0x4a: {  	[timem:s3], [sflag:s2] =	dma.local @!p0 [hbm:s0], s1  }
0x4b: {  	s0 =	simm.s32 @!p0 $0x1  }
0x4c: {  	_ =	swait.ge @!p0 [sflag:s0], s1  }
0x4d: {  	s1 =	ssub.s32 @!p0 $0x0, s1;
	[sflag:s0] =	ssyncset.done @!p0 $0x0  }
0x4e: {  	[sflag:s0] =	ssyncadd.s32 @!p0 s1  }
0x4f: {  	[bflag:$0x3] =	sbarrier.arrive $0xFFFF  }
0x50: {  	_ =	shalt  }

// kernel: kernel.5.cloned.1.call-start
scs
__scs_entry_jumppad:
0x0: {  	(pc) =	sbr.rel $0x88, $3  }
0x1: {  	(tag) =	ssettag $0x0;
	lr =	simm.s32 $0x1  }
0x2: {  	[smem:$0x3F97] =	sst lr;
	_ =	strace $0xD0000000  }
0x3: {  	_ = 	snop  }
0x4: {  	_ = 	snop  }
0x5: {  	_ = 	snop  }
0x6: {  	_ = 	snop  }
0x7: {  	_ = 	snop  }
__scs_overlays_trampoline_lowered:
0x8: {  	[smem:$0x3FA6] =	sst s0  }
0x9: {  	[smem:$0x3FA7] =	sst s1  }
0xa: {  	[smem:$0x3FA8] =	sst s2  }
0xb: {  	[smem:$0x3FA9] =	sst s3  }
0xc: {  	[smem:$0x3FAA] =	sst s4  }
0xd: {  	[smem:$0x3FAB] =	sst s5  }
0xe: {  	[smem:$0x3FAC] =	sst s6  }
0xf: {  	[smem:$0x3FAD] =	sst s7  }
0x10: {  	[smem:$0x3FAE] =	sst s8  }
0x11: {  	[smem:$0x3FAF] =	sst s9;
	s0 =	simm.s32 @!p0 $0x0  }
0x12: {  	s1 =	sld [smem:$0x3F95];
	s0 =	simm.s32 @p0 $0x1  }
0x13: {  	[smem:$0x3FB0] =	sst s0;
	s0 =	simm.s32 @!p1 $0x0  }
0x14: {  	s2 =	sld [smem:$0x3F94];
	s0 =	simm.s32 @p1 $0x1  }
0x15: {  	[smem:$0x3FB1] =	sst s0;
	s0 =	simm.s32 @!p2 $0x0  }
0x16: {  	s3 =	sld [smem:$0x3FDB];
	s0 =	simm.s32 @p2 $0x1  }
0x17: {  	s4 =	simm.s32 $0x1BF5;
	[smem:$0x3FB3] =	sst s0  }
0x18: {  	s0 =	sld [smem:$0x3F96];
	_ =	swait.ge [sflag:s4], $0x0  }
0x19: {  	s7 =	sld [smem:$0x3F97]  }
0x1a: {  	s8 =	sadd.s32 $0xFFFFE003, lr  }
0x1b: {  	s9 =	sadd.s32 $0xFFFFFEF7, lr;
	s5 =	simm.s32 $0xFFFFFFFF;
	p2 =	slt.u32 s8, $0xFFFFF086  }
0x1c: {  	p1 =	slt.u32 s9, $0xF7A;
	s5 =	simm.s32 @!p2 $0x0  }
0x1d: {  	s5 =	simm.s32 @p1 $0x1;
	p0 =	seq.s32 s7, s2  }
0x1e: {  	s7 =	smul.u32 @!p0 $0xF7A, s2;
	p2 =	seq.s32 @!p0 s5, $0x0  }
0x1f: {  	s9 =	smul.u32 $0xF7A, s1;
	s8 =	simm.s32 @!p0 $0x1BF5;
	p2 =	por !p2, p0  }
0x20: {  	[sflag:s8] =	ssyncset.s32 @!p0 $0xFFFFF086;
	s6 =	sadd.s32 @!p0 s3, s7;
	s7 =	simm.s32 @!p0 $0x108  }
0x21: {  	s3 =	sadd.s32 s3, s9;
	s6 =	sadd.s32 @!p0 $0x88, s6;
	s7 =	simm.s32 @p2 $0x1082  }
0x22: {  	[simem:s7], [sflag:s8] =	dma.local @!p0 [hbm:s6], $0xF7A  }
0x23: {  	s9 =	sor.u32 $0xD0000000, s2;
	s6 =	simm.s32 $0x108;
	_ =	swait.ge @!p0 [sflag:s8], $0x0  }
0x24: {  	s3 =	sadd.s32 $0x88, s3;
	s6 =	simm.s32 @!p1 $0x1082;
	[sflag:s4] =	ssyncset.s32 $0xFFFFF086  }
0x25: {  	[simem:s6], [sflag:s4] =	dma.local [hbm:s3], $0xF7A  }
0x26: {  	[smem:$0x3F97] =	sst s1;
	(tag) =	ssettag s2;
	_ =	strace s9  }
0x27: {  	s1 =	sld [smem:$0x3FA7]  }
0x28: {  	s2 =	sld [smem:$0x3FA8]  }
0x29: {  	s4 =	sld [smem:$0x3FAA]  }
0x2a: {  	p0 =	seq.s32 s5, $0x0;
	s5 =	sld [smem:$0x3FAB]  }
0x2b: {  	s6 =	sld [smem:$0x3FAC]  }
0x2c: {  	s7 =	sld [smem:$0x3FAD]  }
0x2d: {  	s3 =	simm.s32 $0x108;
	s8 =	sld [smem:$0x3FAE]  }
0x2e: {  	s3 =	simm.s32 @!p0 $0x1082;
	s9 =	sld [smem:$0x3FAF]  }
0x2f: {  	lr =	sadd.s32 s0, s3;
	s0 =	sld [smem:$0x3FA6]  }
0x30: {  	s3 =	sld [smem:$0x3FA9]  }
0x31: {  	[smem:$0x3FB2] =	sst s10  }
0x32: {  	s10 =	sld [smem:$0x3FB0];
	_ =	sdelay $0x3  }
0x33: {  	p0 =	seq.s32 s10, $0x1;
	s10 =	sld [smem:$0x3FB2];
	_ =	sdelay $0x3  }
0x34: {  	[smem:$0x3FB2] =	sst s10  }
0x35: {  	s10 =	sld [smem:$0x3FB1];
	_ =	sdelay $0x3  }
0x36: {  	p1 =	seq.s32 s10, $0x1;
	s10 =	sld [smem:$0x3FB2];
	_ =	sdelay $0x3  }
0x37: {  	[smem:$0x3FB2] =	sst s10  }
0x38: {  	s10 =	sld [smem:$0x3FB3]  }
0x39: {  	_ = 	snop;
	(pc) =	sbr.ind lr, $3  }
0x3a: {  	_ = 	snop  }
0x3b: {  	_ = 	snop  }
0x3c: {  	p2 =	seq.s32 s10, $0x1;
	s10 =	sld [smem:$0x3FB2]  }
0x3d: {  	_ =	shalt  }
0x3e: {  	_ =	shalt  }
0x3f: {  	_ =	shalt  }
0x40: {  	_ =	shalt  }
0x41: {  	_ =	shalt  }
0x42: {  	_ =	shalt  }
0x43: {  	_ =	shalt  }
0x44: {  	_ =	shalt  }
0x45: {  	_ =	shalt  }
0x46: {  	_ =	shalt  }
0x47: {  	_ =	shalt  }
0x48: {  	_ =	shalt  }
0x49: {  	_ =	shalt  }
0x4a: {  	_ =	shalt  }
0x4b: {  	_ =	shalt  }
0x4c: {  	_ =	shalt  }
0x4d: {  	_ =	shalt  }
0x4e: {  	_ =	shalt  }
0x4f: {  	_ =	shalt  }
0x50: {  	_ =	shalt  }
0x51: {  	_ =	shalt  }
0x52: {  	_ =	shalt  }
0x53: {  	_ =	shalt  }
0x54: {  	_ =	shalt  }
0x55: {  	_ =	shalt  }
0x56: {  	_ =	shalt  }
0x57: {  	_ =	shalt  }
0x58: {  	_ =	shalt  }
0x59: {  	_ =	shalt  }
0x5a: {  	_ =	shalt  }
0x5b: {  	_ =	shalt  }
0x5c: {  	_ =	shalt  }
0x5d: {  	_ =	shalt  }
0x5e: {  	_ =	shalt  }
0x5f: {  	_ =	shalt  }
0x60: {  	_ =	shalt  }
0x61: {  	_ =	shalt  }
0x62: {  	_ =	shalt  }
0x63: {  	_ =	shalt  }
0x64: {  	_ =	shalt  }
0x65: {  	_ =	shalt  }
0x66: {  	_ =	shalt  }
0x67: {  	_ =	shalt  }
0x68: {  	_ =	shalt  }
0x69: {  	_ =	shalt  }
0x6a: {  	_ =	shalt  }
0x6b: {  	_ =	shalt  }
0x6c: {  	_ =	shalt  }
0x6d: {  	_ =	shalt  }
0x6e: {  	_ =	shalt  }
0x6f: {  	_ =	shalt  }
0x70: {  	_ =	shalt  }
0x71: {  	_ =	shalt  }
0x72: {  	_ =	shalt  }
0x73: {  	_ =	shalt  }
0x74: {  	_ =	shalt  }
0x75: {  	_ =	shalt  }
0x76: {  	_ =	shalt  }
0x77: {  	_ =	shalt  }
0x78: {  	_ =	shalt  }
0x79: {  	_ =	shalt  }
0x7a: {  	_ =	shalt  }
0x7b: {  	_ =	shalt  }
0x7c: {  	_ =	shalt  }
0x7d: {  	_ =	shalt  }
0x7e: {  	_ =	shalt  }
0x7f: {  	_ =	shalt  }
0x80: {  	_ =	shalt  }
0x81: {  	_ =	shalt  }
0x82: {  	_ =	shalt  }
0x83: {  	_ =	shalt  }
0x84: {  	_ =	shalt  }
0x85: {  	_ =	shalt  }
0x86: {  	_ =	shalt  }
0x87: {  	_ =	shalt  }
.Lfunc_end0:
.L_simem_size_0:
called_computation.9_lowered:
.L_overlay_start_0:
0x88: {  	s2 =	sld [smem:$0x3FD9]  }
0x89: {  	s3 =	sld [smem:$0x3FFE];
	_ =	sdelay $0x1  }
0x8a: {  	s1 =	srdreg.scid  }
0x8b: {  	s0 =	sand.u32 $0x1, s1  }
0x8c: {  	s17 =	sshll.u32 s0, $0xA;
	s2 =	sadd.s32 s3, s2  }
0x8d: {  	s2 =	sadd.s32 s2, s17  }
0x8e: {  	[smem:$0x3FBE] =	sst s2  }
0x8f: {  	_ = 	snop  }
0x90: {  	s2 =	sld [smem:$0x3FC7];
	(tm) =	ssettm $0x1  }
0x91: {  	s18 =	sld [smem:$0x3FFB];
	_ =	sdelay $0x3  }
0x92: {  	_ =	strace s18  }
0x93: {  	s3 =	sld [smem:$0x3FFC];
	_ =	sdelay $0x3  }
0x94: {  	_ =	strace s3  }
0x95: {  	s3 =	sld [smem:$0x3FFD];
	_ =	sdelay $0x3  }
0x96: {  	_ =	strace s3  }
0x97: {  	_ =	strace $0x8FFFFFFF  }
0x98: {  	s19 =	sld [smem:$0x3FDB];
	_ =	sdelay $0x1  }
0x99: {  	s4 =	simm.s32 $_scs_section_size  }
0x9a: {  	s5 =	simm.s32 $_size__tile_overlayer_lowered;
	s6 =	simm.s32 $_tile_overlayer_lowered  }
0x9b: {  	s22 =	simm.s32 $0x1BFF;
	s21 =	sshll.u32 s6, $0x1;
	s3 =	sadd.s32 s4, s19  }
0x9c: {  	s7 =	simm.s32 $0x0;
	s20 =	sshll.u32 s5, $0x1;
	s5 =	sadd.s32 s21, s3  }
0x9d: {  	[timem:s7], [sflag:s22] =	dma.local [hbm:s5], s20  }
0x9e: {  	_ =	swait.ge [sflag:s22], s20  }
0x9f: {  	s4 =	ssub.s32 $0x0, s20;
	[sflag:s22] =	ssyncset.done $0x0  }
0xa0: {  	[sflag:s22] =	ssyncadd.s32 s4;
	_ =	sdelay $0x1  }
0xa1: {  	s23 =	simm.s32 $0x1B8B  }
0xa2: {  	_ =	swait.ge [sflag:s23], $0x1  }
0xa3: {  	[sflag:s23] =	ssyncset.done $0x0  }
0xa4: {  	s25 =	simm.s32 $0x1B8E;
	s24 =	sld [smem:$0x3FFE];
	[sflag:s23] =	ssyncadd.s32 $0xFFFFFFFF  }
0xa5: {  	s26 =	simm.s32 $execute0_lowered;
	[smem:$0x3FD2] =	sst s25  }
0xa6: {  	s5 =	sshll.u32 s26, $0x1;
	_ =	strace $0x80000046;
	[dreg:$0x1] =	wrdreg $0xFFFFFFFF  }
0xa7: {  	s28 =	simm.s32 $_size_execute0_lowered;
	s3 =	sadd.s32 s3, s5;
	[dreg:$0x0] =	wrdreg $0x0  }
0xa8: {  	s5 =	sshll.u32 s28, $0x1;
	[dreg:$0x2] =	wrdreg s3  }
0xa9: {  	[dreg:$0x3] =	wrdreg s5  }
0xaa: {  	[dreg:$0x4] =	wrdreg $0xC0  }
0xab: {  	_ =	task [dreg:s7], $0x5FFFF  }
0xac: {  	[dreg:$0x1] =	wrdreg $0xFFFFFFFF  }
0xad: {  	[dreg:$0x0] =	wrdreg $0x60  }
0xae: {  	[dreg:$0x2] =	wrdreg s2  }
0xaf: {  	[dreg:$0x3] =	wrdreg s24  }
0xb0: {  	[dreg:$0x4] =	wrdreg $0x9  }
0xb1: {  	_ =	task.clear_ibuf [dreg:s7], $0x5FFFF;
	_ =	strace $0x90000046  }
0xb2: {  	s29 =	simm.s32 $0x9;
	_ =	strace $0x80000048  }
0xb3: {  	_ =	swait.ge [sflag:s29], $0x1  }
0xb4: {  	[sflag:s29] =	ssyncadd.s32 $0xFFFFFFFF  }
0xb5: {  	_ =	strace $0x90000048  }
0xb6: {  	_ =	sfence  }
0xb7: {  	s30 =	sld [smem:$0x0];
	_ =	sdelay $0x2  }
0xb8: {  	s31 =	sshll.u32 s1, $0xD;
	s1 =	sshrl.u32 s1, $0x2  }
0xb9: {  	s3 =	sand.u32 $0x4000, s31;
	s1 =	sadd.s32 s1, s30  }
0xba: {  	s0 =	sor.u32 s3, s0;
	s1 =	sshll.u32 s1, $0x11  }
0xbb: {  	s0 =	sor.u32 s1, s0  }
0xbc: {  	s0 =	sadd.s32 $0x8F2B, s0  }
0xbd: {  	[sflag:s0] =	ssyncadd.remote.s32 $0x1  }
0xbe: {  	_ =	sfence.sel $0xFFFF  }
0xbf: {  	[dreg:$0x0] =	wrdreg $0xFFFFFFFF;
	(pc) =	sbr.abs _section_cstart, $3  }
0xc0: {  	[dreg:$0x1] =	wrdreg $0xFFFFFFFF  }
0xc1: {  	_ =	task.clear_ibuf [dreg:s7], $0x2FFFF;
	_ =	strace $0x9FFFFFFF  }
0xc2: {  	(tm) =	ssettm $0x7FFFFFFF  }
0xc3: {  	_ =	shalt  }
tec
execute0_lowered:
.L_overlay_start_1:
0x0: {  	(tag) =	ssettag $0x1  }
0x1: {  	s1 =	srdreg.scid;
	s0 =	stileid.u32  }
0x2: {  	s28 =	sand.u32 $0x1, s1;
	s31 =	sshll.u32 s0, $0x1  }
0x3: {  	s9 =	sor.u32 s28, s31  }
0x4: {  	s2 =	rddreg [dreg:$0x0];
	s17 =	smul.u32 $0x1388, s9  }
0x5: {  	s26 =	rddreg [dreg:$0x1];
	s3 =	simm.s32 $0x0;
	s4 =	simm.s32 $0x2  }
0x6: {  	[smem:$0x7FF] =	sst s3;
	s16 =	sadd.s32 $0x5000, s26;
	s18 =	sshrl.u32 s17, $0x3  }
0x7: {  	s1 =	rddreg [dreg:$0x2];
	_ =	strace $0x80000047;
	s5 =	sadd.s32 s16, s18  }
0x8: {  	[tilespmem:s3], [sflag:$0x2] =	stream.linear.gather [hbm4b:s5+s3], $0x3E8, $0x38;
	[tilespmem:$0x1F800] =	vst v63  }
0x9: {  	_ =	swait.ge [sflag:s4], $0x3E8  }
0xa: {  	s6 =	simm.s32 $0x3E8;
	[sflag:s4] =	ssyncset.done $0x0  }
0xb: {  	s7 =	simm.s32 $0x400;
	s8 =	simm.s32 $0x1;
	[sflag:s4] =	ssyncadd.s32 $0xFFFFFC18  }
0xc: {  	[tilespmem:s7], [sflag:$0x1] =	stream.indirect.gather [hbm4b:s2+s6], $0x80, s3, s6, $0xb8;
	[tilespmem:$0x1F800] =	vst v63  }
0xd: {  	s19 =	smul.u32 $0x13880, s9;
	_ =	swait.ge [sflag:s8], $0x1F400  }
0xe: {  	s31 =	sadd.s32 $0xA000, s26;
	[sflag:s8] =	ssyncset.done $0x0  }
0xf: {  	s9 =	sadd.s32 s31, s19;
	[sflag:s8] =	ssyncadd.s32 $0xFFFE0C00  }
0x10: {  	[hbm4b:s9+s3] =	stream.linear.scatter [tilespmem:s7], [sflag:$0x2], $0x1F400, $0x38;
	[tilespmem:$0x1F800] =	vst v63  }
0x11: {  	s11 =	sadd.s32 $0x3E8, s17;
	_ =	swait.ge [sflag:s4], $0x1F400  }
0x12: {  	s20 =	sshrl.u32 s11, $0x3;
	[sflag:s4] =	ssyncset.done $0x0  }
0x13: {  	s10 =	sadd.s32 s16, s20;
	[sflag:s4] =	ssyncadd.s32 $0xFFFE0C00  }
0x14: {  	[tilespmem:s3], [sflag:$0x2] =	stream.linear.gather [hbm4b:s10+s3], $0x3E8, $0x38;
	[tilespmem:$0x1F800] =	vst v63  }
0x15: {  	_ =	swait.ge [sflag:s4], $0x3E8  }
0x16: {  	[sflag:s4] =	ssyncset.done $0x0  }
0x17: {  	[sflag:s4] =	ssyncadd.s32 $0xFFFFFC18  }
0x18: {  	[tilespmem:s7], [sflag:$0x1] =	stream.indirect.gather [hbm4b:s2+s6], $0x80, s3, s6, $0xb8;
	[tilespmem:$0x1F800] =	vst v63  }
0x19: {  	_ =	swait.ge [sflag:s8], $0x1F400  }
0x1a: {  	s21 =	sshll.u32 s11, $0x4;
	[sflag:s8] =	ssyncset.done $0x0  }
0x1b: {  	s11 =	sadd.s32 s31, s21;
	[sflag:s8] =	ssyncadd.s32 $0xFFFE0C00  }
0x1c: {  	[hbm4b:s11+s3] =	stream.linear.scatter [tilespmem:s7], [sflag:$0x2], $0x1F400, $0x38;
	[tilespmem:$0x1F800] =	vst v63  }
0x1d: {  	s13 =	sadd.s32 $0x7D0, s17;
	_ =	swait.ge [sflag:s4], $0x1F400  }
0x1e: {  	s22 =	sshrl.u32 s13, $0x3;
	[sflag:s4] =	ssyncset.done $0x0  }
0x1f: {  	s12 =	sadd.s32 s16, s22;
	[sflag:s4] =	ssyncadd.s32 $0xFFFE0C00  }
0x20: {  	[tilespmem:s3], [sflag:$0x2] =	stream.linear.gather [hbm4b:s12+s3], $0x3E8, $0x38;
	[tilespmem:$0x1F800] =	vst v63  }
0x21: {  	_ =	swait.ge [sflag:s4], $0x3E8  }
0x22: {  	[sflag:s4] =	ssyncset.done $0x0  }
0x23: {  	[sflag:s4] =	ssyncadd.s32 $0xFFFFFC18  }
0x24: {  	[tilespmem:s7], [sflag:$0x1] =	stream.indirect.gather [hbm4b:s2+s6], $0x80, s3, s6, $0xb8;
	[tilespmem:$0x1F800] =	vst v63  }
0x25: {  	_ =	swait.ge [sflag:s8], $0x1F400  }
0x26: {  	s23 =	sshll.u32 s13, $0x4;
	[sflag:s8] =	ssyncset.done $0x0  }
0x27: {  	s13 =	sadd.s32 s31, s23;
	[sflag:s8] =	ssyncadd.s32 $0xFFFE0C00  }
0x28: {  	[hbm4b:s13+s3] =	stream.linear.scatter [tilespmem:s7], [sflag:$0x2], $0x1F400, $0x38;
	[tilespmem:$0x1F800] =	vst v63  }
0x29: {  	s15 =	sadd.s32 $0xBB8, s17;
	_ =	swait.ge [sflag:s4], $0x1F400  }
0x2a: {  	s24 =	sshrl.u32 s15, $0x3;
	[sflag:s4] =	ssyncset.done $0x0  }
0x2b: {  	s14 =	sadd.s32 s16, s24;
	[sflag:s4] =	ssyncadd.s32 $0xFFFE0C00  }
0x2c: {  	[tilespmem:s3], [sflag:$0x2] =	stream.linear.gather [hbm4b:s14+s3], $0x3E8, $0x38;
	[tilespmem:$0x1F800] =	vst v63  }
0x2d: {  	_ =	swait.ge [sflag:s4], $0x3E8  }
0x2e: {  	[sflag:s4] =	ssyncset.done $0x0  }
0x2f: {  	[sflag:s4] =	ssyncadd.s32 $0xFFFFFC18  }
0x30: {  	[tilespmem:s7], [sflag:$0x1] =	stream.indirect.gather [hbm4b:s2+s6], $0x80, s3, s6, $0xb8;
	[tilespmem:$0x1F800] =	vst v63  }
0x31: {  	_ =	swait.ge [sflag:s8], $0x1F400  }
0x32: {  	s25 =	sshll.u32 s15, $0x4;
	[sflag:s8] =	ssyncset.done $0x0  }
0x33: {  	s15 =	sadd.s32 s31, s25;
	[sflag:s8] =	ssyncadd.s32 $0xFFFE0C00  }
0x34: {  	[hbm4b:s15+s3] =	stream.linear.scatter [tilespmem:s7], [sflag:$0x2], $0x1F400, $0x38;
	[tilespmem:$0x1F800] =	vst v63  }
0x35: {  	s17 =	sadd.s32 $0xFA0, s17;
	_ =	swait.ge [sflag:s4], $0x1F400  }
0x36: {  	s30 =	sshrl.u32 s17, $0x3;
	[sflag:s4] =	ssyncset.done $0x0  }
0x37: {  	s16 =	sadd.s32 s16, s30;
	[sflag:s4] =	ssyncadd.s32 $0xFFFE0C00  }
0x38: {  	[tilespmem:s3], [sflag:$0x2] =	stream.linear.gather [hbm4b:s16+s3], $0x3E8, $0x38;
	[tilespmem:$0x1F800] =	vst v63  }
0x39: {  	_ =	swait.ge [sflag:s4], $0x3E8  }
0x3a: {  	[sflag:s4] =	ssyncset.done $0x0  }
0x3b: {  	[sflag:s4] =	ssyncadd.s32 $0xFFFFFC18  }
0x3c: {  	[tilespmem:s7], [sflag:$0x1] =	stream.indirect.gather [hbm4b:s2+s6], $0x80, s3, s6, $0xb8;
	[tilespmem:$0x1F800] =	vst v63  }
0x3d: {  	_ =	swait.ge [sflag:s8], $0x1F400  }
0x3e: {  	s29 =	sshll.u32 s17, $0x4;
	[sflag:s8] =	ssyncset.done $0x0  }
0x3f: {  	s17 =	sadd.s32 s31, s29;
	[sflag:s8] =	ssyncadd.s32 $0xFFFE0C00  }
0x40: {  	[hbm4b:s17+s3] =	stream.linear.scatter [tilespmem:s7], [sflag:$0x2], $0x1F400, $0x38;
	[tilespmem:$0x1F800] =	vst v63  }
0x41: {  	_ =	swait.ge [sflag:s4], $0x1F400  }
0x42: {  	[sflag:s4] =	ssyncset.done $0x0  }
0x43: {  	s18 =	sadd.s32 s26, s18;
	[sflag:s4] =	ssyncadd.s32 $0xFFFE0C00  }
0x44: {  	[tilespmem:s3], [sflag:$0x2] =	stream.linear.gather [hbm4b:s18+s3], $0x3E8, $0x38;
	[tilespmem:$0x1F800] =	vst v63  }
0x45: {  	_ =	swait.ge [sflag:s4], $0x3E8  }
0x46: {  	[sflag:s4] =	ssyncset.done $0x0  }
0x47: {  	[sflag:s4] =	ssyncadd.s32 $0xFFFFFC18  }
0x48: {  	[tilespmem:s7], [sflag:$0x1] =	stream.indirect.gather [hbm4b:s2+s6], $0x80, s3, s6, $0xb8;
	[tilespmem:$0x1F800] =	vst v63  }
0x49: {  	_ =	swait.ge [sflag:s8], $0x1F400  }
0x4a: {  	s31 =	sadd.s32 $0x27B000, s26;
	[sflag:s8] =	ssyncset.done $0x0  }
0x4b: {  	s19 =	sadd.s32 s31, s19;
	[sflag:s8] =	ssyncadd.s32 $0xFFFE0C00  }
0x4c: {  	[hbm4b:s19+s3] =	stream.linear.scatter [tilespmem:s7], [sflag:$0x2], $0x1F400, $0x38;
	[tilespmem:$0x1F800] =	vst v63  }
0x4d: {  	_ =	swait.ge [sflag:s4], $0x1F400  }
0x4e: {  	[sflag:s4] =	ssyncset.done $0x0  }
0x4f: {  	s20 =	sadd.s32 s26, s20;
	[sflag:s4] =	ssyncadd.s32 $0xFFFE0C00  }
0x50: {  	[tilespmem:s3], [sflag:$0x2] =	stream.linear.gather [hbm4b:s20+s3], $0x3E8, $0x38;
	[tilespmem:$0x1F800] =	vst v63  }
0x51: {  	_ =	swait.ge [sflag:s4], $0x3E8  }
0x52: {  	[sflag:s4] =	ssyncset.done $0x0  }
0x53: {  	[sflag:s4] =	ssyncadd.s32 $0xFFFFFC18  }
0x54: {  	[tilespmem:s7], [sflag:$0x1] =	stream.indirect.gather [hbm4b:s2+s6], $0x80, s3, s6, $0xb8;
	[tilespmem:$0x1F800] =	vst v63  }
0x55: {  	_ =	swait.ge [sflag:s8], $0x1F400  }
0x56: {  	[sflag:s8] =	ssyncset.done $0x0  }
0x57: {  	s21 =	sadd.s32 s31, s21;
	[sflag:s8] =	ssyncadd.s32 $0xFFFE0C00  }
0x58: {  	[hbm4b:s21+s3] =	stream.linear.scatter [tilespmem:s7], [sflag:$0x2], $0x1F400, $0x38;
	[tilespmem:$0x1F800] =	vst v63  }
0x59: {  	_ =	swait.ge [sflag:s4], $0x1F400  }
0x5a: {  	[sflag:s4] =	ssyncset.done $0x0  }
0x5b: {  	s22 =	sadd.s32 s26, s22;
	[sflag:s4] =	ssyncadd.s32 $0xFFFE0C00  }
0x5c: {  	[tilespmem:s3], [sflag:$0x2] =	stream.linear.gather [hbm4b:s22+s3], $0x3E8, $0x38;
	[tilespmem:$0x1F800] =	vst v63  }
0x5d: {  	_ =	swait.ge [sflag:s4], $0x3E8  }
0x5e: {  	[sflag:s4] =	ssyncset.done $0x0  }
0x5f: {  	[sflag:s4] =	ssyncadd.s32 $0xFFFFFC18  }
0x60: {  	[tilespmem:s7], [sflag:$0x1] =	stream.indirect.gather [hbm4b:s2+s6], $0x80, s3, s6, $0xb8;
	[tilespmem:$0x1F800] =	vst v63  }
0x61: {  	_ =	swait.ge [sflag:s8], $0x1F400  }
0x62: {  	[sflag:s8] =	ssyncset.done $0x0  }
0x63: {  	s23 =	sadd.s32 s31, s23;
	[sflag:s8] =	ssyncadd.s32 $0xFFFE0C00  }
0x64: {  	[hbm4b:s23+s3] =	stream.linear.scatter [tilespmem:s7], [sflag:$0x2], $0x1F400, $0x38;
	[tilespmem:$0x1F800] =	vst v63  }
0x65: {  	_ =	swait.ge [sflag:s4], $0x1F400  }
0x66: {  	[sflag:s4] =	ssyncset.done $0x0  }
0x67: {  	s24 =	sadd.s32 s26, s24;
	[sflag:s4] =	ssyncadd.s32 $0xFFFE0C00  }
0x68: {  	[tilespmem:s3], [sflag:$0x2] =	stream.linear.gather [hbm4b:s24+s3], $0x3E8, $0x38;
	[tilespmem:$0x1F800] =	vst v63  }
0x69: {  	_ =	swait.ge [sflag:s4], $0x3E8  }
0x6a: {  	[sflag:s4] =	ssyncset.done $0x0  }
0x6b: {  	[sflag:s4] =	ssyncadd.s32 $0xFFFFFC18  }
0x6c: {  	[tilespmem:s7], [sflag:$0x1] =	stream.indirect.gather [hbm4b:s2+s6], $0x80, s3, s6, $0xb8;
	[tilespmem:$0x1F800] =	vst v63  }
0x6d: {  	_ =	swait.ge [sflag:s8], $0x1F400  }
0x6e: {  	[sflag:s8] =	ssyncset.done $0x0  }
0x6f: {  	s25 =	sadd.s32 s31, s25;
	[sflag:s8] =	ssyncadd.s32 $0xFFFE0C00  }
0x70: {  	[hbm4b:s25+s3] =	stream.linear.scatter [tilespmem:s7], [sflag:$0x2], $0x1F400, $0x38;
	[tilespmem:$0x1F800] =	vst v63  }
0x71: {  	_ =	swait.ge [sflag:s4], $0x1F400  }
0x72: {  	[sflag:s4] =	ssyncset.done $0x0  }
0x73: {  	s28 =	ssub.s32 $0x2, s28;
	s26 =	sadd.s32 s26, s30;
	[sflag:s4] =	ssyncadd.s32 $0xFFFE0C00  }
0x74: {  	[tilespmem:s3], [sflag:$0x2] =	stream.linear.gather [hbm4b:s26+s3], $0x3E8, $0x38;
	[tilespmem:$0x1F800] =	vst v63  }
0x75: {  	s30 =	sshrl.u32 s28, $0x1;
	_ =	swait.ge [sflag:s4], $0x3E8  }
0x76: {  	s30 =	ssub.s32 s28, s30;
	[sflag:s4] =	ssyncset.done $0x0  }
0x77: {  	s28 =	sadd.s32 s31, s29;
	s29 =	smax.u32 s30, $0x1;
	[sflag:s4] =	ssyncadd.s32 $0xFFFFFC18  }
0x78: {  	[tilespmem:s7], [sflag:$0x1] =	stream.indirect.gather [hbm4b:s2+s6], $0x80, s3, s6, $0xb8;
	[tilespmem:$0x1F800] =	vst v63  }
0x79: {  	p0 =	sne.s32 s29, $0x1;
	_ =	swait.ge [sflag:s8], $0x1F400  }
.Ltmp0:
0x7a: {  	[sflag:s8] =	ssyncset.done $0x0;
	(pc) =	sbr.rel @!p0 .LBB2_2-.Ltmp0, $4  }
0x7b: {  	[sflag:s8] =	ssyncadd.s32 $0xFFFE0C00  }
0x7c: {  	[hbm4b:s28+s3] =	stream.linear.scatter [tilespmem:s7], [sflag:$0x2], $0x1F400, $0x38;
	[tilespmem:$0x1F800] =	vst v63  }
0x7d: {  	_ =	swait.ge [sflag:s4], $0x1F400  }
0x7e: {  	s29 =	sadd.s32 $0xFFFFFFFF, s29;
	[sflag:s4] =	ssyncset.done $0x0  }
.LBB2_1:
0x7f: {  	p0 =	sne.s32 s29, $0x1;
	s29 =	sadd.s32 $0xFFFFFFFF, s29;
	[sflag:s4] =	ssyncadd.s32 $0xFFFE0C00  }
0x80: {  	[tilespmem:s3], [sflag:$0x2] =	stream.linear.gather [hbm4b:s5+s3], $0x3E8, $0x38;
	[tilespmem:$0x1F800] =	vst v63  }
0x81: {  	_ =	swait.ge [sflag:s4], $0x3E8  }
0x82: {  	[sflag:s4] =	ssyncset.done $0x0  }
0x83: {  	[sflag:s4] =	ssyncadd.s32 $0xFFFFFC18  }
0x84: {  	[tilespmem:s7], [sflag:$0x1] =	stream.indirect.gather [hbm4b:s2+s6], $0x80, s3, s6, $0xb8;
	[tilespmem:$0x1F800] =	vst v63  }
0x85: {  	_ =	swait.ge [sflag:s8], $0x1F400  }
0x86: {  	[sflag:s8] =	ssyncset.done $0x0  }
0x87: {  	[sflag:s8] =	ssyncadd.s32 $0xFFFE0C00  }
0x88: {  	[hbm4b:s9+s3] =	stream.linear.scatter [tilespmem:s7], [sflag:$0x2], $0x1F400, $0x38;
	[tilespmem:$0x1F800] =	vst v63  }
0x89: {  	_ =	swait.ge [sflag:s4], $0x1F400  }
0x8a: {  	[sflag:s4] =	ssyncset.done $0x0  }
0x8b: {  	[sflag:s4] =	ssyncadd.s32 $0xFFFE0C00  }
0x8c: {  	[tilespmem:s3], [sflag:$0x2] =	stream.linear.gather [hbm4b:s10+s3], $0x3E8, $0x38;
	[tilespmem:$0x1F800] =	vst v63  }
0x8d: {  	_ =	swait.ge [sflag:s4], $0x3E8  }
0x8e: {  	[sflag:s4] =	ssyncset.done $0x0  }
0x8f: {  	[sflag:s4] =	ssyncadd.s32 $0xFFFFFC18  }
0x90: {  	[tilespmem:s7], [sflag:$0x1] =	stream.indirect.gather [hbm4b:s2+s6], $0x80, s3, s6, $0xb8;
	[tilespmem:$0x1F800] =	vst v63  }
0x91: {  	_ =	swait.ge [sflag:s8], $0x1F400  }
0x92: {  	[sflag:s8] =	ssyncset.done $0x0  }
0x93: {  	[sflag:s8] =	ssyncadd.s32 $0xFFFE0C00  }
0x94: {  	[hbm4b:s11+s3] =	stream.linear.scatter [tilespmem:s7], [sflag:$0x2], $0x1F400, $0x38;
	[tilespmem:$0x1F800] =	vst v63  }
0x95: {  	_ =	swait.ge [sflag:s4], $0x1F400  }
0x96: {  	[sflag:s4] =	ssyncset.done $0x0  }
0x97: {  	[sflag:s4] =	ssyncadd.s32 $0xFFFE0C00  }
0x98: {  	[tilespmem:s3], [sflag:$0x2] =	stream.linear.gather [hbm4b:s12+s3], $0x3E8, $0x38;
	[tilespmem:$0x1F800] =	vst v63  }
0x99: {  	_ =	swait.ge [sflag:s4], $0x3E8  }
0x9a: {  	[sflag:s4] =	ssyncset.done $0x0  }
0x9b: {  	[sflag:s4] =	ssyncadd.s32 $0xFFFFFC18  }
0x9c: {  	[tilespmem:s7], [sflag:$0x1] =	stream.indirect.gather [hbm4b:s2+s6], $0x80, s3, s6, $0xb8;
	[tilespmem:$0x1F800] =	vst v63  }
0x9d: {  	_ =	swait.ge [sflag:s8], $0x1F400  }
0x9e: {  	[sflag:s8] =	ssyncset.done $0x0  }
0x9f: {  	[sflag:s8] =	ssyncadd.s32 $0xFFFE0C00  }
0xa0: {  	[hbm4b:s13+s3] =	stream.linear.scatter [tilespmem:s7], [sflag:$0x2], $0x1F400, $0x38;
	[tilespmem:$0x1F800] =	vst v63  }
0xa1: {  	_ =	swait.ge [sflag:s4], $0x1F400  }
0xa2: {  	[sflag:s4] =	ssyncset.done $0x0  }
0xa3: {  	[sflag:s4] =	ssyncadd.s32 $0xFFFE0C00  }
0xa4: {  	[tilespmem:s3], [sflag:$0x2] =	stream.linear.gather [hbm4b:s14+s3], $0x3E8, $0x38;
	[tilespmem:$0x1F800] =	vst v63  }
0xa5: {  	_ =	swait.ge [sflag:s4], $0x3E8  }
0xa6: {  	[sflag:s4] =	ssyncset.done $0x0  }
0xa7: {  	[sflag:s4] =	ssyncadd.s32 $0xFFFFFC18  }
0xa8: {  	[tilespmem:s7], [sflag:$0x1] =	stream.indirect.gather [hbm4b:s2+s6], $0x80, s3, s6, $0xb8;
	[tilespmem:$0x1F800] =	vst v63  }
0xa9: {  	_ =	swait.ge [sflag:s8], $0x1F400  }
0xaa: {  	[sflag:s8] =	ssyncset.done $0x0  }
0xab: {  	[sflag:s8] =	ssyncadd.s32 $0xFFFE0C00  }
0xac: {  	[hbm4b:s15+s3] =	stream.linear.scatter [tilespmem:s7], [sflag:$0x2], $0x1F400, $0x38;
	[tilespmem:$0x1F800] =	vst v63  }
0xad: {  	_ =	swait.ge [sflag:s4], $0x1F400  }
0xae: {  	[sflag:s4] =	ssyncset.done $0x0  }
0xaf: {  	[sflag:s4] =	ssyncadd.s32 $0xFFFE0C00  }
0xb0: {  	[tilespmem:s3], [sflag:$0x2] =	stream.linear.gather [hbm4b:s16+s3], $0x3E8, $0x38;
	[tilespmem:$0x1F800] =	vst v63  }
0xb1: {  	_ =	swait.ge [sflag:s4], $0x3E8  }
0xb2: {  	[sflag:s4] =	ssyncset.done $0x0  }
0xb3: {  	[sflag:s4] =	ssyncadd.s32 $0xFFFFFC18  }
0xb4: {  	[tilespmem:s7], [sflag:$0x1] =	stream.indirect.gather [hbm4b:s2+s6], $0x80, s3, s6, $0xb8;
	[tilespmem:$0x1F800] =	vst v63  }
0xb5: {  	_ =	swait.ge [sflag:s8], $0x1F400  }
0xb6: {  	[sflag:s8] =	ssyncset.done $0x0  }
0xb7: {  	[sflag:s8] =	ssyncadd.s32 $0xFFFE0C00  }
0xb8: {  	[hbm4b:s17+s3] =	stream.linear.scatter [tilespmem:s7], [sflag:$0x2], $0x1F400, $0x38;
	[tilespmem:$0x1F800] =	vst v63  }
0xb9: {  	_ =	swait.ge [sflag:s4], $0x1F400  }
0xba: {  	[sflag:s4] =	ssyncset.done $0x0  }
0xbb: {  	[sflag:s4] =	ssyncadd.s32 $0xFFFE0C00  }
0xbc: {  	[tilespmem:s3], [sflag:$0x2] =	stream.linear.gather [hbm4b:s18+s3], $0x3E8, $0x38;
	[tilespmem:$0x1F800] =	vst v63  }
0xbd: {  	_ =	swait.ge [sflag:s4], $0x3E8  }
0xbe: {  	[sflag:s4] =	ssyncset.done $0x0  }
0xbf: {  	[sflag:s4] =	ssyncadd.s32 $0xFFFFFC18  }
0xc0: {  	[tilespmem:s7], [sflag:$0x1] =	stream.indirect.gather [hbm4b:s2+s6], $0x80, s3, s6, $0xb8;
	[tilespmem:$0x1F800] =	vst v63  }
0xc1: {  	_ =	swait.ge [sflag:s8], $0x1F400  }
0xc2: {  	[sflag:s8] =	ssyncset.done $0x0  }
0xc3: {  	[sflag:s8] =	ssyncadd.s32 $0xFFFE0C00  }
0xc4: {  	[hbm4b:s19+s3] =	stream.linear.scatter [tilespmem:s7], [sflag:$0x2], $0x1F400, $0x38;
	[tilespmem:$0x1F800] =	vst v63  }
0xc5: {  	_ =	swait.ge [sflag:s4], $0x1F400  }
0xc6: {  	[sflag:s4] =	ssyncset.done $0x0  }
0xc7: {  	[sflag:s4] =	ssyncadd.s32 $0xFFFE0C00  }
0xc8: {  	[tilespmem:s3], [sflag:$0x2] =	stream.linear.gather [hbm4b:s20+s3], $0x3E8, $0x38;
	[tilespmem:$0x1F800] =	vst v63  }
0xc9: {  	_ =	swait.ge [sflag:s4], $0x3E8  }
0xca: {  	[sflag:s4] =	ssyncset.done $0x0  }
0xcb: {  	[sflag:s4] =	ssyncadd.s32 $0xFFFFFC18  }
0xcc: {  	[tilespmem:s7], [sflag:$0x1] =	stream.indirect.gather [hbm4b:s2+s6], $0x80, s3, s6, $0xb8;
	[tilespmem:$0x1F800] =	vst v63  }
0xcd: {  	_ =	swait.ge [sflag:s8], $0x1F400  }
0xce: {  	[sflag:s8] =	ssyncset.done $0x0  }
0xcf: {  	[sflag:s8] =	ssyncadd.s32 $0xFFFE0C00  }
0xd0: {  	[hbm4b:s21+s3] =	stream.linear.scatter [tilespmem:s7], [sflag:$0x2], $0x1F400, $0x38;
	[tilespmem:$0x1F800] =	vst v63  }
0xd1: {  	_ =	swait.ge [sflag:s4], $0x1F400  }
0xd2: {  	[sflag:s4] =	ssyncset.done $0x0  }
0xd3: {  	[sflag:s4] =	ssyncadd.s32 $0xFFFE0C00  }
0xd4: {  	[tilespmem:s3], [sflag:$0x2] =	stream.linear.gather [hbm4b:s22+s3], $0x3E8, $0x38;
	[tilespmem:$0x1F800] =	vst v63  }
0xd5: {  	_ =	swait.ge [sflag:s4], $0x3E8  }
0xd6: {  	[sflag:s4] =	ssyncset.done $0x0  }
0xd7: {  	[sflag:s4] =	ssyncadd.s32 $0xFFFFFC18  }
0xd8: {  	[tilespmem:s7], [sflag:$0x1] =	stream.indirect.gather [hbm4b:s2+s6], $0x80, s3, s6, $0xb8;
	[tilespmem:$0x1F800] =	vst v63  }
0xd9: {  	_ =	swait.ge [sflag:s8], $0x1F400  }
0xda: {  	[sflag:s8] =	ssyncset.done $0x0  }
0xdb: {  	[sflag:s8] =	ssyncadd.s32 $0xFFFE0C00  }
0xdc: {  	[hbm4b:s23+s3] =	stream.linear.scatter [tilespmem:s7], [sflag:$0x2], $0x1F400, $0x38;
	[tilespmem:$0x1F800] =	vst v63  }
0xdd: {  	_ =	swait.ge [sflag:s4], $0x1F400  }
0xde: {  	[sflag:s4] =	ssyncset.done $0x0  }
0xdf: {  	[sflag:s4] =	ssyncadd.s32 $0xFFFE0C00  }
0xe0: {  	[tilespmem:s3], [sflag:$0x2] =	stream.linear.gather [hbm4b:s24+s3], $0x3E8, $0x38;
	[tilespmem:$0x1F800] =	vst v63  }
0xe1: {  	_ =	swait.ge [sflag:s4], $0x3E8  }
0xe2: {  	[sflag:s4] =	ssyncset.done $0x0  }
0xe3: {  	[sflag:s4] =	ssyncadd.s32 $0xFFFFFC18  }
0xe4: {  	[tilespmem:s7], [sflag:$0x1] =	stream.indirect.gather [hbm4b:s2+s6], $0x80, s3, s6, $0xb8;
	[tilespmem:$0x1F800] =	vst v63  }
0xe5: {  	_ =	swait.ge [sflag:s8], $0x1F400  }
0xe6: {  	[sflag:s8] =	ssyncset.done $0x0  }
0xe7: {  	[sflag:s8] =	ssyncadd.s32 $0xFFFE0C00  }
0xe8: {  	[hbm4b:s25+s3] =	stream.linear.scatter [tilespmem:s7], [sflag:$0x2], $0x1F400, $0x38;
	[tilespmem:$0x1F800] =	vst v63  }
0xe9: {  	_ =	swait.ge [sflag:s4], $0x1F400  }
0xea: {  	[sflag:s4] =	ssyncset.done $0x0  }
0xeb: {  	[sflag:s4] =	ssyncadd.s32 $0xFFFE0C00  }
0xec: {  	[tilespmem:s3], [sflag:$0x2] =	stream.linear.gather [hbm4b:s26+s3], $0x3E8, $0x38;
	[tilespmem:$0x1F800] =	vst v63  }
0xed: {  	_ =	swait.ge [sflag:s4], $0x3E8  }
0xee: {  	[sflag:s4] =	ssyncset.done $0x0  }
0xef: {  	[sflag:s4] =	ssyncadd.s32 $0xFFFFFC18  }
0xf0: {  	[tilespmem:s7], [sflag:$0x1] =	stream.indirect.gather [hbm4b:s2+s6], $0x80, s3, s6, $0xb8;
	[tilespmem:$0x1F800] =	vst v63  }
0xf1: {  	_ =	swait.ge [sflag:s8], $0x1F400  }
.Ltmp1:
0xf2: {  	[sflag:s8] =	ssyncset.done $0x0;
	(pc) =	sbr.rel @p0 .LBB2_1-.Ltmp1, $4  }
0xf3: {  	[sflag:s8] =	ssyncadd.s32 $0xFFFE0C00  }
0xf4: {  	[hbm4b:s28+s3] =	stream.linear.scatter [tilespmem:s7], [sflag:$0x2], $0x1F400, $0x38;
	[tilespmem:$0x1F800] =	vst v63  }
0xf5: {  	_ =	swait.ge [sflag:s4], $0x1F400  }
0xf6: {  	[sflag:s4] =	ssyncset.done $0x0  }
.LBB2_2:
0xf7: {  	[sflag:s4] =	ssyncadd.s32 $0xFFFE0C00  }
0xf8: {  	_ =	sfence.sel $0x180000  }
0xf9: {  	[bflag:$0x0] =	sbarrier.arrive $0xFFFF  }
0xfa: {  	p0 =	sne.s32 s0, $0x0;
	_ =	strace $0x90000047  }
0xfb: {  	s0 =	sadd.s32 @!p0 $0x100000, s1;
	[bflag:$0x2] =	sbarrier.arrive $0xFFFF  }
0xfc: {  	[sflag:s0] =	ssyncadd.tile.s32 @!p0 $0x1;
	_ =	shalt  }
.Lfunc_end2:
_tile_overlayer_lowered:
.L_overlay_start_2:
0xfd: {  	(tag) =	ssettag $0x2  }
0xfe: {  	s0 =	rddreg [dreg:$0x0];
	s2 =	stileid.u32  }
0xff: {  	s1 =	rddreg [dreg:$0x1];
	p0 =	sne.s32 s2, $0x0  }
0x100: {  	s3 =	rddreg [dreg:$0x2];
	[bflag:$0x3] =	sbarrier.arrive $0xFFFF;
	s2 =	simm.s32 @!p0 $0x1C02  }
0x101: {  	[timem:s3], [sflag:s2] =	dma.local @!p0 [hbm:s0], s1  }
0x102: {  	s0 =	simm.s32 @!p0 $0x2  }
0x103: {  	_ =	swait.ge @!p0 [sflag:s0], s1  }
0x104: {  	s1 =	ssub.s32 @!p0 $0x0, s1;
	[sflag:s0] =	ssyncset.done @!p0 $0x0  }
0x105: {  	[sflag:s0] =	ssyncadd.s32 @!p0 s1  }
0x106: {  	[bflag:$0x3] =	sbarrier.arrive $0xFFFF  }
0x107: {  	_ =	shalt  }

// kernel: scatter_offload_async_start.1
scs
__scs_entry_jumppad:
0x0: {  	(pc) =	sbr.rel $0x88, $3  }
0x1: {  	(tag) =	ssettag $0x0;
	lr =	simm.s32 $0x1  }
0x2: {  	[smem:$0x3F97] =	sst lr;
	_ =	strace $0xD0000000  }
0x3: {  	_ = 	snop  }
0x4: {  	_ = 	snop  }
0x5: {  	_ = 	snop  }
0x6: {  	_ = 	snop  }
0x7: {  	_ = 	snop  }
__scs_overlays_trampoline_lowered:
0x8: {  	[smem:$0x3FA6] =	sst s0  }
0x9: {  	[smem:$0x3FA7] =	sst s1  }
0xa: {  	[smem:$0x3FA8] =	sst s2  }
0xb: {  	[smem:$0x3FA9] =	sst s3  }
0xc: {  	[smem:$0x3FAA] =	sst s4  }
0xd: {  	[smem:$0x3FAB] =	sst s5  }
0xe: {  	[smem:$0x3FAC] =	sst s6  }
0xf: {  	[smem:$0x3FAD] =	sst s7  }
0x10: {  	[smem:$0x3FAE] =	sst s8  }
0x11: {  	[smem:$0x3FAF] =	sst s9;
	s0 =	simm.s32 @!p0 $0x0  }
0x12: {  	s1 =	sld [smem:$0x3F95];
	s0 =	simm.s32 @p0 $0x1  }
0x13: {  	[smem:$0x3FB0] =	sst s0;
	s0 =	simm.s32 @!p1 $0x0  }
0x14: {  	s2 =	sld [smem:$0x3F94];
	s0 =	simm.s32 @p1 $0x1  }
0x15: {  	[smem:$0x3FB1] =	sst s0;
	s0 =	simm.s32 @!p2 $0x0  }
0x16: {  	s3 =	sld [smem:$0x3FDB];
	s0 =	simm.s32 @p2 $0x1  }
0x17: {  	s4 =	simm.s32 $0x1BF5;
	[smem:$0x3FB3] =	sst s0  }
0x18: {  	s0 =	sld [smem:$0x3F96];
	_ =	swait.ge [sflag:s4], $0x0  }
0x19: {  	s7 =	sld [smem:$0x3F97]  }
0x1a: {  	s8 =	sadd.s32 $0xFFFFE003, lr  }
0x1b: {  	s9 =	sadd.s32 $0xFFFFFEF7, lr;
	s5 =	simm.s32 $0xFFFFFFFF;
	p2 =	slt.u32 s8, $0xFFFFF086  }
0x1c: {  	p1 =	slt.u32 s9, $0xF7A;
	s5 =	simm.s32 @!p2 $0x0  }
0x1d: {  	s5 =	simm.s32 @p1 $0x1;
	p0 =	seq.s32 s7, s2  }
0x1e: {  	s7 =	smul.u32 @!p0 $0xF7A, s2;
	p2 =	seq.s32 @!p0 s5, $0x0  }
0x1f: {  	s9 =	smul.u32 $0xF7A, s1;
	s8 =	simm.s32 @!p0 $0x1BF5;
	p2 =	por !p2, p0  }
0x20: {  	[sflag:s8] =	ssyncset.s32 @!p0 $0xFFFFF086;
	s6 =	sadd.s32 @!p0 s3, s7;
	s7 =	simm.s32 @!p0 $0x108  }
0x21: {  	s3 =	sadd.s32 s3, s9;
	s6 =	sadd.s32 @!p0 $0x88, s6;
	s7 =	simm.s32 @p2 $0x1082  }
0x22: {  	[simem:s7], [sflag:s8] =	dma.local @!p0 [hbm:s6], $0xF7A  }
0x23: {  	s9 =	sor.u32 $0xD0000000, s2;
	s6 =	simm.s32 $0x108;
	_ =	swait.ge @!p0 [sflag:s8], $0x0  }
0x24: {  	s3 =	sadd.s32 $0x88, s3;
	s6 =	simm.s32 @!p1 $0x1082;
	[sflag:s4] =	ssyncset.s32 $0xFFFFF086  }
0x25: {  	[simem:s6], [sflag:s4] =	dma.local [hbm:s3], $0xF7A  }
0x26: {  	[smem:$0x3F97] =	sst s1;
	(tag) =	ssettag s2;
	_ =	strace s9  }
0x27: {  	s1 =	sld [smem:$0x3FA7]  }
0x28: {  	s2 =	sld [smem:$0x3FA8]  }
0x29: {  	s4 =	sld [smem:$0x3FAA]  }
0x2a: {  	p0 =	seq.s32 s5, $0x0;
	s5 =	sld [smem:$0x3FAB]  }
0x2b: {  	s6 =	sld [smem:$0x3FAC]  }
0x2c: {  	s7 =	sld [smem:$0x3FAD]  }
0x2d: {  	s3 =	simm.s32 $0x108;
	s8 =	sld [smem:$0x3FAE]  }
0x2e: {  	s3 =	simm.s32 @!p0 $0x1082;
	s9 =	sld [smem:$0x3FAF]  }
0x2f: {  	lr =	sadd.s32 s0, s3;
	s0 =	sld [smem:$0x3FA6]  }
0x30: {  	s3 =	sld [smem:$0x3FA9]  }
0x31: {  	[smem:$0x3FB2] =	sst s10  }
0x32: {  	s10 =	sld [smem:$0x3FB0];
	_ =	sdelay $0x3  }
0x33: {  	p0 =	seq.s32 s10, $0x1;
	s10 =	sld [smem:$0x3FB2];
	_ =	sdelay $0x3  }
0x34: {  	[smem:$0x3FB2] =	sst s10  }
0x35: {  	s10 =	sld [smem:$0x3FB1];
	_ =	sdelay $0x3  }
0x36: {  	p1 =	seq.s32 s10, $0x1;
	s10 =	sld [smem:$0x3FB2];
	_ =	sdelay $0x3  }
0x37: {  	[smem:$0x3FB2] =	sst s10  }
0x38: {  	s10 =	sld [smem:$0x3FB3]  }
0x39: {  	_ = 	snop;
	(pc) =	sbr.ind lr, $3  }
0x3a: {  	_ = 	snop  }
0x3b: {  	_ = 	snop  }
0x3c: {  	p2 =	seq.s32 s10, $0x1;
	s10 =	sld [smem:$0x3FB2]  }
0x3d: {  	_ =	shalt  }
0x3e: {  	_ =	shalt  }
0x3f: {  	_ =	shalt  }
0x40: {  	_ =	shalt  }
0x41: {  	_ =	shalt  }
0x42: {  	_ =	shalt  }
0x43: {  	_ =	shalt  }
0x44: {  	_ =	shalt  }
0x45: {  	_ =	shalt  }
0x46: {  	_ =	shalt  }
0x47: {  	_ =	shalt  }
0x48: {  	_ =	shalt  }
0x49: {  	_ =	shalt  }
0x4a: {  	_ =	shalt  }
0x4b: {  	_ =	shalt  }
0x4c: {  	_ =	shalt  }
0x4d: {  	_ =	shalt  }
0x4e: {  	_ =	shalt  }
0x4f: {  	_ =	shalt  }
0x50: {  	_ =	shalt  }
0x51: {  	_ =	shalt  }
0x52: {  	_ =	shalt  }
0x53: {  	_ =	shalt  }
0x54: {  	_ =	shalt  }
0x55: {  	_ =	shalt  }
0x56: {  	_ =	shalt  }
0x57: {  	_ =	shalt  }
0x58: {  	_ =	shalt  }
0x59: {  	_ =	shalt  }
0x5a: {  	_ =	shalt  }
0x5b: {  	_ =	shalt  }
0x5c: {  	_ =	shalt  }
0x5d: {  	_ =	shalt  }
0x5e: {  	_ =	shalt  }
0x5f: {  	_ =	shalt  }
0x60: {  	_ =	shalt  }
0x61: {  	_ =	shalt  }
0x62: {  	_ =	shalt  }
0x63: {  	_ =	shalt  }
0x64: {  	_ =	shalt  }
0x65: {  	_ =	shalt  }
0x66: {  	_ =	shalt  }
0x67: {  	_ =	shalt  }
0x68: {  	_ =	shalt  }
0x69: {  	_ =	shalt  }
0x6a: {  	_ =	shalt  }
0x6b: {  	_ =	shalt  }
0x6c: {  	_ =	shalt  }
0x6d: {  	_ =	shalt  }
0x6e: {  	_ =	shalt  }
0x6f: {  	_ =	shalt  }
0x70: {  	_ =	shalt  }
0x71: {  	_ =	shalt  }
0x72: {  	_ =	shalt  }
0x73: {  	_ =	shalt  }
0x74: {  	_ =	shalt  }
0x75: {  	_ =	shalt  }
0x76: {  	_ =	shalt  }
0x77: {  	_ =	shalt  }
0x78: {  	_ =	shalt  }
0x79: {  	_ =	shalt  }
0x7a: {  	_ =	shalt  }
0x7b: {  	_ =	shalt  }
0x7c: {  	_ =	shalt  }
0x7d: {  	_ =	shalt  }
0x7e: {  	_ =	shalt  }
0x7f: {  	_ =	shalt  }
0x80: {  	_ =	shalt  }
0x81: {  	_ =	shalt  }
0x82: {  	_ =	shalt  }
0x83: {  	_ =	shalt  }
0x84: {  	_ =	shalt  }
0x85: {  	_ =	shalt  }
0x86: {  	_ =	shalt  }
0x87: {  	_ =	shalt  }
.Lfunc_end0:
.L_simem_size_0:
called_computation.1_lowered:
.L_overlay_start_0:
0x88: {  	s0 =	sld [smem:$0x3FD9]  }
0x89: {  	s1 =	sld [smem:$0x3FFE];
	_ =	sdelay $0x3  }
0x8a: {  	s0 =	sadd.s32 s1, s0  }
0x8b: {  	[smem:$0x3FBE] =	sst s0  }
0x8c: {  	_ = 	snop  }
0x8d: {  	s0 =	sld [smem:$0x3FD0];
	_ =	sdelay $0x2  }
0x8e: {  	s12 =	simm.s32 $0xE;
	s2 =	simm.s32 $0x10  }
0x8f: {  	[smem:s2], [sflag:s12] =	dma.local [hbm:s0], $0x1  }
0x90: {  	_ =	swait.eq [sflag:s12], $0x1  }
0x91: {  	[sflag:s12] =	ssyncset.done $0x0  }
0x92: {  	[sflag:s12] =	ssyncadd.s32 $0xFFFFFFFF  }
0x93: {  	s13 =	sld [smem:$0x10];
	(tm) =	ssettm $0x1  }
0x94: {  	s14 =	sld [smem:$0x3FFB];
	_ =	sdelay $0x3  }
0x95: {  	_ =	strace s14  }
0x96: {  	s0 =	sld [smem:$0x3FFC];
	_ =	sdelay $0x3  }
0x97: {  	_ =	strace s0  }
0x98: {  	s0 =	sld [smem:$0x3FFD];
	_ =	sdelay $0x3  }
0x99: {  	_ =	strace s0  }
0x9a: {  	_ =	strace $0x8FFFFFFF  }
0x9b: {  	s15 =	sld [smem:$0x3FDB];
	_ =	sdelay $0x1  }
0x9c: {  	s16 =	simm.s32 $_scs_section_size  }
0x9d: {  	s3 =	simm.s32 $_size__tile_overlayer_lowered;
	s4 =	simm.s32 $_tile_overlayer_lowered  }
0x9e: {  	s5 =	simm.s32 $0x1BFF;
	s17 =	sshll.u32 s4, $0x1;
	s2 =	sadd.s32 s16, s15  }
0x9f: {  	s18 =	simm.s32 $0x0;
	s3 =	sshll.u32 s3, $0x1;
	s4 =	sadd.s32 s17, s2  }
0xa0: {  	[timem:s18], [sflag:s5] =	dma.local [hbm:s4], s3  }
0xa1: {  	_ =	swait.ge [sflag:s5], s3  }
0xa2: {  	s3 =	ssub.s32 $0x0, s3;
	[sflag:s5] =	ssyncset.done $0x0  }
0xa3: {  	[sflag:s5] =	ssyncadd.s32 s3;
	_ =	sdelay $0x1  }
0xa4: {  	s19 =	simm.s32 $0x1B8B  }
0xa5: {  	_ =	swait.ge [sflag:s19], $0x1  }
0xa6: {  	[sflag:s19] =	ssyncset.done $0x0  }
0xa7: {  	s21 =	simm.s32 $0x1B8E;
	s20 =	sld [smem:$0x3FFE];
	[sflag:s19] =	ssyncadd.s32 $0xFFFFFFFF  }
0xa8: {  	s22 =	simm.s32 $execute0_lowered;
	[smem:$0x3FD2] =	sst s21  }
0xa9: {  	s4 =	sshll.u32 s22, $0x1;
	_ =	strace $0x8000004C;
	[dreg:$0x1] =	wrdreg $0xFFFFFFFF  }
0xaa: {  	s23 =	simm.s32 $_size_execute0_lowered;
	s4 =	sadd.s32 s2, s4;
	[dreg:$0x0] =	wrdreg $0x0  }
0xab: {  	s5 =	sshll.u32 s23, $0x1;
	[dreg:$0x2] =	wrdreg s4  }
0xac: {  	[dreg:$0x3] =	wrdreg s5  }
0xad: {  	[dreg:$0x4] =	wrdreg $0xC0  }
0xae: {  	s24 =	simm.s32 $execute1_lowered;
	_ =	task [dreg:s18], $0x5FFFF  }
0xaf: {  	s4 =	sshll.u32 s24, $0x1;
	[dreg:$0x1] =	wrdreg $0xFFFFFFFF  }
0xb0: {  	s2 =	sadd.s32 s2, s4;
	[dreg:$0x0] =	wrdreg $0x60  }
0xb1: {  	[dreg:$0x2] =	wrdreg s2  }
0xb2: {  	[dreg:$0x3] =	wrdreg s20  }
0xb3: {  	[dreg:$0x4] =	wrdreg s13  }
0xb4: {  	[dreg:$0x5] =	wrdreg $0x9  }
0xb5: {  	_ =	task.clear_ibuf [dreg:s18], $0x6FFFF;
	_ =	strace $0x9000004C  }
0xb6: {  	s25 =	simm.s32 $0x9;
	_ =	strace $0x8000004E  }
0xb7: {  	_ =	swait.ge [sflag:s25], $0x1  }
0xb8: {  	[sflag:s25] =	ssyncadd.s32 $0xFFFFFFFF  }
0xb9: {  	_ =	strace $0x9000004E  }
0xba: {  	_ =	strace $0x8000004F;
	[dreg:$0x1] =	wrdreg $0xFFFFFFFF  }
0xbb: {  	[dreg:$0x0] =	wrdreg $0x2030  }
0xbc: {  	[dreg:$0x2] =	wrdreg s13  }
0xbd: {  	[dreg:$0x3] =	wrdreg s20  }
0xbe: {  	[dreg:$0x4] =	wrdreg $0xA  }
0xbf: {  	_ =	task.clear_ibuf [dreg:s18], $0x5FFFF;
	_ =	strace $0x9000004F  }
0xc0: {  	s26 =	simm.s32 $0xA;
	_ =	strace $0x80000051  }
0xc1: {  	_ =	swait.ge [sflag:s26], $0x1  }
0xc2: {  	[sflag:s26] =	ssyncadd.s32 $0xFFFFFFFF  }
0xc3: {  	_ =	strace $0x90000051  }
0xc4: {  	_ =	sfence  }
0xc5: {  	s28 =	sld [smem:$0x0];
	_ =	sdelay $0x1  }
0xc6: {  	s29 =	srdreg.scid  }
0xc7: {  	s30 =	sshll.u32 s29, $0xD;
	s31 =	sshrl.u32 s29, $0x2  }
0xc8: {  	s3 =	sand.u32 $0x4000, s30;
	s2 =	sand.u32 $0x1, s29;
	s1 =	sadd.s32 s31, s28  }
0xc9: {  	s2 =	sor.u32 s3, s2;
	s1 =	sshll.u32 s1, $0x11  }
0xca: {  	s1 =	sor.u32 s1, s2  }
0xcb: {  	s1 =	sadd.s32 $0x8F2B, s1  }
0xcc: {  	[sflag:s1] =	ssyncadd.remote.s32 $0x1  }
0xcd: {  	_ =	sfence.sel $0xFFFF  }
0xce: {  	[dreg:$0x0] =	wrdreg $0xFFFFFFFF;
	(pc) =	sbr.abs _section_cstart, $3  }
0xcf: {  	[dreg:$0x1] =	wrdreg $0xFFFFFFFF  }
0xd0: {  	_ =	task.clear_ibuf [dreg:s18], $0x2FFFF;
	_ =	strace $0x9FFFFFFF  }
0xd1: {  	(tm) =	ssettm $0x7FFFFFFF  }
tec
execute0_lowered:
.L_overlay_start_1:
0x0: {  	(tag) =	ssettag $0x1  }
0x1: {  	s3 =	rddreg [dreg:$0x0]  }
0x2: {  	s5 =	rddreg [dreg:$0x1]  }
0x3: {  	s2 =	rddreg [dreg:$0x2]  }
0x4: {  	s0 =	rddreg [dreg:$0x3];
	s4 =	stileid.u32  }
0x5: {  	[bflag:$0x3] =	sbarrier.arrive $0xFFFF;
	s1 =	simm.s32 $_size_execute1_lowered;
	p0 =	sne.s32 s4, $0x0  }
0x6: {  	s1 =	sshll.u32 s1, $0x1;
	s6 =	simm.s32 @!p0 $0x1C3F;
	s7 =	simm.s32 @!p0 $0x4060  }
0x7: {  	[timem:s7], [sflag:s6] =	dma.local @!p0 [hbm:s3], s1  }
0x8: {  	s3 =	smul.u32 $0x280, s4  }
.Ltmp0:
0x9: {  	s31 =	simm.s32 $0x2;
	(pc) =	sbr.rel .LBB2_1-.Ltmp0, $4  }
0xa: {  	s8 =	simm.s32 $0x780;
	s10 =	simm.s32 $0x0;
	s9 =	simm.s32 $0x0  }
0xb: {  	s4 =	simm.s32 $0x1;
	_ =	strace $0x8000004D;
	s30 =	sshrl.u32 s3, $0x3  }
0xc: {  	s6 =	simm.s32 $0x0;
	[sflag:s4] =	ssyncpa.u1 $0x0;
	s5 =	sadd.s32 s30, s5  }
0xd: {  	s7 =	simm.s32 $0x280;
	[sflag:s31] =	ssyncpa.u1 $0x0;
	s5 =	sadd.s32 $0x23000, s5  }
.LBB2_8:
0xe: {  	p1 =	seq.s32 s9, $0x2  }
.Ltmp1:
0xf: {  	_ = 	snop;
	(pc) =	sbr.rel @p1 .LBB2_10-.Ltmp1, $1  }
0x10: {  	_ =	sdelay $0x3  }
.LBB2_9:
0x11: {  	s9 =	sadd.s32 $0x1, s9;
	s10 =	smov.u32 s3  }
.LBB2_1:
0x12: {  	p1 =	sne.s32 s9, $0x0  }
.Ltmp2:
0x13: {  	_ = 	snop;
	(pc) =	sbr.rel @!p1 .LBB2_2-.Ltmp2, $1  }
0x14: {  	_ =	sdelay $0x3  }
0x15: {  	s11 =	sand.u32 $0x1, s9  }
0x16: {  	p1 =	seq.s32 s11, $0x0  }
.Ltmp3:
0x17: {  	_ = 	snop;
	(pc) =	sbr.rel @p1 .LBB2_8-.Ltmp3, $1  }
0x18: {  	_ =	sdelay $0x3  }
0x19: {  	_ =	swait.ge [sflag:s4], $0x280  }
0x1a: {  	[sflag:s4] =	ssyncset.done $0x0  }
0x1b: {  	s11 =	simm.s32 $0x0;
	p1 =	por $0x1, $0x1;
	[sflag:s4] =	ssyncadd.s32 $0xFFFFFD80  }
.LBB2_5:
0x1c: {  	v0 =	vld [tilespmem:s11+$0x280]  }
0x1d: {  	v1 =	vld [tilespmem:s11+$0x290]  }
0x1e: {  	v2 =	vld [tilespmem:s11+$0x2A0]  }
0x1f: {  	v3 =	vld [tilespmem:s11+$0x2B0]  }
0x20: {  	v4 =	vld [tilespmem:s11+$0x2C0]  }
0x21: {  	v53 =	vld [tilespmem:s11+$0x2D0];
	[tilespmem:s11+$0x780] =	vst v0  }
0x22: {  	v54 =	vld [tilespmem:s11+$0x2E0];
	[tilespmem:s11+$0x790] =	vst v1  }
0x23: {  	v55 =	vld [tilespmem:s11+$0x2F0];
	[tilespmem:s11+$0x7A0] =	vst v2  }
0x24: {  	v56 =	vld [tilespmem:s11+$0x300];
	[tilespmem:s11+$0x7B0] =	vst v3  }
0x25: {  	v57 =	vld [tilespmem:s11+$0x310];
	[tilespmem:s11+$0x7C0] =	vst v4  }
0x26: {  	v58 =	vld [tilespmem:s11+$0x320];
	[tilespmem:s11+$0x7D0] =	vst v53  }
0x27: {  	v59 =	vld [tilespmem:s11+$0x330];
	[tilespmem:s11+$0x7E0] =	vst v54  }
0x28: {  	v60 =	vld [tilespmem:s11+$0x340];
	[tilespmem:s11+$0x7F0] =	vst v55  }
0x29: {  	v61 =	vld [tilespmem:s11+$0x350];
	[tilespmem:s11+$0x800] =	vst v56  }
0x2a: {  	v62 =	vld [tilespmem:s11+$0x360];
	[tilespmem:s11+$0x810] =	vst v57  }
0x2b: {  	v63 =	vld [tilespmem:s11+$0x370];
	p2 =	por p1, p1;
	[tilespmem:s11+$0x820] =	vst v58  }
.Ltmp4:
0x2c: {  	[tilespmem:s11+$0x830] =	vst v59;
	(pc) =	sbr.rel @p2 .LBB2_5-.Ltmp4, $4  }
0x2d: {  	[tilespmem:s11+$0x840] =	vst v60  }
0x2e: {  	[tilespmem:s11+$0x850] =	vst v61  }
0x2f: {  	s12 =	simm.s32 $0x1F0;
	s13 =	simm.s32 $0x980;
	[tilespmem:s11+$0x860] =	vst v62  }
0x30: {  	s14 =	simm.s32 $0x480;
	p1 =	por $0x0, $0x0;
	[tilespmem:s11+$0x870] =	vst v63;
	s11 =	simm.s32 $0x100  }
.LBB2_6:
0x31: {  	s12 =	sadd.s32 $0x10, s12  }
0x32: {  	v0 =	vld [tilespmem:s14+$0x0];
	p1 =	slt.u32 s12, $0x270  }
.Ltmp5:
0x33: {  	_ = 	snop;
	(pc) =	sbr.rel @p1 .LBB2_6-.Ltmp5, $2  }
0x34: {  	_ =	sdelay $0x2  }
0x35: {  	s14 =	sadd.s32 $0x10, s14;
	[tilespmem:s13+$0x0] =	vst v0;
	s13 =	sadd.s32 $0x10, s13  }
.Ltmp6:
0x36: {  	(pc) =	sbr.rel .LBB2_8-.Ltmp6, $4  }
0x37: {  	_ = 	snop  }
0x38: {  	s10 =	sshrl.u32 s10, $0x3  }
0x39: {  	s10 =	sadd.s32 s2, s10  }
0x3a: {  	[hbm4b:s10+s6] =	stream.linear.scatter [tilespmem:s8], [sflag:$0x2], $0x280, $0x38;
	[tilespmem:$0xA00] =	vst v63  }
.LBB2_2:
.Ltmp7:
0x3b: {  	(pc) =	sbr.rel .LBB2_9-.Ltmp7, $2  }
0x3c: {  	_ =	sdelay $0x2  }
0x3d: {  	[tilespmem:s7], [sflag:$0x1] =	stream.linear.gather [hbm4b:s5+s6], $0x280, $0x38;
	[tilespmem:$0xA00] =	vst v63  }
.LBB2_10:
0x3e: {  	s2 =	simm.s32 $0x2  }
0x3f: {  	_ =	swait.ge [sflag:s2], $0x280  }
0x40: {  	[sflag:s2] =	ssyncset.done $0x0  }
0x41: {  	[sflag:s2] =	ssyncadd.s32 $0xFFFFFD80  }
0x42: {  	_ =	sfence.sel $0x180000  }
0x43: {  	s3 =	simm.s32 $0x1;
	[bflag:$0x0] =	sbarrier.arrive $0xFFFF  }
0x44: {  	[sflag:s3] =	ssyncpa.u1 $0x1  }
0x45: {  	[sflag:s2] =	ssyncpa.u1 $0x1  }
0x46: {  	_ =	strace $0x9000004D  }
0x47: {  	s0 =	sadd.s32 @!p0 $0x100000, s0;
	[bflag:$0x2] =	sbarrier.arrive $0xFFFF  }
0x48: {  	[sflag:s0] =	ssyncadd.tile.s32 @!p0 $0x1;
	s0 =	simm.s32 @!p0 $0x3F  }
0x49: {  	_ =	swait.ge @!p0 [sflag:s0], s1  }
0x4a: {  	s1 =	ssub.s32 @!p0 $0x0, s1;
	[sflag:s0] =	ssyncset.done @!p0 $0x0  }
0x4b: {  	[sflag:s0] =	ssyncadd.s32 @!p0 s1  }
0x4c: {  	[bflag:$0x3] =	sbarrier.arrive $0xFFFF  }
0x4d: {  	_ =	shalt  }
.Lfunc_end2:
execute1_lowered:
.L_overlay_start_2:
0x4e: {  	(tag) =	ssettag $0x2  }
0x4f: {  	s1 =	rddreg [dreg:$0x0]  }
0x50: {  	s0 =	rddreg [dreg:$0x1];
	s14 =	stileid.u32  }
0x51: {  	_ =	strace $0x80000050;
	s2 =	simm.s32 $0x1;
	s3 =	smin.u32 s14, $0x4  }
0x52: {  	v1 =	vimm.s32 $0xFFFFFFFF;
	[sflag:s2] =	ssyncpa.u1 $0x0;
	s3 =	sadd.s32 s14, s3  }
0x53: {  	s4 =	simm.s32 $0x3E80;
	p0 =	slt.u32 s14, $0x4;
	[tilespmem:$0x10] =	vst v1;
	s3 =	smul.u32 $0x1F40, s3  }
0x54: {  	v0 =	vimm.f32 $0.0e+00;
	[tilespmem:$0x20] =	vst v1;
	s4 =	simm.s32 @!p0 $0x1F40  }
0x55: {  	[tilespmem:$0x30] =	vst v0;
	s4 =	sadd.s32 s4, s3  }
0x56: {  	[tilespmem:$0x40] =	vst v0;
	s4 =	smin.u32 s4, $0x27100  }
0x57: {  	[tilespmem:$0x50] =	vst v0;
	s9 =	ssub.s32 s4, s3  }
0x58: {  	s7 =	simm.s32 $0x2;
	[tilespmem:$0x60] =	vst v1;
	p0 =	sgt.s32 s9, $0x0  }
0x59: {  	s8 =	simm.s32 $0x8;
	s31 =	simm.s32 $0x9;
	[tilespmem:$0x70] =	vst v1;
	s9 =	simm.s32 @!p0 $0x0  }
0x5a: {  	s16 =	simm.s32 $0x0;
	s17 =	simm.s32 $0xF0;
	[tilespmem:$0x80] =	vst v1;
	s5 =	smulhi.u32 $0x10624DD3, s9  }
0x5b: {  	s18 =	simm.s32 $0xFFFFFFFF;
	s19 =	simm.s32 $0xFFFFC280;
	s20 =	simm.s32 $0xFFFFFFFE;
	v1 =	vimm.s32 $0x0;
	[tilespmem:$0xB0] =	vst v0  }
0x5c: {  	s21 =	simm.s32 $0xF;
	s25 =	simm.s32 $0x0;
	[tilespmem:$0x90] =	vst v1;
	s10 =	sshrl.u32 s5, $0x9  }
0x5d: {  	[tilespmem:$0xA0] =	vst v1;
	[sflag:s7] =	ssyncpa.u1 $0x0;
	s7 =	simm.s32 $0x7;
	s11 =	smul.u32 $0x1F40, s10  }
0x5e: {  	s24 =	simm.s32 $0x0;
	s6 =	sadd.s32 $0x1E000, s0;
	[sflag:s7] =	ssyncpa.u1 $0x0  }
.Ltmp8:
0x5f: {  	[sflag:s8] =	ssyncpa.u1 $0x0;
	p0 =	sne.s32 s9, s11;
	(pc) =	sbr.rel .LBB3_1-.Ltmp8, $4  }
0x60: {  	s23 =	smov.u32 s3;
	[sflag:s31] =	ssyncpa.u1 $0x0;
	s2 =	simm.s32 @!p0 $0x0  }
0x61: {  	s5 =	sadd.s32 $0x19000, s0;
	p0 =	por $0x0, $0x0;
	s9 =	sadd.s32 s2, s10  }
0x62: {  	vm0 =	vmmov $0xffff;
	v2 =	vlaneseq.u32;
	s10 =	sshll.u32 s14, $0x1;
	s14 =	sshllo.u32 s14, $0x1;
	s11 =	sadd.s32 $0x1, s9  }
0x63: {  	vm1 =	vmxor vm1, vm1;
	vm2 =	vmmov $0x1;
	vm3 =	vcmask $0x3F3C;
	s12 =	sadd.s32 $0x2, s9;
	s13 =	sor.u32 $0x81, s10;
	s15 =	sor.u32 $0x80, s10  }
.LBB3_9:
0x64: {  	p1 =	slt.u32 s24, $0x3  }
0x65: {  	s0 =	simm.s32 @!p1 $0x2  }
0x66: {  	_ =	swait.ge @!p1 [sflag:s0], $0x1F40  }
0x67: {  	[sflag:s0] =	ssyncset.done @!p1 $0x0  }
0x68: {  	[sflag:s0] =	ssyncadd.s32 @!p1 $0xFFFFE0C0;
	s0 =	simm.s32 @!p1 $0x9  }
0x69: {  	_ =	swait.ge @!p1 [sflag:s0], $0x10  }
0x6a: {  	[sflag:s0] =	ssyncset.done @!p1 $0x0  }
0x6b: {  	[sflag:s0] =	ssyncadd.s32 @!p1 $0xFFFFFFF0;
	p1 =	sne.s32 s24, s12  }
.Ltmp9:
0x6c: {  	s2 =	sadd.s32 $0x1F40, s23;
	(pc) =	sbr.rel @!p1 .LBB3_10-.Ltmp9, $4  }
0x6d: {  	s22 =	smov.u32 s3;
	s31 =	sadd.s32 $0x1, s24;
	s17 =	sadd.s32 $0x1F40, s17  }
0x6e: {  	s18 =	sadd.s32 $0x1, s18;
	s25 =	smov.u32 s23;
	p2 =	slt.s32 s2, s4  }
0x6f: {  	p0 =	por !p0, !p0;
	s19 =	sadd.s32 $0x1F40, s19;
	s22 =	smov.u32 @p2 s2  }
0x70: {  	s20 =	sadd.s32 $0x1, s20;
	s23 =	smov.u32 s22;
	s24 =	smov.u32 s31  }
.LBB3_1:
0x71: {  	p1 =	sge.u32 s24, s9  }
0x72: {  	s0 =	smulhi.u32 @!p1 $0xAAAAAAAB, s24;
	_ =	sdelay $0x1  }
0x73: {  	s0 =	sshrl.u32 @!p1 s0, $0x1  }
0x74: {  	s0 =	smul.u32 @!p1 $0x3, s0;
	_ =	sdelay $0x1  }
0x75: {  	s0 =	ssub.s32 @!p1 s24, s0  }
0x76: {  	s0 =	smul.u32 @!p1 $0x7D00, s0;
	_ =	sdelay $0x1  }
0x77: {  	s2 =	sshrl.u32 @!p1 s23, $0x3;
	s0 =	sshrl.u32 @!p1 s0, $0x2  }
0x78: {  	s22 =	sand.u32 @!p1 $0x7, s23;
	s2 =	sadd.s32 @!p1 s5, s2;
	s0 =	sadd.s32 @!p1 $0x100, s0  }
0x79: {  	[tilespmem:s0], [sflag:$0x7] =	stream.linear.gather @!p1 [hbm4b:s2+s22], $0x1F40, $0x38;
	[tilespmem:$0x11A60] =	vst v63  }
0x7a: {  	s0 =	sadd.s32 $0xFFFFFFFF, s24  }
0x7b: {  	p1 =	sge.u32 s0, s9  }
.Ltmp10:
0x7c: {  	_ = 	snop;
	(pc) =	sbr.rel @p1 .LBB3_5-.Ltmp10, $1  }
0x7d: {  	_ =	sdelay $0x3  }
0x7e: {  	s2 =	smulhi.u32 $0xAAAAAAAB, s0;
	_ =	sdelay $0x1  }
0x7f: {  	s2 =	sshrl.u32 s2, $0x1  }
0x80: {  	s2 =	smul.u32 $0x3, s2;
	_ =	sdelay $0x1  }
0x81: {  	s2 =	ssub.s32 s0, s2  }
0x82: {  	s2 =	smul.u32 $0x7D00, s2  }
0x83: {  	_ =	swait.ge [sflag:s7], $0x1F40  }
0x84: {  	[sflag:s7] =	ssyncset.done $0x0;
	s2 =	sshrl.u32 s2, $0x2  }
0x85: {  	[sflag:s7] =	ssyncadd.s32 $0xFFFFE0C0;
	(ifvalue) =	ssetifvalue $0xFFFFFFFF;
	v3 =	vld.msk [tilespmem:s2+$0x100 ss:$0x1], $0xffff;
	_ =	sdelay $0x2  }
0x86: {  	s30 =	smulhi.u32 $0xAAAAAAAB, s18;
	p1 =	sne.s32 s24, $0x1  }
0x87: {  	v4 =	vimm.s32 @!p1 $0x0  }
0x88: {  	s2 =	sshrl.u32 s30, $0x1;
	v4 =	vperm.xlane @!p1 v3, v4  }
0x89: {  	s22 =	sshll.u32 s24, $0x4;
	s2 =	smul.u32 $0xFFFE8900, s2;
	vm4 =	vlt.u32 v3, $0x2800  }
0x8a: {  	s22 =	sand.u32 $0x10, s22;
	v3 =	vnsel vm4, $0xFFFFFFFE, v3;
	vm4 =	vlt.u32 @!p1 v4, $0x2800  }
0x8b: {  	s2 =	sshra.s32 s2, $0x2;
	[tilespmem:s22+$0x60] =	vst v3;
	v3 =	vnsel @!p1 vm4, $0xFFFFFFFE, v4  }
0x8c: {  	s28 =	sadd.s32 s2, s17;
	[tilespmem:$0x80] =	vst @!p1 v3  }
0x8d: {  	v3 =	vld.msk [tilespmem:s28+$0x0 ss:$0x1], $0xffff;
	_ =	sdelay $0x4  }
0x8e: {  	(xrf1) =	vunique.msk.u32 $0xffff, v3;
	_ =	sdelay $0xd  }
0x8f: {  	v4 =	vimm.s32 $0xFFFFFFFF;
	v5, _, _ =	vpop (xrf1)  }
0x90: {  	vm5 =	vne.s32 v3, v4;
	vm4 =	veq.s32 v5, v2  }
0x91: {  	vm6 =	vlt.u32 v3, $0x2800;
	vm4 =	vmand vm5, vm4  }
0x92: {  	vm4 =	vmand vm6, vm4  }
0x93: {  	v4 =	vnsel vm4, $0xFFFFFFFF, v3  }
0x94: {  	s31 =	sand.u32 $0x1, s0  }
0x95: {  	s0 =	simm.s32 $0x1F40;
	p1 =	seq.s32 s31, $0x1  }
0x96: {  	s0 =	simm.s32 @!p1 $0x0  }
0x97: {  	s26 =	sadd.s32 $0x7DF0, s0;
	(ifvalue) =	ssetifvalue $0xFFFFFFFF  }
0x98: {  	v3 =	vperm.xlane v3, v1;
	[tilespmem:s26], [sflag:$0x8] =	stream.indirect_vreg.gather [hbm4b:s1+s16], $0x1, v4, vm0, $0x4038;
	v4 =	vnsel vm6, $0xFFFFFFFE, v4;
	[tilespmem:$0x11A60] =	vst v63  }
0x99: {  	s2 =	simm.s32 $0x0;
	s22 =	sadd.s32 $0xFFFFFFF0, s28;
	[tilespmem:s28+$0x0] =	vst v4  }
.LBB3_3:
0x9a: {  	v4 =	vld.msk [tilespmem:s22+$0x0 ss:$0x1], $0xffff;
	s2 =	sadd.s32 $0x10, s2;
	v5 =	vmov v3;
	s28 =	smov.u32 s22  }
0x9b: {  	p1 =	slt.u32 s2, $0x1F30;
	_ =	sdelay $0x4  }
0x9c: {  	v3 =	vperm.xlane v4, v1;
	(xrf1) =	vunique.msk.u32 $0xffff, v4;
	_ =	sdelay $0xd  }
0x9d: {  	v6, _, _ =	vpop (xrf1)  }
0x9e: {  	vm5 =	vne.s32 v4, v5;
	vm4 =	veq.s32 v6, v2  }
0x9f: {  	vm6 =	vlt.u32 v4, $0x2800;
	vm4 =	vmand vm5, vm4  }
0xa0: {  	vm4 =	vmand vm6, vm4  }
0xa1: {  	v4 =	vnsel vm4, $0xFFFFFFFF, v4  }
.Ltmp11:
0xa2: {  	v5 =	vnsel vm6, $0xFFFFFFFE, v4;
	(pc) =	sbr.rel @p1 .LBB3_3-.Ltmp11, $3  }
0xa3: {  	_ =	sdelay $0x1  }
0xa4: {  	s22 =	sadd.s32 $0xFFFFFFF0, s22;
	s26 =	sadd.s32 $0xFFFFFFF0, s26;
	(ifvalue) =	ssetifvalue $0xFFFFFFFF  }
0xa5: {  	[tilespmem:s26], [sflag:$0x8] =	stream.indirect_vreg.gather [hbm4b:s1+s16], $0x1, v4, vm0, $0x4038;
	[tilespmem:s28+$0x0] =	vst v5  }
0xa6: {  	s2 =	sshrl.u32 s25, $0x3  }
0xa7: {  	s0 =	sadd.s32 $0x9D40, s0;
	s2 =	sadd.s32 s6, s2  }
0xa8: {  	[tilespmem:s0], [sflag:$0x8] =	stream.linear.gather [hbm:s2], $0x1F40, $0x38;
	[tilespmem:$0x11A60] =	vst v63  }
.LBB3_5:
0xa9: {  	p1 =	slt.u32 s24, $0x2  }
0xaa: {  	p2 =	sge.u32 @!p1 s24, s12  }
0xab: {  	p1 =	por p1, p2  }
.Ltmp12:
0xac: {  	_ = 	snop;
	(pc) =	sbr.rel @p1 .LBB3_9-.Ltmp12, $1  }
0xad: {  	_ =	sdelay $0x3  }
0xae: {  	s0 =	sadd.s32 $0xFFFFFFFE, s24  }
0xaf: {  	s2 =	smulhi.u32 $0xAAAAAAAB, s0;
	_ =	sdelay $0x1  }
0xb0: {  	s2 =	sshrl.u32 s2, $0x1  }
0xb1: {  	s2 =	smul.u32 $0x3, s2;
	_ =	sdelay $0x1  }
0xb2: {  	s0 =	ssub.s32 s0, s2  }
0xb3: {  	_ =	swait.ge [sflag:s8], $0x3E80;
	s0 =	smul.u32 $0x1F40, s0  }
0xb4: {  	p1 =	sne.s32 s24, s11;
	[sflag:s8] =	ssyncset.done $0x0  }
0xb5: {  	[sflag:s8] =	ssyncadd.s32 $0xFFFFC180;
	s2 =	sadd.s32 @!p1 $0x203F, s0  }
0xb6: {  	[spmem:s13] =	stream.linear.scatter @!p1 [tilespmem:s2], [sflag:$0x1], $0x1, $0x38;
	[tilespmem:$0x11A60] =	vst v63  }
0xb7: {  	s2 =	simm.s32 @!p1 $0x1  }
0xb8: {  	_ =	swait.ge @!p1 [sflag:s2], $0x1  }
0xb9: {  	s22 =	sshll.u32 s24, $0x4;
	[sflag:s2] =	ssyncset.done @!p1 $0x0  }
0xba: {  	s25 =	sand.u32 $0x10, s22;
	[sflag:s2] =	ssyncadd.s32 @!p1 $0xFFFFFFFF  }
0xbb: {  	s2 =	sxor.u32 $0x10, s25;
	v4 =	vld [tilespmem:s25+$0x10]  }
0xbc: {  	v5 =	vld [tilespmem:s2+$0x60]  }
0xbd: {  	v3 =	vld [tilespmem:$0x80];
	_ =	sdelay $0x2  }
0xbe: {  	(v2sf) =	vpush v4, $0x0  }
0xbf: {  	(v2sf) =	vpush v5, $0x0  }
0xc0: {  	(v2sf) =	vpush v3, $0x0;
	_ =	sdelay $0xc  }
0xc1: {  	s22 =	spop (v2sf)  }
0xc2: {  	s26 =	spop (v2sf)  }
0xc3: {  	s28 =	spop (v2sf)  }
0xc4: {  	p2 =	seq.s32 s22, s26;
	p3 =	seq.s32 s28, s22  }
0xc5: {  	p3 =	por p2, p3  }
0xc6: {  	s26 =	sand.u32 $0x1, s24;
	v4 =	vpsel p3, $0xFFFFFFFF, v4  }
0xc7: {  	s29 =	smul.u32 $0x1F40, s26;
	[tilespmem:s25+$0x10] =	vst.msk $0x1, v4  }
0xc8: {  	v4 =	vld [tilespmem:$0x30]  }
0xc9: {  	v5 =	vld [tilespmem:s29+$0x9D40]  }
0xca: {  	v6 =	vld [tilespmem:s25+$0x40];
	_ =	sdelay $0x3  }
0xcb: {  	vm4 =	vmmov vm1;
	v5 =	vadd.f32 v5, v4  }
0xcc: {  	vm5 =	vmmov vm2;
	vm4 =	vmmov @p2 vm2;
	s22 =	sshll.u32 s26, $0x4;
	v4 =	vadd.f32 v6, v4  }
0xcd: {  	s26 =	sor.u32 $0x11A40, s22;
	vm5 =	vmmov @p3 vm1;
	[tilespmem:s29+$0x9D40] =	vst.msk vm4, v5  }
0xce: {  	[tilespmem:s26+$0x0] =	vst.msk vm5, v4  }
0xcf: {  	v4 =	vld [tilespmem:s29+$0x7DF0];
	_ =	sdelay $0x3  }
0xd0: {  	v5 =	vimm.f32 $0.0e+00  }
0xd1: {  	v4 =	vshift.insert v4, v5, s21  }
0xd2: {  	s22 =	sor.u32 $0x40, s2  }
0xd3: {  	[tilespmem:s22+$0x0] =	vst.msk $0x1, v4  }
0xd4: {  	[tilespmem:s29+$0x7DFF] =	vst.msk $0x1, v5  }
0xd5: {  	v4 =	vld [tilespmem:s0+$0x2030];
	_ =	sdelay $0x1  }
0xd6: {  	s22 =	smulhi.u32 $0xAAAAAAAB, s20;
	s0 =	simm.s32 $0x1  }
0xd7: {  	s0 =	simm.s32 @!p0 $0x0  }
0xd8: {  	s22 =	sshrl.u32 s22, $0x1;
	s0 =	smul.u32 $0x7D00, s0  }
0xd9: {  	s22 =	smul.u32 $0xFFFE8900, s22;
	v4 =	vshift.insert v4, v1, s21  }
0xda: {  	s0 =	sshrl.u32 s0, $0x2  }
0xdb: {  	s22 =	sshra.s32 s22, $0x2;
	s30 =	sadd.s32 $0x9D40, s0;
	[tilespmem:s2+$0x10] =	vst.msk $0x1, v4  }
0xdc: {  	s22 =	sadd.s32 s22, s19;
	v6 =	vld [tilespmem:s30+$0x0]  }
0xdd: {  	v7 =	vld [tilespmem:s22+$0x0];
	_ =	sdelay $0x3  }
0xde: {  	v5 =	vadd.f32 v6, v5  }
0xdf: {  	vm4 =	vne.s32 v7, $0xFFFFFFFF  }
0xe0: {  	(xrf2) =	vadd.seg.scan.f32 vm4, v5;
	_ =	sdelay $0x3  }
0xe1: {  	s31 =	sadd.s32 $0x5EC0, s0;
	v5 =	vperm.xlane v4, v1  }
0xe2: {  	v6 =	vld [tilespmem:s31+$0x0]  }
0xe3: {  	vm5 =	veq.s32 v7, v3;
	vm6 =	veq.s32 v7, v5  }
0xe4: {  	vm7 =	vgt.u32 v7, $0xFFFFFFFD;
	vm6 =	vmor vm6, vm5  }
0xe5: {  	vm6 =	vmor vm6, vm7  }
0xe6: {  	v9 =	vld [tilespmem:$0xA0];
	v7 =	vsel vm6, $0xFFFFFFFF, v7  }
0xe7: {  	v10 =	vld [tilespmem:$0x90];
	v6 =	vsel vm5, $0x0, v6;
	v8, _, _ =	vpop (xrf2)  }
0xe8: {  	v6 =	vadd.f32 v8, v6  }
0xe9: {  	s0 =	sadd.s32 $0xDBC0, s0  }
0xea: {  	vm4 =	vmand vm4, vm3;
	[tilespmem:s0+$0x0] =	vst v6;
	(ifvalue) =	ssetifvalue $0xFFFFFFFF  }
0xeb: {  	vm6 =	veq.s32 v9, $0x1;
	[hbm4b:s1+s16] =	stream.indirect_vreg.scatter [tilespmem:s0], [sflag:$0x2], $0x1, v7, vm0, $0x4038;
	v7 =	vsel vm4, $0x0, v8;
	[tilespmem:$0x11A60] =	vst v63  }
0xec: {  	s2 =	simm.s32 $0x0;
	s22 =	sadd.s32 $0x10, s22;
	vm4 =	vmor vm6, vm5;
	v6 =	vsel vm5, v8, v10;
	v7 =	vshift.insert v7, v0, s21  }
.LBB3_7:
0xed: {  	v8 =	vld [tilespmem:s22+$0x0];
	s30 =	sadd.s32 $0x10, s30  }
0xee: {  	s31 =	sadd.s32 $0x10, s31;
	v9 =	vld [tilespmem:s30+$0x0]  }
0xef: {  	s2 =	sadd.s32 $0x10, s2;
	v10 =	vld [tilespmem:s31+$0x0]  }
0xf0: {  	p2 =	slt.u32 s2, $0x1F30;
	_ =	sdelay $0x2  }
0xf1: {  	v7 =	vadd.f32 v9, v7  }
0xf2: {  	vm5 =	vne.s32 v8, $0xFFFFFFFF  }
0xf3: {  	vm6 =	vmand vm5, vm3;
	(xrf2) =	vadd.seg.scan.f32 vm5, v7;
	_ =	sdelay $0x5  }
0xf4: {  	vm7 =	veq.s32 v8, v5;
	vm5 =	veq.s32 v8, v3  }
0xf5: {  	vm8 =	vgt.u32 v8, $0xFFFFFFFD;
	vm4 =	vmor vm4, vm5;
	vm7 =	vmor vm7, vm5  }
0xf6: {  	vm7 =	vmor vm7, vm8  }
0xf7: {  	v8 =	vsel vm7, $0xFFFFFFFF, v8  }
.Ltmp13:
0xf8: {  	v7 =	vsel vm5, $0x0, v10;
	v9, _, _ =	vpop (xrf2);
	(pc) =	sbr.rel @p2 .LBB3_7-.Ltmp13, $4  }
0xf9: {  	v6 =	vsel vm5, v9, v6;
	v10 =	vadd.f32 v9, v7;
	v7 =	vsel vm6, $0x0, v9  }
0xfa: {  	s0 =	sadd.s32 $0x10, s0;
	v7 =	vshift.insert v7, v0, s21  }
0xfb: {  	s22 =	sadd.s32 $0x10, s22;
	[tilespmem:s0+$0x0] =	vst v10;
	(ifvalue) =	ssetifvalue $0xFFFFFFFF  }
0xfc: {  	[hbm4b:s1+s16] =	stream.indirect_vreg.scatter [tilespmem:s0], [sflag:$0x2], $0x1, v8, vm0, $0x4038;
	[tilespmem:$0x11A60] =	vst v63  }
0xfd: {  	v3 =	vld [tilespmem:s29+$0xFAF0];
	_ =	sdelay $0x4  }
0xfe: {  	v3 =	vshift.insert v3, v0, s21  }
0xff: {  	s0 =	simm.s32 $0x30  }
0x100: {  	[tilespmem:s0+$0x0] =	vst.msk $0x1, v3  }
0x101: {  	v3 =	vsel vm4, $0x1, v1;
	[tilespmem:$0x90] =	vst v6  }
0x102: {  	s0 =	sadd.s32 @!p1 $0xFAFF, s29;
	[tilespmem:$0xA0] =	vst v3  }
0x103: {  	[spmem:s14] =	stream.linear.scatter @!p1 [tilespmem:s0], [sflag:$0x1], $0x1, $0x38;
	[tilespmem:$0x11A60] =	vst v63  }
0x104: {  	s0 =	simm.s32 @!p1 $0x1  }
0x105: {  	v3 =	vmctz.xlane @!p1 vm4;
	_ =	swait.ge @!p1 [sflag:s0], $0x1  }
0x106: {  	(v2sf) =	vpush @!p1 v4, $0x0  }
0x107: {  	(v2sf) =	vpush @!p1 v3, $0x0;
	_ =	sdelay $0xd  }
0x108: {  	s2 =	spop @!p1 (v2sf)  }
0x109: {  	s22 =	spop @!p1 (v2sf)  }
0x10a: {  	p2 =	sne.s32 @!p1 s28, s2;
	p3 =	slt.s32 @!p1 s22, $0xF  }
0x10b: {  	[sflag:s0] =	ssyncset.done @!p1 $0x0;
	p2 =	por p2, p1;
	p3 =	por !p3, p1  }
0x10c: {  	[sflag:s0] =	ssyncadd.s32 @!p1 $0xFFFFFFFF;
	v3 =	vimm.s32 @!p2 $0xFFFFFFFF;
	s22 =	simm.s32 @p3 $0xF  }
0x10d: {  	[tilespmem:$0x80] =	vst @!p2 v3;
	s2 =	sadd.s32 @!p1 $0x90, s22  }
0x10e: {  	[spmem:s10] =	stream.linear.scatter @!p1 [tilespmem:s2], [sflag:$0x1], $0x1, $0x38;
	[tilespmem:$0x11A60] =	vst v63  }
0x10f: {  	_ =	swait.ge @!p1 [sflag:s0], $0x1  }
0x110: {  	[sflag:s0] =	ssyncset.done @!p1 $0x0  }
0x111: {  	s2 =	simm.s32 @!p1 $0x80;
	[sflag:s0] =	ssyncadd.s32 @!p1 $0xFFFFFFFF  }
0x112: {  	[spmem:s15] =	stream.linear.scatter @!p1 [tilespmem:s2], [sflag:$0x1], $0x1, $0x38;
	[tilespmem:$0x11A60] =	vst v63  }
0x113: {  	_ =	swait.ge @!p1 [sflag:s0], $0x1  }
0x114: {  	[sflag:s0] =	ssyncset.done @!p1 $0x0  }
0x115: {  	[sflag:s0] =	ssyncadd.s32 @!p1 $0xFFFFFFFF;
	(ifvalue) =	ssetifvalue $0xFFFFFFFF;
	v3 =	vld [tilespmem:s25+$0x10];
	_ =	sdelay $0x3  }
.Ltmp14:
0x116: {  	_ = 	snop;
	(pc) =	sbr.rel .LBB3_9-.Ltmp14, $3  }
0x117: {  	_ =	sdelay $0x1  }
0x118: {  	(ifvalue) =	ssetifvalue $0xFFFFFFFF  }
0x119: {  	[hbm4b:s1+s16] =	stream.indirect_vreg.scatter [tilespmem:s26], [sflag:$0x9], $0x1, v3, vm0, $0x4038;
	[tilespmem:$0x11A60] =	vst v63  }
.LBB3_10:
0x11a: {  	_ =	sfence.sel $0x180000  }
0x11b: {  	s0 =	simm.s32 $0x7;
	[bflag:$0x0] =	sbarrier.arrive $0xFFFF  }
0x11c: {  	s26 =	simm.s32 $0x8;
	[sflag:s0] =	ssyncpa.u1 $0x1  }
0x11d: {  	s28 =	simm.s32 $0x9;
	[sflag:s26] =	ssyncpa.u1 $0x1  }
0x11e: {  	[sflag:s28] =	ssyncpa.u1 $0x1  }
0x11f: {  	_ =	sfence.stream.spmem  }
0x120: {  	s29 =	simm.s32 $0x3;
	[bflag:$0x0] =	sbarrier.arrive $0xFFFF  }
0x121: {  	s30 =	simm.s32 $0x4;
	[sflag:s29] =	ssyncpa.u1 $0x1  }
0x122: {  	s31 =	simm.s32 $0x3C;
	s2 =	stileid.u32;
	[sflag:s30] =	ssyncpa.u1 $0x1  }
0x123: {  	p0 =	sne.s32 s2, $0x0;
	[sflag:s31] =	ssyncpa.u1 $0x1  }
0x124: {  	s0 =	simm.s32 @p0 $0x1;
	_ =	sfence @p0  }
0x125: {  	[sflag:s0] =	ssyncpa.u1 @p0 $0x1;
	s0 =	simm.s32 @p0 $0x2  }
0x126: {  	[sflag:s0] =	ssyncpa.u1 @p0 $0x1  }
0x127: {  	_ =	strace @p0 $0x90000050  }
0x128: {  	[bflag:$0x2] =	sbarrier.arrive @p0 $0xFFFF  }
0x129: {  	_ =	shalt @p0  }
.LBB3_11:
0x12a: {  	_ =	sfence.stream.spmem;
	s0 =	simm.s32 $0x5  }
0x12b: {  	s2 =	simm.s32 $0x80;
	s3 =	simm.s32 $0xC0;
	[sflag:s0] =	ssyncpa.u1 $0x0  }
0x12c: {  	[tilespmem:s3], [sflag:$0x5] =	stream.linear.gather [spmem:s2], $0x20, $0x38;
	[tilespmem:$0x11A60] =	vst v63  }
0x12d: {  	s2 =	simm.s32 $0x0;
	s3 =	simm.s32 $0xE0  }
0x12e: {  	[tilespmem:s3], [sflag:$0x5] =	stream.linear.gather [spmem:s2], $0x20, $0x38;
	[tilespmem:$0x11A60] =	vst v63  }
.Ltmp15:
0x12f: {  	_ = 	snop;
	(pc) =	sbr.rel .LBB3_12-.Ltmp15, $4  }
0x130: {  	_ =	swait.ge [sflag:s0], $0x40  }
0x131: {  	[sflag:s0] =	ssyncset.done $0x0  }
0x132: {  	s31 =	simm.s32 $0x6;
	[sflag:s0] =	ssyncadd.s32 $0xFFFFFFC0  }
0x133: {  	s4 =	simm.s32 $0x0;
	[sflag:s31] =	ssyncpa.u1 $0x0  }
.LBB3_17:
0x134: {  	p0 =	sgt.u32 s5, $0x27FF  }
0x135: {  	s0 =	sshrl.u32 @!p0 s5, $0x3  }
0x136: {  	s5 =	sand.u32 @!p0 $0x7, s5;
	s6 =	simm.s32 @!p0 $0xB0;
	s0 =	sadd.s32 @!p0 s1, s0  }
0x137: {  	[tilespmem:s6], [sflag:$0x6] =	stream.linear.gather @!p0 [hbm4b:s0+s5], $0x1, $0x38;
	[tilespmem:$0x11A60] =	vst v63  }
0x138: {  	s0 =	simm.s32 @!p0 $0x6  }
0x139: {  	_ =	swait.ge @!p0 [sflag:s0], $0x1  }
0x13a: {  	[sflag:s0] =	ssyncset.done @!p0 $0x0  }
0x13b: {  	[sflag:s0] =	ssyncadd.s32 @!p0 $0xFFFFFFFF  }
0x13c: {  	v2 =	vmov @!p0 s4;
	v1 =	vld.msk @!p0 [tilespmem:$0xB0], $0x1;
	_ =	sdelay $0x3  }
0x13d: {  	s0 =	simm.s32 @!p0 $0xE0  }
0x13e: {  	[tilespmem:v2+s0+$0x0], v1 =	vst.idx.ret.add.f32.msk @!p0 $0x1, v1  }
0x13f: {  	[tilespmem:s2+$0xC0] =	vst.msk $0x1, v0  }
0x140: {  	v0 =	vld.msk [tilespmem:s4+$0xE0], $0x1;
	_ =	sdelay $0x4  }
0x141: {  	[tilespmem:s2+$0xE0] =	vst.msk $0x1, v0;
	s2 =	sadd.s32 $0x1, s2  }
.LBB3_19:
0x142: {  	s4 =	sadd.s32 $0x1, s4  }
0x143: {  	p0 =	sne.s32 s4, $0x20  }
.Ltmp16:
0x144: {  	_ = 	snop;
	(pc) =	sbr.rel @!p0 .LBB3_20-.Ltmp16, $1  }
0x145: {  	_ =	sdelay $0x3  }
.LBB3_12:
0x146: {  	v0 =	vld.msk [tilespmem:s4+$0xC0], $0x1;
	_ =	sdelay $0x4  }
0x147: {  	(v2sf) =	vpush v0, $0x0;
	_ =	sdelay $0xe  }
0x148: {  	s5 =	spop (v2sf)  }
0x149: {  	p0 =	seq.s32 s5, $0xFFFFFFFF  }
.Ltmp17:
0x14a: {  	_ = 	snop;
	(pc) =	sbr.rel @p0 .LBB3_19-.Ltmp17, $1  }
0x14b: {  	_ =	sdelay $0x3  }
0x14c: {  	p0 =	slt.s32 s2, $0x1  }
.Ltmp18:
0x14d: {  	_ = 	snop;
	(pc) =	sbr.rel @p0 .LBB3_17-.Ltmp18, $1  }
0x14e: {  	_ =	sdelay $0x3  }
0x14f: {  	s0 =	simm.s32 $0xC0;
	p0 =	por $0x0, $0x0  }
0x150: {  	v1 =	vld.msk @!p0 [tilespmem:s0+$0x0], $0x1;
	_ =	sdelay $0x4  }
0x151: {  	(v2sf) =	vpush @!p0 v1, $0x0;
	_ =	sdelay $0xd  }
0x152: {  	p2 =	sne.s32 s2, $0x1  }
.Ltmp19:
0x153: {  	s6 =	spop @!p0 (v2sf);
	(pc) =	sbr.rel @!p2 .LBB3_16-.Ltmp19, $4  }
0x154: {  	p1 =	seq.s32 @!p0 s5, s6  }
0x155: {  	s6 =	simm.s32 $0x0;
	p1 =	por !p1, p0  }
0x156: {  	s8 =	simm.s32 $0xFFFFFFFF;
	s6 =	simm.s32 @p1 $0xFFFFFFFF  }
0x157: {  	s7 =	simm.s32 $0x1;
	s6 =	smov.u32 @p0 s8  }
.LBB3_15:
0x158: {  	s8 =	smov.u32 s6;
	p0 =	sne.s32 s6, $0xFFFFFFFF  }
0x159: {  	s0 =	sadd.s32 $0x1, s0;
	s6 =	smov.u32 s7;
	s7 =	sadd.s32 $0x1, s7  }
0x15a: {  	p1 =	sne.s32 s2, s7;
	v1 =	vld.msk @!p0 [tilespmem:s0+$0x0], $0x1;
	_ =	sdelay $0x4  }
0x15b: {  	(v2sf) =	vpush @!p0 v1, $0x0;
	_ =	sdelay $0xe  }
.Ltmp20:
0x15c: {  	s9 =	spop @!p0 (v2sf);
	(pc) =	sbr.rel @p1 .LBB3_15-.Ltmp20, $4  }
0x15d: {  	p2 =	seq.s32 @!p0 s5, s9  }
0x15e: {  	p2 =	por !p2, p0  }
0x15f: {  	s6 =	simm.s32 @p2 $0xFFFFFFFF  }
0x160: {  	s6 =	smov.u32 @p0 s8  }
.LBB3_16:
0x161: {  	p0 =	sne.s32 s6, $0xFFFFFFFF  }
.Ltmp21:
0x162: {  	_ = 	snop;
	(pc) =	sbr.rel @!p0 .LBB3_17-.Ltmp21, $1  }
0x163: {  	_ =	sdelay $0x3  }
0x164: {  	v0 =	vld.msk [tilespmem:s4+$0xE0], $0x1;
	v1 =	vmov s6  }
.Ltmp22:
0x165: {  	_ = 	snop;
	(pc) =	sbr.rel .LBB3_19-.Ltmp22, $2  }
0x166: {  	_ =	sdelay $0x2  }
0x167: {  	[tilespmem:v1+s3+$0x0], v0 =	vst.idx.ret.add.f32.msk $0x1, v0  }
.LBB3_20:
0x168: {  	p0 =	slt.s32 s2, $0x1  }
.Ltmp23:
0x169: {  	_ = 	snop;
	(pc) =	sbr.rel @p0 .LBB3_24-.Ltmp23, $3  }
0x16a: {  	_ =	sdelay $0x1  }
0x16b: {  	s0 =	simm.s32 $0x6  }
0x16c: {  	s3 =	simm.s32 $0x0;
	[sflag:s0] =	ssyncpa.u1 $0x1  }
0x16d: {  	s0 =	simm.s32 $0xC0  }
0x16e: {  	v0 =	vld.msk [tilespmem:s0+$0x0], $0x1;
	_ =	sdelay $0x4  }
0x16f: {  	(v2sf) =	vpush v0, $0x0;
	_ =	sdelay $0xe  }
0x170: {  	s2 =	sadd.s32 $0xFFFFFFFF, s2;
	s4 =	spop (v2sf)  }
0x171: {  	p1 =	sne.s32 s2, $0x0;
	p0 =	sgt.u32 s4, $0x27FF  }
.Ltmp24:
0x172: {  	s5 =	sshrl.u32 @!p0 s4, $0x3;
	(pc) =	sbr.rel @!p1 .LBB3_23-.Ltmp24, $4  }
0x173: {  	s0 =	simm.s32 $0xE0;
	s4 =	sand.u32 @!p0 $0x7, s4;
	s5 =	sadd.s32 @!p0 s1, s5  }
0x174: {  	[hbm4b:s5+s4] =	stream.linear.scatter @!p0 [tilespmem:s0], [sflag:$0x5], $0x1, $0x38;
	[tilespmem:$0x11A60] =	vst v63  }
0x175: {  	s5 =	simm.s32 $0x0  }
0x176: {  	s4 =	simm.s32 $0xC1;
	s5 =	simm.s32 @!p0 $0x4  }
.LBB3_22:
0x177: {  	v0 =	vld.msk [tilespmem:s4+$0x0], $0x1;
	s2 =	sadd.s32 $0xFFFFFFFF, s2;
	s3 =	sadd.s32 s3, s5  }
0x178: {  	p0 =	sne.s32 s2, $0x0;
	_ =	sdelay $0x3  }
0x179: {  	(v2sf) =	vpush v0, $0x0;
	_ =	sdelay $0xe  }
.Ltmp25:
0x17a: {  	s6 =	spop (v2sf);
	(pc) =	sbr.rel @p0 .LBB3_22-.Ltmp25, $4  }
0x17b: {  	s5 =	simm.s32 $0x0;
	p1 =	sgt.u32 s6, $0x27FF  }
0x17c: {  	s0 =	sadd.s32 $0x1, s0;
	s5 =	simm.s32 @!p1 $0x4;
	s7 =	sshrl.u32 @!p1 s6, $0x3  }
0x17d: {  	s4 =	sadd.s32 $0x1, s4;
	s6 =	sand.u32 @!p1 $0x7, s6;
	s7 =	sadd.s32 @!p1 s1, s7  }
0x17e: {  	[hbm4b:s7+s6] =	stream.linear.scatter @!p1 [tilespmem:s0], [sflag:$0x5], $0x1, $0x38;
	[tilespmem:$0x11A60] =	vst v63  }
.LBB3_23:
0x17f: {  	s0 =	sadd.s32 s3, s5  }
0x180: {  	s3 =	sshrl.u32 s0, $0x2  }
.LBB3_24:
0x181: {  	s0 =	simm.s32 $0x5  }
0x182: {  	_ =	swait.ge [sflag:s0], s3  }
0x183: {  	s1 =	ssub.s32 $0x0, s3;
	[sflag:s0] =	ssyncset.done $0x0  }
0x184: {  	[sflag:s0] =	ssyncadd.s32 s1  }
0x185: {  	[sflag:s0] =	ssyncpa.u1 $0x1  }
0x186: {  	s29 =	simm.s32 $0x1;
	_ =	sfence  }
0x187: {  	s30 =	simm.s32 $0x2;
	[sflag:s29] =	ssyncpa.u1 $0x1  }
0x188: {  	[sflag:s30] =	ssyncpa.u1 $0x1  }
0x189: {  	_ =	strace $0x90000050  }
0x18a: {  	[bflag:$0x2] =	sbarrier.arrive $0xFFFF  }
0x18b: {  	s31 =	rddreg [dreg:$0x2]  }
0x18c: {  	s0 =	sadd.s32 $0x100000, s31  }
0x18d: {  	[sflag:s0] =	ssyncadd.tile.s32 $0x1;
	_ =	shalt  }
.Lfunc_end3:
_tile_overlayer_lowered:
.L_overlay_start_3:
0x18e: {  	(tag) =	ssettag $0x3  }
0x18f: {  	s0 =	rddreg [dreg:$0x0];
	s2 =	stileid.u32  }
0x190: {  	s1 =	rddreg [dreg:$0x1];
	p0 =	sne.s32 s2, $0x0  }
0x191: {  	s3 =	rddreg [dreg:$0x2];
	[bflag:$0x3] =	sbarrier.arrive $0xFFFF;
	s2 =	simm.s32 @!p0 $0x1C01  }
0x192: {  	[timem:s3], [sflag:s2] =	dma.local @!p0 [hbm:s0], s1  }
0x193: {  	s0 =	simm.s32 @!p0 $0x1  }
0x194: {  	_ =	swait.ge @!p0 [sflag:s0], s1  }
0x195: {  	s1 =	ssub.s32 @!p0 $0x0, s1;
	[sflag:s0] =	ssyncset.done @!p0 $0x0  }
0x196: {  	[sflag:s0] =	ssyncadd.s32 @!p0 s1  }
0x197: {  	[bflag:$0x3] =	sbarrier.arrive $0xFFFF  }
0x198: {  	_ =	shalt  }

// kernel: scatter_offload_async_start.2
scs
__scs_entry_jumppad:
0x0: {  	(pc) =	sbr.rel $0x88, $3  }
0x1: {  	(tag) =	ssettag $0x0;
	lr =	simm.s32 $0x1  }
0x2: {  	[smem:$0x3F97] =	sst lr;
	_ =	strace $0xD0000000  }
0x3: {  	_ = 	snop  }
0x4: {  	_ = 	snop  }
0x5: {  	_ = 	snop  }
0x6: {  	_ = 	snop  }
0x7: {  	_ = 	snop  }
__scs_overlays_trampoline_lowered:
0x8: {  	[smem:$0x3FA6] =	sst s0  }
0x9: {  	[smem:$0x3FA7] =	sst s1  }
0xa: {  	[smem:$0x3FA8] =	sst s2  }
0xb: {  	[smem:$0x3FA9] =	sst s3  }
0xc: {  	[smem:$0x3FAA] =	sst s4  }
0xd: {  	[smem:$0x3FAB] =	sst s5  }
0xe: {  	[smem:$0x3FAC] =	sst s6  }
0xf: {  	[smem:$0x3FAD] =	sst s7  }
0x10: {  	[smem:$0x3FAE] =	sst s8  }
0x11: {  	[smem:$0x3FAF] =	sst s9;
	s0 =	simm.s32 @!p0 $0x0  }
0x12: {  	s1 =	sld [smem:$0x3F95];
	s0 =	simm.s32 @p0 $0x1  }
0x13: {  	[smem:$0x3FB0] =	sst s0;
	s0 =	simm.s32 @!p1 $0x0  }
0x14: {  	s2 =	sld [smem:$0x3F94];
	s0 =	simm.s32 @p1 $0x1  }
0x15: {  	[smem:$0x3FB1] =	sst s0;
	s0 =	simm.s32 @!p2 $0x0  }
0x16: {  	s3 =	sld [smem:$0x3FDB];
	s0 =	simm.s32 @p2 $0x1  }
0x17: {  	s4 =	simm.s32 $0x1BF5;
	[smem:$0x3FB3] =	sst s0  }
0x18: {  	s0 =	sld [smem:$0x3F96];
	_ =	swait.ge [sflag:s4], $0x0  }
0x19: {  	s7 =	sld [smem:$0x3F97]  }
0x1a: {  	s8 =	sadd.s32 $0xFFFFE003, lr  }
0x1b: {  	s9 =	sadd.s32 $0xFFFFFEF7, lr;
	s5 =	simm.s32 $0xFFFFFFFF;
	p2 =	slt.u32 s8, $0xFFFFF086  }
0x1c: {  	p1 =	slt.u32 s9, $0xF7A;
	s5 =	simm.s32 @!p2 $0x0  }
0x1d: {  	s5 =	simm.s32 @p1 $0x1;
	p0 =	seq.s32 s7, s2  }
0x1e: {  	s7 =	smul.u32 @!p0 $0xF7A, s2;
	p2 =	seq.s32 @!p0 s5, $0x0  }
0x1f: {  	s9 =	smul.u32 $0xF7A, s1;
	s8 =	simm.s32 @!p0 $0x1BF5;
	p2 =	por !p2, p0  }
0x20: {  	[sflag:s8] =	ssyncset.s32 @!p0 $0xFFFFF086;
	s6 =	sadd.s32 @!p0 s3, s7;
	s7 =	simm.s32 @!p0 $0x108  }
0x21: {  	s3 =	sadd.s32 s3, s9;
	s6 =	sadd.s32 @!p0 $0x88, s6;
	s7 =	simm.s32 @p2 $0x1082  }
0x22: {  	[simem:s7], [sflag:s8] =	dma.local @!p0 [hbm:s6], $0xF7A  }
0x23: {  	s9 =	sor.u32 $0xD0000000, s2;
	s6 =	simm.s32 $0x108;
	_ =	swait.ge @!p0 [sflag:s8], $0x0  }
0x24: {  	s3 =	sadd.s32 $0x88, s3;
	s6 =	simm.s32 @!p1 $0x1082;
	[sflag:s4] =	ssyncset.s32 $0xFFFFF086  }
0x25: {  	[simem:s6], [sflag:s4] =	dma.local [hbm:s3], $0xF7A  }
0x26: {  	[smem:$0x3F97] =	sst s1;
	(tag) =	ssettag s2;
	_ =	strace s9  }
0x27: {  	s1 =	sld [smem:$0x3FA7]  }
0x28: {  	s2 =	sld [smem:$0x3FA8]  }
0x29: {  	s4 =	sld [smem:$0x3FAA]  }
0x2a: {  	p0 =	seq.s32 s5, $0x0;
	s5 =	sld [smem:$0x3FAB]  }
0x2b: {  	s6 =	sld [smem:$0x3FAC]  }
0x2c: {  	s7 =	sld [smem:$0x3FAD]  }
0x2d: {  	s3 =	simm.s32 $0x108;
	s8 =	sld [smem:$0x3FAE]  }
0x2e: {  	s3 =	simm.s32 @!p0 $0x1082;
	s9 =	sld [smem:$0x3FAF]  }
0x2f: {  	lr =	sadd.s32 s0, s3;
	s0 =	sld [smem:$0x3FA6]  }
0x30: {  	s3 =	sld [smem:$0x3FA9]  }
0x31: {  	[smem:$0x3FB2] =	sst s10  }
0x32: {  	s10 =	sld [smem:$0x3FB0];
	_ =	sdelay $0x3  }
0x33: {  	p0 =	seq.s32 s10, $0x1;
	s10 =	sld [smem:$0x3FB2];
	_ =	sdelay $0x3  }
0x34: {  	[smem:$0x3FB2] =	sst s10  }
0x35: {  	s10 =	sld [smem:$0x3FB1];
	_ =	sdelay $0x3  }
0x36: {  	p1 =	seq.s32 s10, $0x1;
	s10 =	sld [smem:$0x3FB2];
	_ =	sdelay $0x3  }
0x37: {  	[smem:$0x3FB2] =	sst s10  }
0x38: {  	s10 =	sld [smem:$0x3FB3]  }
0x39: {  	_ = 	snop;
	(pc) =	sbr.ind lr, $3  }
0x3a: {  	_ = 	snop  }
0x3b: {  	_ = 	snop  }
0x3c: {  	p2 =	seq.s32 s10, $0x1;
	s10 =	sld [smem:$0x3FB2]  }
0x3d: {  	_ =	shalt  }
0x3e: {  	_ =	shalt  }
0x3f: {  	_ =	shalt  }
0x40: {  	_ =	shalt  }
0x41: {  	_ =	shalt  }
0x42: {  	_ =	shalt  }
0x43: {  	_ =	shalt  }
0x44: {  	_ =	shalt  }
0x45: {  	_ =	shalt  }
0x46: {  	_ =	shalt  }
0x47: {  	_ =	shalt  }
0x48: {  	_ =	shalt  }
0x49: {  	_ =	shalt  }
0x4a: {  	_ =	shalt  }
0x4b: {  	_ =	shalt  }
0x4c: {  	_ =	shalt  }
0x4d: {  	_ =	shalt  }
0x4e: {  	_ =	shalt  }
0x4f: {  	_ =	shalt  }
0x50: {  	_ =	shalt  }
0x51: {  	_ =	shalt  }
0x52: {  	_ =	shalt  }
0x53: {  	_ =	shalt  }
0x54: {  	_ =	shalt  }
0x55: {  	_ =	shalt  }
0x56: {  	_ =	shalt  }
0x57: {  	_ =	shalt  }
0x58: {  	_ =	shalt  }
0x59: {  	_ =	shalt  }
0x5a: {  	_ =	shalt  }
0x5b: {  	_ =	shalt  }
0x5c: {  	_ =	shalt  }
0x5d: {  	_ =	shalt  }
0x5e: {  	_ =	shalt  }
0x5f: {  	_ =	shalt  }
0x60: {  	_ =	shalt  }
0x61: {  	_ =	shalt  }
0x62: {  	_ =	shalt  }
0x63: {  	_ =	shalt  }
0x64: {  	_ =	shalt  }
0x65: {  	_ =	shalt  }
0x66: {  	_ =	shalt  }
0x67: {  	_ =	shalt  }
0x68: {  	_ =	shalt  }
0x69: {  	_ =	shalt  }
0x6a: {  	_ =	shalt  }
0x6b: {  	_ =	shalt  }
0x6c: {  	_ =	shalt  }
0x6d: {  	_ =	shalt  }
0x6e: {  	_ =	shalt  }
0x6f: {  	_ =	shalt  }
0x70: {  	_ =	shalt  }
0x71: {  	_ =	shalt  }
0x72: {  	_ =	shalt  }
0x73: {  	_ =	shalt  }
0x74: {  	_ =	shalt  }
0x75: {  	_ =	shalt  }
0x76: {  	_ =	shalt  }
0x77: {  	_ =	shalt  }
0x78: {  	_ =	shalt  }
0x79: {  	_ =	shalt  }
0x7a: {  	_ =	shalt  }
0x7b: {  	_ =	shalt  }
0x7c: {  	_ =	shalt  }
0x7d: {  	_ =	shalt  }
0x7e: {  	_ =	shalt  }
0x7f: {  	_ =	shalt  }
0x80: {  	_ =	shalt  }
0x81: {  	_ =	shalt  }
0x82: {  	_ =	shalt  }
0x83: {  	_ =	shalt  }
0x84: {  	_ =	shalt  }
0x85: {  	_ =	shalt  }
0x86: {  	_ =	shalt  }
0x87: {  	_ =	shalt  }
.Lfunc_end0:
.L_simem_size_0:
called_computation.2_lowered:
.L_overlay_start_0:
0x88: {  	s0 =	sld [smem:$0x3FD9]  }
0x89: {  	s1 =	sld [smem:$0x3FFE];
	_ =	sdelay $0x3  }
0x8a: {  	s0 =	sadd.s32 s1, s0  }
0x8b: {  	[smem:$0x3FBE] =	sst s0  }
0x8c: {  	_ = 	snop  }
0x8d: {  	s0 =	sld [smem:$0x3FD0];
	_ =	sdelay $0x2  }
0x8e: {  	s12 =	simm.s32 $0xE;
	s2 =	simm.s32 $0x10  }
0x8f: {  	[smem:s2], [sflag:s12] =	dma.local [hbm:s0], $0x1  }
0x90: {  	_ =	swait.eq [sflag:s12], $0x1  }
0x91: {  	[sflag:s12] =	ssyncset.done $0x0  }
0x92: {  	[sflag:s12] =	ssyncadd.s32 $0xFFFFFFFF  }
0x93: {  	s13 =	sld [smem:$0x10];
	(tm) =	ssettm $0x1  }
0x94: {  	s14 =	sld [smem:$0x3FFB];
	_ =	sdelay $0x3  }
0x95: {  	_ =	strace s14  }
0x96: {  	s0 =	sld [smem:$0x3FFC];
	_ =	sdelay $0x3  }
0x97: {  	_ =	strace s0  }
0x98: {  	s0 =	sld [smem:$0x3FFD];
	_ =	sdelay $0x3  }
0x99: {  	_ =	strace s0  }
0x9a: {  	_ =	strace $0x8FFFFFFF  }
0x9b: {  	s15 =	sld [smem:$0x3FDB];
	_ =	sdelay $0x1  }
0x9c: {  	s16 =	simm.s32 $_scs_section_size  }
0x9d: {  	s3 =	simm.s32 $_size__tile_overlayer_lowered;
	s4 =	simm.s32 $_tile_overlayer_lowered  }
0x9e: {  	s5 =	simm.s32 $0x1BFF;
	s17 =	sshll.u32 s4, $0x1;
	s2 =	sadd.s32 s16, s15  }
0x9f: {  	s18 =	simm.s32 $0x0;
	s3 =	sshll.u32 s3, $0x1;
	s4 =	sadd.s32 s17, s2  }
0xa0: {  	[timem:s18], [sflag:s5] =	dma.local [hbm:s4], s3  }
0xa1: {  	_ =	swait.ge [sflag:s5], s3  }
0xa2: {  	s3 =	ssub.s32 $0x0, s3;
	[sflag:s5] =	ssyncset.done $0x0  }
0xa3: {  	[sflag:s5] =	ssyncadd.s32 s3;
	_ =	sdelay $0x1  }
0xa4: {  	s19 =	simm.s32 $0x1B8B  }
0xa5: {  	_ =	swait.ge [sflag:s19], $0x1  }
0xa6: {  	[sflag:s19] =	ssyncset.done $0x0  }
0xa7: {  	s21 =	simm.s32 $0x1B8E;
	s20 =	sld [smem:$0x3FFE];
	[sflag:s19] =	ssyncadd.s32 $0xFFFFFFFF  }
0xa8: {  	s22 =	simm.s32 $execute0_lowered;
	[smem:$0x3FD2] =	sst s21  }
0xa9: {  	s4 =	sshll.u32 s22, $0x1;
	_ =	strace $0x80000067;
	[dreg:$0x1] =	wrdreg $0xFFFFFFFF  }
0xaa: {  	s23 =	simm.s32 $_size_execute0_lowered;
	s4 =	sadd.s32 s2, s4;
	[dreg:$0x0] =	wrdreg $0x0  }
0xab: {  	s5 =	sshll.u32 s23, $0x1;
	[dreg:$0x2] =	wrdreg s4  }
0xac: {  	[dreg:$0x3] =	wrdreg s5  }
0xad: {  	[dreg:$0x4] =	wrdreg $0xC0  }
0xae: {  	s24 =	simm.s32 $execute1_lowered;
	_ =	task [dreg:s18], $0x5FFFF  }
0xaf: {  	s4 =	sshll.u32 s24, $0x1;
	[dreg:$0x1] =	wrdreg $0xFFFFFFFF  }
0xb0: {  	s2 =	sadd.s32 s2, s4;
	[dreg:$0x0] =	wrdreg $0x60  }
0xb1: {  	[dreg:$0x2] =	wrdreg s2  }
0xb2: {  	[dreg:$0x3] =	wrdreg s20  }
0xb3: {  	[dreg:$0x4] =	wrdreg s13  }
0xb4: {  	[dreg:$0x5] =	wrdreg $0xC  }
0xb5: {  	_ =	task.clear_ibuf [dreg:s18], $0x6FFFF;
	_ =	strace $0x90000067  }
0xb6: {  	s25 =	simm.s32 $0xC;
	_ =	strace $0x80000069  }
0xb7: {  	_ =	swait.ge [sflag:s25], $0x1  }
0xb8: {  	[sflag:s25] =	ssyncadd.s32 $0xFFFFFFFF  }
0xb9: {  	_ =	strace $0x90000069  }
0xba: {  	_ =	strace $0x8000006A;
	[dreg:$0x1] =	wrdreg $0xFFFFFFFF  }
0xbb: {  	[dreg:$0x0] =	wrdreg $0x2030  }
0xbc: {  	[dreg:$0x2] =	wrdreg s13  }
0xbd: {  	[dreg:$0x3] =	wrdreg s20  }
0xbe: {  	[dreg:$0x4] =	wrdreg $0xD  }
0xbf: {  	_ =	task.clear_ibuf [dreg:s18], $0x5FFFF;
	_ =	strace $0x9000006A  }
0xc0: {  	s26 =	simm.s32 $0xD;
	_ =	strace $0x8000006C  }
0xc1: {  	_ =	swait.ge [sflag:s26], $0x1  }
0xc2: {  	[sflag:s26] =	ssyncadd.s32 $0xFFFFFFFF  }
0xc3: {  	_ =	strace $0x9000006C  }
0xc4: {  	_ =	sfence  }
0xc5: {  	s28 =	sld [smem:$0x0];
	_ =	sdelay $0x1  }
0xc6: {  	s29 =	srdreg.scid  }
0xc7: {  	s30 =	sshll.u32 s29, $0xD;
	s31 =	sshrl.u32 s29, $0x2  }
0xc8: {  	s3 =	sand.u32 $0x4000, s30;
	s2 =	sand.u32 $0x1, s29;
	s1 =	sadd.s32 s31, s28  }
0xc9: {  	s2 =	sor.u32 s3, s2;
	s1 =	sshll.u32 s1, $0x11  }
0xca: {  	s1 =	sor.u32 s1, s2  }
0xcb: {  	s1 =	sadd.s32 $0x8F2B, s1  }
0xcc: {  	[sflag:s1] =	ssyncadd.remote.s32 $0x1  }
0xcd: {  	_ =	sfence.sel $0xFFFF  }
0xce: {  	[dreg:$0x0] =	wrdreg $0xFFFFFFFF;
	(pc) =	sbr.abs _section_cstart, $3  }
0xcf: {  	[dreg:$0x1] =	wrdreg $0xFFFFFFFF  }
0xd0: {  	_ =	task.clear_ibuf [dreg:s18], $0x2FFFF;
	_ =	strace $0x9FFFFFFF  }
0xd1: {  	(tm) =	ssettm $0x7FFFFFFF  }
tec
execute0_lowered:
.L_overlay_start_1:
0x0: {  	(tag) =	ssettag $0x1  }
0x1: {  	s3 =	rddreg [dreg:$0x0]  }
0x2: {  	s5 =	rddreg [dreg:$0x1]  }
0x3: {  	s2 =	rddreg [dreg:$0x2]  }
0x4: {  	s0 =	rddreg [dreg:$0x3];
	s4 =	stileid.u32  }
0x5: {  	[bflag:$0x3] =	sbarrier.arrive $0xFFFF;
	s1 =	simm.s32 $_size_execute1_lowered;
	p0 =	sne.s32 s4, $0x0  }
0x6: {  	s1 =	sshll.u32 s1, $0x1;
	s6 =	simm.s32 @!p0 $0x1C3F;
	s7 =	simm.s32 @!p0 $0x4060  }
0x7: {  	[timem:s7], [sflag:s6] =	dma.local @!p0 [hbm:s3], s1  }
0x8: {  	s3 =	smul.u32 $0x280, s4  }
.Ltmp0:
0x9: {  	s31 =	simm.s32 $0x2;
	(pc) =	sbr.rel .LBB2_1-.Ltmp0, $4  }
0xa: {  	s8 =	simm.s32 $0x780;
	s10 =	simm.s32 $0x0;
	s9 =	simm.s32 $0x0  }
0xb: {  	s4 =	simm.s32 $0x1;
	_ =	strace $0x80000068;
	s30 =	sshrl.u32 s3, $0x3  }
0xc: {  	s6 =	simm.s32 $0x0;
	[sflag:s4] =	ssyncpa.u1 $0x0;
	s5 =	sadd.s32 s30, s5  }
0xd: {  	s7 =	simm.s32 $0x280;
	[sflag:s31] =	ssyncpa.u1 $0x0;
	s5 =	sadd.s32 $0x23000, s5  }
.LBB2_8:
0xe: {  	p1 =	seq.s32 s9, $0x2  }
.Ltmp1:
0xf: {  	_ = 	snop;
	(pc) =	sbr.rel @p1 .LBB2_10-.Ltmp1, $1  }
0x10: {  	_ =	sdelay $0x3  }
.LBB2_9:
0x11: {  	s9 =	sadd.s32 $0x1, s9;
	s10 =	smov.u32 s3  }
.LBB2_1:
0x12: {  	p1 =	sne.s32 s9, $0x0  }
.Ltmp2:
0x13: {  	_ = 	snop;
	(pc) =	sbr.rel @!p1 .LBB2_2-.Ltmp2, $1  }
0x14: {  	_ =	sdelay $0x3  }
0x15: {  	s11 =	sand.u32 $0x1, s9  }
0x16: {  	p1 =	seq.s32 s11, $0x0  }
.Ltmp3:
0x17: {  	_ = 	snop;
	(pc) =	sbr.rel @p1 .LBB2_8-.Ltmp3, $1  }
0x18: {  	_ =	sdelay $0x3  }
0x19: {  	_ =	swait.ge [sflag:s4], $0x280  }
0x1a: {  	[sflag:s4] =	ssyncset.done $0x0  }
0x1b: {  	s11 =	simm.s32 $0x0;
	p1 =	por $0x1, $0x1;
	[sflag:s4] =	ssyncadd.s32 $0xFFFFFD80  }
.LBB2_5:
0x1c: {  	v0 =	vld [tilespmem:s11+$0x280]  }
0x1d: {  	v1 =	vld [tilespmem:s11+$0x290]  }
0x1e: {  	v2 =	vld [tilespmem:s11+$0x2A0]  }
0x1f: {  	v3 =	vld [tilespmem:s11+$0x2B0]  }
0x20: {  	v4 =	vld [tilespmem:s11+$0x2C0]  }
0x21: {  	v53 =	vld [tilespmem:s11+$0x2D0];
	[tilespmem:s11+$0x780] =	vst v0  }
0x22: {  	v54 =	vld [tilespmem:s11+$0x2E0];
	[tilespmem:s11+$0x790] =	vst v1  }
0x23: {  	v55 =	vld [tilespmem:s11+$0x2F0];
	[tilespmem:s11+$0x7A0] =	vst v2  }
0x24: {  	v56 =	vld [tilespmem:s11+$0x300];
	[tilespmem:s11+$0x7B0] =	vst v3  }
0x25: {  	v57 =	vld [tilespmem:s11+$0x310];
	[tilespmem:s11+$0x7C0] =	vst v4  }
0x26: {  	v58 =	vld [tilespmem:s11+$0x320];
	[tilespmem:s11+$0x7D0] =	vst v53  }
0x27: {  	v59 =	vld [tilespmem:s11+$0x330];
	[tilespmem:s11+$0x7E0] =	vst v54  }
0x28: {  	v60 =	vld [tilespmem:s11+$0x340];
	[tilespmem:s11+$0x7F0] =	vst v55  }
0x29: {  	v61 =	vld [tilespmem:s11+$0x350];
	[tilespmem:s11+$0x800] =	vst v56  }
0x2a: {  	v62 =	vld [tilespmem:s11+$0x360];
	[tilespmem:s11+$0x810] =	vst v57  }
0x2b: {  	v63 =	vld [tilespmem:s11+$0x370];
	p2 =	por p1, p1;
	[tilespmem:s11+$0x820] =	vst v58  }
.Ltmp4:
0x2c: {  	[tilespmem:s11+$0x830] =	vst v59;
	(pc) =	sbr.rel @p2 .LBB2_5-.Ltmp4, $4  }
0x2d: {  	[tilespmem:s11+$0x840] =	vst v60  }
0x2e: {  	[tilespmem:s11+$0x850] =	vst v61  }
0x2f: {  	s12 =	simm.s32 $0x1F0;
	s13 =	simm.s32 $0x980;
	[tilespmem:s11+$0x860] =	vst v62  }
0x30: {  	s14 =	simm.s32 $0x480;
	p1 =	por $0x0, $0x0;
	[tilespmem:s11+$0x870] =	vst v63;
	s11 =	simm.s32 $0x100  }
.LBB2_6:
0x31: {  	s12 =	sadd.s32 $0x10, s12  }
0x32: {  	v0 =	vld [tilespmem:s14+$0x0];
	p1 =	slt.u32 s12, $0x270  }
.Ltmp5:
0x33: {  	_ = 	snop;
	(pc) =	sbr.rel @p1 .LBB2_6-.Ltmp5, $2  }
0x34: {  	_ =	sdelay $0x2  }
0x35: {  	s14 =	sadd.s32 $0x10, s14;
	[tilespmem:s13+$0x0] =	vst v0;
	s13 =	sadd.s32 $0x10, s13  }
.Ltmp6:
0x36: {  	(pc) =	sbr.rel .LBB2_8-.Ltmp6, $4  }
0x37: {  	_ = 	snop  }
0x38: {  	s10 =	sshrl.u32 s10, $0x3  }
0x39: {  	s10 =	sadd.s32 s2, s10  }
0x3a: {  	[hbm4b:s10+s6] =	stream.linear.scatter [tilespmem:s8], [sflag:$0x2], $0x280, $0x38;
	[tilespmem:$0xA00] =	vst v63  }
.LBB2_2:
.Ltmp7:
0x3b: {  	(pc) =	sbr.rel .LBB2_9-.Ltmp7, $2  }
0x3c: {  	_ =	sdelay $0x2  }
0x3d: {  	[tilespmem:s7], [sflag:$0x1] =	stream.linear.gather [hbm4b:s5+s6], $0x280, $0x38;
	[tilespmem:$0xA00] =	vst v63  }
.LBB2_10:
0x3e: {  	s2 =	simm.s32 $0x2  }
0x3f: {  	_ =	swait.ge [sflag:s2], $0x280  }
0x40: {  	[sflag:s2] =	ssyncset.done $0x0  }
0x41: {  	[sflag:s2] =	ssyncadd.s32 $0xFFFFFD80  }
0x42: {  	_ =	sfence.sel $0x180000  }
0x43: {  	s3 =	simm.s32 $0x1;
	[bflag:$0x0] =	sbarrier.arrive $0xFFFF  }
0x44: {  	[sflag:s3] =	ssyncpa.u1 $0x1  }
0x45: {  	[sflag:s2] =	ssyncpa.u1 $0x1  }
0x46: {  	_ =	strace $0x90000068  }
0x47: {  	s0 =	sadd.s32 @!p0 $0x100000, s0;
	[bflag:$0x2] =	sbarrier.arrive $0xFFFF  }
0x48: {  	[sflag:s0] =	ssyncadd.tile.s32 @!p0 $0x1;
	s0 =	simm.s32 @!p0 $0x3F  }
0x49: {  	_ =	swait.ge @!p0 [sflag:s0], s1  }
0x4a: {  	s1 =	ssub.s32 @!p0 $0x0, s1;
	[sflag:s0] =	ssyncset.done @!p0 $0x0  }
0x4b: {  	[sflag:s0] =	ssyncadd.s32 @!p0 s1  }
0x4c: {  	[bflag:$0x3] =	sbarrier.arrive $0xFFFF  }
0x4d: {  	_ =	shalt  }
.Lfunc_end2:
execute1_lowered:
.L_overlay_start_2:
0x4e: {  	(tag) =	ssettag $0x2  }
0x4f: {  	s1 =	rddreg [dreg:$0x0]  }
0x50: {  	s3 =	rddreg [dreg:$0x1];
	_ =	strace $0x8000006B;
	s4 =	simm.s32 $0x1  }
0x51: {  	v1 =	vimm.s32 $0xFFFFFFFF;
	[sflag:s4] =	ssyncpa.u1 $0x0  }
0x52: {  	[tilespmem:$0x10] =	vst v1  }
0x53: {  	v0 =	vimm.f32 $0.0e+00;
	[tilespmem:$0x20] =	vst v1  }
0x54: {  	[tilespmem:$0x30] =	vst v0  }
0x55: {  	s0 =	simm.s32 $0x2;
	s2 =	stileid.u32;
	[tilespmem:$0x40] =	vst v0  }
0x56: {  	s5 =	simm.s32 $0x7;
	s7 =	simm.s32 $0x8;
	s31 =	simm.s32 $0x9;
	[tilespmem:$0x50] =	vst v0  }
0x57: {  	s14 =	simm.s32 $0x0;
	s15 =	simm.s32 $0x100;
	s17 =	simm.s32 $0x8CF;
	[tilespmem:$0x60] =	vst v1  }
0x58: {  	s18 =	simm.s32 $0x10;
	s19 =	simm.s32 $0x4750;
	s20 =	simm.s32 $0xF;
	[tilespmem:$0x70] =	vst v1  }
0x59: {  	s21 =	simm.s32 $0x50;
	s22 =	simm.s32 $0x203F;
	s23 =	simm.s32 $0x20;
	[tilespmem:$0x80] =	vst v1  }
0x5a: {  	s24 =	simm.s32 $0x30;
	s25 =	simm.s32 $0x3F7F;
	s26 =	simm.s32 $0x80;
	v1 =	vimm.s32 $0x0;
	[tilespmem:$0xB0] =	vst v0  }
.Ltmp8:
0x5b: {  	s30 =	simm.s32 $0x0;
	s29 =	simm.s32 $0x0;
	[tilespmem:$0x90] =	vst v1;
	(pc) =	sbr.rel .LBB3_1-.Ltmp8, $4  }
0x5c: {  	s6 =	smul.u32 $0x7D0, s2;
	s8 =	sadd.s32 $0xB000, s3;
	[tilespmem:$0xA0] =	vst v1;
	[sflag:s0] =	ssyncpa.u1 $0x0  }
0x5d: {  	s10 =	sshll.u32 s2, $0x1;
	s12 =	sshllo.u32 s2, $0x1;
	[sflag:s5] =	ssyncpa.u1 $0x0  }
0x5e: {  	vm0 =	vmmov $0xffff;
	v2 =	vlaneseq.u32;
	s11 =	sor.u32 $0x81, s10;
	s13 =	sor.u32 $0x80, s10;
	[sflag:s7] =	ssyncpa.u1 $0x0  }
0x5f: {  	vm1 =	vmxor vm1, vm1;
	vm2 =	vmmov $0x1;
	vm3 =	vcmask $0x3F3C;
	s9 =	sadd.s32 $0x7D0, s6;
	s28 =	smov.u32 s6;
	[sflag:s31] =	ssyncpa.u1 $0x0  }
.LBB3_3:
0x60: {  	s0 =	sshrl.u32 s28, $0x3;
	s2 =	rddreg [dreg:$0x1]  }
0x61: {  	s31 =	sand.u32 $0x7, s28;
	s0 =	sadd.s32 s2, s0  }
0x62: {  	[tilespmem:s15], [sflag:$0x7] =	stream.linear.gather [hbm4b:s0+s31], $0x7D0, $0x38;
	[tilespmem:$0x4770] =	vst v63  }
.LBB3_4:
0x63: {  	s0 =	sadd.s32 $0x7D0, s28  }
0x64: {  	s2 =	smov.u32 s6;
	s29 =	sadd.s32 $0x1, s29;
	p0 =	slt.s32 s0, s9  }
0x65: {  	s2 =	smov.u32 @p0 s0;
	p0 =	sne.s32 s29, $0x4  }
.Ltmp9:
0x66: {  	_ = 	snop;
	(pc) =	sbr.rel @!p0 .LBB3_13-.Ltmp9, $2  }
0x67: {  	_ =	sdelay $0x2  }
0x68: {  	s30 =	smov.u32 s28;
	s28 =	smov.u32 s2  }
.LBB3_1:
0x69: {  	p0 =	sgt.s32 s29, $0x1  }
.Ltmp10:
0x6a: {  	_ = 	snop;
	(pc) =	sbr.rel @p0 .LBB3_11-.Ltmp10, $1  }
0x6b: {  	_ =	sdelay $0x3  }
0x6c: {  	p0 =	seq.s32 s29, $0x0  }
.Ltmp11:
0x6d: {  	_ = 	snop;
	(pc) =	sbr.rel @p0 .LBB3_3-.Ltmp11, $1  }
0x6e: {  	_ =	sdelay $0x3  }
0x6f: {  	_ =	swait.ge [sflag:s5], $0x7D0  }
0x70: {  	[sflag:s5] =	ssyncset.done $0x0  }
0x71: {  	[sflag:s5] =	ssyncadd.s32 $0xFFFFF830;
	(ifvalue) =	ssetifvalue $0xFFFFFFFF;
	v3 =	vld.msk [tilespmem:s15+$0x0 ss:$0x1], $0xffff;
	_ =	sdelay $0x4  }
0x72: {  	v4 =	vperm.xlane v3, v1  }
0x73: {  	vm4 =	vlt.u32 v3, $0x2800  }
0x74: {  	v3 =	vnsel vm4, $0xFFFFFFFE, v3;
	vm4 =	vlt.u32 v4, $0x2800  }
0x75: {  	[tilespmem:$0x70] =	vst v3;
	v3 =	vnsel vm4, $0xFFFFFFFE, v4  }
0x76: {  	s16 =	simm.s32 $0x8C0;
	[tilespmem:$0x80] =	vst v3  }
0x77: {  	v3 =	vld.msk [tilespmem:s16+$0x0 ss:$0x1], $0xffff;
	_ =	sdelay $0x4  }
0x78: {  	(xrf1) =	vunique.msk.u32 $0xffff, v3;
	_ =	sdelay $0xd  }
0x79: {  	v4 =	vimm.s32 $0xFFFFFFFF;
	v5, _, _ =	vpop (xrf1)  }
0x7a: {  	vm5 =	vne.s32 v3, v4;
	vm4 =	veq.s32 v5, v2  }
0x7b: {  	vm6 =	vlt.u32 v3, $0x2800;
	vm4 =	vmand vm5, vm4  }
0x7c: {  	vm4 =	vmand vm6, vm4  }
0x7d: {  	v4 =	vnsel vm4, $0xFFFFFFFF, v3;
	_ =	sdelay $0x3  }
0x7e: {  	s0 =	simm.s32 $0x2030;
	(ifvalue) =	ssetifvalue $0xFFFFFFFF  }
0x7f: {  	v3 =	vperm.xlane v3, v1;
	[tilespmem:s0], [sflag:$0x8] =	stream.indirect_vreg.gather [hbm4b:s1+s14], $0x1, v4, vm0, $0x4038;
	v4 =	vnsel vm6, $0xFFFFFFFE, v4;
	[tilespmem:$0x4770] =	vst v63  }
0x80: {  	s2 =	simm.s32 $0x0;
	s3 =	simm.s32 $0x8B0;
	[tilespmem:s16+$0x0] =	vst v4  }
.LBB3_6:
0x81: {  	v4 =	vld.msk [tilespmem:s3+$0x0 ss:$0x1], $0xffff;
	s2 =	sadd.s32 $0x10, s2;
	v5 =	vmov v3;
	s16 =	smov.u32 s3  }
0x82: {  	p0 =	slt.u32 s2, $0x7C0;
	_ =	sdelay $0x4  }
0x83: {  	v3 =	vperm.xlane v4, v1;
	(xrf1) =	vunique.msk.u32 $0xffff, v4;
	_ =	sdelay $0xd  }
0x84: {  	v6, _, _ =	vpop (xrf1)  }
0x85: {  	vm5 =	vne.s32 v4, v5;
	vm4 =	veq.s32 v6, v2  }
0x86: {  	vm6 =	vlt.u32 v4, $0x2800;
	vm4 =	vmand vm5, vm4  }
0x87: {  	vm4 =	vmand vm6, vm4  }
0x88: {  	v4 =	vnsel vm4, $0xFFFFFFFF, v4  }
.Ltmp12:
0x89: {  	v5 =	vnsel vm6, $0xFFFFFFFE, v4;
	(pc) =	sbr.rel @p0 .LBB3_6-.Ltmp12, $3  }
0x8a: {  	_ =	sdelay $0x1  }
0x8b: {  	s3 =	sadd.s32 $0xFFFFFFF0, s3;
	s0 =	sadd.s32 $0xFFFFFFF0, s0;
	(ifvalue) =	ssetifvalue $0xFFFFFFFF  }
0x8c: {  	[tilespmem:s0], [sflag:$0x8] =	stream.indirect_vreg.gather [hbm4b:s1+s14], $0x1, v4, vm0, $0x4038;
	[tilespmem:s16+$0x0] =	vst v5  }
.Ltmp13:
0x8d: {  	(pc) =	sbr.rel .LBB3_4-.Ltmp13, $4  }
0x8e: {  	_ = 	snop  }
0x8f: {  	s0 =	sshrl.u32 s30, $0x3  }
0x90: {  	s2 =	simm.s32 $0x2810;
	s0 =	sadd.s32 s8, s0  }
0x91: {  	[tilespmem:s2], [sflag:$0x8] =	stream.linear.gather [hbm:s0], $0x7D0, $0x38;
	[tilespmem:$0x4770] =	vst v63  }
.LBB3_11:
0x92: {  	p0 =	seq.s32 s29, $0x2  }
.Ltmp14:
0x93: {  	_ = 	snop;
	(pc) =	sbr.rel @!p0 .LBB3_12-.Ltmp14, $1  }
0x94: {  	_ =	sdelay $0x3  }
0x95: {  	_ =	swait.ge [sflag:s7], $0xFA0  }
0x96: {  	[sflag:s7] =	ssyncset.done $0x0  }
0x97: {  	[sflag:s7] =	ssyncadd.s32 $0xFFFFF060  }
0x98: {  	[spmem:s11] =	stream.linear.scatter [tilespmem:s17], [sflag:$0x1], $0x1, $0x38;
	[tilespmem:$0x4770] =	vst v63  }
0x99: {  	_ =	swait.ge [sflag:s4], $0x1  }
0x9a: {  	[sflag:s4] =	ssyncset.done $0x0  }
0x9b: {  	[sflag:s4] =	ssyncadd.s32 $0xFFFFFFFF  }
0x9c: {  	v4 =	vld [tilespmem:$0x10]  }
0x9d: {  	v5 =	vld [tilespmem:$0x70]  }
0x9e: {  	v3 =	vld [tilespmem:$0x80];
	_ =	sdelay $0x2  }
0x9f: {  	(v2sf) =	vpush v4, $0x0  }
0xa0: {  	(v2sf) =	vpush v5, $0x0  }
0xa1: {  	(v2sf) =	vpush v3, $0x0;
	_ =	sdelay $0xc  }
0xa2: {  	s0 =	spop (v2sf)  }
0xa3: {  	s2 =	spop (v2sf)  }
0xa4: {  	s30 =	spop (v2sf)  }
0xa5: {  	p0 =	seq.s32 s0, s2;
	p1 =	seq.s32 s30, s0  }
0xa6: {  	p1 =	por p0, p1  }
0xa7: {  	v4 =	vpsel p1, $0xFFFFFFFF, v4  }
0xa8: {  	[tilespmem:s18+$0x0] =	vst.msk $0x1, v4  }
0xa9: {  	v4 =	vld [tilespmem:$0x30]  }
0xaa: {  	v5 =	vld [tilespmem:$0x2810]  }
0xab: {  	v6 =	vld [tilespmem:$0x40];
	_ =	sdelay $0x3  }
0xac: {  	vm4 =	vmmov vm1;
	v5 =	vadd.f32 v5, v4  }
0xad: {  	vm5 =	vmmov vm2;
	s31 =	simm.s32 $0x2810;
	vm4 =	vmmov @p0 vm2;
	v4 =	vadd.f32 v6, v4  }
0xae: {  	vm5 =	vmmov @p1 vm1;
	[tilespmem:s31+$0x0] =	vst.msk vm4, v5  }
0xaf: {  	[tilespmem:s19+$0x0] =	vst.msk vm5, v4  }
0xb0: {  	v4 =	vld [tilespmem:$0x2030];
	_ =	sdelay $0x3  }
0xb1: {  	v5 =	vimm.f32 $0.0e+00  }
0xb2: {  	v4 =	vshift.insert v4, v5, s20;
	_ =	sdelay $0x1  }
0xb3: {  	[tilespmem:s21+$0x0] =	vst.msk $0x1, v4  }
0xb4: {  	[tilespmem:s22+$0x0] =	vst.msk $0x1, v5  }
0xb5: {  	v4 =	vld [tilespmem:$0x8C0];
	_ =	sdelay $0x4  }
0xb6: {  	v4 =	vshift.insert v4, v1, s20;
	_ =	sdelay $0x1  }
0xb7: {  	[tilespmem:s23+$0x0] =	vst.msk $0x1, v4  }
0xb8: {  	s16 =	simm.s32 $0x100;
	v6 =	vld [tilespmem:s31+$0x0]  }
0xb9: {  	v7 =	vld [tilespmem:s16+$0x0];
	_ =	sdelay $0x3  }
0xba: {  	v5 =	vadd.f32 v6, v5  }
0xbb: {  	vm4 =	vne.s32 v7, $0xFFFFFFFF  }
0xbc: {  	(xrf2) =	vadd.seg.scan.f32 vm4, v5;
	_ =	sdelay $0x3  }
0xbd: {  	s0 =	simm.s32 $0x1870;
	v5 =	vperm.xlane v4, v1  }
0xbe: {  	v6 =	vld [tilespmem:s0+$0x0]  }
0xbf: {  	vm5 =	veq.s32 v7, v3;
	vm6 =	veq.s32 v7, v5  }
0xc0: {  	vm7 =	vgt.u32 v7, $0xFFFFFFFD;
	vm6 =	vmor vm6, vm5  }
0xc1: {  	vm6 =	vmor vm6, vm7  }
0xc2: {  	v9 =	vld [tilespmem:$0xA0];
	v7 =	vsel vm6, $0xFFFFFFFF, v7  }
0xc3: {  	v10 =	vld [tilespmem:$0x90];
	v6 =	vsel vm5, $0x0, v6;
	v8, _, _ =	vpop (xrf2)  }
0xc4: {  	v6 =	vadd.f32 v8, v6  }
0xc5: {  	s2 =	simm.s32 $0x37B0  }
0xc6: {  	vm4 =	vmand vm4, vm3;
	[tilespmem:s2+$0x0] =	vst v6;
	(ifvalue) =	ssetifvalue $0xFFFFFFFF  }
0xc7: {  	vm6 =	veq.s32 v9, $0x1;
	[hbm4b:s1+s14] =	stream.indirect_vreg.scatter [tilespmem:s2], [sflag:$0x2], $0x1, v7, vm0, $0x4038;
	v7 =	vsel vm4, $0x0, v8;
	[tilespmem:$0x4770] =	vst v63  }
0xc8: {  	s3 =	simm.s32 $0x0;
	s16 =	simm.s32 $0x110;
	vm4 =	vmor vm6, vm5;
	v6 =	vsel vm5, v8, v10;
	v7 =	vshift.insert v7, v0, s20  }
.LBB3_9:
0xc9: {  	v8 =	vld [tilespmem:s16+$0x0];
	s31 =	sadd.s32 $0x10, s31  }
0xca: {  	s0 =	sadd.s32 $0x10, s0;
	v9 =	vld [tilespmem:s31+$0x0]  }
0xcb: {  	s3 =	sadd.s32 $0x10, s3;
	v10 =	vld [tilespmem:s0+$0x0]  }
0xcc: {  	p0 =	slt.u32 s3, $0x7C0;
	_ =	sdelay $0x2  }
0xcd: {  	v7 =	vadd.f32 v9, v7  }
0xce: {  	vm5 =	vne.s32 v8, $0xFFFFFFFF  }
0xcf: {  	vm6 =	vmand vm5, vm3;
	(xrf2) =	vadd.seg.scan.f32 vm5, v7;
	_ =	sdelay $0x5  }
0xd0: {  	vm7 =	veq.s32 v8, v5;
	vm5 =	veq.s32 v8, v3  }
0xd1: {  	vm8 =	vgt.u32 v8, $0xFFFFFFFD;
	vm4 =	vmor vm4, vm5;
	vm7 =	vmor vm7, vm5  }
0xd2: {  	vm7 =	vmor vm7, vm8  }
0xd3: {  	v8 =	vsel vm7, $0xFFFFFFFF, v8  }
.Ltmp15:
0xd4: {  	v7 =	vsel vm5, $0x0, v10;
	v9, _, _ =	vpop (xrf2);
	(pc) =	sbr.rel @p0 .LBB3_9-.Ltmp15, $4  }
0xd5: {  	v6 =	vsel vm5, v9, v6;
	v10 =	vadd.f32 v9, v7;
	v7 =	vsel vm6, $0x0, v9  }
0xd6: {  	s2 =	sadd.s32 $0x10, s2;
	v7 =	vshift.insert v7, v0, s20  }
0xd7: {  	s16 =	sadd.s32 $0x10, s16;
	[tilespmem:s2+$0x0] =	vst v10;
	(ifvalue) =	ssetifvalue $0xFFFFFFFF  }
0xd8: {  	[hbm4b:s1+s14] =	stream.indirect_vreg.scatter [tilespmem:s2], [sflag:$0x2], $0x1, v8, vm0, $0x4038;
	[tilespmem:$0x4770] =	vst v63  }
0xd9: {  	v3 =	vld [tilespmem:$0x3F70];
	_ =	sdelay $0x4  }
0xda: {  	v3 =	vshift.insert v3, v0, s20;
	_ =	sdelay $0x1  }
0xdb: {  	[tilespmem:s24+$0x0] =	vst.msk $0x1, v3  }
0xdc: {  	v3 =	vsel vm4, $0x1, v1;
	[tilespmem:$0x90] =	vst v6  }
0xdd: {  	[tilespmem:$0xA0] =	vst v3  }
0xde: {  	[spmem:s12] =	stream.linear.scatter [tilespmem:s25], [sflag:$0x1], $0x1, $0x38;
	[tilespmem:$0x4770] =	vst v63  }
0xdf: {  	v3 =	vmctz.xlane vm4;
	_ =	swait.ge [sflag:s4], $0x1  }
0xe0: {  	(v2sf) =	vpush v4, $0x0  }
0xe1: {  	(v2sf) =	vpush v3, $0x0;
	_ =	sdelay $0xd  }
0xe2: {  	s0 =	spop (v2sf)  }
0xe3: {  	s2 =	spop (v2sf)  }
0xe4: {  	[sflag:s4] =	ssyncset.done $0x0;
	p0 =	sne.s32 s30, s0;
	p1 =	slt.s32 s2, $0xF  }
0xe5: {  	[sflag:s4] =	ssyncadd.s32 $0xFFFFFFFF;
	v3 =	vimm.s32 @!p0 $0xFFFFFFFF;
	s2 =	simm.s32 @!p1 $0xF  }
0xe6: {  	[tilespmem:$0x80] =	vst @!p0 v3;
	s31 =	sadd.s32 $0x90, s2  }
0xe7: {  	[spmem:s10] =	stream.linear.scatter [tilespmem:s31], [sflag:$0x1], $0x1, $0x38;
	[tilespmem:$0x4770] =	vst v63  }
0xe8: {  	_ =	swait.ge [sflag:s4], $0x1  }
0xe9: {  	[sflag:s4] =	ssyncset.done $0x0  }
0xea: {  	[sflag:s4] =	ssyncadd.s32 $0xFFFFFFFF  }
0xeb: {  	[spmem:s13] =	stream.linear.scatter [tilespmem:s26], [sflag:$0x1], $0x1, $0x38;
	[tilespmem:$0x4770] =	vst v63  }
0xec: {  	_ =	swait.ge [sflag:s4], $0x1  }
0xed: {  	[sflag:s4] =	ssyncset.done $0x0  }
0xee: {  	[sflag:s4] =	ssyncadd.s32 $0xFFFFFFFF;
	(ifvalue) =	ssetifvalue $0xFFFFFFFF;
	v3 =	vld [tilespmem:$0x10];
	_ =	sdelay $0x3  }
.Ltmp16:
0xef: {  	_ = 	snop;
	(pc) =	sbr.rel .LBB3_4-.Ltmp16, $3  }
0xf0: {  	_ =	sdelay $0x1  }
0xf1: {  	(ifvalue) =	ssetifvalue $0xFFFFFFFF  }
0xf2: {  	[hbm4b:s1+s14] =	stream.indirect_vreg.scatter [tilespmem:s19], [sflag:$0x9], $0x1, v3, vm0, $0x4038;
	[tilespmem:$0x4770] =	vst v63  }
.LBB3_12:
0xf3: {  	s0 =	simm.s32 $0x2  }
0xf4: {  	_ =	swait.ge [sflag:s0], $0x7D0  }
0xf5: {  	[sflag:s0] =	ssyncset.done $0x0  }
0xf6: {  	s31 =	simm.s32 $0x9;
	[sflag:s0] =	ssyncadd.s32 $0xFFFFF830  }
0xf7: {  	_ =	swait.ge [sflag:s31], $0x10  }
0xf8: {  	[sflag:s31] =	ssyncset.done $0x0  }
0xf9: {  	[sflag:s31] =	ssyncadd.s32 $0xFFFFFFF0  }
.LBB3_13:
0xfa: {  	_ =	sfence.sel $0x180000  }
0xfb: {  	s0 =	simm.s32 $0x7;
	[bflag:$0x0] =	sbarrier.arrive $0xFFFF  }
0xfc: {  	s26 =	simm.s32 $0x8;
	[sflag:s0] =	ssyncpa.u1 $0x1  }
0xfd: {  	s28 =	simm.s32 $0x9;
	[sflag:s26] =	ssyncpa.u1 $0x1  }
0xfe: {  	[sflag:s28] =	ssyncpa.u1 $0x1  }
0xff: {  	_ =	sfence.stream.spmem  }
0x100: {  	s29 =	simm.s32 $0x3;
	[bflag:$0x0] =	sbarrier.arrive $0xFFFF  }
0x101: {  	s30 =	simm.s32 $0x4;
	[sflag:s29] =	ssyncpa.u1 $0x1  }
0x102: {  	s31 =	simm.s32 $0x3C;
	s2 =	stileid.u32;
	[sflag:s30] =	ssyncpa.u1 $0x1  }
0x103: {  	p0 =	sne.s32 s2, $0x0;
	[sflag:s31] =	ssyncpa.u1 $0x1  }
0x104: {  	s0 =	simm.s32 @p0 $0x1;
	_ =	sfence @p0  }
0x105: {  	[sflag:s0] =	ssyncpa.u1 @p0 $0x1;
	s0 =	simm.s32 @p0 $0x2  }
0x106: {  	[sflag:s0] =	ssyncpa.u1 @p0 $0x1  }
0x107: {  	_ =	strace @p0 $0x9000006B  }
0x108: {  	[bflag:$0x2] =	sbarrier.arrive @p0 $0xFFFF  }
0x109: {  	_ =	shalt @p0  }
.LBB3_14:
0x10a: {  	_ =	sfence.stream.spmem;
	s0 =	simm.s32 $0x5  }
0x10b: {  	s2 =	simm.s32 $0x80;
	s3 =	simm.s32 $0xC0;
	[sflag:s0] =	ssyncpa.u1 $0x0  }
0x10c: {  	[tilespmem:s3], [sflag:$0x5] =	stream.linear.gather [spmem:s2], $0x20, $0x38;
	[tilespmem:$0x4770] =	vst v63  }
0x10d: {  	s2 =	simm.s32 $0x0;
	s3 =	simm.s32 $0xE0  }
0x10e: {  	[tilespmem:s3], [sflag:$0x5] =	stream.linear.gather [spmem:s2], $0x20, $0x38;
	[tilespmem:$0x4770] =	vst v63  }
.Ltmp17:
0x10f: {  	_ = 	snop;
	(pc) =	sbr.rel .LBB3_15-.Ltmp17, $4  }
0x110: {  	_ =	swait.ge [sflag:s0], $0x40  }
0x111: {  	[sflag:s0] =	ssyncset.done $0x0  }
0x112: {  	s31 =	simm.s32 $0x6;
	[sflag:s0] =	ssyncadd.s32 $0xFFFFFFC0  }
0x113: {  	s4 =	simm.s32 $0x0;
	[sflag:s31] =	ssyncpa.u1 $0x0  }
.LBB3_20:
0x114: {  	p0 =	sgt.u32 s0, $0x27FF  }
0x115: {  	s5 =	sshrl.u32 @!p0 s0, $0x3  }
0x116: {  	s0 =	sand.u32 @!p0 $0x7, s0;
	s6 =	simm.s32 @!p0 $0xB0;
	s5 =	sadd.s32 @!p0 s1, s5  }
0x117: {  	[tilespmem:s6], [sflag:$0x6] =	stream.linear.gather @!p0 [hbm4b:s5+s0], $0x1, $0x38;
	[tilespmem:$0x4770] =	vst v63  }
0x118: {  	s0 =	simm.s32 @!p0 $0x6  }
0x119: {  	_ =	swait.ge @!p0 [sflag:s0], $0x1  }
0x11a: {  	[sflag:s0] =	ssyncset.done @!p0 $0x0  }
0x11b: {  	[sflag:s0] =	ssyncadd.s32 @!p0 $0xFFFFFFFF  }
0x11c: {  	v2 =	vmov @!p0 s4;
	v1 =	vld.msk @!p0 [tilespmem:$0xB0], $0x1;
	_ =	sdelay $0x3  }
0x11d: {  	s0 =	simm.s32 @!p0 $0xE0  }
0x11e: {  	[tilespmem:v2+s0+$0x0], v1 =	vst.idx.ret.add.f32.msk @!p0 $0x1, v1  }
0x11f: {  	[tilespmem:s2+$0xC0] =	vst.msk $0x1, v0  }
0x120: {  	v0 =	vld.msk [tilespmem:s4+$0xE0], $0x1;
	_ =	sdelay $0x4  }
0x121: {  	[tilespmem:s2+$0xE0] =	vst.msk $0x1, v0;
	s2 =	sadd.s32 $0x1, s2  }
.LBB3_22:
0x122: {  	s4 =	sadd.s32 $0x1, s4  }
0x123: {  	p0 =	sne.s32 s4, $0x20  }
.Ltmp18:
0x124: {  	_ = 	snop;
	(pc) =	sbr.rel @!p0 .LBB3_23-.Ltmp18, $1  }
0x125: {  	_ =	sdelay $0x3  }
.LBB3_15:
0x126: {  	v0 =	vld.msk [tilespmem:s4+$0xC0], $0x1;
	_ =	sdelay $0x4  }
0x127: {  	(v2sf) =	vpush v0, $0x0;
	_ =	sdelay $0xe  }
0x128: {  	s0 =	spop (v2sf)  }
0x129: {  	p0 =	seq.s32 s0, $0xFFFFFFFF  }
.Ltmp19:
0x12a: {  	_ = 	snop;
	(pc) =	sbr.rel @p0 .LBB3_22-.Ltmp19, $1  }
0x12b: {  	_ =	sdelay $0x3  }
0x12c: {  	p0 =	slt.s32 s2, $0x1  }
.Ltmp20:
0x12d: {  	_ = 	snop;
	(pc) =	sbr.rel @p0 .LBB3_20-.Ltmp20, $1  }
0x12e: {  	_ =	sdelay $0x3  }
0x12f: {  	s5 =	simm.s32 $0xC0;
	p0 =	por $0x0, $0x0  }
0x130: {  	v1 =	vld.msk @!p0 [tilespmem:s5+$0x0], $0x1;
	_ =	sdelay $0x4  }
0x131: {  	(v2sf) =	vpush @!p0 v1, $0x0;
	_ =	sdelay $0xd  }
0x132: {  	p2 =	sne.s32 s2, $0x1  }
.Ltmp21:
0x133: {  	s6 =	spop @!p0 (v2sf);
	(pc) =	sbr.rel @!p2 .LBB3_19-.Ltmp21, $4  }
0x134: {  	p1 =	seq.s32 @!p0 s0, s6  }
0x135: {  	s6 =	simm.s32 $0x0;
	p1 =	por !p1, p0  }
0x136: {  	s8 =	simm.s32 $0xFFFFFFFF;
	s6 =	simm.s32 @p1 $0xFFFFFFFF  }
0x137: {  	s7 =	simm.s32 $0x1;
	s6 =	smov.u32 @p0 s8  }
.LBB3_18:
0x138: {  	s8 =	smov.u32 s6;
	p0 =	sne.s32 s6, $0xFFFFFFFF  }
0x139: {  	s5 =	sadd.s32 $0x1, s5;
	s6 =	smov.u32 s7;
	s7 =	sadd.s32 $0x1, s7  }
0x13a: {  	p1 =	sne.s32 s2, s7;
	v1 =	vld.msk @!p0 [tilespmem:s5+$0x0], $0x1;
	_ =	sdelay $0x4  }
0x13b: {  	(v2sf) =	vpush @!p0 v1, $0x0;
	_ =	sdelay $0xe  }
.Ltmp22:
0x13c: {  	s9 =	spop @!p0 (v2sf);
	(pc) =	sbr.rel @p1 .LBB3_18-.Ltmp22, $4  }
0x13d: {  	p2 =	seq.s32 @!p0 s0, s9  }
0x13e: {  	p2 =	por !p2, p0  }
0x13f: {  	s6 =	simm.s32 @p2 $0xFFFFFFFF  }
0x140: {  	s6 =	smov.u32 @p0 s8  }
.LBB3_19:
0x141: {  	p0 =	sne.s32 s6, $0xFFFFFFFF  }
.Ltmp23:
0x142: {  	_ = 	snop;
	(pc) =	sbr.rel @!p0 .LBB3_20-.Ltmp23, $1  }
0x143: {  	_ =	sdelay $0x3  }
0x144: {  	v0 =	vld.msk [tilespmem:s4+$0xE0], $0x1;
	v1 =	vmov s6  }
.Ltmp24:
0x145: {  	_ = 	snop;
	(pc) =	sbr.rel .LBB3_22-.Ltmp24, $2  }
0x146: {  	_ =	sdelay $0x2  }
0x147: {  	[tilespmem:v1+s3+$0x0], v0 =	vst.idx.ret.add.f32.msk $0x1, v0  }
.LBB3_23:
0x148: {  	p0 =	slt.s32 s2, $0x1  }
.Ltmp25:
0x149: {  	_ = 	snop;
	(pc) =	sbr.rel @p0 .LBB3_27-.Ltmp25, $3  }
0x14a: {  	_ =	sdelay $0x1  }
0x14b: {  	s0 =	simm.s32 $0x6  }
0x14c: {  	[sflag:s0] =	ssyncpa.u1 $0x1;
	s0 =	simm.s32 $0x0  }
0x14d: {  	s3 =	simm.s32 $0xC0  }
0x14e: {  	v0 =	vld.msk [tilespmem:s3+$0x0], $0x1;
	_ =	sdelay $0x4  }
0x14f: {  	(v2sf) =	vpush v0, $0x0;
	_ =	sdelay $0xe  }
0x150: {  	s2 =	sadd.s32 $0xFFFFFFFF, s2;
	s4 =	spop (v2sf)  }
0x151: {  	p1 =	sne.s32 s2, $0x0;
	p0 =	sgt.u32 s4, $0x27FF  }
.Ltmp26:
0x152: {  	s5 =	sshrl.u32 @!p0 s4, $0x3;
	(pc) =	sbr.rel @!p1 .LBB3_26-.Ltmp26, $4  }
0x153: {  	s3 =	simm.s32 $0xE0;
	s4 =	sand.u32 @!p0 $0x7, s4;
	s5 =	sadd.s32 @!p0 s1, s5  }
0x154: {  	[hbm4b:s5+s4] =	stream.linear.scatter @!p0 [tilespmem:s3], [sflag:$0x5], $0x1, $0x38;
	[tilespmem:$0x4770] =	vst v63  }
0x155: {  	s5 =	simm.s32 $0x0  }
0x156: {  	s4 =	simm.s32 $0xC1;
	s5 =	simm.s32 @!p0 $0x4  }
.LBB3_25:
0x157: {  	v0 =	vld.msk [tilespmem:s4+$0x0], $0x1;
	s2 =	sadd.s32 $0xFFFFFFFF, s2;
	s0 =	sadd.s32 s0, s5  }
0x158: {  	p0 =	sne.s32 s2, $0x0;
	_ =	sdelay $0x3  }
0x159: {  	(v2sf) =	vpush v0, $0x0;
	_ =	sdelay $0xe  }
.Ltmp27:
0x15a: {  	s6 =	spop (v2sf);
	(pc) =	sbr.rel @p0 .LBB3_25-.Ltmp27, $4  }
0x15b: {  	s5 =	simm.s32 $0x0;
	p1 =	sgt.u32 s6, $0x27FF  }
0x15c: {  	s3 =	sadd.s32 $0x1, s3;
	s5 =	simm.s32 @!p1 $0x4;
	s7 =	sshrl.u32 @!p1 s6, $0x3  }
0x15d: {  	s4 =	sadd.s32 $0x1, s4;
	s6 =	sand.u32 @!p1 $0x7, s6;
	s7 =	sadd.s32 @!p1 s1, s7  }
0x15e: {  	[hbm4b:s7+s6] =	stream.linear.scatter @!p1 [tilespmem:s3], [sflag:$0x5], $0x1, $0x38;
	[tilespmem:$0x4770] =	vst v63  }
.LBB3_26:
0x15f: {  	s0 =	sadd.s32 s0, s5  }
0x160: {  	s0 =	sshrl.u32 s0, $0x2  }
.LBB3_27:
0x161: {  	s1 =	simm.s32 $0x5  }
0x162: {  	_ =	swait.ge [sflag:s1], s0  }
0x163: {  	s28 =	ssub.s32 $0x0, s0;
	[sflag:s1] =	ssyncset.done $0x0  }
0x164: {  	[sflag:s1] =	ssyncadd.s32 s28  }
0x165: {  	[sflag:s1] =	ssyncpa.u1 $0x1  }
0x166: {  	s29 =	simm.s32 $0x1;
	_ =	sfence  }
0x167: {  	s30 =	simm.s32 $0x2;
	[sflag:s29] =	ssyncpa.u1 $0x1  }
0x168: {  	[sflag:s30] =	ssyncpa.u1 $0x1  }
0x169: {  	_ =	strace $0x9000006B  }
0x16a: {  	[bflag:$0x2] =	sbarrier.arrive $0xFFFF  }
0x16b: {  	s31 =	rddreg [dreg:$0x2]  }
0x16c: {  	s0 =	sadd.s32 $0x100000, s31  }
0x16d: {  	[sflag:s0] =	ssyncadd.tile.s32 $0x1;
	_ =	shalt  }
.Lfunc_end3:
_tile_overlayer_lowered:
.L_overlay_start_3:
0x16e: {  	(tag) =	ssettag $0x3  }
0x16f: {  	s0 =	rddreg [dreg:$0x0];
	s2 =	stileid.u32  }
0x170: {  	s1 =	rddreg [dreg:$0x1];
	p0 =	sne.s32 s2, $0x0  }
0x171: {  	s3 =	rddreg [dreg:$0x2];
	[bflag:$0x3] =	sbarrier.arrive $0xFFFF;
	s2 =	simm.s32 @!p0 $0x1C01  }
0x172: {  	[timem:s3], [sflag:s2] =	dma.local @!p0 [hbm:s0], s1  }
0x173: {  	s0 =	simm.s32 @!p0 $0x1  }
0x174: {  	_ =	swait.ge @!p0 [sflag:s0], s1  }
0x175: {  	s1 =	ssub.s32 @!p0 $0x0, s1;
	[sflag:s0] =	ssyncset.done @!p0 $0x0  }
0x176: {  	[sflag:s0] =	ssyncadd.s32 @!p0 s1  }
0x177: {  	[bflag:$0x3] =	sbarrier.arrive $0xFFFF  }
0x178: {  	_ =	shalt  }

// kernel: scatter_offload_async_start.3
scs
__scs_entry_jumppad:
0x0: {  	(pc) =	sbr.rel $0x88, $3  }
0x1: {  	(tag) =	ssettag $0x0;
	lr =	simm.s32 $0x1  }
0x2: {  	[smem:$0x3F97] =	sst lr;
	_ =	strace $0xD0000000  }
0x3: {  	_ = 	snop  }
0x4: {  	_ = 	snop  }
0x5: {  	_ = 	snop  }
0x6: {  	_ = 	snop  }
0x7: {  	_ = 	snop  }
__scs_overlays_trampoline_lowered:
0x8: {  	[smem:$0x3FA6] =	sst s0  }
0x9: {  	[smem:$0x3FA7] =	sst s1  }
0xa: {  	[smem:$0x3FA8] =	sst s2  }
0xb: {  	[smem:$0x3FA9] =	sst s3  }
0xc: {  	[smem:$0x3FAA] =	sst s4  }
0xd: {  	[smem:$0x3FAB] =	sst s5  }
0xe: {  	[smem:$0x3FAC] =	sst s6  }
0xf: {  	[smem:$0x3FAD] =	sst s7  }
0x10: {  	[smem:$0x3FAE] =	sst s8  }
0x11: {  	[smem:$0x3FAF] =	sst s9;
	s0 =	simm.s32 @!p0 $0x0  }
0x12: {  	s1 =	sld [smem:$0x3F95];
	s0 =	simm.s32 @p0 $0x1  }
0x13: {  	[smem:$0x3FB0] =	sst s0;
	s0 =	simm.s32 @!p1 $0x0  }
0x14: {  	s2 =	sld [smem:$0x3F94];
	s0 =	simm.s32 @p1 $0x1  }
0x15: {  	[smem:$0x3FB1] =	sst s0;
	s0 =	simm.s32 @!p2 $0x0  }
0x16: {  	s3 =	sld [smem:$0x3FDB];
	s0 =	simm.s32 @p2 $0x1  }
0x17: {  	s4 =	simm.s32 $0x1BF5;
	[smem:$0x3FB3] =	sst s0  }
0x18: {  	s0 =	sld [smem:$0x3F96];
	_ =	swait.ge [sflag:s4], $0x0  }
0x19: {  	s7 =	sld [smem:$0x3F97]  }
0x1a: {  	s8 =	sadd.s32 $0xFFFFE003, lr  }
0x1b: {  	s9 =	sadd.s32 $0xFFFFFEF7, lr;
	s5 =	simm.s32 $0xFFFFFFFF;
	p2 =	slt.u32 s8, $0xFFFFF086  }
0x1c: {  	p1 =	slt.u32 s9, $0xF7A;
	s5 =	simm.s32 @!p2 $0x0  }
0x1d: {  	s5 =	simm.s32 @p1 $0x1;
	p0 =	seq.s32 s7, s2  }
0x1e: {  	s7 =	smul.u32 @!p0 $0xF7A, s2;
	p2 =	seq.s32 @!p0 s5, $0x0  }
0x1f: {  	s9 =	smul.u32 $0xF7A, s1;
	s8 =	simm.s32 @!p0 $0x1BF5;
	p2 =	por !p2, p0  }
0x20: {  	[sflag:s8] =	ssyncset.s32 @!p0 $0xFFFFF086;
	s6 =	sadd.s32 @!p0 s3, s7;
	s7 =	simm.s32 @!p0 $0x108  }
0x21: {  	s3 =	sadd.s32 s3, s9;
	s6 =	sadd.s32 @!p0 $0x88, s6;
	s7 =	simm.s32 @p2 $0x1082  }
0x22: {  	[simem:s7], [sflag:s8] =	dma.local @!p0 [hbm:s6], $0xF7A  }
0x23: {  	s9 =	sor.u32 $0xD0000000, s2;
	s6 =	simm.s32 $0x108;
	_ =	swait.ge @!p0 [sflag:s8], $0x0  }
0x24: {  	s3 =	sadd.s32 $0x88, s3;
	s6 =	simm.s32 @!p1 $0x1082;
	[sflag:s4] =	ssyncset.s32 $0xFFFFF086  }
0x25: {  	[simem:s6], [sflag:s4] =	dma.local [hbm:s3], $0xF7A  }
0x26: {  	[smem:$0x3F97] =	sst s1;
	(tag) =	ssettag s2;
	_ =	strace s9  }
0x27: {  	s1 =	sld [smem:$0x3FA7]  }
0x28: {  	s2 =	sld [smem:$0x3FA8]  }
0x29: {  	s4 =	sld [smem:$0x3FAA]  }
0x2a: {  	p0 =	seq.s32 s5, $0x0;
	s5 =	sld [smem:$0x3FAB]  }
0x2b: {  	s6 =	sld [smem:$0x3FAC]  }
0x2c: {  	s7 =	sld [smem:$0x3FAD]  }
0x2d: {  	s3 =	simm.s32 $0x108;
	s8 =	sld [smem:$0x3FAE]  }
0x2e: {  	s3 =	simm.s32 @!p0 $0x1082;
	s9 =	sld [smem:$0x3FAF]  }
0x2f: {  	lr =	sadd.s32 s0, s3;
	s0 =	sld [smem:$0x3FA6]  }
0x30: {  	s3 =	sld [smem:$0x3FA9]  }
0x31: {  	[smem:$0x3FB2] =	sst s10  }
0x32: {  	s10 =	sld [smem:$0x3FB0];
	_ =	sdelay $0x3  }
0x33: {  	p0 =	seq.s32 s10, $0x1;
	s10 =	sld [smem:$0x3FB2];
	_ =	sdelay $0x3  }
0x34: {  	[smem:$0x3FB2] =	sst s10  }
0x35: {  	s10 =	sld [smem:$0x3FB1];
	_ =	sdelay $0x3  }
0x36: {  	p1 =	seq.s32 s10, $0x1;
	s10 =	sld [smem:$0x3FB2];
	_ =	sdelay $0x3  }
0x37: {  	[smem:$0x3FB2] =	sst s10  }
0x38: {  	s10 =	sld [smem:$0x3FB3]  }
0x39: {  	_ = 	snop;
	(pc) =	sbr.ind lr, $3  }
0x3a: {  	_ = 	snop  }
0x3b: {  	_ = 	snop  }
0x3c: {  	p2 =	seq.s32 s10, $0x1;
	s10 =	sld [smem:$0x3FB2]  }
0x3d: {  	_ =	shalt  }
0x3e: {  	_ =	shalt  }
0x3f: {  	_ =	shalt  }
0x40: {  	_ =	shalt  }
0x41: {  	_ =	shalt  }
0x42: {  	_ =	shalt  }
0x43: {  	_ =	shalt  }
0x44: {  	_ =	shalt  }
0x45: {  	_ =	shalt  }
0x46: {  	_ =	shalt  }
0x47: {  	_ =	shalt  }
0x48: {  	_ =	shalt  }
0x49: {  	_ =	shalt  }
0x4a: {  	_ =	shalt  }
0x4b: {  	_ =	shalt  }
0x4c: {  	_ =	shalt  }
0x4d: {  	_ =	shalt  }
0x4e: {  	_ =	shalt  }
0x4f: {  	_ =	shalt  }
0x50: {  	_ =	shalt  }
0x51: {  	_ =	shalt  }
0x52: {  	_ =	shalt  }
0x53: {  	_ =	shalt  }
0x54: {  	_ =	shalt  }
0x55: {  	_ =	shalt  }
0x56: {  	_ =	shalt  }
0x57: {  	_ =	shalt  }
0x58: {  	_ =	shalt  }
0x59: {  	_ =	shalt  }
0x5a: {  	_ =	shalt  }
0x5b: {  	_ =	shalt  }
0x5c: {  	_ =	shalt  }
0x5d: {  	_ =	shalt  }
0x5e: {  	_ =	shalt  }
0x5f: {  	_ =	shalt  }
0x60: {  	_ =	shalt  }
0x61: {  	_ =	shalt  }
0x62: {  	_ =	shalt  }
0x63: {  	_ =	shalt  }
0x64: {  	_ =	shalt  }
0x65: {  	_ =	shalt  }
0x66: {  	_ =	shalt  }
0x67: {  	_ =	shalt  }
0x68: {  	_ =	shalt  }
0x69: {  	_ =	shalt  }
0x6a: {  	_ =	shalt  }
0x6b: {  	_ =	shalt  }
0x6c: {  	_ =	shalt  }
0x6d: {  	_ =	shalt  }
0x6e: {  	_ =	shalt  }
0x6f: {  	_ =	shalt  }
0x70: {  	_ =	shalt  }
0x71: {  	_ =	shalt  }
0x72: {  	_ =	shalt  }
0x73: {  	_ =	shalt  }
0x74: {  	_ =	shalt  }
0x75: {  	_ =	shalt  }
0x76: {  	_ =	shalt  }
0x77: {  	_ =	shalt  }
0x78: {  	_ =	shalt  }
0x79: {  	_ =	shalt  }
0x7a: {  	_ =	shalt  }
0x7b: {  	_ =	shalt  }
0x7c: {  	_ =	shalt  }
0x7d: {  	_ =	shalt  }
0x7e: {  	_ =	shalt  }
0x7f: {  	_ =	shalt  }
0x80: {  	_ =	shalt  }
0x81: {  	_ =	shalt  }
0x82: {  	_ =	shalt  }
0x83: {  	_ =	shalt  }
0x84: {  	_ =	shalt  }
0x85: {  	_ =	shalt  }
0x86: {  	_ =	shalt  }
0x87: {  	_ =	shalt  }
.Lfunc_end0:
.L_simem_size_0:
called_computation.3_lowered:
.L_overlay_start_0:
0x88: {  	s2 =	sld [smem:$0x3FD9]  }
0x89: {  	s3 =	sld [smem:$0x3FFE];
	_ =	sdelay $0x1  }
0x8a: {  	s1 =	srdreg.scid  }
0x8b: {  	s0 =	sand.u32 $0x1, s1  }
0x8c: {  	s15 =	sshll.u32 s0, $0xA;
	s2 =	sadd.s32 s3, s2  }
0x8d: {  	s2 =	sadd.s32 s2, s15  }
0x8e: {  	[smem:$0x3FBE] =	sst s2  }
0x8f: {  	_ = 	snop  }
0x90: {  	s2 =	sld [smem:$0x3FD0];
	_ =	sdelay $0x2  }
0x91: {  	s16 =	simm.s32 $0xE;
	s4 =	simm.s32 $0x10  }
0x92: {  	[smem:s4], [sflag:s16] =	dma.local [hbm:s2], $0x1  }
0x93: {  	_ =	swait.eq [sflag:s16], $0x1  }
0x94: {  	[sflag:s16] =	ssyncset.done $0x0  }
0x95: {  	[sflag:s16] =	ssyncadd.s32 $0xFFFFFFFF  }
0x96: {  	s17 =	sld [smem:$0x11];
	(tm) =	ssettm $0x1  }
0x97: {  	s18 =	sld [smem:$0x3FFB];
	_ =	sdelay $0x3  }
0x98: {  	_ =	strace s18  }
0x99: {  	s2 =	sld [smem:$0x3FFC];
	_ =	sdelay $0x3  }
0x9a: {  	_ =	strace s2  }
0x9b: {  	s2 =	sld [smem:$0x3FFD];
	_ =	sdelay $0x3  }
0x9c: {  	_ =	strace s2  }
0x9d: {  	_ =	strace $0x8FFFFFFF  }
0x9e: {  	s19 =	sld [smem:$0x3FDB];
	_ =	sdelay $0x1  }
0x9f: {  	s20 =	simm.s32 $_scs_section_size  }
0xa0: {  	s5 =	simm.s32 $_size__tile_overlayer_lowered;
	s6 =	simm.s32 $_tile_overlayer_lowered  }
0xa1: {  	s7 =	simm.s32 $0x1BFF;
	s21 =	sshll.u32 s6, $0x1;
	s4 =	sadd.s32 s20, s19  }
0xa2: {  	s22 =	simm.s32 $0x0;
	s5 =	sshll.u32 s5, $0x1;
	s6 =	sadd.s32 s21, s4  }
0xa3: {  	[timem:s22], [sflag:s7] =	dma.local [hbm:s6], s5  }
0xa4: {  	_ =	swait.ge [sflag:s7], s5  }
0xa5: {  	s5 =	ssub.s32 $0x0, s5;
	[sflag:s7] =	ssyncset.done $0x0  }
0xa6: {  	[sflag:s7] =	ssyncadd.s32 s5;
	_ =	sdelay $0x1  }
0xa7: {  	s23 =	simm.s32 $0x1B8B  }
0xa8: {  	_ =	swait.ge [sflag:s23], $0x1  }
0xa9: {  	[sflag:s23] =	ssyncset.done $0x0  }
0xaa: {  	[sflag:s23] =	ssyncadd.s32 $0xFFFFFFFF  }
0xab: {  	s5 =	sld [smem:$0x0]  }
0xac: {  	s6 =	sand.u32 $0xFFFFFFFE, s1  }
0xad: {  	p0 =	sne.s32 s1, s6  }
0xae: {  	s6 =	sshll.u32 @p0 s6, $0xE  }
0xaf: {  	s6 =	sadd.s32 @p0 $0x11B8D, s6;
	s7 =	sshll.u32 @p0 s5, $0x11  }
0xb0: {  	s6 =	sor.u32 @p0 s7, s6  }
0xb1: {  	[sflag:s6] =	ssyncadd.remote.s32 @p0 $0x1;
	_ =	sdelay $0x1  }
0xb2: {  	s6 =	simm.s32 @p0 $0x1B8D  }
0xb3: {  	_ =	swait.eq @p0 [sflag:s6], $0x1  }
0xb4: {  	[sflag:s6] =	ssyncadd.s32 @p0 $0xFFFFFFFF  }
0xb5: {  	s7 =	sshll.u32 @!p0 s1, $0xE  }
0xb6: {  	s7 =	sor.u32 @!p0 $0x4000, s7;
	s6 =	simm.s32 @!p0 $0x1B8D  }
0xb7: {  	s8 =	sshll.u32 @!p0 s5, $0x11;
	s7 =	sadd.s32 @!p0 $0x11B8D, s7;
	_ =	swait.eq @!p0 [sflag:s6], $0x1  }
0xb8: {  	[sflag:s6] =	ssyncadd.s32 @!p0 $0xFFFFFFFF;
	s6 =	sor.u32 @!p0 s8, s7  }
0xb9: {  	s25 =	simm.s32 $0x1B8E;
	s24 =	sld [smem:$0x3FFE];
	[sflag:s6] =	ssyncadd.remote.s32 @!p0 $0x1  }
0xba: {  	s26 =	simm.s32 $execute0_lowered;
	[smem:$0x3FD2] =	sst s25  }
0xbb: {  	s7 =	sshll.u32 s26, $0x1;
	_ =	strace $0x80000064;
	[dreg:$0x1] =	wrdreg $0xFFFFFFFF  }
0xbc: {  	s28 =	simm.s32 $_size_execute0_lowered;
	s4 =	sadd.s32 s4, s7;
	[dreg:$0x0] =	wrdreg $0x0  }
0xbd: {  	s7 =	sshll.u32 s28, $0x1;
	[dreg:$0x2] =	wrdreg s4  }
0xbe: {  	[dreg:$0x3] =	wrdreg s7  }
0xbf: {  	[dreg:$0x4] =	wrdreg $0xC0  }
0xc0: {  	_ =	task [dreg:s22], $0x5FFFF  }
0xc1: {  	[dreg:$0x1] =	wrdreg $0xFFFFFFFF  }
0xc2: {  	[dreg:$0x0] =	wrdreg $0x60  }
0xc3: {  	[dreg:$0x2] =	wrdreg s17  }
0xc4: {  	[dreg:$0x3] =	wrdreg s24  }
0xc5: {  	[dreg:$0x4] =	wrdreg s1  }
0xc6: {  	[dreg:$0x5] =	wrdreg s5  }
0xc7: {  	[dreg:$0x6] =	wrdreg $0xB  }
0xc8: {  	_ =	task.clear_ibuf [dreg:s22], $0x7FFFF;
	_ =	strace $0x90000064  }
0xc9: {  	s29 =	simm.s32 $0xB;
	_ =	strace $0x80000066  }
0xca: {  	_ =	swait.ge [sflag:s29], $0x1  }
0xcb: {  	[sflag:s29] =	ssyncadd.s32 $0xFFFFFFFF  }
0xcc: {  	_ =	strace $0x90000066  }
0xcd: {  	_ =	sfence  }
0xce: {  	s30 =	sld [smem:$0x0];
	_ =	sdelay $0x2  }
0xcf: {  	s31 =	sshll.u32 s1, $0xD;
	s1 =	sshrl.u32 s1, $0x2  }
0xd0: {  	s4 =	sand.u32 $0x4000, s31;
	s1 =	sadd.s32 s1, s30  }
0xd1: {  	s0 =	sor.u32 s4, s0;
	s1 =	sshll.u32 s1, $0x11  }
0xd2: {  	s0 =	sor.u32 s1, s0  }
0xd3: {  	s0 =	sadd.s32 $0x8F2B, s0  }
0xd4: {  	[sflag:s0] =	ssyncadd.remote.s32 $0x1  }
0xd5: {  	_ =	sfence.sel $0xFFFF  }
0xd6: {  	[dreg:$0x0] =	wrdreg $0xFFFFFFFF;
	(pc) =	sbr.abs _section_cstart, $3  }
0xd7: {  	[dreg:$0x1] =	wrdreg $0xFFFFFFFF  }
0xd8: {  	_ =	task.clear_ibuf [dreg:s22], $0x2FFFF;
	_ =	strace $0x9FFFFFFF  }
0xd9: {  	(tm) =	ssettm $0x7FFFFFFF  }
tec
execute0_lowered:
.L_overlay_start_1:
0x0: {  	(tag) =	ssettag $0x1  }
0x1: {  	s1 =	rddreg [dreg:$0x0]  }
0x2: {  	s2 =	rddreg [dreg:$0x1]  }
0x3: {  	s3 =	rddreg [dreg:$0x2];
	_ =	strace $0x80000065;
	s0 =	simm.s32 $0x1  }
0x4: {  	v0 =	vimm.s32 $0x0;
	[sflag:s0] =	ssyncpa.u1 $0x0;
	s0 =	simm.s32 $0x108  }
0x5: {  	[tilespmem:s0+$0x70] =	vst v0  }
0x6: {  	[tilespmem:s0+$0x60] =	vst v0  }
0x7: {  	[tilespmem:s0+$0x50] =	vst v0  }
0x8: {  	[tilespmem:s0+$0x40] =	vst v0  }
0x9: {  	[tilespmem:s0+$0x30] =	vst v0  }
0xa: {  	s15 =	sadd.s32 $0x1600, s2;
	s6 =	sadd.s32 $0x28600, s2;
	[tilespmem:s0+$0x20] =	vst v0  }
0xb: {  	s14 =	sadd.s32 $0x2600, s2;
	s5 =	sand.u32 $0x1, s3;
	s3 =	simm.s32 $0x40;
	[tilespmem:s0+$0x10] =	vst v0  }
.LBB2_1:
0xc: {  	s3 =	sadd.s32 $0x40, s3;
	[tilespmem:s0+$0x0] =	vst v0;
	s0 =	sadd.s32 $0x80, s0  }
0xd: {  	p0 =	slt.u32 s3, $0x3C40;
	[tilespmem:s0+$0x70] =	vst v0  }
0xe: {  	[tilespmem:s0+$0x60] =	vst v0  }
.Ltmp0:
0xf: {  	[tilespmem:s0+$0x50] =	vst v0;
	(pc) =	sbr.rel @p0 .LBB2_1-.Ltmp0, $4  }
0x10: {  	[tilespmem:s0+$0x40] =	vst v0  }
0x11: {  	[tilespmem:s0+$0x30] =	vst v0  }
0x12: {  	[tilespmem:s0+$0x20] =	vst v0  }
0x13: {  	[tilespmem:s0+$0x10] =	vst v0  }
0x14: {  	s9 =	stileid.u32  }
0x15: {  	s2 =	smin.u32 s9, $0x3;
	s3 =	sshll.u32 s9, $0x2  }
0x16: {  	s2 =	sor.u32 s2, s3  }
0x17: {  	p0 =	slt.u32 s9, $0x3;
	s7 =	smul.u32 $0xF0, s2;
	s2 =	simm.s32 $0x4B0  }
0x18: {  	s2 =	simm.s32 @!p0 $0x3C0  }
0x19: {  	s2 =	sadd.s32 s2, s7  }
0x1a: {  	s8 =	smin.u32 s2, $0x3E80  }
0x1b: {  	s2 =	ssub.s32 s8, s7  }
0x1c: {  	p0 =	sgt.s32 s2, $0x0  }
0x1d: {  	s29 =	simm.s32 $0x2;
	s10 =	simm.s32 $0x9;
	s2 =	simm.s32 @!p0 $0x0  }
0x1e: {  	s4 =	simm.s32 $0xA;
	s11 =	simm.s32 $0xB;
	s28 =	smul.u32 $0x8889, s2  }
0x1f: {  	[dreg:$0x5] =	wrdreg s5;
	s31 =	smul.u32 $0x7D0, s5;
	s12 =	simm.s32 $0x1  }
0x20: {  	s22 =	simm.s32 $0x0;
	s18 =	simm.s32 $0xC;
	s30 =	sshrl.u32 s28, $0x17  }
0x21: {  	s20 =	simm.s32 $0x0;
	s21 =	simm.s32 $0x0;
	s3 =	smul.u32 $0xF0, s30  }
.Ltmp1:
0x22: {  	[tilespmem:s0+$0x0] =	vst v0;
	v0 =	vimm.s32 $0xFFFFFFFF;
	[sflag:s29] =	ssyncpa.u1 $0x0;
	s16 =	sshll.u32 s9, $0x8;
	(pc) =	sbr.rel .LBB2_3-.Ltmp1, $4  }
0x23: {  	[tilespmem:$0xF208] =	vst v0;
	[sflag:s10] =	ssyncpa.u1 $0x0;
	p0 =	sne.s32 s2, s3;
	s2 =	simm.s32 $0x1  }
0x24: {  	s14 =	sadd.s32 s31, s14;
	[sflag:s4] =	ssyncpa.u1 $0x0;
	s2 =	simm.s32 @!p0 $0x0  }
0x25: {  	s15 =	sadd.s32 s31, s15;
	[sflag:s11] =	ssyncpa.u1 $0x0;
	s13 =	sadd.s32 s30, s2  }
0x26: {  	v0 =	vlaneseq.u32;
	s19 =	smov.u32 s7;
	p0 =	por $0x0, $0x0;
	s17 =	sadd.s32 $0x1, s13  }
.LBB2_18:
0x27: {  	s0 =	sshrl.u32 s31, $0x2  }
.LBB2_20:
0x28: {  	_ =	swait.ge [sflag:s18], s0  }
0x29: {  	s31 =	ssub.s32 $0x0, s0;
	v1 =	vmov s24;
	vm0 =	veq.s32 v0, $0x0;
	[sflag:s18] =	ssyncset.done $0x0  }
0x2a: {  	vm15 =	veq.s32 v0, $0x2;
	v1 =	vsel vm0, s30, v1;
	[sflag:s18] =	ssyncadd.s32 s31  }
0x2b: {  	v1 =	vsel vm15, s22, v1;
	[sflag:s18] =	ssyncpa.u1 $0x1  }
0x2c: {  	[tilespmem:$0xF208] =	vst v1  }
.LBB2_21:
0x2d: {  	s0 =	sadd.s32 $0xF0, s19  }
0x2e: {  	s2 =	smov.u32 s7;
	p1 =	slt.s32 s0, s8  }
0x2f: {  	s2 =	smov.u32 @p1 s0;
	p1 =	sne.s32 s21, s17  }
.Ltmp2:
0x30: {  	_ = 	snop;
	(pc) =	sbr.rel @!p1 .LBB2_22-.Ltmp2, $3  }
0x31: {  	_ =	sdelay $0x1  }
0x32: {  	s22 =	smov.u32 s20;
	s31 =	sadd.s32 $0x1, s21;
	s20 =	smov.u32 s19  }
0x33: {  	p0 =	por !p0, !p0;
	s21 =	smov.u32 s31;
	s19 =	smov.u32 s2  }
.LBB2_3:
0x34: {  	p1 =	sge.u32 s21, s13  }
0x35: {  	s0 =	smulhi.u32 @!p1 $0xAAAAAAAB, s21  }
0x36: {  	s2 =	smov.u32 s19;
	p2 =	sgt.s32 @!p1 s19, $0x3D90  }
0x37: {  	s3 =	sshra.s32 @!p1 s19, $0x1F;
	p2 =	por !p2, p1;
	s0 =	sshrl.u32 @!p1 s0, $0x1  }
0x38: {  	s3 =	sand.u32 @!p1 s3, s19;
	s2 =	simm.s32 @p2 $0x3D90;
	s0 =	smul.u32 @!p1 $0x3, s0  }
0x39: {  	s2 =	ssub.s32 @!p1 s2, s3  }
0x3a: {  	s2 =	sadd.s32 @!p1 $0xFFFFC270, s2;
	s0 =	ssub.s32 @!p1 s21, s0  }
0x3b: {  	s3 =	sshll.u32 @!p1 s2, $0x2;
	p2 =	sgt.s32 @!p1 s2, $0xEF;
	s0 =	smul.u32 @!p1 $0x3C0, s0  }
0x3c: {  	s4 =	sand.u32 @!p1 $0x7, s19;
	s2 =	ssub.s32 @!p1 $0x3C0, s3;
	p2 =	por !p2, p1  }
0x3d: {  	s3 =	sshrl.u32 @!p1 s19, $0x3;
	s2 =	sshrl.u32 @!p1 s2, $0x2;
	s0 =	sshrl.u32 @!p1 s0, $0x2  }
0x3e: {  	s3 =	sadd.s32 @!p1 s3, s14;
	s2 =	simm.s32 @!p2 $0x0;
	s0 =	sadd.s32 @!p1 $0x10248, s0  }
0x3f: {  	[tilespmem:s0], [sflag:$0xA] =	stream.linear.gather @!p1 [hbm4b:s3+s4], s2, $0x38;
	[tilespmem:$0x1F6F8] =	vst v63  }
0x40: {  	s0 =	sadd.s32 $0xFFFFFFFF, s21  }
0x41: {  	p1 =	sge.u32 s0, s13  }
0x42: {  	p2 =	sgt.s32 @!p1 s20, $0x3D90  }
0x43: {  	s2 =	smov.u32 s20;
	s3 =	sshra.s32 @!p1 s20, $0x1F;
	p2 =	por !p2, p1  }
0x44: {  	s3 =	sand.u32 @!p1 s3, s20;
	s2 =	simm.s32 @p2 $0x3D90  }
0x45: {  	s2 =	ssub.s32 @!p1 s2, s3  }
0x46: {  	s2 =	sadd.s32 @!p1 $0xFFFFC270, s2  }
0x47: {  	s4 =	sand.u32 @!p1 $0x1, s0;
	s3 =	sshll.u32 @!p1 s2, $0x2  }
0x48: {  	p2 =	sgt.s32 @!p1 s2, $0xEF;
	s2 =	ssub.s32 @!p1 $0x3C0, s3;
	s3 =	smulhi.u32 @!p1 $0xAAAAAAAB, s0  }
0x49: {  	s23 =	smul.u32 @!p1 $0x3C0, s4;
	p2 =	por !p2, p1;
	s2 =	sshrl.u32 @!p1 s2, $0x2  }
0x4a: {  	s5 =	simm.s32 @!p1 $0xA;
	s2 =	simm.s32 @!p2 $0x0;
	s3 =	sshrl.u32 @!p1 s3, $0x1  }
0x4b: {  	s23 =	sshrl.u32 @!p1 s23, $0x2;
	_ =	swait.ge @!p1 [sflag:s5], s2;
	s3 =	smul.u32 @!p1 $0x3, s3  }
0x4c: {  	s23 =	sadd.s32 @!p1 $0x10518, s23;
	s24 =	ssub.s32 @!p1 $0x0, s2;
	[sflag:s5] =	ssyncset.done @!p1 $0x0  }
0x4d: {  	[sflag:s5] =	ssyncadd.s32 @!p1 s24;
	s5 =	sshrl.u32 @!p1 s20, $0x3;
	s0 =	ssub.s32 @!p1 s0, s3  }
0x4e: {  	s24 =	sand.u32 @!p1 $0x7, s20;
	s5 =	sadd.s32 @!p1 s5, s15;
	s0 =	smul.u32 @!p1 $0x3C0, s0  }
0x4f: {  	[tilespmem:s23], [sflag:$0xB] =	stream.linear.gather @!p1 [hbm4b:s5+s24], s2, $0x38;
	[tilespmem:$0x1F6F8] =	vst v63  }
0x50: {  	s3 =	ssub.s32 @!p1 $0x3E80, s20;
	s2 =	smul.u32 @!p1 $0x1E000, s4  }
0x51: {  	p2 =	slt.s32 @!p1 s3, $0xF0  }
0x52: {  	p2 =	por !p2, p1;
	s0 =	sshrl.u32 @!p1 s0, $0x2;
	s2 =	sshrl.u32 @!p1 s2, $0x2  }
0x53: {  	s3 =	simm.s32 @p2 $0xF0;
	s0 =	sadd.s32 @!p1 $0x10248, s0;
	s2 =	sor.u32 @!p1 $0x106F8, s2  }
0x54: {  	[tilespmem:s2], [sflag:$0x9] =	stream.indirect.gather @!p1 [hbm4b:s6+s3], $0x80, s0, s3, $0xb8;
	[tilespmem:$0x1F6F8] =	vst v63  }
0x55: {  	p1 =	slt.u32 s21, $0x2  }
.Ltmp3:
0x56: {  	_ = 	snop;
	(pc) =	sbr.rel @p1 .LBB2_21-.Ltmp3, $1  }
0x57: {  	_ =	sdelay $0x3  }
0x58: {  	p1 =	sgt.s32 s22, $0x3D90  }
0x59: {  	s0 =	smov.u32 s22;
	s2 =	sshra.s32 s22, $0x1F;
	s3 =	ssub.s32 $0x3E80, s22  }
0x5a: {  	s0 =	simm.s32 @!p1 $0x3D90;
	s2 =	sand.u32 s2, s22;
	p1 =	slt.s32 s3, $0xF0  }
0x5b: {  	s0 =	ssub.s32 s0, s2;
	s3 =	simm.s32 @!p1 $0xF0  }
0x5c: {  	s0 =	sadd.s32 $0xFFFFC270, s0;
	s25 =	sshll.u32 s3, $0x7  }
0x5d: {  	s26 =	sshll.u32 s0, $0x2;
	s2 =	sand.u32 $0x3FFFFF80, s25  }
0x5e: {  	p1 =	sgt.s32 s0, $0xEF;
	s29 =	ssub.s32 $0x3C0, s26;
	_ =	swait.ge [sflag:s10], s2  }
0x5f: {  	s2 =	ssub.s32 $0x0, s2;
	[sflag:s10] =	ssyncset.done $0x0;
	s0 =	sshrl.u32 s29, $0x2  }
0x60: {  	[sflag:s10] =	ssyncadd.s32 s2;
	s0 =	simm.s32 @p1 $0x0  }
0x61: {  	_ =	swait.ge [sflag:s11], s0  }
0x62: {  	s0 =	ssub.s32 $0x0, s0;
	[sflag:s11] =	ssyncset.done $0x0  }
0x63: {  	[sflag:s11] =	ssyncadd.s32 s0  }
0x64: {  	v1 =	vld [tilespmem:$0xF208];
	_ =	sdelay $0x4  }
0x65: {  	(v2sf) =	vpush v1, $0x0  }
0x66: {  	(v2sf) =	vpush v1, $0x1  }
0x67: {  	(v2sf) =	vpush v1, $0x2;
	_ =	sdelay $0x3  }
0x68: {  	s0 =	sadd.s32 $0xF0, s22  }
0x69: {  	s2 =	ssub.s32 $0x7D00, s22;
	p1 =	slt.s32 s8, s0  }
0x6a: {  	s0 =	smov.u32 @p1 s8;
	p1 =	sgt.s32 s2, $0x0  }
0x6b: {  	s26 =	ssub.s32 s0, s22;
	s2 =	simm.s32 @!p1 $0x0  }
0x6c: {  	p1 =	slt.s32 s2, s26  }
0x6d: {  	s26 =	smov.u32 @p1 s2  }
0x6e: {  	s25 =	simm.s32 $0x1;
	p1 =	slt.s32 s26, $0x1  }
.Ltmp4:
0x6f: {  	s25 =	simm.s32 @!p0 $0x0;
	(pc) =	sbr.rel @p1 .LBB2_8-.Ltmp4, $4  }
0x70: {  	s31 =	smul.u32 $0x3C0, s25  }
0x71: {  	s28 =	spop (v2sf)  }
0x72: {  	s0 =	sshrl.u32 s31, $0x2;
	s30 =	spop (v2sf)  }
0x73: {  	s23 =	sadd.s32 $0x10518, s0;
	s22 =	spop (v2sf)  }
0x74: {  	s0 =	smin.u32 s26, $0x10  }
0x75: {  	v1 =	vmov s0  }
0x76: {  	p2 =	sgt.s32 s26, $0x10;
	vm1 =	vgt.u32 v1, v0  }
.Ltmp5:
0x77: {  	_ = 	snop;
	(pc) =	sbr.rel @!p2 .LBB2_7-.Ltmp5, $2  }
0x78: {  	_ =	sdelay $0x2  }
0x79: {  	s4 =	simm.s32 $0x10;
	s24 =	sadd.s32 $0xFFFFFFF0, s26;
	s0 =	smov.u32 s23;
	vm0 =	vmmov vm1  }
.LBB2_6:
0x7a: {  	s2 =	smin.u32 s24, $0x10;
	s4 =	sadd.s32 $0x10, s4;
	v1 =	vld.msk [tilespmem:s0+$0x0 ss:$0x1], vm1  }
0x7b: {  	v2 =	vmov s2;
	p2 =	slt.s32 s4, s26  }
0x7c: {  	vm1 =	vgt.u32 v2, v0  }
.Ltmp6:
0x7d: {  	(pc) =	sbr.rel @p2 .LBB2_6-.Ltmp6, $3  }
0x7e: {  	_ =	sdelay $0x1  }
0x7f: {  	v1 =	vshll.u32 v1, $0x4  }
0x80: {  	s24 =	sadd.s32 $0xFFFFFFF0, s24;
	[tilespmem:s0+$0x0] =	vst.msk vm0, v1;
	s0 =	sadd.s32 $0x10, s0;
	vm0 =	vmmov vm1  }
.LBB2_7:
0x81: {  	_ =	sdelay $0x4  }
0x82: {  	v1 =	vld.msk [tilespmem:s0+$0x0 ss:$0x1], vm1;
	_ =	sdelay $0x4  }
0x83: {  	v1 =	vshll.u32 v1, $0x4  }
0x84: {  	[tilespmem:s0+$0x0] =	vst.msk vm0, v1  }
.LBB2_8:
0x85: {  	s0 =	sand.u32 $0x1, s21  }
0x86: {  	s0 =	smul.u32 $0xF0, s0  }
0x87: {  	p2 =	sne.s32 s30, $0xFFFFFFFF  }
0x88: {  	v1 =	vld.msk @!p2 [tilespmem:s0+$0x10518], $0x1;
	_ =	sdelay $0x4  }
0x89: {  	(v2sf) =	vpush @!p2 v1, $0x0;
	_ =	sdelay $0xc  }
.Ltmp7:
0x8a: {  	_ = 	snop;
	(pc) =	sbr.rel @p1 .LBB2_19-.Ltmp7, $4  }
0x8b: {  	_ = 	snop  }
0x8c: {  	s29 =	spop @!p2 (v2sf)  }
0x8d: {  	s22 =	simm.s32 @!p2 $0x0;
	s24 =	smov.u32 s29  }
0x8e: {  	[sflag:s18] =	ssyncpa.u1 $0x0;
	s29 =	smov.u32 @p2 s28;
	s24 =	smov.u32 @p2 s30  }
0x8f: {  	v1 =	vld.msk [tilespmem:s23+$0x0], $0x1;
	_ =	sdelay $0x4  }
0x90: {  	(v2sf) =	vpush v1, $0x0;
	_ =	sdelay $0xe  }
0x91: {  	s2 =	smul.u32 $0x1E000, s25;
	s0 =	spop (v2sf)  }
0x92: {  	s26 =	ssub.s32 $0x0, s26;
	p1 =	seq.s32 s29, s0  }
0x93: {  	s30 =	sadd.s32 $0x1, s26;
	s2 =	sshrl.u32 s2, $0x2;
	p2 =	sgt.s32 @!p1 s29, $0x0  }
0x94: {  	s25 =	sor.u32 $0x10738, s2;
	s2 =	smov.u32 s29;
	p2 =	por !p2, p1  }
0x95: {  	s2 =	simm.s32 @p2 $0x0;
	p2 =	seq.s32 s30, $0x0  }
.Ltmp8:
0x96: {  	_ = 	snop;
	(pc) =	sbr.rel @p2 .LBB2_11-.Ltmp8, $4  }
0x97: {  	_ = 	snop  }
0x98: {  	s28 =	simm.s32 $0x0;
	s31 =	sadd.s32 $0x1, s23;
	s2 =	smin.u32 @!p1 s2, $0x270F0  }
0x99: {  	s4 =	simm.s32 @!p1 $0x1;
	s5 =	simm.s32 @!p1 $0x7988;
	s3 =	sand.u32 @!p1 $0x3FFF8, s2  }
0x9a: {  	s4 =	smov.u32 @p1 s28;
	s2 =	sand.u32 @!p1 $0x7, s2;
	s3 =	sadd.s32 @!p1 s1, s3  }
.LBB2_10:
0x9b: {  	s9 =	smov.u32 s4  }
0x9c: {  	[tilespmem:s5], [sflag:$0x2] =	stream.linear.gather @!p1 [hbm4b:s3+s2], $0x80, $0x38;
	[tilespmem:$0x1F6F8] =	vst v63  }
0x9d: {  	s30 =	sadd.s32 $0x1, s30;
	s2 =	smov.u32 s0;
	v1 =	vld.msk [tilespmem:s31+$0x0], $0x1  }
0x9e: {  	p2 =	seq.s32 s30, $0x0;
	_ =	sdelay $0x3  }
0x9f: {  	(v2sf) =	vpush v1, $0x0;
	_ =	sdelay $0xe  }
0xa0: {  	s0 =	spop (v2sf)  }
0xa1: {  	p1 =	seq.s32 s2, s0  }
0xa2: {  	p3 =	sgt.s32 @!p1 s2, $0x0;
	s3 =	sshll.u32 @!p1 s4, $0x9;
	s4 =	sadd.s32 @!p1 $0x1, s4  }
.Ltmp9:
0xa3: {  	p3 =	por !p3, p1;
	s3 =	sshra.s32 @!p1 s3, $0x2;
	(pc) =	sbr.rel @!p2 .LBB2_10-.Ltmp9, $4  }
0xa4: {  	s4 =	smov.u32 @p1 s9;
	s2 =	simm.s32 @p3 $0x0;
	s5 =	sadd.s32 @!p1 $0x7988, s3  }
0xa5: {  	s2 =	smin.u32 @!p1 s2, $0x270F0  }
0xa6: {  	s3 =	sand.u32 @!p1 $0x3FFF8, s2;
	s2 =	sand.u32 @!p1 $0x7, s2  }
0xa7: {  	s31 =	sadd.s32 $0x1, s31;
	s3 =	sadd.s32 @!p1 s1, s3  }
.LBB2_11:
0xa8: {  	[tilespmem:s5], [sflag:$0x2] =	stream.linear.gather @!p1 [hbm4b:s3+s2], $0x80, $0x38;
	[tilespmem:$0x1F6F8] =	vst v63  }
.Ltmp10:
0xa9: {  	s0 =	sshll.u32 s4, $0x7;
	(pc) =	sbr.rel .LBB2_12-.Ltmp10, $4  }
0xaa: {  	s30 =	simm.s32 $0x2;
	s0 =	sand.u32 $0x3FFFFF80, s0  }
0xab: {  	_ =	swait.ge [sflag:s30], s0  }
0xac: {  	s0 =	ssub.s32 $0x0, s0;
	[sflag:s30] =	ssyncset.done $0x0  }
0xad: {  	s31 =	simm.s32 $0x0;
	[sflag:s30] =	ssyncadd.s32 s0  }
.LBB2_13:
0xae: {  	v1 =	vld [tilespmem:s25+$0xFFFFFFC0];
	_ =	sdelay $0x3  }
0xaf: {  	s0 =	sshra.s32 s0, $0x2  }
0xb0: {  	[tilespmem:s0+$0x108] =	vst.add.f32.msk $0xffff, v1  }
0xb1: {  	v1 =	vld [tilespmem:s25+$0xFFFFFFD0];
	_ =	sdelay $0x4  }
0xb2: {  	[tilespmem:s0+$0x118] =	vst.add.f32.msk $0xffff, v1  }
0xb3: {  	v1 =	vld [tilespmem:s25+$0xFFFFFFE0];
	_ =	sdelay $0x4  }
0xb4: {  	[tilespmem:s0+$0x128] =	vst.add.f32.msk $0xffff, v1  }
0xb5: {  	v1 =	vld [tilespmem:s25+$0xFFFFFFF0];
	_ =	sdelay $0x4  }
0xb6: {  	[tilespmem:s0+$0x138] =	vst.add.f32.msk $0xffff, v1  }
0xb7: {  	v1 =	vld [tilespmem:s25+$0x0];
	_ =	sdelay $0x4  }
0xb8: {  	[tilespmem:s0+$0x148] =	vst.add.f32.msk $0xffff, v1  }
0xb9: {  	v1 =	vld [tilespmem:s25+$0x10];
	_ =	sdelay $0x4  }
0xba: {  	[tilespmem:s0+$0x158] =	vst.add.f32.msk $0xffff, v1  }
0xbb: {  	v1 =	vld [tilespmem:s25+$0x20];
	_ =	sdelay $0x4  }
0xbc: {  	[tilespmem:s0+$0x168] =	vst.add.f32.msk $0xffff, v1  }
0xbd: {  	v1 =	vld [tilespmem:s25+$0x30];
	_ =	sdelay $0x4  }
0xbe: {  	[tilespmem:s0+$0x178] =	vst.add.f32.msk $0xffff, v1  }
.LBB2_17:
0xbf: {  	s26 =	sadd.s32 $0x1, s26  }
0xc0: {  	p1 =	seq.s32 s26, $0x0  }
.Ltmp11:
0xc1: {  	_ = 	snop;
	(pc) =	sbr.rel @p1 .LBB2_18-.Ltmp11, $2  }
0xc2: {  	_ =	sdelay $0x2  }
0xc3: {  	s23 =	sadd.s32 $0x1, s23;
	s25 =	sadd.s32 $0x80, s25;
	s29 =	smov.u32 s30  }
.LBB2_12:
0xc4: {  	v1 =	vld.msk [tilespmem:s23+$0x0], $0x1;
	_ =	sdelay $0x4  }
0xc5: {  	(v2sf) =	vpush v1, $0x0;
	_ =	sdelay $0xe  }
0xc6: {  	s30 =	spop (v2sf)  }
0xc7: {  	p1 =	sne.s32 s29, s30  }
.Ltmp12:
0xc8: {  	_ = 	snop;
	(pc) =	sbr.rel @!p1 .LBB2_13-.Ltmp12, $2  }
0xc9: {  	_ =	sdelay $0x2  }
0xca: {  	s0 =	sshll.u32 s22, $0x9  }
0xcb: {  	p1 =	seq.s32 s29, s24  }
.Ltmp13:
0xcc: {  	_ = 	snop;
	(pc) =	sbr.rel @!p1 .LBB2_15-.Ltmp13, $1  }
0xcd: {  	_ =	sdelay $0x3  }
0xce: {  	s0 =	sshra.s32 s0, $0x2  }
.Ltmp14:
0xcf: {  	s0 =	sadd.s32 $0x108, s0;
	(pc) =	sbr.rel .LBB2_16-.Ltmp14, $4  }
0xd0: {  	[spmem:s16] =	stream.linear.scatter [tilespmem:s0], [sflag:$0x1], $0x80, $0x38;
	[tilespmem:$0x1F6F8] =	vst v63  }
0xd1: {  	_ =	swait.ge [sflag:s12], $0x80  }
0xd2: {  	[sflag:s12] =	ssyncset.done $0x0  }
0xd3: {  	[sflag:s12] =	ssyncadd.s32 $0xFFFFFF80  }
.LBB2_15:
0xd4: {  	s2 =	sshll.u32 s28, $0x9  }
0xd5: {  	s2 =	sshra.s32 s2, $0x2  }
0xd6: {  	v1 =	vld [tilespmem:s2+$0x7988];
	_ =	sdelay $0x3  }
0xd7: {  	s0 =	sshra.s32 s0, $0x2  }
0xd8: {  	[tilespmem:s0+$0x108] =	vst.add.f32.msk $0xffff, v1  }
0xd9: {  	v1 =	vld [tilespmem:s2+$0x7998];
	_ =	sdelay $0x4  }
0xda: {  	[tilespmem:s0+$0x118] =	vst.add.f32.msk $0xffff, v1  }
0xdb: {  	v1 =	vld [tilespmem:s2+$0x79A8];
	_ =	sdelay $0x4  }
0xdc: {  	[tilespmem:s0+$0x128] =	vst.add.f32.msk $0xffff, v1  }
0xdd: {  	v1 =	vld [tilespmem:s2+$0x79B8];
	_ =	sdelay $0x4  }
0xde: {  	[tilespmem:s0+$0x138] =	vst.add.f32.msk $0xffff, v1  }
0xdf: {  	v1 =	vld [tilespmem:s2+$0x79C8];
	_ =	sdelay $0x4  }
0xe0: {  	[tilespmem:s0+$0x148] =	vst.add.f32.msk $0xffff, v1  }
0xe1: {  	v1 =	vld [tilespmem:s2+$0x79D8];
	_ =	sdelay $0x4  }
0xe2: {  	[tilespmem:s0+$0x158] =	vst.add.f32.msk $0xffff, v1  }
0xe3: {  	v1 =	vld [tilespmem:s2+$0x79E8];
	_ =	sdelay $0x4  }
0xe4: {  	[tilespmem:s0+$0x168] =	vst.add.f32.msk $0xffff, v1  }
0xe5: {  	v1 =	vld [tilespmem:s2+$0x79F8];
	_ =	sdelay $0x2  }
0xe6: {  	p1 =	sgt.u32 s29, $0x270F0  }
0xe7: {  	s2 =	sand.u32 @!p1 $0x3FFF8, s29  }
0xe8: {  	s3 =	sadd.s32 $0x108, s0;
	[tilespmem:s0+$0x178] =	vst.add.f32.msk $0xffff, v1;
	s0 =	sadd.s32 @!p1 s1, s2;
	s2 =	sand.u32 @!p1 $0x7, s29  }
0xe9: {  	[hbm4b:s0+s2] =	stream.linear.scatter @!p1 [tilespmem:s3], [sflag:$0xC], $0x80, $0x38;
	[tilespmem:$0x1F6F8] =	vst v63  }
0xea: {  	s0 =	simm.s32 $0x0  }
0xeb: {  	s0 =	simm.s32 @!p1 $0x200  }
0xec: {  	s31 =	sadd.s32 s0, s31  }
.LBB2_16:
0xed: {  	s0 =	sadd.s32 $0x1, s22  }
0xee: {  	s2 =	smulhi.u32 $0x88888889, s0;
	_ =	sdelay $0x1  }
0xef: {  	v1 =	vld [tilespmem:s25+$0xFFFFFFC0];
	s2 =	sshrl.u32 s2, $0x7  }
0xf0: {  	s2 =	smul.u32 $0xF0, s2;
	_ =	sdelay $0x1  }
0xf1: {  	s22 =	ssub.s32 s0, s2  }
0xf2: {  	s0 =	sshll.u32 s22, $0x7  }
0xf3: {  	[tilespmem:s0+$0x108] =	vst v1  }
0xf4: {  	v1 =	vld [tilespmem:s25+$0xFFFFFFD0];
	_ =	sdelay $0x4  }
0xf5: {  	[tilespmem:s0+$0x118] =	vst v1  }
0xf6: {  	v1 =	vld [tilespmem:s25+$0xFFFFFFE0];
	_ =	sdelay $0x4  }
0xf7: {  	[tilespmem:s0+$0x128] =	vst v1  }
0xf8: {  	v1 =	vld [tilespmem:s25+$0xFFFFFFF0];
	_ =	sdelay $0x4  }
0xf9: {  	[tilespmem:s0+$0x138] =	vst v1  }
0xfa: {  	v1 =	vld [tilespmem:s25+$0x0];
	_ =	sdelay $0x4  }
0xfb: {  	[tilespmem:s0+$0x148] =	vst v1  }
0xfc: {  	v1 =	vld [tilespmem:s25+$0x10];
	_ =	sdelay $0x4  }
0xfd: {  	[tilespmem:s0+$0x158] =	vst v1  }
0xfe: {  	v1 =	vld [tilespmem:s25+$0x20];
	_ =	sdelay $0x4  }
0xff: {  	[tilespmem:s0+$0x168] =	vst v1  }
0x100: {  	v1 =	vld [tilespmem:s25+$0x30]  }
.Ltmp15:
0x101: {  	_ = 	snop;
	(pc) =	sbr.rel .LBB2_17-.Ltmp15, $2  }
0x102: {  	_ =	sdelay $0x2  }
0x103: {  	s28 =	sadd.s32 $0x1, s28;
	[tilespmem:s0+$0x178] =	vst v1  }
.LBB2_19:
.Ltmp16:
0x104: {  	(pc) =	sbr.rel .LBB2_20-.Ltmp16, $4  }
0x105: {  	_ = 	snop  }
0x106: {  	s0 =	simm.s32 $0x2  }
0x107: {  	_ =	swait.ge [sflag:s0], $0x0  }
0x108: {  	s30 =	smov.u32 s29;
	[sflag:s0] =	ssyncset.done $0x0;
	s0 =	simm.s32 $0x0  }
.LBB2_22:
0x109: {  	_ =	sfence.sel $0x180000  }
0x10a: {  	s0 =	simm.s32 $0x9;
	[bflag:$0x0] =	sbarrier.arrive $0xFFFF  }
0x10b: {  	s24 =	simm.s32 $0xA;
	[sflag:s0] =	ssyncpa.u1 $0x1  }
0x10c: {  	s25 =	simm.s32 $0xB;
	[sflag:s24] =	ssyncpa.u1 $0x1  }
0x10d: {  	s26 =	simm.s32 $0x2;
	[sflag:s25] =	ssyncpa.u1 $0x1  }
0x10e: {  	[sflag:s26] =	ssyncpa.u1 $0x1  }
0x10f: {  	v0 =	vld [tilespmem:$0xF208];
	_ =	sdelay $0x4  }
0x110: {  	(v2sf) =	vpush v0, $0x0  }
0x111: {  	(v2sf) =	vpush v0, $0x1;
	_ =	sdelay $0x1  }
0x112: {  	(v2sf) =	vpush v0, $0x2;
	_ =	sdelay $0xb  }
0x113: {  	s0 =	spop (v2sf)  }
0x114: {  	s2 =	spop (v2sf)  }
0x115: {  	s3 =	smov.u32 s0;
	p0 =	sne.s32 s0, s2  }
0x116: {  	s4 =	spop (v2sf);
	s3 =	simm.s32 @!p0 $0xFFFFFFFF  }
0x117: {  	v2 =	vimm.s32 $0x1;
	v3 =	vlaneseq.u32;
	p0 =	seq.s32 s4, $0xFFFFFFFF;
	v1 =	vmov s3  }
0x118: {  	s16 =	stileid.u32;
	v0 =	vperm.xlane v0, v2;
	p1 =	sne.s32 @!p0 s0, s2;
	v1 =	vperm.xlane v1, v3  }
0x119: {  	vm0 =	vcmask $0x3F04;
	s6 =	simm.s32 $0xF208;
	s0 =	simm.s32 @!p0 $0x1;
	p1 =	por !p1, p0  }
0x11a: {  	s3 =	sshll.u32 s16, $0x1;
	s2 =	sshll.u32 @!p0 s4, $0x9;
	s0 =	simm.s32 @p1 $0x0;
	v0 =	vsel vm0, v1, v0  }
0x11b: {  	s5 =	sor.u32 $0x1000, s3;
	s2 =	sshra.s32 @!p0 s2, $0x2;
	s0 =	sor.u32 @!p0 s0, s3;
	[tilespmem:$0xF208] =	vst v0  }
0x11c: {  	[spmem:s5] =	stream.linear.scatter [tilespmem:s6], [sflag:$0x1], $0x2, $0x38;
	[tilespmem:$0x1F6F8] =	vst v63  }
0x11d: {  	s2 =	sadd.s32 @!p0 $0x108, s2;
	s0 =	sshll.u32 @!p0 s0, $0x7  }
0x11e: {  	[spmem:s0] =	stream.linear.scatter @!p0 [tilespmem:s2], [sflag:$0x1], $0x80, $0x38;
	[tilespmem:$0x1F6F8] =	vst v63  }
0x11f: {  	s0 =	simm.s32 @!p0 $0x82  }
0x120: {  	s28 =	simm.s32 $0x1;
	s0 =	simm.s32 @p0 $0x2  }
0x121: {  	_ =	swait.ge [sflag:s28], s0  }
0x122: {  	s0 =	ssub.s32 $0x0, s0;
	[sflag:s28] =	ssyncset.done $0x0  }
0x123: {  	p0 =	sne.s32 s16, $0x0;
	[sflag:s28] =	ssyncadd.s32 s0  }
.Ltmp17:
0x124: {  	_ =	sfence.stream.spmem;
	(pc) =	sbr.rel @p0 .LBB2_39-.Ltmp17, $4  }
0x125: {  	s29 =	simm.s32 $0x3;
	[bflag:$0x0] =	sbarrier.arrive $0xFFFF  }
0x126: {  	s30 =	simm.s32 $0x4;
	[sflag:s29] =	ssyncpa.u1 $0x1  }
0x127: {  	s31 =	simm.s32 $0x3C;
	[sflag:s30] =	ssyncpa.u1 $0x1  }
0x128: {  	s15 =	rddreg [dreg:$0x5];
	[sflag:s31] =	ssyncpa.u1 $0x1  }
0x129: {  	_ =	sfence.stream.spmem;
	s0 =	simm.s32 $0x5  }
0x12a: {  	s2 =	simm.s32 $0x1000;
	s3 =	simm.s32 $0xF218;
	[sflag:s0] =	ssyncpa.u1 $0x0  }
0x12b: {  	[tilespmem:s3], [sflag:$0x5] =	stream.linear.gather [spmem:s2], $0x20, $0x38;
	[tilespmem:$0x1F6F8] =	vst v63  }
0x12c: {  	s26 =	simm.s32 $0x0;
	s28 =	simm.s32 $0xF238  }
0x12d: {  	[tilespmem:s28], [sflag:$0x5] =	stream.linear.gather [spmem:s26], $0x1000, $0x38;
	[tilespmem:$0x1F6F8] =	vst v63  }
0x12e: {  	_ =	swait.ge [sflag:s0], $0x1020  }
0x12f: {  	[sflag:s0] =	ssyncset.done $0x0  }
0x130: {  	s29 =	simm.s32 $0x0;
	[sflag:s0] =	ssyncadd.s32 $0xFFFFEFE0  }
0x131: {  	v0 =	vld.msk [tilespmem:s29+$0xF218], $0x1;
	_ =	sdelay $0x1  }
0x132: {  	s30 =	simm.s32 $0x1  }
0x133: {  	v1 =	vld.msk [tilespmem:s30+$0xF218], $0x1;
	_ =	sdelay $0x1  }
0x134: {  	(v2sf) =	vpush v0, $0x0;
	_ =	sdelay $0x2  }
0x135: {  	(v2sf) =	vpush v1, $0x0;
	_ =	sdelay $0x2  }
0x136: {  	s31 =	simm.s32 $0x2  }
0x137: {  	v0 =	vld.msk [tilespmem:s31+$0xF218], $0x1;
	_ =	sdelay $0x2  }
0x138: {  	s4 =	simm.s32 $0xFFFFFFFF;
	s5 =	simm.s32 $0xFFFFFFFF;
	s0 =	simm.s32 $0xC  }
.LBB2_24:
0x139: {  	s2 =	smov.u32 s5;
	s3 =	smov.u32 s4  }
0x13a: {  	s4 =	sshra.s32 s0, $0x2;
	p1 =	sne.s32 s0, $0x7C;
	s0 =	sadd.s32 $0x4, s0;
	(v2sf) =	vpush v0, $0x0  }
0x13b: {  	v0 =	vld.msk [tilespmem:s4+$0xF218], $0x1  }
.Ltmp18:
0x13c: {  	(pc) =	sbr.rel @p1 .LBB2_24-.Ltmp18, $4  }
0x13d: {  	s5 =	spop (v2sf)  }
0x13e: {  	p2 =	sne.s32 s3, $0xFFFFFFFF;
	s4 =	smov.u32 s5  }
0x13f: {  	p3 =	seq.s32 s5, $0xFFFFFFFF;
	s4 =	smov.u32 @p2 s3  }
0x140: {  	s5 =	smov.u32 @p3 s2;
	s4 =	smov.u32 @p3 s3  }
0x141: {  	(v2sf) =	vpush v0, $0x0;
	_ =	sdelay $0x8  }
0x142: {  	s0 =	spop (v2sf)  }
0x143: {  	p1 =	sne.s32 s4, $0xFFFFFFFF;
	s2 =	smov.u32 s0  }
0x144: {  	s9 =	simm.s32 $0x6;
	p2 =	seq.s32 s0, $0xFFFFFFFF;
	s2 =	smov.u32 @p1 s4  }
0x145: {  	s6 =	simm.s32 $0x0;
	s2 =	smov.u32 @p2 s4;
	s3 =	spop (v2sf)  }
0x146: {  	s0 =	smov.u32 @p2 s5;
	p1 =	sne.s32 s2, $0xFFFFFFFF;
	s4 =	smov.u32 s3  }
.Ltmp19:
0x147: {  	p2 =	seq.s32 s3, $0xFFFFFFFF;
	s4 =	smov.u32 @p1 s2;
	(pc) =	sbr.rel .LBB2_26-.Ltmp19, $4  }
0x148: {  	s10 =	simm.s32 $0xF188;
	s4 =	smov.u32 @p2 s2;
	s7 =	spop (v2sf)  }
0x149: {  	s11 =	simm.s32 $0x0;
	p1 =	sne.s32 s4, $0xFFFFFFFF;
	s8 =	smov.u32 s7  }
0x14a: {  	s3 =	smov.u32 @p2 s0;
	p2 =	seq.s32 s7, $0xFFFFFFFF;
	s8 =	smov.u32 @p1 s4  }
0x14b: {  	[sflag:s9] =	ssyncpa.u1 $0x0;
	s7 =	smov.u32 @p2 s3;
	s8 =	smov.u32 @p2 s4  }
.LBB2_32:
0x14c: {  	p1 =	sgt.u32 s12, $0x270F0  }
0x14d: {  	p2 =	seq.s32 @!p1 s12, s8  }
0x14e: {  	p1 =	por p1, p2  }
0x14f: {  	p2 =	sne.s32 @!p1 s12, s7  }
0x150: {  	p1 =	por p1, !p2  }
0x151: {  	s0 =	sshll.u32 @p1 s11, $0x9  }
0x152: {  	s0 =	sand.u32 @!p1 $0x3FFF8, s12  }
0x153: {  	s2 =	sand.u32 @!p1 $0x7, s12;
	s0 =	sadd.s32 @!p1 s1, s0  }
0x154: {  	[tilespmem:s10], [sflag:$0x6] =	stream.linear.gather @!p1 [hbm4b:s0+s2], $0x80, $0x38;
	[tilespmem:$0x1F6F8] =	vst v63  }
0x155: {  	_ =	swait.ge @!p1 [sflag:s9], $0x80  }
0x156: {  	[sflag:s9] =	ssyncset.done @!p1 $0x0  }
0x157: {  	[sflag:s9] =	ssyncadd.s32 @!p1 $0xFFFFFF80  }
0x158: {  	v1 =	vld @!p1 [tilespmem:$0xF188];
	_ =	sdelay $0x2  }
0x159: {  	s0 =	sshll.u32 @!p1 s11, $0x9  }
0x15a: {  	s2 =	sshrl.u32 @!p1 s0, $0x2  }
0x15b: {  	[tilespmem:s2+$0xF238] =	vst.add.f32.msk @!p1 $0xffff, v1  }
0x15c: {  	v1 =	vld @!p1 [tilespmem:$0xF198];
	_ =	sdelay $0x4  }
0x15d: {  	[tilespmem:s2+$0xF248] =	vst.add.f32.msk @!p1 $0xffff, v1  }
0x15e: {  	v1 =	vld @!p1 [tilespmem:$0xF1A8];
	_ =	sdelay $0x4  }
0x15f: {  	[tilespmem:s2+$0xF258] =	vst.add.f32.msk @!p1 $0xffff, v1  }
0x160: {  	v1 =	vld @!p1 [tilespmem:$0xF1B8];
	_ =	sdelay $0x4  }
0x161: {  	[tilespmem:s2+$0xF268] =	vst.add.f32.msk @!p1 $0xffff, v1  }
0x162: {  	v1 =	vld @!p1 [tilespmem:$0xF1C8];
	_ =	sdelay $0x4  }
0x163: {  	[tilespmem:s2+$0xF278] =	vst.add.f32.msk @!p1 $0xffff, v1  }
0x164: {  	v1 =	vld @!p1 [tilespmem:$0xF1D8];
	_ =	sdelay $0x4  }
0x165: {  	[tilespmem:s2+$0xF288] =	vst.add.f32.msk @!p1 $0xffff, v1  }
0x166: {  	v1 =	vld @!p1 [tilespmem:$0xF1E8];
	_ =	sdelay $0x4  }
0x167: {  	[tilespmem:s2+$0xF298] =	vst.add.f32.msk @!p1 $0xffff, v1  }
0x168: {  	v1 =	vld @!p1 [tilespmem:$0xF1F8];
	_ =	sdelay $0x4  }
0x169: {  	[tilespmem:s2+$0xF2A8] =	vst.add.f32.msk @!p1 $0xffff, v1  }
0x16a: {  	s0 =	sshrl.u32 s0, $0x2;
	[tilespmem:s6+$0xF218] =	vst.msk $0x1, v0  }
0x16b: {  	v0 =	vld [tilespmem:s0+$0xF238];
	_ =	sdelay $0x2  }
0x16c: {  	s31 =	sshll.u32 s6, $0x9  }
0x16d: {  	s2 =	sshra.s32 s31, $0x2  }
0x16e: {  	[tilespmem:s2+$0xF238] =	vst v0  }
0x16f: {  	v0 =	vld [tilespmem:s0+$0xF248];
	_ =	sdelay $0x4  }
0x170: {  	[tilespmem:s2+$0xF248] =	vst v0  }
0x171: {  	v0 =	vld [tilespmem:s0+$0xF258];
	_ =	sdelay $0x4  }
0x172: {  	[tilespmem:s2+$0xF258] =	vst v0  }
0x173: {  	v0 =	vld [tilespmem:s0+$0xF268];
	_ =	sdelay $0x4  }
0x174: {  	[tilespmem:s2+$0xF268] =	vst v0  }
0x175: {  	v0 =	vld [tilespmem:s0+$0xF278];
	_ =	sdelay $0x4  }
0x176: {  	[tilespmem:s2+$0xF278] =	vst v0  }
0x177: {  	v0 =	vld [tilespmem:s0+$0xF288];
	_ =	sdelay $0x4  }
0x178: {  	[tilespmem:s2+$0xF288] =	vst v0  }
0x179: {  	v0 =	vld [tilespmem:s0+$0xF298];
	_ =	sdelay $0x4  }
0x17a: {  	[tilespmem:s2+$0xF298] =	vst v0  }
0x17b: {  	v0 =	vld [tilespmem:s0+$0xF2A8];
	_ =	sdelay $0x4  }
0x17c: {  	s6 =	sadd.s32 $0x1, s6;
	[tilespmem:s2+$0xF2A8] =	vst v0  }
.LBB2_33:
0x17d: {  	s11 =	sadd.s32 $0x1, s11  }
0x17e: {  	p1 =	sne.s32 s11, $0x20  }
.Ltmp20:
0x17f: {  	_ = 	snop;
	(pc) =	sbr.rel @!p1 .LBB2_34-.Ltmp20, $1  }
0x180: {  	_ =	sdelay $0x3  }
.LBB2_26:
0x181: {  	v0 =	vld.msk [tilespmem:s11+$0xF218], $0x1;
	_ =	sdelay $0x4  }
0x182: {  	(v2sf) =	vpush v0, $0x0;
	_ =	sdelay $0xe  }
0x183: {  	s12 =	spop (v2sf)  }
0x184: {  	p1 =	seq.s32 s12, $0xFFFFFFFF  }
.Ltmp21:
0x185: {  	_ = 	snop;
	(pc) =	sbr.rel @p1 .LBB2_33-.Ltmp21, $1  }
0x186: {  	_ =	sdelay $0x3  }
0x187: {  	p1 =	slt.s32 s6, $0x1  }
.Ltmp22:
0x188: {  	_ = 	snop;
	(pc) =	sbr.rel @p1 .LBB2_32-.Ltmp22, $1  }
0x189: {  	_ =	sdelay $0x3  }
0x18a: {  	s13 =	simm.s32 $0xF218;
	p1 =	por $0x0, $0x0  }
0x18b: {  	v1 =	vld.msk @!p1 [tilespmem:s13+$0x0], $0x1;
	_ =	sdelay $0x4  }
0x18c: {  	(v2sf) =	vpush @!p1 v1, $0x0;
	_ =	sdelay $0xd  }
0x18d: {  	p3 =	sne.s32 s6, $0x1  }
.Ltmp23:
0x18e: {  	s0 =	spop @!p1 (v2sf);
	(pc) =	sbr.rel @!p3 .LBB2_30-.Ltmp23, $4  }
0x18f: {  	p2 =	seq.s32 @!p1 s12, s0  }
0x190: {  	s14 =	simm.s32 $0x0;
	p2 =	por !p2, p1  }
0x191: {  	s2 =	simm.s32 $0xFFFFFFFF;
	s14 =	simm.s32 @p2 $0xFFFFFFFF  }
0x192: {  	s0 =	simm.s32 $0x1;
	s14 =	smov.u32 @p1 s2  }
.LBB2_29:
0x193: {  	s2 =	smov.u32 s14;
	p1 =	sne.s32 s14, $0xFFFFFFFF  }
0x194: {  	s13 =	sadd.s32 $0x1, s13;
	s14 =	smov.u32 s0;
	s0 =	sadd.s32 $0x1, s0  }
0x195: {  	p2 =	sne.s32 s6, s0;
	v1 =	vld.msk @!p1 [tilespmem:s13+$0x0], $0x1;
	_ =	sdelay $0x4  }
0x196: {  	(v2sf) =	vpush @!p1 v1, $0x0;
	_ =	sdelay $0xe  }
.Ltmp24:
0x197: {  	s3 =	spop @!p1 (v2sf);
	(pc) =	sbr.rel @p2 .LBB2_29-.Ltmp24, $4  }
0x198: {  	p3 =	seq.s32 @!p1 s12, s3  }
0x199: {  	p3 =	por !p3, p1  }
0x19a: {  	s14 =	simm.s32 @p3 $0xFFFFFFFF  }
0x19b: {  	s14 =	smov.u32 @p1 s2  }
.LBB2_30:
0x19c: {  	p1 =	seq.s32 s14, $0xFFFFFFFF  }
.Ltmp25:
0x19d: {  	_ = 	snop;
	(pc) =	sbr.rel @p1 .LBB2_32-.Ltmp25, $1  }
0x19e: {  	_ =	sdelay $0x3  }
0x19f: {  	s0 =	sshll.u32 s11, $0x7  }
0x1a0: {  	s0 =	sand.u32 $0x3FFFFF80, s0  }
0x1a1: {  	v0 =	vld [tilespmem:s0+$0xF238];
	_ =	sdelay $0x2  }
0x1a2: {  	s2 =	sshll.u32 s14, $0x9  }
0x1a3: {  	s2 =	sshra.s32 s2, $0x2  }
0x1a4: {  	[tilespmem:s2+$0xF238] =	vst.add.f32.msk $0xffff, v0  }
0x1a5: {  	v0 =	vld [tilespmem:s0+$0xF248];
	_ =	sdelay $0x4  }
0x1a6: {  	[tilespmem:s2+$0xF248] =	vst.add.f32.msk $0xffff, v0  }
0x1a7: {  	v0 =	vld [tilespmem:s0+$0xF258];
	_ =	sdelay $0x4  }
0x1a8: {  	[tilespmem:s2+$0xF258] =	vst.add.f32.msk $0xffff, v0  }
0x1a9: {  	v0 =	vld [tilespmem:s0+$0xF268];
	_ =	sdelay $0x4  }
0x1aa: {  	[tilespmem:s2+$0xF268] =	vst.add.f32.msk $0xffff, v0  }
0x1ab: {  	v0 =	vld [tilespmem:s0+$0xF278];
	_ =	sdelay $0x4  }
0x1ac: {  	[tilespmem:s2+$0xF278] =	vst.add.f32.msk $0xffff, v0  }
0x1ad: {  	v0 =	vld [tilespmem:s0+$0xF288];
	_ =	sdelay $0x4  }
0x1ae: {  	[tilespmem:s2+$0xF288] =	vst.add.f32.msk $0xffff, v0  }
0x1af: {  	v0 =	vld [tilespmem:s0+$0xF298];
	_ =	sdelay $0x4  }
0x1b0: {  	[tilespmem:s2+$0xF298] =	vst.add.f32.msk $0xffff, v0  }
0x1b1: {  	v0 =	vld [tilespmem:s0+$0xF2A8]  }
.Ltmp26:
0x1b2: {  	_ = 	snop;
	(pc) =	sbr.rel .LBB2_33-.Ltmp26, $2  }
0x1b3: {  	_ =	sdelay $0x2  }
0x1b4: {  	[tilespmem:s2+$0xF2A8] =	vst.add.f32.msk $0xffff, v0  }
.LBB2_34:
0x1b5: {  	s0 =	simm.s32 $0x6;
	p1 =	seq.s32 s6, $0x0  }
0x1b6: {  	[sflag:s0] =	ssyncpa.u1 $0x1;
	v0 =	vimm.s32 @p1 $0xFFFFFFFF  }
0x1b7: {  	s9 =	sadd.s32 $0xFFFFFFFF, s6;
	[tilespmem:$0x10238] =	vst @p1 v0  }
0x1b8: {  	v0 =	vld.msk @!p1 [tilespmem:s9+$0xF218], $0x1;
	_ =	sdelay $0x1  }
0x1b9: {  	v1 =	vld.msk @!p1 [tilespmem:$0xF218], $0x1;
	_ =	sdelay $0x2  }
0x1ba: {  	p2 =	seq.s32 @!p1 s9, $0x0;
	v0 =	vbroadcast @!p1 v0, $0x0  }
0x1bb: {  	vm0 =	vmmov @!p1 $0x1;
	p2 =	por !p2, p1  }
0x1bc: {  	v1 =	vnsel @!p1 vm0, $0xFFFFFFFF, v1;
	vm0 =	vcmask @!p1 $0x308;
	v0 =	vpsel !p2, $0xFFFFFFFF, v0  }
0x1bd: {  	p2 =	sne.s32 @!p1 s8, s7;
	v0 =	vsel @!p1 vm0, v1, v0  }
0x1be: {  	s0 =	simm.s32 @!p1 $0xF238;
	s2 =	simm.s32 @!p1 $0x0;
	p3 =	por !p2, p1;
	[tilespmem:$0x10238] =	vst @!p1 v0  }
0x1bf: {  	[spmem:s2] =	stream.linear.scatter @!p1 [tilespmem:s0], [sflag:$0x1], $0x80, $0x38;
	[tilespmem:$0x1F6F8] =	vst v63  }
0x1c0: {  	s0 =	sshll.u32 @!p3 s9, $0x9  }
0x1c1: {  	s0 =	sshra.s32 @!p3 s0, $0x2  }
0x1c2: {  	s2 =	simm.s32 @!p3 $0x80;
	s0 =	sadd.s32 @!p3 $0xF238, s0  }
0x1c3: {  	[spmem:s2] =	stream.linear.scatter @!p3 [tilespmem:s0], [sflag:$0x1], $0x80, $0x38;
	[tilespmem:$0x1F6F8] =	vst v63  }
0x1c4: {  	s0 =	simm.s32 @!p3 $0x1  }
0x1c5: {  	_ =	swait.ge @!p3 [sflag:s0], $0x100  }
0x1c6: {  	p1 =	por p2, p1;
	[sflag:s0] =	ssyncset.done @!p3 $0x0  }
0x1c7: {  	[sflag:s0] =	ssyncadd.s32 @!p3 $0xFFFFFF00;
	s0 =	simm.s32 @!p1 $0x1  }
0x1c8: {  	_ =	swait.ge @!p1 [sflag:s0], $0x80  }
0x1c9: {  	s29 =	simm.s32 $0x10238;
	[sflag:s0] =	ssyncset.done @!p1 $0x0  }
0x1ca: {  	s30 =	simm.s32 $0x1000;
	s31 =	simm.s32 $0x1;
	[sflag:s0] =	ssyncadd.s32 @!p1 $0xFFFFFF80  }
0x1cb: {  	[spmem:s30] =	stream.linear.scatter [tilespmem:s29], [sflag:$0x1], $0x10, $0x38;
	[tilespmem:$0x1F6F8] =	vst v63  }
0x1cc: {  	_ =	swait.ge [sflag:s31], $0x10  }
0x1cd: {  	[sflag:s31] =	ssyncset.done $0x0  }
0x1ce: {  	p1 =	seq.s32 s15, $0x0;
	s8 =	rddreg [dreg:$0x2];
	[sflag:s31] =	ssyncadd.s32 $0xFFFFFFF0  }
0x1cf: {  	s2 =	sshll.u32 @p1 s8, $0xE;
	s7 =	rddreg [dreg:$0x3]  }
0x1d0: {  	s0 =	sadd.s32 @p1 $0x15C3C, s2;
	s2 =	sshll.u32 @p1 s7, $0x11  }
0x1d1: {  	_ =	sfence.stream.spmem;
	s0 =	sor.u32 @p1 s2, s0  }
0x1d2: {  	[sflag:s0] =	ssyncadd.remote.s32 @p1 $0x1;
	s0 =	simm.s32 @p1 $0x4  }
0x1d3: {  	s3 =	simm.s32 @!p1 $0x3C;
	s2 =	sand.u32 $0xFFFFFFFE, s8;
	_ =	swait.ge @p1 [sflag:s0], $0x22  }
0x1d4: {  	s4 =	simm.s32 @!p1 $0x0;
	s2 =	sadd.s32 @!p1 $0x4, s2;
	[sflag:s0] =	ssyncset.done @p1 $0x0  }
0x1d5: {  	s5 =	simm.s32 @!p1 $0x100;
	[sflag:s0] =	ssyncadd.s32 @p1 $0xFFFFFFDE;
	s0 =	sshll.u32 @!p1 s2, $0x1A  }
0x1d6: {  	s2 =	sshll.u32 @!p1 s2, $0xD;
	s0 =	sor.u32 @!p1 s0, s7;
	_ =	swait.eq @!p1 [sflag:s3], $0x1  }
0x1d7: {  	s2 =	sor.u32 @!p1 $0x1C04, s2;
	s3 =	simm.s32 @!p1 $0x1C03;
	s0 =	sor.u32 @!p1 $0x80004000, s0  }
0x1d8: {  	[spmem:s5], [sflag:s2] =	dma.general @!p1 [spmem:s4], [sflag:s3], length:$0x20, [dreg:$0x0], stride_count:$0x0, ici_dest:s0, dma_misc:DstOpCode:WRITE  }
0x1d9: {  	p2 =	slt.s32 s9, $0x2;
	s4 =	simm.s32 @!p1 $0x200;
	s5 =	simm.s32 @!p1 $0x202  }
0x1da: {  	[spmem:s5], [sflag:s2] =	dma.general @!p1 [spmem:s4], [sflag:s3], length:$0x2, [dreg:$0x0], stride_count:$0x0, ici_dest:s0, dma_misc:DstOpCode:WRITE  }
.Ltmp27:
0x1db: {  	s0 =	simm.s32 @!p1 $0x3;
	(pc) =	sbr.rel @p2 .LBB2_38-.Ltmp27, $4  }
0x1dc: {  	s2 =	sshll.u32 @!p1 s8, $0xE;
	_ =	swait.ge @!p1 [sflag:s0], $0x22  }
0x1dd: {  	s3 =	sshll.u32 @!p1 s7, $0x11;
	s2 =	sadd.s32 @!p1 $0x11C3C, s2;
	[sflag:s0] =	ssyncset.done @!p1 $0x0  }
0x1de: {  	[sflag:s0] =	ssyncadd.s32 @!p1 $0xFFFFFFDE;
	s0 =	sor.u32 @!p1 s3, s2  }
0x1df: {  	[sflag:s0] =	ssyncadd.remote.s32 @!p1 $0xFFFFFFFF;
	s0 =	simm.s32 $0x0  }
0x1e0: {  	s0 =	simm.s32 $0xF219  }
0x1e1: {  	v0 =	vld.msk [tilespmem:s0+$0x0], $0x1;
	_ =	sdelay $0x4  }
0x1e2: {  	(v2sf) =	vpush v0, $0x0;
	_ =	sdelay $0xb  }
0x1e3: {  	s31 =	sadd.s32 $0xFFFFFFFE, s6  }
0x1e4: {  	s0 =	sadd.s32 $0xFFFFFFFF, s31  }
0x1e5: {  	p2 =	sne.s32 s0, $0x0  }
.Ltmp28:
0x1e6: {  	s2 =	spop (v2sf);
	(pc) =	sbr.rel @!p2 .LBB2_37-.Ltmp28, $4  }
0x1e7: {  	s4 =	simm.s32 $0xF2B8;
	s7 =	simm.s32 $0x0;
	p1 =	sgt.u32 s2, $0x270F0  }
0x1e8: {  	s5 =	simm.s32 $0x0;
	s6 =	simm.s32 $0xF21A;
	s3 =	sand.u32 @!p1 $0x3FFF8, s2  }
0x1e9: {  	s2 =	sand.u32 @!p1 $0x7, s2;
	s7 =	simm.s32 @!p1 $0x200;
	s3 =	sadd.s32 @!p1 s1, s3  }
0x1ea: {  	[hbm4b:s3+s2] =	stream.linear.scatter @!p1 [tilespmem:s4], [sflag:$0x5], $0x80, $0x38;
	[tilespmem:$0x1F6F8] =	vst v63  }
.LBB2_36:
0x1eb: {  	v0 =	vld.msk [tilespmem:s6+$0x0], $0x1;
	s0 =	sadd.s32 $0xFFFFFFFF, s0;
	s5 =	sadd.s32 s5, s7  }
0x1ec: {  	p1 =	sne.s32 s0, $0x0;
	_ =	sdelay $0x3  }
0x1ed: {  	(v2sf) =	vpush v0, $0x0;
	_ =	sdelay $0xe  }
.Ltmp29:
0x1ee: {  	s2 =	spop (v2sf);
	(pc) =	sbr.rel @p1 .LBB2_36-.Ltmp29, $4  }
0x1ef: {  	s7 =	simm.s32 $0x0;
	p2 =	sgt.u32 s2, $0x270F0  }
0x1f0: {  	s4 =	sadd.s32 $0x80, s4;
	s7 =	simm.s32 @!p2 $0x200;
	s3 =	sand.u32 @!p2 $0x3FFF8, s2  }
0x1f1: {  	s6 =	sadd.s32 $0x1, s6;
	s2 =	sand.u32 @!p2 $0x7, s2;
	s3 =	sadd.s32 @!p2 s1, s3  }
0x1f2: {  	[hbm4b:s3+s2] =	stream.linear.scatter @!p2 [tilespmem:s4], [sflag:$0x5], $0x80, $0x38;
	[tilespmem:$0x1F6F8] =	vst v63  }
.LBB2_37:
0x1f3: {  	s0 =	sadd.s32 s5, s7  }
0x1f4: {  	s0 =	sshrl.u32 s0, $0x2  }
.LBB2_38:
0x1f5: {  	s2 =	simm.s32 $0x5  }
0x1f6: {  	_ =	swait.ge [sflag:s2], s0  }
0x1f7: {  	s31 =	ssub.s32 $0x0, s0;
	[sflag:s2] =	ssyncset.done $0x0  }
0x1f8: {  	[sflag:s2] =	ssyncadd.s32 s31  }
0x1f9: {  	[sflag:s2] =	ssyncpa.u1 $0x1  }
.LBB2_39:
0x1fa: {  	s0 =	sor.u32 s15, s16  }
0x1fb: {  	p1 =	sne.s32 s0, $0x0  }
.Ltmp30:
0x1fc: {  	_ = 	snop;
	(pc) =	sbr.rel @p1 .LBB2_54-.Ltmp30, $3  }
0x1fd: {  	_ =	sdelay $0x1  }
0x1fe: {  	[bflag:$0x0] =	sbarrier.arrive $0xFFFF  }
0x1ff: {  	_ =	sfence  }
0x200: {  	s0 =	simm.s32 $0x7  }
0x201: {  	s2 =	simm.s32 $0x1000;
	s3 =	simm.s32 $0xF218;
	[sflag:s0] =	ssyncpa.u1 $0x0  }
0x202: {  	[tilespmem:s3], [sflag:$0x7] =	stream.linear.gather [spmem:s2], $0x20, $0x38;
	[tilespmem:$0x1F6F8] =	vst v63  }
0x203: {  	s30 =	simm.s32 $0xF238;
	s2 =	simm.s32 $0x0  }
0x204: {  	[tilespmem:s30], [sflag:$0x7] =	stream.linear.gather [spmem:s2], $0x1000, $0x38;
	[tilespmem:$0x1F6F8] =	vst v63  }
.Ltmp31:
0x205: {  	_ = 	snop;
	(pc) =	sbr.rel .LBB2_41-.Ltmp31, $4  }
0x206: {  	_ =	swait.ge [sflag:s0], $0x1020  }
0x207: {  	[sflag:s0] =	ssyncset.done $0x0  }
0x208: {  	s31 =	simm.s32 $0x8;
	[sflag:s0] =	ssyncadd.s32 $0xFFFFEFE0  }
0x209: {  	s3 =	simm.s32 $0x0;
	[sflag:s31] =	ssyncpa.u1 $0x0  }
.LBB2_47:
0x20a: {  	p1 =	slt.u32 s4, $0x270F1  }
0x20b: {  	s0 =	sand.u32 @p1 $0x3FFF8, s4  }
0x20c: {  	s4 =	sand.u32 @p1 $0x7, s4;
	s5 =	simm.s32 @p1 $0xF188;
	s0 =	sadd.s32 @p1 s1, s0  }
0x20d: {  	[tilespmem:s5], [sflag:$0x8] =	stream.linear.gather @p1 [hbm4b:s0+s4], $0x80, $0x38;
	[tilespmem:$0x1F6F8] =	vst v63  }
0x20e: {  	s0 =	simm.s32 @p1 $0x8  }
0x20f: {  	_ =	swait.ge @p1 [sflag:s0], $0x80  }
0x210: {  	[sflag:s0] =	ssyncset.done @p1 $0x0  }
0x211: {  	[sflag:s0] =	ssyncadd.s32 @p1 $0xFFFFFF80  }
0x212: {  	v1 =	vld @p1 [tilespmem:$0xF188];
	_ =	sdelay $0x2  }
0x213: {  	s0 =	sshll.u32 @p1 s3, $0x9  }
0x214: {  	s4 =	sshrl.u32 @p1 s0, $0x2  }
0x215: {  	[tilespmem:s4+$0xF238] =	vst.add.f32.msk @p1 $0xffff, v1  }
0x216: {  	v1 =	vld @p1 [tilespmem:$0xF198];
	_ =	sdelay $0x4  }
0x217: {  	[tilespmem:s4+$0xF248] =	vst.add.f32.msk @p1 $0xffff, v1  }
0x218: {  	v1 =	vld @p1 [tilespmem:$0xF1A8];
	_ =	sdelay $0x4  }
0x219: {  	[tilespmem:s4+$0xF258] =	vst.add.f32.msk @p1 $0xffff, v1  }
0x21a: {  	v1 =	vld @p1 [tilespmem:$0xF1B8];
	_ =	sdelay $0x4  }
0x21b: {  	[tilespmem:s4+$0xF268] =	vst.add.f32.msk @p1 $0xffff, v1  }
0x21c: {  	v1 =	vld @p1 [tilespmem:$0xF1C8];
	_ =	sdelay $0x4  }
0x21d: {  	[tilespmem:s4+$0xF278] =	vst.add.f32.msk @p1 $0xffff, v1  }
0x21e: {  	v1 =	vld @p1 [tilespmem:$0xF1D8];
	_ =	sdelay $0x4  }
0x21f: {  	[tilespmem:s4+$0xF288] =	vst.add.f32.msk @p1 $0xffff, v1  }
0x220: {  	v1 =	vld @p1 [tilespmem:$0xF1E8];
	_ =	sdelay $0x4  }
0x221: {  	[tilespmem:s4+$0xF298] =	vst.add.f32.msk @p1 $0xffff, v1  }
0x222: {  	v1 =	vld @p1 [tilespmem:$0xF1F8];
	_ =	sdelay $0x3  }
0x223: {  	s5 =	sshll.u32 @!p1 s3, $0x9  }
0x224: {  	s5 =	smov.u32 @p1 s0;
	[tilespmem:s4+$0xF2A8] =	vst.add.f32.msk @p1 $0xffff, v1  }
0x225: {  	s0 =	sshrl.u32 s5, $0x2;
	[tilespmem:s2+$0xF218] =	vst.msk $0x1, v0  }
0x226: {  	v0 =	vld [tilespmem:s0+$0xF238];
	_ =	sdelay $0x2  }
0x227: {  	s31 =	sshll.u32 s2, $0x9  }
0x228: {  	s4 =	sshra.s32 s31, $0x2  }
0x229: {  	[tilespmem:s4+$0xF238] =	vst v0  }
0x22a: {  	v0 =	vld [tilespmem:s0+$0xF248];
	_ =	sdelay $0x4  }
0x22b: {  	[tilespmem:s4+$0xF248] =	vst v0  }
0x22c: {  	v0 =	vld [tilespmem:s0+$0xF258];
	_ =	sdelay $0x4  }
0x22d: {  	[tilespmem:s4+$0xF258] =	vst v0  }
0x22e: {  	v0 =	vld [tilespmem:s0+$0xF268];
	_ =	sdelay $0x4  }
0x22f: {  	[tilespmem:s4+$0xF268] =	vst v0  }
0x230: {  	v0 =	vld [tilespmem:s0+$0xF278];
	_ =	sdelay $0x4  }
0x231: {  	[tilespmem:s4+$0xF278] =	vst v0  }
0x232: {  	v0 =	vld [tilespmem:s0+$0xF288];
	_ =	sdelay $0x4  }
0x233: {  	[tilespmem:s4+$0xF288] =	vst v0  }
0x234: {  	v0 =	vld [tilespmem:s0+$0xF298];
	_ =	sdelay $0x4  }
0x235: {  	[tilespmem:s4+$0xF298] =	vst v0  }
0x236: {  	v0 =	vld [tilespmem:s0+$0xF2A8];
	_ =	sdelay $0x4  }
0x237: {  	s2 =	sadd.s32 $0x1, s2;
	[tilespmem:s4+$0xF2A8] =	vst v0  }
.LBB2_48:
0x238: {  	s3 =	sadd.s32 $0x1, s3  }
0x239: {  	p1 =	sne.s32 s3, $0x20  }
.Ltmp32:
0x23a: {  	_ = 	snop;
	(pc) =	sbr.rel @!p1 .LBB2_49-.Ltmp32, $1  }
0x23b: {  	_ =	sdelay $0x3  }
.LBB2_41:
0x23c: {  	v0 =	vld.msk [tilespmem:s3+$0xF218], $0x1;
	_ =	sdelay $0x4  }
0x23d: {  	(v2sf) =	vpush v0, $0x0;
	_ =	sdelay $0xe  }
0x23e: {  	s4 =	spop (v2sf)  }
0x23f: {  	p1 =	seq.s32 s4, $0xFFFFFFFF  }
.Ltmp33:
0x240: {  	_ = 	snop;
	(pc) =	sbr.rel @p1 .LBB2_48-.Ltmp33, $1  }
0x241: {  	_ =	sdelay $0x3  }
0x242: {  	p1 =	slt.s32 s2, $0x1  }
.Ltmp34:
0x243: {  	_ = 	snop;
	(pc) =	sbr.rel @p1 .LBB2_47-.Ltmp34, $1  }
0x244: {  	_ =	sdelay $0x3  }
0x245: {  	s5 =	simm.s32 $0xF218;
	p1 =	por $0x0, $0x0  }
0x246: {  	v1 =	vld.msk @!p1 [tilespmem:s5+$0x0], $0x1;
	_ =	sdelay $0x4  }
0x247: {  	(v2sf) =	vpush @!p1 v1, $0x0;
	_ =	sdelay $0xd  }
0x248: {  	p3 =	sne.s32 s2, $0x1  }
.Ltmp35:
0x249: {  	s0 =	spop @!p1 (v2sf);
	(pc) =	sbr.rel @!p3 .LBB2_45-.Ltmp35, $4  }
0x24a: {  	p2 =	seq.s32 @!p1 s4, s0  }
0x24b: {  	s6 =	simm.s32 $0x0;
	p2 =	por !p2, p1  }
0x24c: {  	s7 =	simm.s32 $0xFFFFFFFF;
	s6 =	simm.s32 @p2 $0xFFFFFFFF  }
0x24d: {  	s0 =	simm.s32 $0x1;
	s6 =	smov.u32 @p1 s7  }
.LBB2_44:
0x24e: {  	s7 =	smov.u32 s6;
	p1 =	sne.s32 s6, $0xFFFFFFFF  }
0x24f: {  	s5 =	sadd.s32 $0x1, s5;
	s6 =	smov.u32 s0;
	s0 =	sadd.s32 $0x1, s0  }
0x250: {  	p2 =	sne.s32 s2, s0;
	v1 =	vld.msk @!p1 [tilespmem:s5+$0x0], $0x1;
	_ =	sdelay $0x4  }
0x251: {  	(v2sf) =	vpush @!p1 v1, $0x0;
	_ =	sdelay $0xe  }
.Ltmp36:
0x252: {  	s8 =	spop @!p1 (v2sf);
	(pc) =	sbr.rel @p2 .LBB2_44-.Ltmp36, $4  }
0x253: {  	p3 =	seq.s32 @!p1 s4, s8  }
0x254: {  	p3 =	por !p3, p1  }
0x255: {  	s6 =	simm.s32 @p3 $0xFFFFFFFF  }
0x256: {  	s6 =	smov.u32 @p1 s7  }
.LBB2_45:
0x257: {  	p1 =	seq.s32 s6, $0xFFFFFFFF  }
.Ltmp37:
0x258: {  	_ = 	snop;
	(pc) =	sbr.rel @p1 .LBB2_47-.Ltmp37, $1  }
0x259: {  	_ =	sdelay $0x3  }
0x25a: {  	s0 =	sshll.u32 s3, $0x7  }
0x25b: {  	s0 =	sand.u32 $0x3FFFFF80, s0  }
0x25c: {  	v0 =	vld [tilespmem:s0+$0xF238];
	_ =	sdelay $0x2  }
0x25d: {  	s4 =	sshll.u32 s6, $0x9  }
0x25e: {  	s4 =	sshra.s32 s4, $0x2  }
0x25f: {  	[tilespmem:s4+$0xF238] =	vst.add.f32.msk $0xffff, v0  }
0x260: {  	v0 =	vld [tilespmem:s0+$0xF248];
	_ =	sdelay $0x4  }
0x261: {  	[tilespmem:s4+$0xF248] =	vst.add.f32.msk $0xffff, v0  }
0x262: {  	v0 =	vld [tilespmem:s0+$0xF258];
	_ =	sdelay $0x4  }
0x263: {  	[tilespmem:s4+$0xF258] =	vst.add.f32.msk $0xffff, v0  }
0x264: {  	v0 =	vld [tilespmem:s0+$0xF268];
	_ =	sdelay $0x4  }
0x265: {  	[tilespmem:s4+$0xF268] =	vst.add.f32.msk $0xffff, v0  }
0x266: {  	v0 =	vld [tilespmem:s0+$0xF278];
	_ =	sdelay $0x4  }
0x267: {  	[tilespmem:s4+$0xF278] =	vst.add.f32.msk $0xffff, v0  }
0x268: {  	v0 =	vld [tilespmem:s0+$0xF288];
	_ =	sdelay $0x4  }
0x269: {  	[tilespmem:s4+$0xF288] =	vst.add.f32.msk $0xffff, v0  }
0x26a: {  	v0 =	vld [tilespmem:s0+$0xF298];
	_ =	sdelay $0x4  }
0x26b: {  	[tilespmem:s4+$0xF298] =	vst.add.f32.msk $0xffff, v0  }
0x26c: {  	v0 =	vld [tilespmem:s0+$0xF2A8]  }
.Ltmp38:
0x26d: {  	_ = 	snop;
	(pc) =	sbr.rel .LBB2_48-.Ltmp38, $2  }
0x26e: {  	_ =	sdelay $0x2  }
0x26f: {  	[tilespmem:s4+$0xF2A8] =	vst.add.f32.msk $0xffff, v0  }
.LBB2_49:
0x270: {  	p1 =	slt.s32 s2, $0x1  }
.Ltmp39:
0x271: {  	_ = 	snop;
	(pc) =	sbr.rel @p1 .LBB2_53-.Ltmp39, $3  }
0x272: {  	_ =	sdelay $0x1  }
0x273: {  	s0 =	simm.s32 $0x8  }
0x274: {  	s3 =	simm.s32 $0x0;
	[sflag:s0] =	ssyncpa.u1 $0x1  }
0x275: {  	s0 =	simm.s32 $0xF218  }
0x276: {  	v0 =	vld.msk [tilespmem:s0+$0x0], $0x1;
	_ =	sdelay $0x4  }
0x277: {  	(v2sf) =	vpush v0, $0x0;
	_ =	sdelay $0xe  }
0x278: {  	s0 =	sadd.s32 $0xFFFFFFFF, s2;
	s5 =	spop (v2sf)  }
0x279: {  	p2 =	sne.s32 s0, $0x0;
	p1 =	sgt.u32 s5, $0x270F0  }
.Ltmp40:
0x27a: {  	s6 =	sand.u32 @!p1 $0x3FFF8, s5;
	(pc) =	sbr.rel @!p2 .LBB2_52-.Ltmp40, $4  }
0x27b: {  	s4 =	simm.s32 $0xF238;
	s5 =	sand.u32 @!p1 $0x7, s5;
	s2 =	sadd.s32 @!p1 s1, s6  }
0x27c: {  	[hbm4b:s2+s5] =	stream.linear.scatter @!p1 [tilespmem:s4], [sflag:$0x7], $0x80, $0x38;
	[tilespmem:$0x1F6F8] =	vst v63  }
0x27d: {  	s5 =	simm.s32 $0x0  }
0x27e: {  	s2 =	simm.s32 $0xF219;
	s5 =	simm.s32 @!p1 $0x200  }
.LBB2_51:
0x27f: {  	v0 =	vld.msk [tilespmem:s2+$0x0], $0x1;
	s0 =	sadd.s32 $0xFFFFFFFF, s0;
	s3 =	sadd.s32 s3, s5  }
0x280: {  	p1 =	sne.s32 s0, $0x0;
	_ =	sdelay $0x3  }
0x281: {  	(v2sf) =	vpush v0, $0x0;
	_ =	sdelay $0xe  }
.Ltmp41:
0x282: {  	s6 =	spop (v2sf);
	(pc) =	sbr.rel @p1 .LBB2_51-.Ltmp41, $4  }
0x283: {  	s5 =	simm.s32 $0x0;
	p2 =	sgt.u32 s6, $0x270F0  }
0x284: {  	s4 =	sadd.s32 $0x80, s4;
	s5 =	simm.s32 @!p2 $0x200;
	s7 =	sand.u32 @!p2 $0x3FFF8, s6  }
0x285: {  	s2 =	sadd.s32 $0x1, s2;
	s6 =	sand.u32 @!p2 $0x7, s6;
	s7 =	sadd.s32 @!p2 s1, s7  }
0x286: {  	[hbm4b:s7+s6] =	stream.linear.scatter @!p2 [tilespmem:s4], [sflag:$0x7], $0x80, $0x38;
	[tilespmem:$0x1F6F8] =	vst v63  }
.LBB2_52:
0x287: {  	s0 =	sadd.s32 s3, s5  }
0x288: {  	s3 =	sshrl.u32 s0, $0x2  }
.LBB2_53:
0x289: {  	s0 =	simm.s32 $0x7  }
0x28a: {  	_ =	swait.ge [sflag:s0], s3  }
0x28b: {  	s1 =	ssub.s32 $0x0, s3;
	[sflag:s0] =	ssyncset.done $0x0  }
0x28c: {  	[sflag:s0] =	ssyncadd.s32 s1  }
0x28d: {  	[sflag:s0] =	ssyncpa.u1 $0x1  }
.LBB2_54:
0x28e: {  	_ =	sfence;
	s0 =	simm.s32 $0x1  }
0x28f: {  	[sflag:s0] =	ssyncpa.u1 $0x1  }
0x290: {  	_ =	strace $0x90000065  }
0x291: {  	[bflag:$0x2] =	sbarrier.arrive $0xFFFF  }
0x292: {  	s0 =	rddreg [dreg:$0x4]  }
0x293: {  	s0 =	sadd.s32 @!p0 $0x100000, s0  }
0x294: {  	[sflag:s0] =	ssyncadd.tile.s32 @!p0 $0x1;
	_ =	shalt  }
.Lfunc_end2:
_tile_overlayer_lowered:
.L_overlay_start_2:
0x295: {  	(tag) =	ssettag $0x2  }
0x296: {  	s0 =	rddreg [dreg:$0x0];
	s2 =	stileid.u32  }
0x297: {  	s1 =	rddreg [dreg:$0x1];
	p0 =	sne.s32 s2, $0x0  }
0x298: {  	s3 =	rddreg [dreg:$0x2];
	[bflag:$0x3] =	sbarrier.arrive $0xFFFF;
	s2 =	simm.s32 @!p0 $0x1C01  }
0x299: {  	[timem:s3], [sflag:s2] =	dma.local @!p0 [hbm:s0], s1  }
0x29a: {  	s0 =	simm.s32 @!p0 $0x1  }
0x29b: {  	_ =	swait.ge @!p0 [sflag:s0], s1  }
0x29c: {  	s1 =	ssub.s32 @!p0 $0x0, s1;
	[sflag:s0] =	ssyncset.done @!p0 $0x0  }
0x29d: {  	[sflag:s0] =	ssyncadd.s32 @!p0 s1  }
0x29e: {  	[bflag:$0x3] =	sbarrier.arrive $0xFFFF  }
0x29f: {  	_ =	shalt  }

// kernel: scatter_offload_async_start.4
scs
__scs_entry_jumppad:
0x0: {  	(pc) =	sbr.rel $0x88, $3  }
0x1: {  	(tag) =	ssettag $0x0;
	lr =	simm.s32 $0x1  }
0x2: {  	[smem:$0x3F97] =	sst lr;
	_ =	strace $0xD0000000  }
0x3: {  	_ = 	snop  }
0x4: {  	_ = 	snop  }
0x5: {  	_ = 	snop  }
0x6: {  	_ = 	snop  }
0x7: {  	_ = 	snop  }
__scs_overlays_trampoline_lowered:
0x8: {  	[smem:$0x3FA6] =	sst s0  }
0x9: {  	[smem:$0x3FA7] =	sst s1  }
0xa: {  	[smem:$0x3FA8] =	sst s2  }
0xb: {  	[smem:$0x3FA9] =	sst s3  }
0xc: {  	[smem:$0x3FAA] =	sst s4  }
0xd: {  	[smem:$0x3FAB] =	sst s5  }
0xe: {  	[smem:$0x3FAC] =	sst s6  }
0xf: {  	[smem:$0x3FAD] =	sst s7  }
0x10: {  	[smem:$0x3FAE] =	sst s8  }
0x11: {  	[smem:$0x3FAF] =	sst s9;
	s0 =	simm.s32 @!p0 $0x0  }
0x12: {  	s1 =	sld [smem:$0x3F95];
	s0 =	simm.s32 @p0 $0x1  }
0x13: {  	[smem:$0x3FB0] =	sst s0;
	s0 =	simm.s32 @!p1 $0x0  }
0x14: {  	s2 =	sld [smem:$0x3F94];
	s0 =	simm.s32 @p1 $0x1  }
0x15: {  	[smem:$0x3FB1] =	sst s0;
	s0 =	simm.s32 @!p2 $0x0  }
0x16: {  	s3 =	sld [smem:$0x3FDB];
	s0 =	simm.s32 @p2 $0x1  }
0x17: {  	s4 =	simm.s32 $0x1BF5;
	[smem:$0x3FB3] =	sst s0  }
0x18: {  	s0 =	sld [smem:$0x3F96];
	_ =	swait.ge [sflag:s4], $0x0  }
0x19: {  	s7 =	sld [smem:$0x3F97]  }
0x1a: {  	s8 =	sadd.s32 $0xFFFFE003, lr  }
0x1b: {  	s9 =	sadd.s32 $0xFFFFFEF7, lr;
	s5 =	simm.s32 $0xFFFFFFFF;
	p2 =	slt.u32 s8, $0xFFFFF086  }
0x1c: {  	p1 =	slt.u32 s9, $0xF7A;
	s5 =	simm.s32 @!p2 $0x0  }
0x1d: {  	s5 =	simm.s32 @p1 $0x1;
	p0 =	seq.s32 s7, s2  }
0x1e: {  	s7 =	smul.u32 @!p0 $0xF7A, s2;
	p2 =	seq.s32 @!p0 s5, $0x0  }
0x1f: {  	s9 =	smul.u32 $0xF7A, s1;
	s8 =	simm.s32 @!p0 $0x1BF5;
	p2 =	por !p2, p0  }
0x20: {  	[sflag:s8] =	ssyncset.s32 @!p0 $0xFFFFF086;
	s6 =	sadd.s32 @!p0 s3, s7;
	s7 =	simm.s32 @!p0 $0x108  }
0x21: {  	s3 =	sadd.s32 s3, s9;
	s6 =	sadd.s32 @!p0 $0x88, s6;
	s7 =	simm.s32 @p2 $0x1082  }
0x22: {  	[simem:s7], [sflag:s8] =	dma.local @!p0 [hbm:s6], $0xF7A  }
0x23: {  	s9 =	sor.u32 $0xD0000000, s2;
	s6 =	simm.s32 $0x108;
	_ =	swait.ge @!p0 [sflag:s8], $0x0  }
0x24: {  	s3 =	sadd.s32 $0x88, s3;
	s6 =	simm.s32 @!p1 $0x1082;
	[sflag:s4] =	ssyncset.s32 $0xFFFFF086  }
0x25: {  	[simem:s6], [sflag:s4] =	dma.local [hbm:s3], $0xF7A  }
0x26: {  	[smem:$0x3F97] =	sst s1;
	(tag) =	ssettag s2;
	_ =	strace s9  }
0x27: {  	s1 =	sld [smem:$0x3FA7]  }
0x28: {  	s2 =	sld [smem:$0x3FA8]  }
0x29: {  	s4 =	sld [smem:$0x3FAA]  }
0x2a: {  	p0 =	seq.s32 s5, $0x0;
	s5 =	sld [smem:$0x3FAB]  }
0x2b: {  	s6 =	sld [smem:$0x3FAC]  }
0x2c: {  	s7 =	sld [smem:$0x3FAD]  }
0x2d: {  	s3 =	simm.s32 $0x108;
	s8 =	sld [smem:$0x3FAE]  }
0x2e: {  	s3 =	simm.s32 @!p0 $0x1082;
	s9 =	sld [smem:$0x3FAF]  }
0x2f: {  	lr =	sadd.s32 s0, s3;
	s0 =	sld [smem:$0x3FA6]  }
0x30: {  	s3 =	sld [smem:$0x3FA9]  }
0x31: {  	[smem:$0x3FB2] =	sst s10  }
0x32: {  	s10 =	sld [smem:$0x3FB0];
	_ =	sdelay $0x3  }
0x33: {  	p0 =	seq.s32 s10, $0x1;
	s10 =	sld [smem:$0x3FB2];
	_ =	sdelay $0x3  }
0x34: {  	[smem:$0x3FB2] =	sst s10  }
0x35: {  	s10 =	sld [smem:$0x3FB1];
	_ =	sdelay $0x3  }
0x36: {  	p1 =	seq.s32 s10, $0x1;
	s10 =	sld [smem:$0x3FB2];
	_ =	sdelay $0x3  }
0x37: {  	[smem:$0x3FB2] =	sst s10  }
0x38: {  	s10 =	sld [smem:$0x3FB3]  }
0x39: {  	_ = 	snop;
	(pc) =	sbr.ind lr, $3  }
0x3a: {  	_ = 	snop  }
0x3b: {  	_ = 	snop  }
0x3c: {  	p2 =	seq.s32 s10, $0x1;
	s10 =	sld [smem:$0x3FB2]  }
0x3d: {  	_ =	shalt  }
0x3e: {  	_ =	shalt  }
0x3f: {  	_ =	shalt  }
0x40: {  	_ =	shalt  }
0x41: {  	_ =	shalt  }
0x42: {  	_ =	shalt  }
0x43: {  	_ =	shalt  }
0x44: {  	_ =	shalt  }
0x45: {  	_ =	shalt  }
0x46: {  	_ =	shalt  }
0x47: {  	_ =	shalt  }
0x48: {  	_ =	shalt  }
0x49: {  	_ =	shalt  }
0x4a: {  	_ =	shalt  }
0x4b: {  	_ =	shalt  }
0x4c: {  	_ =	shalt  }
0x4d: {  	_ =	shalt  }
0x4e: {  	_ =	shalt  }
0x4f: {  	_ =	shalt  }
0x50: {  	_ =	shalt  }
0x51: {  	_ =	shalt  }
0x52: {  	_ =	shalt  }
0x53: {  	_ =	shalt  }
0x54: {  	_ =	shalt  }
0x55: {  	_ =	shalt  }
0x56: {  	_ =	shalt  }
0x57: {  	_ =	shalt  }
0x58: {  	_ =	shalt  }
0x59: {  	_ =	shalt  }
0x5a: {  	_ =	shalt  }
0x5b: {  	_ =	shalt  }
0x5c: {  	_ =	shalt  }
0x5d: {  	_ =	shalt  }
0x5e: {  	_ =	shalt  }
0x5f: {  	_ =	shalt  }
0x60: {  	_ =	shalt  }
0x61: {  	_ =	shalt  }
0x62: {  	_ =	shalt  }
0x63: {  	_ =	shalt  }
0x64: {  	_ =	shalt  }
0x65: {  	_ =	shalt  }
0x66: {  	_ =	shalt  }
0x67: {  	_ =	shalt  }
0x68: {  	_ =	shalt  }
0x69: {  	_ =	shalt  }
0x6a: {  	_ =	shalt  }
0x6b: {  	_ =	shalt  }
0x6c: {  	_ =	shalt  }
0x6d: {  	_ =	shalt  }
0x6e: {  	_ =	shalt  }
0x6f: {  	_ =	shalt  }
0x70: {  	_ =	shalt  }
0x71: {  	_ =	shalt  }
0x72: {  	_ =	shalt  }
0x73: {  	_ =	shalt  }
0x74: {  	_ =	shalt  }
0x75: {  	_ =	shalt  }
0x76: {  	_ =	shalt  }
0x77: {  	_ =	shalt  }
0x78: {  	_ =	shalt  }
0x79: {  	_ =	shalt  }
0x7a: {  	_ =	shalt  }
0x7b: {  	_ =	shalt  }
0x7c: {  	_ =	shalt  }
0x7d: {  	_ =	shalt  }
0x7e: {  	_ =	shalt  }
0x7f: {  	_ =	shalt  }
0x80: {  	_ =	shalt  }
0x81: {  	_ =	shalt  }
0x82: {  	_ =	shalt  }
0x83: {  	_ =	shalt  }
0x84: {  	_ =	shalt  }
0x85: {  	_ =	shalt  }
0x86: {  	_ =	shalt  }
0x87: {  	_ =	shalt  }
.Lfunc_end0:
.L_simem_size_0:
called_computation.4_lowered:
.L_overlay_start_0:
0x88: {  	s0 =	sld [smem:$0x3FD9]  }
0x89: {  	s1 =	sld [smem:$0x3FFE];
	_ =	sdelay $0x3  }
0x8a: {  	s0 =	sadd.s32 s1, s0  }
0x8b: {  	[smem:$0x3FBE] =	sst s0  }
0x8c: {  	_ = 	snop  }
0x8d: {  	(tm) =	ssettm $0x1  }
0x8e: {  	s14 =	sld [smem:$0x3FFB];
	_ =	sdelay $0x3  }
0x8f: {  	_ =	strace s14  }
0x90: {  	s0 =	sld [smem:$0x3FFC];
	_ =	sdelay $0x3  }
0x91: {  	_ =	strace s0  }
0x92: {  	s0 =	sld [smem:$0x3FFD];
	_ =	sdelay $0x3  }
0x93: {  	_ =	strace s0  }
0x94: {  	_ =	strace $0x8FFFFFFF  }
0x95: {  	s15 =	sld [smem:$0x3FDB];
	_ =	sdelay $0x1  }
0x96: {  	s16 =	simm.s32 $_scs_section_size  }
0x97: {  	s2 =	simm.s32 $_size__tile_overlayer_lowered;
	s3 =	simm.s32 $_tile_overlayer_lowered  }
0x98: {  	s4 =	simm.s32 $0x1BFF;
	s17 =	sshll.u32 s3, $0x1;
	s1 =	sadd.s32 s16, s15  }
0x99: {  	s18 =	simm.s32 $0x0;
	s2 =	sshll.u32 s2, $0x1;
	s3 =	sadd.s32 s17, s1  }
0x9a: {  	[timem:s18], [sflag:s4] =	dma.local [hbm:s3], s2  }
0x9b: {  	_ =	swait.ge [sflag:s4], s2  }
0x9c: {  	s2 =	ssub.s32 $0x0, s2;
	[sflag:s4] =	ssyncset.done $0x0  }
0x9d: {  	[sflag:s4] =	ssyncadd.s32 s2;
	_ =	sdelay $0x1  }
0x9e: {  	s19 =	simm.s32 $0x1B8B  }
0x9f: {  	_ =	swait.ge [sflag:s19], $0x1  }
0xa0: {  	[sflag:s19] =	ssyncset.done $0x0  }
0xa1: {  	s21 =	simm.s32 $0x1B8E;
	s20 =	sld [smem:$0x3FFE];
	[sflag:s19] =	ssyncadd.s32 $0xFFFFFFFF  }
0xa2: {  	s22 =	simm.s32 $execute0_lowered;
	[smem:$0x3FD2] =	sst s21  }
0xa3: {  	s3 =	sshll.u32 s22, $0x1;
	_ =	strace $0x8000005E;
	[dreg:$0x1] =	wrdreg $0xFFFFFFFF  }
0xa4: {  	s23 =	simm.s32 $_size_execute0_lowered;
	s3 =	sadd.s32 s1, s3;
	[dreg:$0x0] =	wrdreg $0x0  }
0xa5: {  	s4 =	sshll.u32 s23, $0x1;
	[dreg:$0x2] =	wrdreg s3  }
0xa6: {  	[dreg:$0x3] =	wrdreg s4  }
0xa7: {  	[dreg:$0x4] =	wrdreg $0xC0  }
0xa8: {  	s24 =	simm.s32 $execute1_lowered;
	_ =	task [dreg:s18], $0x5FFFF  }
0xa9: {  	s3 =	sshll.u32 s24, $0x1;
	[dreg:$0x1] =	wrdreg $0xFFFFFFFF  }
0xaa: {  	s1 =	sadd.s32 s1, s3;
	[dreg:$0x0] =	wrdreg $0x60  }
0xab: {  	[dreg:$0x2] =	wrdreg s1  }
0xac: {  	[dreg:$0x3] =	wrdreg s20  }
0xad: {  	[dreg:$0x4] =	wrdreg $0x9  }
0xae: {  	_ =	task.clear_ibuf [dreg:s18], $0x5FFFF;
	_ =	strace $0x9000005E  }
0xaf: {  	s25 =	simm.s32 $0x9;
	_ =	strace $0x80000060  }
0xb0: {  	_ =	swait.ge [sflag:s25], $0x1  }
0xb1: {  	[sflag:s25] =	ssyncadd.s32 $0xFFFFFFFF  }
0xb2: {  	_ =	strace $0x90000060  }
0xb3: {  	_ =	strace $0x80000061;
	[dreg:$0x1] =	wrdreg $0xFFFFFFFF  }
0xb4: {  	[dreg:$0x0] =	wrdreg $0x2030  }
0xb5: {  	[dreg:$0x2] =	wrdreg s20  }
0xb6: {  	[dreg:$0x3] =	wrdreg $0xA  }
0xb7: {  	_ =	task.clear_ibuf [dreg:s18], $0x4FFFF;
	_ =	strace $0x90000061  }
0xb8: {  	s26 =	simm.s32 $0xA;
	_ =	strace $0x80000063  }
0xb9: {  	_ =	swait.ge [sflag:s26], $0x1  }
0xba: {  	[sflag:s26] =	ssyncadd.s32 $0xFFFFFFFF  }
0xbb: {  	_ =	strace $0x90000063  }
0xbc: {  	_ =	sfence  }
0xbd: {  	s28 =	sld [smem:$0x0];
	_ =	sdelay $0x1  }
0xbe: {  	s29 =	srdreg.scid  }
0xbf: {  	s30 =	sshll.u32 s29, $0xD;
	s31 =	sshrl.u32 s29, $0x2  }
0xc0: {  	s2 =	sand.u32 $0x1, s29;
	s3 =	sand.u32 $0x4000, s30;
	s1 =	sadd.s32 s31, s28  }
0xc1: {  	s2 =	sor.u32 s3, s2;
	s1 =	sshll.u32 s1, $0x11  }
0xc2: {  	s1 =	sor.u32 s1, s2  }
0xc3: {  	s1 =	sadd.s32 $0x8F2B, s1  }
0xc4: {  	[sflag:s1] =	ssyncadd.remote.s32 $0x1  }
0xc5: {  	_ =	sfence.sel $0xFFFF  }
0xc6: {  	[dreg:$0x0] =	wrdreg $0xFFFFFFFF;
	(pc) =	sbr.abs _section_cstart, $3  }
0xc7: {  	[dreg:$0x1] =	wrdreg $0xFFFFFFFF  }
0xc8: {  	_ =	task.clear_ibuf [dreg:s18], $0x2FFFF;
	_ =	strace $0x9FFFFFFF  }
0xc9: {  	(tm) =	ssettm $0x7FFFFFFF  }
tec
execute0_lowered:
.L_overlay_start_1:
0x0: {  	(tag) =	ssettag $0x1  }
0x1: {  	s2 =	rddreg [dreg:$0x0]  }
0x2: {  	s4 =	rddreg [dreg:$0x1]  }
0x3: {  	s0 =	rddreg [dreg:$0x2];
	s3 =	stileid.u32  }
0x4: {  	[bflag:$0x3] =	sbarrier.arrive $0xFFFF;
	s1 =	simm.s32 $_size_execute1_lowered;
	p0 =	sne.s32 s3, $0x0  }
0x5: {  	s1 =	sshll.u32 s1, $0x1;
	s5 =	simm.s32 @!p0 $0x1C3F;
	s6 =	simm.s32 @!p0 $0x4060  }
0x6: {  	[timem:s6], [sflag:s5] =	dma.local @!p0 [hbm:s2], s1  }
0x7: {  	s2 =	smul.u32 $0x280, s3  }
.Ltmp0:
0x8: {  	s31 =	simm.s32 $0x2;
	s7 =	simm.s32 $0x280;
	(pc) =	sbr.rel .LBB2_1-.Ltmp0, $4  }
0x9: {  	s8 =	simm.s32 $0x780;
	s10 =	simm.s32 $0x0;
	s9 =	simm.s32 $0x0  }
0xa: {  	s3 =	simm.s32 $0x1;
	_ =	strace $0x8000005F;
	s30 =	sshrl.u32 s2, $0x3  }
0xb: {  	s6 =	simm.s32 $0x0;
	[sflag:s3] =	ssyncpa.u1 $0x0;
	s5 =	sadd.s32 s30, s4  }
0xc: {  	s4 =	sadd.s32 $0x1000, s4;
	[sflag:s31] =	ssyncpa.u1 $0x0;
	s5 =	sadd.s32 $0x23000, s5  }
.LBB2_8:
0xd: {  	p1 =	seq.s32 s9, $0x2  }
.Ltmp1:
0xe: {  	_ = 	snop;
	(pc) =	sbr.rel @p1 .LBB2_10-.Ltmp1, $1  }
0xf: {  	_ =	sdelay $0x3  }
.LBB2_9:
0x10: {  	s9 =	sadd.s32 $0x1, s9;
	s10 =	smov.u32 s2  }
.LBB2_1:
0x11: {  	p1 =	sne.s32 s9, $0x0  }
.Ltmp2:
0x12: {  	_ = 	snop;
	(pc) =	sbr.rel @!p1 .LBB2_2-.Ltmp2, $1  }
0x13: {  	_ =	sdelay $0x3  }
0x14: {  	s11 =	sand.u32 $0x1, s9  }
0x15: {  	p1 =	seq.s32 s11, $0x0  }
.Ltmp3:
0x16: {  	_ = 	snop;
	(pc) =	sbr.rel @p1 .LBB2_8-.Ltmp3, $1  }
0x17: {  	_ =	sdelay $0x3  }
0x18: {  	_ =	swait.ge [sflag:s3], $0x280  }
0x19: {  	[sflag:s3] =	ssyncset.done $0x0  }
0x1a: {  	s11 =	simm.s32 $0x0;
	p1 =	por $0x1, $0x1;
	[sflag:s3] =	ssyncadd.s32 $0xFFFFFD80  }
.LBB2_5:
0x1b: {  	v0 =	vld [tilespmem:s11+$0x280]  }
0x1c: {  	v1 =	vld [tilespmem:s11+$0x290]  }
0x1d: {  	v2 =	vld [tilespmem:s11+$0x2A0]  }
0x1e: {  	v3 =	vld [tilespmem:s11+$0x2B0]  }
0x1f: {  	v4 =	vld [tilespmem:s11+$0x2C0]  }
0x20: {  	v53 =	vld [tilespmem:s11+$0x2D0];
	[tilespmem:s11+$0x780] =	vst v0  }
0x21: {  	v54 =	vld [tilespmem:s11+$0x2E0];
	[tilespmem:s11+$0x790] =	vst v1  }
0x22: {  	v55 =	vld [tilespmem:s11+$0x2F0];
	[tilespmem:s11+$0x7A0] =	vst v2  }
0x23: {  	v56 =	vld [tilespmem:s11+$0x300];
	[tilespmem:s11+$0x7B0] =	vst v3  }
0x24: {  	v57 =	vld [tilespmem:s11+$0x310];
	[tilespmem:s11+$0x7C0] =	vst v4  }
0x25: {  	v58 =	vld [tilespmem:s11+$0x320];
	[tilespmem:s11+$0x7D0] =	vst v53  }
0x26: {  	v59 =	vld [tilespmem:s11+$0x330];
	[tilespmem:s11+$0x7E0] =	vst v54  }
0x27: {  	v60 =	vld [tilespmem:s11+$0x340];
	[tilespmem:s11+$0x7F0] =	vst v55  }
0x28: {  	v61 =	vld [tilespmem:s11+$0x350];
	[tilespmem:s11+$0x800] =	vst v56  }
0x29: {  	v62 =	vld [tilespmem:s11+$0x360];
	[tilespmem:s11+$0x810] =	vst v57  }
0x2a: {  	v63 =	vld [tilespmem:s11+$0x370];
	p2 =	por p1, p1;
	[tilespmem:s11+$0x820] =	vst v58  }
.Ltmp4:
0x2b: {  	[tilespmem:s11+$0x830] =	vst v59;
	(pc) =	sbr.rel @p2 .LBB2_5-.Ltmp4, $4  }
0x2c: {  	[tilespmem:s11+$0x840] =	vst v60  }
0x2d: {  	[tilespmem:s11+$0x850] =	vst v61  }
0x2e: {  	s12 =	simm.s32 $0x1F0;
	s13 =	simm.s32 $0x980;
	[tilespmem:s11+$0x860] =	vst v62  }
0x2f: {  	s14 =	simm.s32 $0x480;
	p1 =	por $0x0, $0x0;
	[tilespmem:s11+$0x870] =	vst v63;
	s11 =	simm.s32 $0x100  }
.LBB2_6:
0x30: {  	s12 =	sadd.s32 $0x10, s12  }
0x31: {  	v0 =	vld [tilespmem:s14+$0x0];
	p1 =	slt.u32 s12, $0x270  }
.Ltmp5:
0x32: {  	_ = 	snop;
	(pc) =	sbr.rel @p1 .LBB2_6-.Ltmp5, $2  }
0x33: {  	_ =	sdelay $0x2  }
0x34: {  	s14 =	sadd.s32 $0x10, s14;
	[tilespmem:s13+$0x0] =	vst v0;
	s13 =	sadd.s32 $0x10, s13  }
.Ltmp6:
0x35: {  	(pc) =	sbr.rel .LBB2_8-.Ltmp6, $4  }
0x36: {  	_ = 	snop  }
0x37: {  	s10 =	sshrl.u32 s10, $0x3  }
0x38: {  	s10 =	sadd.s32 s4, s10  }
0x39: {  	[hbm4b:s10+s6] =	stream.linear.scatter [tilespmem:s8], [sflag:$0x2], $0x280, $0x38;
	[tilespmem:$0xA00] =	vst v63  }
.LBB2_2:
.Ltmp7:
0x3a: {  	(pc) =	sbr.rel .LBB2_9-.Ltmp7, $2  }
0x3b: {  	_ =	sdelay $0x2  }
0x3c: {  	[tilespmem:s7], [sflag:$0x1] =	stream.linear.gather [hbm4b:s5+s6], $0x280, $0x38;
	[tilespmem:$0xA00] =	vst v63  }
.LBB2_10:
0x3d: {  	s2 =	simm.s32 $0x2  }
0x3e: {  	_ =	swait.ge [sflag:s2], $0x280  }
0x3f: {  	[sflag:s2] =	ssyncset.done $0x0  }
0x40: {  	[sflag:s2] =	ssyncadd.s32 $0xFFFFFD80  }
0x41: {  	_ =	sfence.sel $0x180000  }
0x42: {  	s3 =	simm.s32 $0x1;
	[bflag:$0x0] =	sbarrier.arrive $0xFFFF  }
0x43: {  	[sflag:s3] =	ssyncpa.u1 $0x1  }
0x44: {  	[sflag:s2] =	ssyncpa.u1 $0x1  }
0x45: {  	_ =	strace $0x9000005F  }
0x46: {  	s0 =	sadd.s32 @!p0 $0x100000, s0;
	[bflag:$0x2] =	sbarrier.arrive $0xFFFF  }
0x47: {  	[sflag:s0] =	ssyncadd.tile.s32 @!p0 $0x1;
	s0 =	simm.s32 @!p0 $0x3F  }
0x48: {  	_ =	swait.ge @!p0 [sflag:s0], s1  }
0x49: {  	s1 =	ssub.s32 @!p0 $0x0, s1;
	[sflag:s0] =	ssyncset.done @!p0 $0x0  }
0x4a: {  	[sflag:s0] =	ssyncadd.s32 @!p0 s1  }
0x4b: {  	[bflag:$0x3] =	sbarrier.arrive $0xFFFF  }
0x4c: {  	_ =	shalt  }
.Lfunc_end2:
execute1_lowered:
.L_overlay_start_2:
0x4d: {  	(tag) =	ssettag $0x2  }
0x4e: {  	s0 =	rddreg [dreg:$0x0];
	_ =	strace $0x80000062;
	s3 =	simm.s32 $0x1  }
0x4f: {  	v1 =	vimm.s32 $0xFFFFFFFF;
	[sflag:s3] =	ssyncpa.u1 $0x0  }
0x50: {  	[tilespmem:$0x10] =	vst v1  }
0x51: {  	v0 =	vimm.f32 $0.0e+00;
	[tilespmem:$0x20] =	vst v1  }
0x52: {  	[tilespmem:$0x30] =	vst v0  }
0x53: {  	s2 =	simm.s32 $0x2;
	s26 =	stileid.u32;
	s5 =	simm.s32 $0x7;
	[tilespmem:$0x40] =	vst v0  }
0x54: {  	s7 =	simm.s32 $0x8;
	s31 =	simm.s32 $0x9;
	s14 =	simm.s32 $0x0;
	[tilespmem:$0x50] =	vst v0  }
0x55: {  	s15 =	simm.s32 $0x100;
	s18 =	simm.s32 $0x10;
	s19 =	simm.s32 $0x4750;
	[tilespmem:$0x60] =	vst v1  }
0x56: {  	s20 =	simm.s32 $0xF;
	s21 =	simm.s32 $0x50;
	s22 =	simm.s32 $0x203F;
	[tilespmem:$0x70] =	vst v1  }
0x57: {  	s23 =	simm.s32 $0x20;
	s24 =	simm.s32 $0x30;
	s25 =	simm.s32 $0x3F7F;
	[tilespmem:$0x80] =	vst v1  }
0x58: {  	s30 =	simm.s32 $0x0;
	s29 =	simm.s32 $0x0;
	s6 =	smul.u32 $0x7D0, s26;
	v1 =	vimm.s32 $0x0;
	[tilespmem:$0xB0] =	vst v0  }
.Ltmp8:
0x59: {  	s1 =	sadd.s32 $0x1000, s0;
	s4 =	sadd.s32 $0xD000, s0;
	[tilespmem:$0x90] =	vst v1;
	(pc) =	sbr.rel .LBB3_1-.Ltmp8, $4  }
0x5a: {  	s8 =	sadd.s32 $0xE000, s0;
	s10 =	sshll.u32 s26, $0x1;
	[tilespmem:$0xA0] =	vst v1;
	[sflag:s2] =	ssyncpa.u1 $0x0  }
0x5b: {  	s12 =	sshllo.u32 s26, $0x1;
	s26 =	simm.s32 $0x80;
	[sflag:s5] =	ssyncpa.u1 $0x0  }
0x5c: {  	vm0 =	vmmov $0xffff;
	v2 =	vlaneseq.u32;
	s11 =	sor.u32 $0x81, s10;
	s13 =	sor.u32 $0x80, s10;
	[sflag:s7] =	ssyncpa.u1 $0x0  }
0x5d: {  	vm1 =	vmxor vm1, vm1;
	vm2 =	vmmov $0x1;
	vm3 =	vcmask $0x3F3C;
	s9 =	sadd.s32 $0x7D0, s6;
	s28 =	smov.u32 s6;
	[sflag:s31] =	ssyncpa.u1 $0x0  }
.LBB3_3:
0x5e: {  	s0 =	sshrl.u32 s28, $0x3  }
0x5f: {  	s2 =	sand.u32 $0x7, s28;
	s0 =	sadd.s32 s4, s0  }
0x60: {  	[tilespmem:s15], [sflag:$0x7] =	stream.linear.gather [hbm4b:s0+s2], $0x7D0, $0x38;
	[tilespmem:$0x4770] =	vst v63  }
.LBB3_4:
0x61: {  	s0 =	sadd.s32 $0x7D0, s28  }
0x62: {  	s2 =	smov.u32 s6;
	s29 =	sadd.s32 $0x1, s29;
	p0 =	slt.s32 s0, s9  }
0x63: {  	s2 =	smov.u32 @p0 s0;
	p0 =	sne.s32 s29, $0x4  }
.Ltmp9:
0x64: {  	_ = 	snop;
	(pc) =	sbr.rel @!p0 .LBB3_13-.Ltmp9, $2  }
0x65: {  	_ =	sdelay $0x2  }
0x66: {  	s30 =	smov.u32 s28;
	s28 =	smov.u32 s2  }
.LBB3_1:
0x67: {  	p0 =	sgt.s32 s29, $0x1  }
.Ltmp10:
0x68: {  	_ = 	snop;
	(pc) =	sbr.rel @p0 .LBB3_11-.Ltmp10, $1  }
0x69: {  	_ =	sdelay $0x3  }
0x6a: {  	p0 =	seq.s32 s29, $0x0  }
.Ltmp11:
0x6b: {  	_ = 	snop;
	(pc) =	sbr.rel @p0 .LBB3_3-.Ltmp11, $1  }
0x6c: {  	_ =	sdelay $0x3  }
0x6d: {  	_ =	swait.ge [sflag:s5], $0x7D0  }
0x6e: {  	[sflag:s5] =	ssyncset.done $0x0  }
0x6f: {  	[sflag:s5] =	ssyncadd.s32 $0xFFFFF830;
	(ifvalue) =	ssetifvalue $0xFFFFFFFF;
	v3 =	vld.msk [tilespmem:s15+$0x0 ss:$0x1], $0xffff;
	_ =	sdelay $0x4  }
0x70: {  	v4 =	vperm.xlane v3, v1  }
0x71: {  	vm4 =	vlt.u32 v3, $0x2800  }
0x72: {  	v3 =	vnsel vm4, $0xFFFFFFFE, v3;
	vm4 =	vlt.u32 v4, $0x2800  }
0x73: {  	[tilespmem:$0x70] =	vst v3;
	v3 =	vnsel vm4, $0xFFFFFFFE, v4  }
0x74: {  	s17 =	simm.s32 $0x8C0;
	[tilespmem:$0x80] =	vst v3  }
0x75: {  	v3 =	vld.msk [tilespmem:s17+$0x0 ss:$0x1], $0xffff;
	_ =	sdelay $0x4  }
0x76: {  	(xrf1) =	vunique.msk.u32 $0xffff, v3;
	_ =	sdelay $0xd  }
0x77: {  	v4 =	vimm.s32 $0xFFFFFFFF;
	v5, _, _ =	vpop (xrf1)  }
0x78: {  	vm5 =	vne.s32 v3, v4;
	vm4 =	veq.s32 v5, v2  }
0x79: {  	vm6 =	vlt.u32 v3, $0x2800;
	vm4 =	vmand vm5, vm4  }
0x7a: {  	vm4 =	vmand vm6, vm4  }
0x7b: {  	v4 =	vnsel vm4, $0xFFFFFFFF, v3;
	_ =	sdelay $0x3  }
0x7c: {  	s0 =	simm.s32 $0x2030;
	(ifvalue) =	ssetifvalue $0xFFFFFFFF  }
0x7d: {  	v3 =	vperm.xlane v3, v1;
	[tilespmem:s0], [sflag:$0x8] =	stream.indirect_vreg.gather [hbm4b:s1+s14], $0x1, v4, vm0, $0x4038;
	v4 =	vnsel vm6, $0xFFFFFFFE, v4;
	[tilespmem:$0x4770] =	vst v63  }
0x7e: {  	s2 =	simm.s32 $0x0;
	s16 =	simm.s32 $0x8B0;
	[tilespmem:s17+$0x0] =	vst v4  }
.LBB3_6:
0x7f: {  	v4 =	vld.msk [tilespmem:s16+$0x0 ss:$0x1], $0xffff;
	s2 =	sadd.s32 $0x10, s2;
	v5 =	vmov v3;
	s17 =	smov.u32 s16  }
0x80: {  	p0 =	slt.u32 s2, $0x7C0;
	_ =	sdelay $0x4  }
0x81: {  	v3 =	vperm.xlane v4, v1;
	(xrf1) =	vunique.msk.u32 $0xffff, v4;
	_ =	sdelay $0xd  }
0x82: {  	v6, _, _ =	vpop (xrf1)  }
0x83: {  	vm5 =	vne.s32 v4, v5;
	vm4 =	veq.s32 v6, v2  }
0x84: {  	vm6 =	vlt.u32 v4, $0x2800;
	vm4 =	vmand vm5, vm4  }
0x85: {  	vm4 =	vmand vm6, vm4  }
0x86: {  	v4 =	vnsel vm4, $0xFFFFFFFF, v4  }
.Ltmp12:
0x87: {  	v5 =	vnsel vm6, $0xFFFFFFFE, v4;
	(pc) =	sbr.rel @p0 .LBB3_6-.Ltmp12, $3  }
0x88: {  	_ =	sdelay $0x1  }
0x89: {  	s16 =	sadd.s32 $0xFFFFFFF0, s16;
	s0 =	sadd.s32 $0xFFFFFFF0, s0;
	(ifvalue) =	ssetifvalue $0xFFFFFFFF  }
0x8a: {  	[tilespmem:s0], [sflag:$0x8] =	stream.indirect_vreg.gather [hbm4b:s1+s14], $0x1, v4, vm0, $0x4038;
	[tilespmem:s17+$0x0] =	vst v5  }
.Ltmp13:
0x8b: {  	(pc) =	sbr.rel .LBB3_4-.Ltmp13, $4  }
0x8c: {  	_ = 	snop  }
0x8d: {  	s0 =	sshrl.u32 s30, $0x3  }
0x8e: {  	s2 =	simm.s32 $0x2810;
	s0 =	sadd.s32 s8, s0  }
0x8f: {  	[tilespmem:s2], [sflag:$0x8] =	stream.linear.gather [hbm:s0], $0x7D0, $0x38;
	[tilespmem:$0x4770] =	vst v63  }
.LBB3_11:
0x90: {  	p0 =	seq.s32 s29, $0x2  }
.Ltmp14:
0x91: {  	_ = 	snop;
	(pc) =	sbr.rel @!p0 .LBB3_12-.Ltmp14, $1  }
0x92: {  	_ =	sdelay $0x3  }
0x93: {  	_ =	swait.ge [sflag:s7], $0xFA0  }
0x94: {  	[sflag:s7] =	ssyncset.done $0x0  }
0x95: {  	s0 =	simm.s32 $0x8CF;
	[sflag:s7] =	ssyncadd.s32 $0xFFFFF060  }
0x96: {  	[spmem:s11] =	stream.linear.scatter [tilespmem:s0], [sflag:$0x1], $0x1, $0x38;
	[tilespmem:$0x4770] =	vst v63  }
0x97: {  	_ =	swait.ge [sflag:s3], $0x1  }
0x98: {  	[sflag:s3] =	ssyncset.done $0x0  }
0x99: {  	[sflag:s3] =	ssyncadd.s32 $0xFFFFFFFF  }
0x9a: {  	v4 =	vld [tilespmem:$0x10]  }
0x9b: {  	v5 =	vld [tilespmem:$0x70]  }
0x9c: {  	v3 =	vld [tilespmem:$0x80];
	_ =	sdelay $0x2  }
0x9d: {  	(v2sf) =	vpush v4, $0x0  }
0x9e: {  	(v2sf) =	vpush v5, $0x0  }
0x9f: {  	(v2sf) =	vpush v3, $0x0;
	_ =	sdelay $0xc  }
0xa0: {  	s16 =	spop (v2sf)  }
0xa1: {  	s2 =	spop (v2sf)  }
0xa2: {  	s30 =	spop (v2sf)  }
0xa3: {  	p0 =	seq.s32 s16, s2;
	p1 =	seq.s32 s30, s16  }
0xa4: {  	p1 =	por p0, p1  }
0xa5: {  	v4 =	vpsel p1, $0xFFFFFFFF, v4  }
0xa6: {  	[tilespmem:s18+$0x0] =	vst.msk $0x1, v4  }
0xa7: {  	v4 =	vld [tilespmem:$0x30]  }
0xa8: {  	v5 =	vld [tilespmem:$0x2810]  }
0xa9: {  	v6 =	vld [tilespmem:$0x40];
	_ =	sdelay $0x3  }
0xaa: {  	vm4 =	vmmov vm1;
	v5 =	vadd.f32 v5, v4  }
0xab: {  	vm5 =	vmmov vm2;
	s31 =	simm.s32 $0x2810;
	vm4 =	vmmov @p0 vm2;
	v4 =	vadd.f32 v6, v4  }
0xac: {  	vm5 =	vmmov @p1 vm1;
	[tilespmem:s31+$0x0] =	vst.msk vm4, v5  }
0xad: {  	[tilespmem:s19+$0x0] =	vst.msk vm5, v4  }
0xae: {  	v4 =	vld [tilespmem:$0x2030];
	_ =	sdelay $0x3  }
0xaf: {  	v5 =	vimm.f32 $0.0e+00  }
0xb0: {  	v4 =	vshift.insert v4, v5, s20;
	_ =	sdelay $0x1  }
0xb1: {  	[tilespmem:s21+$0x0] =	vst.msk $0x1, v4  }
0xb2: {  	[tilespmem:s22+$0x0] =	vst.msk $0x1, v5  }
0xb3: {  	v4 =	vld [tilespmem:$0x8C0];
	_ =	sdelay $0x4  }
0xb4: {  	v4 =	vshift.insert v4, v1, s20;
	_ =	sdelay $0x1  }
0xb5: {  	[tilespmem:s23+$0x0] =	vst.msk $0x1, v4  }
0xb6: {  	s17 =	simm.s32 $0x100;
	v6 =	vld [tilespmem:s31+$0x0]  }
0xb7: {  	v7 =	vld [tilespmem:s17+$0x0];
	_ =	sdelay $0x3  }
0xb8: {  	v5 =	vadd.f32 v6, v5  }
0xb9: {  	vm4 =	vne.s32 v7, $0xFFFFFFFF  }
0xba: {  	(xrf2) =	vadd.seg.scan.f32 vm4, v5;
	_ =	sdelay $0x3  }
0xbb: {  	s0 =	simm.s32 $0x1870;
	v5 =	vperm.xlane v4, v1  }
0xbc: {  	v6 =	vld [tilespmem:s0+$0x0]  }
0xbd: {  	vm5 =	veq.s32 v7, v3;
	vm6 =	veq.s32 v7, v5  }
0xbe: {  	vm7 =	vgt.u32 v7, $0xFFFFFFFD;
	vm6 =	vmor vm6, vm5  }
0xbf: {  	vm6 =	vmor vm6, vm7  }
0xc0: {  	v9 =	vld [tilespmem:$0xA0];
	v7 =	vsel vm6, $0xFFFFFFFF, v7  }
0xc1: {  	v10 =	vld [tilespmem:$0x90];
	v6 =	vsel vm5, $0x0, v6;
	v8, _, _ =	vpop (xrf2)  }
0xc2: {  	v6 =	vadd.f32 v8, v6  }
0xc3: {  	s2 =	simm.s32 $0x37B0  }
0xc4: {  	vm4 =	vmand vm4, vm3;
	[tilespmem:s2+$0x0] =	vst v6;
	(ifvalue) =	ssetifvalue $0xFFFFFFFF  }
0xc5: {  	vm6 =	veq.s32 v9, $0x1;
	[hbm4b:s1+s14] =	stream.indirect_vreg.scatter [tilespmem:s2], [sflag:$0x2], $0x1, v7, vm0, $0x4038;
	v7 =	vsel vm4, $0x0, v8;
	[tilespmem:$0x4770] =	vst v63  }
0xc6: {  	s16 =	simm.s32 $0x0;
	s17 =	simm.s32 $0x110;
	vm4 =	vmor vm6, vm5;
	v6 =	vsel vm5, v8, v10;
	v7 =	vshift.insert v7, v0, s20  }
.LBB3_9:
0xc7: {  	v8 =	vld [tilespmem:s17+$0x0];
	s31 =	sadd.s32 $0x10, s31  }
0xc8: {  	s0 =	sadd.s32 $0x10, s0;
	v9 =	vld [tilespmem:s31+$0x0]  }
0xc9: {  	s16 =	sadd.s32 $0x10, s16;
	v10 =	vld [tilespmem:s0+$0x0]  }
0xca: {  	p0 =	slt.u32 s16, $0x7C0;
	_ =	sdelay $0x2  }
0xcb: {  	v7 =	vadd.f32 v9, v7  }
0xcc: {  	vm5 =	vne.s32 v8, $0xFFFFFFFF  }
0xcd: {  	vm6 =	vmand vm5, vm3;
	(xrf2) =	vadd.seg.scan.f32 vm5, v7;
	_ =	sdelay $0x5  }
0xce: {  	vm7 =	veq.s32 v8, v5;
	vm5 =	veq.s32 v8, v3  }
0xcf: {  	vm8 =	vgt.u32 v8, $0xFFFFFFFD;
	vm4 =	vmor vm4, vm5;
	vm7 =	vmor vm7, vm5  }
0xd0: {  	vm7 =	vmor vm7, vm8  }
0xd1: {  	v8 =	vsel vm7, $0xFFFFFFFF, v8  }
.Ltmp15:
0xd2: {  	v7 =	vsel vm5, $0x0, v10;
	v9, _, _ =	vpop (xrf2);
	(pc) =	sbr.rel @p0 .LBB3_9-.Ltmp15, $4  }
0xd3: {  	v6 =	vsel vm5, v9, v6;
	v10 =	vadd.f32 v9, v7;
	v7 =	vsel vm6, $0x0, v9  }
0xd4: {  	s2 =	sadd.s32 $0x10, s2;
	v7 =	vshift.insert v7, v0, s20  }
0xd5: {  	s17 =	sadd.s32 $0x10, s17;
	[tilespmem:s2+$0x0] =	vst v10;
	(ifvalue) =	ssetifvalue $0xFFFFFFFF  }
0xd6: {  	[hbm4b:s1+s14] =	stream.indirect_vreg.scatter [tilespmem:s2], [sflag:$0x2], $0x1, v8, vm0, $0x4038;
	[tilespmem:$0x4770] =	vst v63  }
0xd7: {  	v3 =	vld [tilespmem:$0x3F70];
	_ =	sdelay $0x4  }
0xd8: {  	v3 =	vshift.insert v3, v0, s20;
	_ =	sdelay $0x1  }
0xd9: {  	[tilespmem:s24+$0x0] =	vst.msk $0x1, v3  }
0xda: {  	v3 =	vsel vm4, $0x1, v1;
	[tilespmem:$0x90] =	vst v6  }
0xdb: {  	[tilespmem:$0xA0] =	vst v3  }
0xdc: {  	[spmem:s12] =	stream.linear.scatter [tilespmem:s25], [sflag:$0x1], $0x1, $0x38;
	[tilespmem:$0x4770] =	vst v63  }
0xdd: {  	v3 =	vmctz.xlane vm4;
	_ =	swait.ge [sflag:s3], $0x1  }
0xde: {  	(v2sf) =	vpush v4, $0x0  }
0xdf: {  	(v2sf) =	vpush v3, $0x0;
	_ =	sdelay $0xd  }
0xe0: {  	s0 =	spop (v2sf)  }
0xe1: {  	s2 =	spop (v2sf)  }
0xe2: {  	[sflag:s3] =	ssyncset.done $0x0;
	p0 =	sne.s32 s30, s0;
	p1 =	slt.s32 s2, $0xF  }
0xe3: {  	[sflag:s3] =	ssyncadd.s32 $0xFFFFFFFF;
	v3 =	vimm.s32 @!p0 $0xFFFFFFFF;
	s2 =	simm.s32 @!p1 $0xF  }
0xe4: {  	[tilespmem:$0x80] =	vst @!p0 v3;
	s31 =	sadd.s32 $0x90, s2  }
0xe5: {  	[spmem:s10] =	stream.linear.scatter [tilespmem:s31], [sflag:$0x1], $0x1, $0x38;
	[tilespmem:$0x4770] =	vst v63  }
0xe6: {  	_ =	swait.ge [sflag:s3], $0x1  }
0xe7: {  	[sflag:s3] =	ssyncset.done $0x0  }
0xe8: {  	[sflag:s3] =	ssyncadd.s32 $0xFFFFFFFF  }
0xe9: {  	[spmem:s13] =	stream.linear.scatter [tilespmem:s26], [sflag:$0x1], $0x1, $0x38;
	[tilespmem:$0x4770] =	vst v63  }
0xea: {  	_ =	swait.ge [sflag:s3], $0x1  }
0xeb: {  	[sflag:s3] =	ssyncset.done $0x0  }
0xec: {  	[sflag:s3] =	ssyncadd.s32 $0xFFFFFFFF;
	(ifvalue) =	ssetifvalue $0xFFFFFFFF;
	v3 =	vld [tilespmem:$0x10];
	_ =	sdelay $0x3  }
.Ltmp16:
0xed: {  	_ = 	snop;
	(pc) =	sbr.rel .LBB3_4-.Ltmp16, $3  }
0xee: {  	_ =	sdelay $0x1  }
0xef: {  	(ifvalue) =	ssetifvalue $0xFFFFFFFF  }
0xf0: {  	[hbm4b:s1+s14] =	stream.indirect_vreg.scatter [tilespmem:s19], [sflag:$0x9], $0x1, v3, vm0, $0x4038;
	[tilespmem:$0x4770] =	vst v63  }
.LBB3_12:
0xf1: {  	s0 =	simm.s32 $0x2  }
0xf2: {  	_ =	swait.ge [sflag:s0], $0x7D0  }
0xf3: {  	[sflag:s0] =	ssyncset.done $0x0  }
0xf4: {  	s31 =	simm.s32 $0x9;
	[sflag:s0] =	ssyncadd.s32 $0xFFFFF830  }
0xf5: {  	_ =	swait.ge [sflag:s31], $0x10  }
0xf6: {  	[sflag:s31] =	ssyncset.done $0x0  }
0xf7: {  	[sflag:s31] =	ssyncadd.s32 $0xFFFFFFF0  }
.LBB3_13:
0xf8: {  	_ =	sfence.sel $0x180000  }
0xf9: {  	s0 =	simm.s32 $0x7;
	[bflag:$0x0] =	sbarrier.arrive $0xFFFF  }
0xfa: {  	s26 =	simm.s32 $0x8;
	[sflag:s0] =	ssyncpa.u1 $0x1  }
0xfb: {  	s28 =	simm.s32 $0x9;
	[sflag:s26] =	ssyncpa.u1 $0x1  }
0xfc: {  	[sflag:s28] =	ssyncpa.u1 $0x1  }
0xfd: {  	_ =	sfence.stream.spmem  }
0xfe: {  	s29 =	simm.s32 $0x3;
	[bflag:$0x0] =	sbarrier.arrive $0xFFFF  }
0xff: {  	s30 =	simm.s32 $0x4;
	[sflag:s29] =	ssyncpa.u1 $0x1  }
0x100: {  	s31 =	simm.s32 $0x3C;
	s2 =	stileid.u32;
	[sflag:s30] =	ssyncpa.u1 $0x1  }
0x101: {  	p0 =	sne.s32 s2, $0x0;
	[sflag:s31] =	ssyncpa.u1 $0x1  }
0x102: {  	s0 =	simm.s32 @p0 $0x1;
	_ =	sfence @p0  }
0x103: {  	[sflag:s0] =	ssyncpa.u1 @p0 $0x1;
	s0 =	simm.s32 @p0 $0x2  }
0x104: {  	[sflag:s0] =	ssyncpa.u1 @p0 $0x1  }
0x105: {  	_ =	strace @p0 $0x90000062  }
0x106: {  	[bflag:$0x2] =	sbarrier.arrive @p0 $0xFFFF  }
0x107: {  	_ =	shalt @p0  }
.LBB3_14:
0x108: {  	_ =	sfence.stream.spmem;
	s0 =	simm.s32 $0x5  }
0x109: {  	s2 =	simm.s32 $0x80;
	s3 =	simm.s32 $0xC0;
	[sflag:s0] =	ssyncpa.u1 $0x0  }
0x10a: {  	[tilespmem:s3], [sflag:$0x5] =	stream.linear.gather [spmem:s2], $0x20, $0x38;
	[tilespmem:$0x4770] =	vst v63  }
0x10b: {  	s2 =	simm.s32 $0x0;
	s3 =	simm.s32 $0xE0  }
0x10c: {  	[tilespmem:s3], [sflag:$0x5] =	stream.linear.gather [spmem:s2], $0x20, $0x38;
	[tilespmem:$0x4770] =	vst v63  }
.Ltmp17:
0x10d: {  	_ = 	snop;
	(pc) =	sbr.rel .LBB3_15-.Ltmp17, $4  }
0x10e: {  	_ =	swait.ge [sflag:s0], $0x40  }
0x10f: {  	[sflag:s0] =	ssyncset.done $0x0  }
0x110: {  	s31 =	simm.s32 $0x6;
	[sflag:s0] =	ssyncadd.s32 $0xFFFFFFC0  }
0x111: {  	s4 =	simm.s32 $0x0;
	[sflag:s31] =	ssyncpa.u1 $0x0  }
.LBB3_20:
0x112: {  	p0 =	sgt.u32 s0, $0x27FF  }
0x113: {  	s5 =	sshrl.u32 @!p0 s0, $0x3  }
0x114: {  	s0 =	sand.u32 @!p0 $0x7, s0;
	s6 =	simm.s32 @!p0 $0xB0;
	s5 =	sadd.s32 @!p0 s1, s5  }
0x115: {  	[tilespmem:s6], [sflag:$0x6] =	stream.linear.gather @!p0 [hbm4b:s5+s0], $0x1, $0x38;
	[tilespmem:$0x4770] =	vst v63  }
0x116: {  	s0 =	simm.s32 @!p0 $0x6  }
0x117: {  	_ =	swait.ge @!p0 [sflag:s0], $0x1  }
0x118: {  	[sflag:s0] =	ssyncset.done @!p0 $0x0  }
0x119: {  	[sflag:s0] =	ssyncadd.s32 @!p0 $0xFFFFFFFF  }
0x11a: {  	v2 =	vmov @!p0 s4;
	v1 =	vld.msk @!p0 [tilespmem:$0xB0], $0x1;
	_ =	sdelay $0x3  }
0x11b: {  	s0 =	simm.s32 @!p0 $0xE0  }
0x11c: {  	[tilespmem:v2+s0+$0x0], v1 =	vst.idx.ret.add.f32.msk @!p0 $0x1, v1  }
0x11d: {  	[tilespmem:s2+$0xC0] =	vst.msk $0x1, v0  }
0x11e: {  	v0 =	vld.msk [tilespmem:s4+$0xE0], $0x1;
	_ =	sdelay $0x4  }
0x11f: {  	[tilespmem:s2+$0xE0] =	vst.msk $0x1, v0;
	s2 =	sadd.s32 $0x1, s2  }
.LBB3_22:
0x120: {  	s4 =	sadd.s32 $0x1, s4  }
0x121: {  	p0 =	sne.s32 s4, $0x20  }
.Ltmp18:
0x122: {  	_ = 	snop;
	(pc) =	sbr.rel @!p0 .LBB3_23-.Ltmp18, $1  }
0x123: {  	_ =	sdelay $0x3  }
.LBB3_15:
0x124: {  	v0 =	vld.msk [tilespmem:s4+$0xC0], $0x1;
	_ =	sdelay $0x4  }
0x125: {  	(v2sf) =	vpush v0, $0x0;
	_ =	sdelay $0xe  }
0x126: {  	s0 =	spop (v2sf)  }
0x127: {  	p0 =	seq.s32 s0, $0xFFFFFFFF  }
.Ltmp19:
0x128: {  	_ = 	snop;
	(pc) =	sbr.rel @p0 .LBB3_22-.Ltmp19, $1  }
0x129: {  	_ =	sdelay $0x3  }
0x12a: {  	p0 =	slt.s32 s2, $0x1  }
.Ltmp20:
0x12b: {  	_ = 	snop;
	(pc) =	sbr.rel @p0 .LBB3_20-.Ltmp20, $1  }
0x12c: {  	_ =	sdelay $0x3  }
0x12d: {  	s5 =	simm.s32 $0xC0;
	p0 =	por $0x0, $0x0  }
0x12e: {  	v1 =	vld.msk @!p0 [tilespmem:s5+$0x0], $0x1;
	_ =	sdelay $0x4  }
0x12f: {  	(v2sf) =	vpush @!p0 v1, $0x0;
	_ =	sdelay $0xd  }
0x130: {  	p2 =	sne.s32 s2, $0x1  }
.Ltmp21:
0x131: {  	s6 =	spop @!p0 (v2sf);
	(pc) =	sbr.rel @!p2 .LBB3_19-.Ltmp21, $4  }
0x132: {  	p1 =	seq.s32 @!p0 s0, s6  }
0x133: {  	s6 =	simm.s32 $0x0;
	p1 =	por !p1, p0  }
0x134: {  	s8 =	simm.s32 $0xFFFFFFFF;
	s6 =	simm.s32 @p1 $0xFFFFFFFF  }
0x135: {  	s7 =	simm.s32 $0x1;
	s6 =	smov.u32 @p0 s8  }
.LBB3_18:
0x136: {  	s8 =	smov.u32 s6;
	p0 =	sne.s32 s6, $0xFFFFFFFF  }
0x137: {  	s5 =	sadd.s32 $0x1, s5;
	s6 =	smov.u32 s7;
	s7 =	sadd.s32 $0x1, s7  }
0x138: {  	p1 =	sne.s32 s2, s7;
	v1 =	vld.msk @!p0 [tilespmem:s5+$0x0], $0x1;
	_ =	sdelay $0x4  }
0x139: {  	(v2sf) =	vpush @!p0 v1, $0x0;
	_ =	sdelay $0xe  }
.Ltmp22:
0x13a: {  	s9 =	spop @!p0 (v2sf);
	(pc) =	sbr.rel @p1 .LBB3_18-.Ltmp22, $4  }
0x13b: {  	p2 =	seq.s32 @!p0 s0, s9  }
0x13c: {  	p2 =	por !p2, p0  }
0x13d: {  	s6 =	simm.s32 @p2 $0xFFFFFFFF  }
0x13e: {  	s6 =	smov.u32 @p0 s8  }
.LBB3_19:
0x13f: {  	p0 =	sne.s32 s6, $0xFFFFFFFF  }
.Ltmp23:
0x140: {  	_ = 	snop;
	(pc) =	sbr.rel @!p0 .LBB3_20-.Ltmp23, $1  }
0x141: {  	_ =	sdelay $0x3  }
0x142: {  	v0 =	vld.msk [tilespmem:s4+$0xE0], $0x1;
	v1 =	vmov s6  }
.Ltmp24:
0x143: {  	_ = 	snop;
	(pc) =	sbr.rel .LBB3_22-.Ltmp24, $2  }
0x144: {  	_ =	sdelay $0x2  }
0x145: {  	[tilespmem:v1+s3+$0x0], v0 =	vst.idx.ret.add.f32.msk $0x1, v0  }
.LBB3_23:
0x146: {  	p0 =	slt.s32 s2, $0x1  }
.Ltmp25:
0x147: {  	_ = 	snop;
	(pc) =	sbr.rel @p0 .LBB3_27-.Ltmp25, $3  }
0x148: {  	_ =	sdelay $0x1  }
0x149: {  	s0 =	simm.s32 $0x6  }
0x14a: {  	[sflag:s0] =	ssyncpa.u1 $0x1;
	s0 =	simm.s32 $0x0  }
0x14b: {  	s3 =	simm.s32 $0xC0  }
0x14c: {  	v0 =	vld.msk [tilespmem:s3+$0x0], $0x1;
	_ =	sdelay $0x4  }
0x14d: {  	(v2sf) =	vpush v0, $0x0;
	_ =	sdelay $0xe  }
0x14e: {  	s2 =	sadd.s32 $0xFFFFFFFF, s2;
	s4 =	spop (v2sf)  }
0x14f: {  	p1 =	sne.s32 s2, $0x0;
	p0 =	sgt.u32 s4, $0x27FF  }
.Ltmp26:
0x150: {  	s5 =	sshrl.u32 @!p0 s4, $0x3;
	(pc) =	sbr.rel @!p1 .LBB3_26-.Ltmp26, $4  }
0x151: {  	s3 =	simm.s32 $0xE0;
	s4 =	sand.u32 @!p0 $0x7, s4;
	s5 =	sadd.s32 @!p0 s1, s5  }
0x152: {  	[hbm4b:s5+s4] =	stream.linear.scatter @!p0 [tilespmem:s3], [sflag:$0x5], $0x1, $0x38;
	[tilespmem:$0x4770] =	vst v63  }
0x153: {  	s5 =	simm.s32 $0x0  }
0x154: {  	s4 =	simm.s32 $0xC1;
	s5 =	simm.s32 @!p0 $0x4  }
.LBB3_25:
0x155: {  	v0 =	vld.msk [tilespmem:s4+$0x0], $0x1;
	s2 =	sadd.s32 $0xFFFFFFFF, s2;
	s0 =	sadd.s32 s0, s5  }
0x156: {  	p0 =	sne.s32 s2, $0x0;
	_ =	sdelay $0x3  }
0x157: {  	(v2sf) =	vpush v0, $0x0;
	_ =	sdelay $0xe  }
.Ltmp27:
0x158: {  	s6 =	spop (v2sf);
	(pc) =	sbr.rel @p0 .LBB3_25-.Ltmp27, $4  }
0x159: {  	s5 =	simm.s32 $0x0;
	p1 =	sgt.u32 s6, $0x27FF  }
0x15a: {  	s3 =	sadd.s32 $0x1, s3;
	s5 =	simm.s32 @!p1 $0x4;
	s7 =	sshrl.u32 @!p1 s6, $0x3  }
0x15b: {  	s4 =	sadd.s32 $0x1, s4;
	s6 =	sand.u32 @!p1 $0x7, s6;
	s7 =	sadd.s32 @!p1 s1, s7  }
0x15c: {  	[hbm4b:s7+s6] =	stream.linear.scatter @!p1 [tilespmem:s3], [sflag:$0x5], $0x1, $0x38;
	[tilespmem:$0x4770] =	vst v63  }
.LBB3_26:
0x15d: {  	s0 =	sadd.s32 s0, s5  }
0x15e: {  	s0 =	sshrl.u32 s0, $0x2  }
.LBB3_27:
0x15f: {  	s1 =	simm.s32 $0x5  }
0x160: {  	_ =	swait.ge [sflag:s1], s0  }
0x161: {  	s28 =	ssub.s32 $0x0, s0;
	[sflag:s1] =	ssyncset.done $0x0  }
0x162: {  	[sflag:s1] =	ssyncadd.s32 s28  }
0x163: {  	[sflag:s1] =	ssyncpa.u1 $0x1  }
0x164: {  	s29 =	simm.s32 $0x1;
	_ =	sfence  }
0x165: {  	s30 =	simm.s32 $0x2;
	[sflag:s29] =	ssyncpa.u1 $0x1  }
0x166: {  	[sflag:s30] =	ssyncpa.u1 $0x1  }
0x167: {  	_ =	strace $0x90000062  }
0x168: {  	[bflag:$0x2] =	sbarrier.arrive $0xFFFF  }
0x169: {  	s31 =	rddreg [dreg:$0x1]  }
0x16a: {  	s0 =	sadd.s32 $0x100000, s31  }
0x16b: {  	[sflag:s0] =	ssyncadd.tile.s32 $0x1;
	_ =	shalt  }
.Lfunc_end3:
_tile_overlayer_lowered:
.L_overlay_start_3:
0x16c: {  	(tag) =	ssettag $0x3  }
0x16d: {  	s0 =	rddreg [dreg:$0x0];
	s2 =	stileid.u32  }
0x16e: {  	s1 =	rddreg [dreg:$0x1];
	p0 =	sne.s32 s2, $0x0  }
0x16f: {  	s3 =	rddreg [dreg:$0x2];
	[bflag:$0x3] =	sbarrier.arrive $0xFFFF;
	s2 =	simm.s32 @!p0 $0x1C01  }
0x170: {  	[timem:s3], [sflag:s2] =	dma.local @!p0 [hbm:s0], s1  }
0x171: {  	s0 =	simm.s32 @!p0 $0x1  }
0x172: {  	_ =	swait.ge @!p0 [sflag:s0], s1  }
0x173: {  	s1 =	ssub.s32 @!p0 $0x0, s1;
	[sflag:s0] =	ssyncset.done @!p0 $0x0  }
0x174: {  	[sflag:s0] =	ssyncadd.s32 @!p0 s1  }
0x175: {  	[bflag:$0x3] =	sbarrier.arrive $0xFFFF  }
0x176: {  	_ =	shalt  }

// kernel: scatter_offload_async_start
scs
__scs_entry_jumppad:
0x0: {  	(pc) =	sbr.rel $0x88, $3  }
0x1: {  	(tag) =	ssettag $0x0;
	lr =	simm.s32 $0x1  }
0x2: {  	[smem:$0x3F97] =	sst lr;
	_ =	strace $0xD0000000  }
0x3: {  	_ = 	snop  }
0x4: {  	_ = 	snop  }
0x5: {  	_ = 	snop  }
0x6: {  	_ = 	snop  }
0x7: {  	_ = 	snop  }
__scs_overlays_trampoline_lowered:
0x8: {  	[smem:$0x3FA6] =	sst s0  }
0x9: {  	[smem:$0x3FA7] =	sst s1  }
0xa: {  	[smem:$0x3FA8] =	sst s2  }
0xb: {  	[smem:$0x3FA9] =	sst s3  }
0xc: {  	[smem:$0x3FAA] =	sst s4  }
0xd: {  	[smem:$0x3FAB] =	sst s5  }
0xe: {  	[smem:$0x3FAC] =	sst s6  }
0xf: {  	[smem:$0x3FAD] =	sst s7  }
0x10: {  	[smem:$0x3FAE] =	sst s8  }
0x11: {  	[smem:$0x3FAF] =	sst s9;
	s0 =	simm.s32 @!p0 $0x0  }
0x12: {  	s1 =	sld [smem:$0x3F95];
	s0 =	simm.s32 @p0 $0x1  }
0x13: {  	[smem:$0x3FB0] =	sst s0;
	s0 =	simm.s32 @!p1 $0x0  }
0x14: {  	s2 =	sld [smem:$0x3F94];
	s0 =	simm.s32 @p1 $0x1  }
0x15: {  	[smem:$0x3FB1] =	sst s0;
	s0 =	simm.s32 @!p2 $0x0  }
0x16: {  	s3 =	sld [smem:$0x3FDB];
	s0 =	simm.s32 @p2 $0x1  }
0x17: {  	s4 =	simm.s32 $0x1BF5;
	[smem:$0x3FB3] =	sst s0  }
0x18: {  	s0 =	sld [smem:$0x3F96];
	_ =	swait.ge [sflag:s4], $0x0  }
0x19: {  	s7 =	sld [smem:$0x3F97]  }
0x1a: {  	s8 =	sadd.s32 $0xFFFFE003, lr  }
0x1b: {  	s9 =	sadd.s32 $0xFFFFFEF7, lr;
	s5 =	simm.s32 $0xFFFFFFFF;
	p2 =	slt.u32 s8, $0xFFFFF086  }
0x1c: {  	p1 =	slt.u32 s9, $0xF7A;
	s5 =	simm.s32 @!p2 $0x0  }
0x1d: {  	s5 =	simm.s32 @p1 $0x1;
	p0 =	seq.s32 s7, s2  }
0x1e: {  	s7 =	smul.u32 @!p0 $0xF7A, s2;
	p2 =	seq.s32 @!p0 s5, $0x0  }
0x1f: {  	s9 =	smul.u32 $0xF7A, s1;
	s8 =	simm.s32 @!p0 $0x1BF5;
	p2 =	por !p2, p0  }
0x20: {  	[sflag:s8] =	ssyncset.s32 @!p0 $0xFFFFF086;
	s6 =	sadd.s32 @!p0 s3, s7;
	s7 =	simm.s32 @!p0 $0x108  }
0x21: {  	s3 =	sadd.s32 s3, s9;
	s6 =	sadd.s32 @!p0 $0x88, s6;
	s7 =	simm.s32 @p2 $0x1082  }
0x22: {  	[simem:s7], [sflag:s8] =	dma.local @!p0 [hbm:s6], $0xF7A  }
0x23: {  	s9 =	sor.u32 $0xD0000000, s2;
	s6 =	simm.s32 $0x108;
	_ =	swait.ge @!p0 [sflag:s8], $0x0  }
0x24: {  	s3 =	sadd.s32 $0x88, s3;
	s6 =	simm.s32 @!p1 $0x1082;
	[sflag:s4] =	ssyncset.s32 $0xFFFFF086  }
0x25: {  	[simem:s6], [sflag:s4] =	dma.local [hbm:s3], $0xF7A  }
0x26: {  	[smem:$0x3F97] =	sst s1;
	(tag) =	ssettag s2;
	_ =	strace s9  }
0x27: {  	s1 =	sld [smem:$0x3FA7]  }
0x28: {  	s2 =	sld [smem:$0x3FA8]  }
0x29: {  	s4 =	sld [smem:$0x3FAA]  }
0x2a: {  	p0 =	seq.s32 s5, $0x0;
	s5 =	sld [smem:$0x3FAB]  }
0x2b: {  	s6 =	sld [smem:$0x3FAC]  }
0x2c: {  	s7 =	sld [smem:$0x3FAD]  }
0x2d: {  	s3 =	simm.s32 $0x108;
	s8 =	sld [smem:$0x3FAE]  }
0x2e: {  	s3 =	simm.s32 @!p0 $0x1082;
	s9 =	sld [smem:$0x3FAF]  }
0x2f: {  	lr =	sadd.s32 s0, s3;
	s0 =	sld [smem:$0x3FA6]  }
0x30: {  	s3 =	sld [smem:$0x3FA9]  }
0x31: {  	[smem:$0x3FB2] =	sst s10  }
0x32: {  	s10 =	sld [smem:$0x3FB0];
	_ =	sdelay $0x3  }
0x33: {  	p0 =	seq.s32 s10, $0x1;
	s10 =	sld [smem:$0x3FB2];
	_ =	sdelay $0x3  }
0x34: {  	[smem:$0x3FB2] =	sst s10  }
0x35: {  	s10 =	sld [smem:$0x3FB1];
	_ =	sdelay $0x3  }
0x36: {  	p1 =	seq.s32 s10, $0x1;
	s10 =	sld [smem:$0x3FB2];
	_ =	sdelay $0x3  }
0x37: {  	[smem:$0x3FB2] =	sst s10  }
0x38: {  	s10 =	sld [smem:$0x3FB3]  }
0x39: {  	_ = 	snop;
	(pc) =	sbr.ind lr, $3  }
0x3a: {  	_ = 	snop  }
0x3b: {  	_ = 	snop  }
0x3c: {  	p2 =	seq.s32 s10, $0x1;
	s10 =	sld [smem:$0x3FB2]  }
0x3d: {  	_ =	shalt  }
0x3e: {  	_ =	shalt  }
0x3f: {  	_ =	shalt  }
0x40: {  	_ =	shalt  }
0x41: {  	_ =	shalt  }
0x42: {  	_ =	shalt  }
0x43: {  	_ =	shalt  }
0x44: {  	_ =	shalt  }
0x45: {  	_ =	shalt  }
0x46: {  	_ =	shalt  }
0x47: {  	_ =	shalt  }
0x48: {  	_ =	shalt  }
0x49: {  	_ =	shalt  }
0x4a: {  	_ =	shalt  }
0x4b: {  	_ =	shalt  }
0x4c: {  	_ =	shalt  }
0x4d: {  	_ =	shalt  }
0x4e: {  	_ =	shalt  }
0x4f: {  	_ =	shalt  }
0x50: {  	_ =	shalt  }
0x51: {  	_ =	shalt  }
0x52: {  	_ =	shalt  }
0x53: {  	_ =	shalt  }
0x54: {  	_ =	shalt  }
0x55: {  	_ =	shalt  }
0x56: {  	_ =	shalt  }
0x57: {  	_ =	shalt  }
0x58: {  	_ =	shalt  }
0x59: {  	_ =	shalt  }
0x5a: {  	_ =	shalt  }
0x5b: {  	_ =	shalt  }
0x5c: {  	_ =	shalt  }
0x5d: {  	_ =	shalt  }
0x5e: {  	_ =	shalt  }
0x5f: {  	_ =	shalt  }
0x60: {  	_ =	shalt  }
0x61: {  	_ =	shalt  }
0x62: {  	_ =	shalt  }
0x63: {  	_ =	shalt  }
0x64: {  	_ =	shalt  }
0x65: {  	_ =	shalt  }
0x66: {  	_ =	shalt  }
0x67: {  	_ =	shalt  }
0x68: {  	_ =	shalt  }
0x69: {  	_ =	shalt  }
0x6a: {  	_ =	shalt  }
0x6b: {  	_ =	shalt  }
0x6c: {  	_ =	shalt  }
0x6d: {  	_ =	shalt  }
0x6e: {  	_ =	shalt  }
0x6f: {  	_ =	shalt  }
0x70: {  	_ =	shalt  }
0x71: {  	_ =	shalt  }
0x72: {  	_ =	shalt  }
0x73: {  	_ =	shalt  }
0x74: {  	_ =	shalt  }
0x75: {  	_ =	shalt  }
0x76: {  	_ =	shalt  }
0x77: {  	_ =	shalt  }
0x78: {  	_ =	shalt  }
0x79: {  	_ =	shalt  }
0x7a: {  	_ =	shalt  }
0x7b: {  	_ =	shalt  }
0x7c: {  	_ =	shalt  }
0x7d: {  	_ =	shalt  }
0x7e: {  	_ =	shalt  }
0x7f: {  	_ =	shalt  }
0x80: {  	_ =	shalt  }
0x81: {  	_ =	shalt  }
0x82: {  	_ =	shalt  }
0x83: {  	_ =	shalt  }
0x84: {  	_ =	shalt  }
0x85: {  	_ =	shalt  }
0x86: {  	_ =	shalt  }
0x87: {  	_ =	shalt  }
.Lfunc_end0:
.L_simem_size_0:
called_computation_lowered:
.L_overlay_start_0:
0x88: {  	s0 =	sld [smem:$0x3FD9]  }
0x89: {  	s1 =	sld [smem:$0x3FFE];
	_ =	sdelay $0x3  }
0x8a: {  	s0 =	sadd.s32 s1, s0  }
0x8b: {  	[smem:$0x3FBE] =	sst s0  }
0x8c: {  	_ = 	snop  }
0x8d: {  	s0 =	sld [smem:$0x3FD0];
	_ =	sdelay $0x2  }
0x8e: {  	s13 =	simm.s32 $0xE;
	s2 =	simm.s32 $0x10  }
0x8f: {  	[smem:s2], [sflag:s13] =	dma.local [hbm:s0], $0x1  }
0x90: {  	_ =	swait.eq [sflag:s13], $0x1  }
0x91: {  	[sflag:s13] =	ssyncset.done $0x0  }
0x92: {  	[sflag:s13] =	ssyncadd.s32 $0xFFFFFFFF  }
0x93: {  	s14 =	sld [smem:$0x10];
	(tm) =	ssettm $0x1  }
0x94: {  	s15 =	sld [smem:$0x3FFB];
	_ =	sdelay $0x3  }
0x95: {  	_ =	strace s15  }
0x96: {  	s1 =	sld [smem:$0x3FFC];
	_ =	sdelay $0x3  }
0x97: {  	_ =	strace s1  }
0x98: {  	s1 =	sld [smem:$0x3FFD];
	_ =	sdelay $0x3  }
0x99: {  	_ =	strace s1  }
0x9a: {  	_ =	strace $0x8FFFFFFF  }
0x9b: {  	s16 =	sld [smem:$0x3FDB];
	_ =	sdelay $0x1  }
0x9c: {  	s17 =	simm.s32 $_scs_section_size  }
0x9d: {  	s3 =	simm.s32 $_size__tile_overlayer_lowered;
	s4 =	simm.s32 $_tile_overlayer_lowered  }
0x9e: {  	s20 =	simm.s32 $0x1BFF;
	s19 =	sshll.u32 s4, $0x1;
	s1 =	sadd.s32 s17, s16  }
0x9f: {  	s5 =	simm.s32 $0x0;
	s18 =	sshll.u32 s3, $0x1;
	s3 =	sadd.s32 s19, s1  }
0xa0: {  	[timem:s5], [sflag:s20] =	dma.local [hbm:s3], s18  }
0xa1: {  	_ =	swait.ge [sflag:s20], s18  }
0xa2: {  	s2 =	ssub.s32 $0x0, s18;
	[sflag:s20] =	ssyncset.done $0x0  }
0xa3: {  	[sflag:s20] =	ssyncadd.s32 s2;
	_ =	sdelay $0x1  }
0xa4: {  	s21 =	simm.s32 $0x1B8B  }
0xa5: {  	_ =	swait.ge [sflag:s21], $0x1  }
0xa6: {  	[sflag:s21] =	ssyncset.done $0x0  }
0xa7: {  	s23 =	simm.s32 $0x1B8E;
	s22 =	sld [smem:$0x3FFE];
	[sflag:s21] =	ssyncadd.s32 $0xFFFFFFFF  }
0xa8: {  	s24 =	simm.s32 $execute0_lowered;
	[smem:$0x3FD2] =	sst s23  }
0xa9: {  	s3 =	sshll.u32 s24, $0x1;
	_ =	strace $0x80000049;
	[dreg:$0x1] =	wrdreg $0xFFFFFFFF  }
0xaa: {  	s25 =	simm.s32 $_size_execute0_lowered;
	s1 =	sadd.s32 s1, s3;
	[dreg:$0x0] =	wrdreg $0x0  }
0xab: {  	s3 =	sshll.u32 s25, $0x1;
	[dreg:$0x2] =	wrdreg s1  }
0xac: {  	[dreg:$0x3] =	wrdreg s3  }
0xad: {  	[dreg:$0x4] =	wrdreg $0xC0  }
0xae: {  	_ =	task [dreg:s5], $0x5FFFF  }
0xaf: {  	[dreg:$0x1] =	wrdreg $0xFFFFFFFF  }
0xb0: {  	[dreg:$0x0] =	wrdreg $0x60  }
0xb1: {  	[dreg:$0x2] =	wrdreg s14  }
0xb2: {  	[dreg:$0x3] =	wrdreg s22  }
0xb3: {  	[dreg:$0x4] =	wrdreg $0x9  }
0xb4: {  	_ =	task.clear_ibuf [dreg:s5], $0x5FFFF;
	_ =	strace $0x90000049  }
0xb5: {  	s26 =	simm.s32 $0x9;
	_ =	strace $0x8000004B  }
0xb6: {  	_ =	swait.ge [sflag:s26], $0x1  }
0xb7: {  	[sflag:s26] =	ssyncadd.s32 $0xFFFFFFFF  }
0xb8: {  	_ =	strace $0x9000004B  }
0xb9: {  	_ =	sfence  }
0xba: {  	s28 =	sld [smem:$0x0];
	_ =	sdelay $0x1  }
0xbb: {  	s29 =	srdreg.scid  }
0xbc: {  	s30 =	sshll.u32 s29, $0xD;
	s31 =	sshrl.u32 s29, $0x2  }
0xbd: {  	s2 =	sand.u32 $0x4000, s30;
	s1 =	sand.u32 $0x1, s29;
	s0 =	sadd.s32 s31, s28  }
0xbe: {  	s1 =	sor.u32 s2, s1;
	s0 =	sshll.u32 s0, $0x11  }
0xbf: {  	s0 =	sor.u32 s0, s1  }
0xc0: {  	s0 =	sadd.s32 $0x8F2B, s0  }
0xc1: {  	[sflag:s0] =	ssyncadd.remote.s32 $0x1  }
0xc2: {  	_ =	sfence.sel $0xFFFF  }
0xc3: {  	[dreg:$0x0] =	wrdreg $0xFFFFFFFF;
	(pc) =	sbr.abs _section_cstart, $3  }
0xc4: {  	[dreg:$0x1] =	wrdreg $0xFFFFFFFF  }
0xc5: {  	_ =	task.clear_ibuf [dreg:s5], $0x2FFFF;
	_ =	strace $0x9FFFFFFF  }
0xc6: {  	(tm) =	ssettm $0x7FFFFFFF  }
0xc7: {  	_ =	shalt  }
tec
execute0_lowered:
.L_overlay_start_1:
0x0: {  	(tag) =	ssettag $0x1  }
0x1: {  	s1 =	rddreg [dreg:$0x0]  }
0x2: {  	s0 =	rddreg [dreg:$0x1]  }
0x3: {  	s11 =	stileid.u32;
	_ =	strace $0x8000004A;
	s2 =	simm.s32 $0x1  }
0x4: {  	v1 =	vimm.s32 $0xFFFFFFFF;
	s3 =	smin.u32 s11, $0x4;
	[sflag:s2] =	ssyncpa.u1 $0x0  }
0x5: {  	s3 =	sadd.s32 s11, s3;
	[tilespmem:$0x10] =	vst v1  }
0x6: {  	s4 =	simm.s32 $0x3E80;
	v0 =	vimm.f32 $-Inf;
	p0 =	slt.u32 s11, $0x4;
	[tilespmem:$0x20] =	vst v1;
	s3 =	smul.u32 $0x1F40, s3  }
0x7: {  	s4 =	simm.s32 @!p0 $0x1F40;
	[tilespmem:$0x30] =	vst v0  }
0x8: {  	[tilespmem:$0x40] =	vst v0;
	s4 =	sadd.s32 s4, s3  }
0x9: {  	[tilespmem:$0x50] =	vst v0;
	s4 =	smin.u32 s4, $0x27100  }
0xa: {  	s7 =	simm.s32 $0x2;
	[tilespmem:$0x60] =	vst v1;
	s6 =	ssub.s32 s4, s3  }
0xb: {  	s8 =	simm.s32 $0x8;
	s30 =	simm.s32 $0x9;
	[tilespmem:$0x70] =	vst v1;
	p0 =	sgt.s32 s6, $0x0  }
0xc: {  	s16 =	simm.s32 $0x0;
	s17 =	simm.s32 $0xF0;
	[tilespmem:$0x80] =	vst v1;
	s6 =	simm.s32 @!p0 $0x0  }
0xd: {  	s18 =	simm.s32 $0xFFFFFFFF;
	s19 =	simm.s32 $0xFFFFC280;
	v1 =	vimm.s32 $0x0;
	[tilespmem:$0xB0] =	vst v0;
	s5 =	smulhi.u32 $0x10624DD3, s6  }
0xe: {  	s20 =	simm.s32 $0xFFFFFFFE;
	s21 =	simm.s32 $0xF;
	s25 =	simm.s32 $0x0;
	[tilespmem:$0x90] =	vst v1  }
0xf: {  	[tilespmem:$0xA0] =	vst v1;
	[sflag:s7] =	ssyncpa.u1 $0x0;
	s7 =	simm.s32 $0x7;
	s9 =	sshrl.u32 s5, $0x9  }
0x10: {  	s24 =	simm.s32 $0x0;
	[sflag:s7] =	ssyncpa.u1 $0x0;
	s10 =	smul.u32 $0x1F40, s9  }
0x11: {  	s14 =	sshllo.u32 s11, $0x1;
	[sflag:s8] =	ssyncpa.u1 $0x0;
	s23 =	smov.u32 s3  }
.Ltmp0:
0x12: {  	[sflag:s30] =	ssyncpa.u1 $0x0;
	p0 =	sne.s32 s6, s10;
	(pc) =	sbr.rel .LBB2_1-.Ltmp0, $4  }
0x13: {  	s5 =	sadd.s32 $0x14000, s0;
	s0 =	sadd.s32 $0x19000, s0;
	s2 =	simm.s32 @!p0 $0x0  }
0x14: {  	[dreg:$0x3] =	wrdreg s0;
	s10 =	sshll.u32 s11, $0x1;
	s9 =	sadd.s32 s2, s9  }
0x15: {  	vm0 =	vmmov $0xffff;
	v2 =	vlaneseq.u32;
	vm1 =	vmxor vm1, vm1;
	s13 =	sor.u32 $0x81, s10;
	s15 =	sor.u32 $0x80, s10;
	s31 =	sadd.s32 $0x1, s9  }
0x16: {  	vm2 =	vmmov $0x1;
	v3 =	vimm.f32 $0.0e+00;
	vm3 =	vcmask $0x3F3C;
	p0 =	por $0x0, $0x0;
	s12 =	sadd.s32 $0x2, s9;
	[dreg:$0x4] =	wrdreg s31  }
.LBB2_9:
0x17: {  	p1 =	slt.u32 s24, $0x3  }
0x18: {  	s0 =	simm.s32 @!p1 $0x2  }
0x19: {  	_ =	swait.ge @!p1 [sflag:s0], $0x1F40  }
0x1a: {  	[sflag:s0] =	ssyncset.done @!p1 $0x0  }
0x1b: {  	[sflag:s0] =	ssyncadd.s32 @!p1 $0xFFFFE0C0;
	s0 =	simm.s32 @!p1 $0x9  }
0x1c: {  	_ =	swait.ge @!p1 [sflag:s0], $0x10  }
0x1d: {  	[sflag:s0] =	ssyncset.done @!p1 $0x0  }
0x1e: {  	[sflag:s0] =	ssyncadd.s32 @!p1 $0xFFFFFFF0;
	p1 =	sne.s32 s24, s12  }
.Ltmp1:
0x1f: {  	s2 =	sadd.s32 $0x1F40, s23;
	(pc) =	sbr.rel @!p1 .LBB2_10-.Ltmp1, $4  }
0x20: {  	s6 =	smov.u32 s3;
	s31 =	sadd.s32 $0x1, s24;
	s17 =	sadd.s32 $0x1F40, s17  }
0x21: {  	s18 =	sadd.s32 $0x1, s18;
	s25 =	smov.u32 s23;
	p2 =	slt.s32 s2, s4  }
0x22: {  	p0 =	por !p0, !p0;
	s19 =	sadd.s32 $0x1F40, s19;
	s6 =	smov.u32 @p2 s2  }
0x23: {  	s20 =	sadd.s32 $0x1, s20;
	s23 =	smov.u32 s6;
	s24 =	smov.u32 s31  }
.LBB2_1:
0x24: {  	p1 =	sge.u32 s24, s9  }
0x25: {  	s0 =	smulhi.u32 @!p1 $0xAAAAAAAB, s24;
	_ =	sdelay $0x1  }
0x26: {  	s0 =	sshrl.u32 @!p1 s0, $0x1  }
0x27: {  	s0 =	smul.u32 @!p1 $0x3, s0;
	_ =	sdelay $0x1  }
0x28: {  	s0 =	ssub.s32 @!p1 s24, s0  }
0x29: {  	s0 =	smul.u32 @!p1 $0x7D00, s0;
	_ =	sdelay $0x1  }
0x2a: {  	s2 =	sshrl.u32 @!p1 s23, $0x3;
	s0 =	sshrl.u32 @!p1 s0, $0x2  }
0x2b: {  	s6 =	sand.u32 @!p1 $0x7, s23;
	s2 =	sadd.s32 @!p1 s5, s2;
	s0 =	sadd.s32 @!p1 $0x100, s0  }
0x2c: {  	[tilespmem:s0], [sflag:$0x7] =	stream.linear.gather @!p1 [hbm4b:s2+s6], $0x1F40, $0x38;
	[tilespmem:$0x11A60] =	vst v63  }
0x2d: {  	s0 =	sadd.s32 $0xFFFFFFFF, s24  }
0x2e: {  	p1 =	sge.u32 s0, s9  }
.Ltmp2:
0x2f: {  	_ = 	snop;
	(pc) =	sbr.rel @p1 .LBB2_5-.Ltmp2, $1  }
0x30: {  	_ =	sdelay $0x3  }
0x31: {  	s2 =	smulhi.u32 $0xAAAAAAAB, s0;
	_ =	sdelay $0x1  }
0x32: {  	s2 =	sshrl.u32 s2, $0x1  }
0x33: {  	s2 =	smul.u32 $0x3, s2;
	_ =	sdelay $0x1  }
0x34: {  	s2 =	ssub.s32 s0, s2  }
0x35: {  	s2 =	smul.u32 $0x7D00, s2  }
0x36: {  	_ =	swait.ge [sflag:s7], $0x1F40  }
0x37: {  	[sflag:s7] =	ssyncset.done $0x0;
	s2 =	sshrl.u32 s2, $0x2  }
0x38: {  	[sflag:s7] =	ssyncadd.s32 $0xFFFFE0C0;
	(ifvalue) =	ssetifvalue $0xFFFFFFFF;
	v4 =	vld.msk [tilespmem:s2+$0x100 ss:$0x1], $0xffff;
	_ =	sdelay $0x2  }
0x39: {  	s29 =	smulhi.u32 $0xAAAAAAAB, s18;
	p1 =	sne.s32 s24, $0x1  }
0x3a: {  	v5 =	vimm.s32 @!p1 $0x0  }
0x3b: {  	s2 =	sshrl.u32 s29, $0x1;
	v5 =	vperm.xlane @!p1 v4, v5  }
0x3c: {  	s6 =	sshll.u32 s24, $0x4;
	s2 =	smul.u32 $0xFFFE8900, s2;
	vm4 =	vlt.u32 v4, $0x2800  }
0x3d: {  	s6 =	sand.u32 $0x10, s6;
	v4 =	vnsel vm4, $0xFFFFFFFE, v4;
	vm4 =	vlt.u32 @!p1 v5, $0x2800  }
0x3e: {  	s2 =	sshra.s32 s2, $0x2;
	[tilespmem:s6+$0x60] =	vst v4;
	v4 =	vnsel @!p1 vm4, $0xFFFFFFFE, v5  }
0x3f: {  	s30 =	sadd.s32 s2, s17;
	[tilespmem:$0x80] =	vst @!p1 v4  }
0x40: {  	v4 =	vld.msk [tilespmem:s30+$0x0 ss:$0x1], $0xffff;
	_ =	sdelay $0x4  }
0x41: {  	(xrf1) =	vunique.msk.u32 $0xffff, v4;
	_ =	sdelay $0xd  }
0x42: {  	v5 =	vimm.s32 $0xFFFFFFFF;
	v6, _, _ =	vpop (xrf1)  }
0x43: {  	vm5 =	vne.s32 v4, v5;
	vm4 =	veq.s32 v6, v2  }
0x44: {  	vm6 =	vlt.u32 v4, $0x2800;
	vm4 =	vmand vm5, vm4  }
0x45: {  	vm4 =	vmand vm6, vm4  }
0x46: {  	v5 =	vnsel vm4, $0xFFFFFFFF, v4  }
0x47: {  	s31 =	sand.u32 $0x1, s0  }
0x48: {  	s26 =	simm.s32 $0x1F40;
	p1 =	seq.s32 s31, $0x1  }
0x49: {  	s26 =	simm.s32 @!p1 $0x0  }
0x4a: {  	s28 =	sadd.s32 $0x7DF0, s26;
	(ifvalue) =	ssetifvalue $0xFFFFFFFF  }
0x4b: {  	v4 =	vperm.xlane v4, v1;
	[tilespmem:s28], [sflag:$0x8] =	stream.indirect_vreg.gather [hbm4b:s1+s16], $0x1, v5, vm0, $0x4038;
	v5 =	vnsel vm6, $0xFFFFFFFE, v5;
	[tilespmem:$0x11A60] =	vst v63  }
0x4c: {  	s0 =	simm.s32 $0x0;
	s2 =	sadd.s32 $0xFFFFFFF0, s30;
	[tilespmem:s30+$0x0] =	vst v5  }
.LBB2_3:
0x4d: {  	v5 =	vld.msk [tilespmem:s2+$0x0 ss:$0x1], $0xffff;
	s0 =	sadd.s32 $0x10, s0;
	v6 =	vmov v4;
	s6 =	smov.u32 s2  }
0x4e: {  	p1 =	slt.u32 s0, $0x1F30;
	_ =	sdelay $0x4  }
0x4f: {  	v4 =	vperm.xlane v5, v1;
	(xrf1) =	vunique.msk.u32 $0xffff, v5;
	_ =	sdelay $0xd  }
0x50: {  	v7, _, _ =	vpop (xrf1)  }
0x51: {  	vm5 =	vne.s32 v5, v6;
	vm4 =	veq.s32 v7, v2  }
0x52: {  	vm6 =	vlt.u32 v5, $0x2800;
	vm4 =	vmand vm5, vm4  }
0x53: {  	vm4 =	vmand vm6, vm4  }
0x54: {  	v5 =	vnsel vm4, $0xFFFFFFFF, v5  }
.Ltmp3:
0x55: {  	v6 =	vnsel vm6, $0xFFFFFFFE, v5;
	(pc) =	sbr.rel @p1 .LBB2_3-.Ltmp3, $3  }
0x56: {  	_ =	sdelay $0x1  }
0x57: {  	s2 =	sadd.s32 $0xFFFFFFF0, s2;
	s28 =	sadd.s32 $0xFFFFFFF0, s28;
	(ifvalue) =	ssetifvalue $0xFFFFFFFF  }
0x58: {  	[tilespmem:s28], [sflag:$0x8] =	stream.indirect_vreg.gather [hbm4b:s1+s16], $0x1, v5, vm0, $0x4038;
	[tilespmem:s6+$0x0] =	vst v6  }
0x59: {  	s0 =	sshrl.u32 s25, $0x3;
	s2 =	rddreg [dreg:$0x3]  }
0x5a: {  	s31 =	sadd.s32 $0x9D40, s26;
	s0 =	sadd.s32 s2, s0  }
0x5b: {  	[tilespmem:s31], [sflag:$0x8] =	stream.linear.gather [hbm:s0], $0x1F40, $0x38;
	[tilespmem:$0x11A60] =	vst v63  }
.LBB2_5:
0x5c: {  	p1 =	slt.u32 s24, $0x2  }
0x5d: {  	p2 =	sge.u32 @!p1 s24, s12  }
0x5e: {  	p1 =	por p1, p2  }
.Ltmp4:
0x5f: {  	_ = 	snop;
	(pc) =	sbr.rel @p1 .LBB2_9-.Ltmp4, $1  }
0x60: {  	_ =	sdelay $0x3  }
0x61: {  	s0 =	sadd.s32 $0xFFFFFFFE, s24  }
0x62: {  	s2 =	smulhi.u32 $0xAAAAAAAB, s0;
	_ =	sdelay $0x1  }
0x63: {  	s2 =	sshrl.u32 s2, $0x1  }
0x64: {  	s2 =	smul.u32 $0x3, s2;
	_ =	sdelay $0x1  }
0x65: {  	_ =	swait.ge [sflag:s8], $0x3E80;
	s0 =	ssub.s32 s0, s2  }
0x66: {  	s6 =	rddreg [dreg:$0x4];
	s0 =	smul.u32 $0x1F40, s0  }
0x67: {  	[sflag:s8] =	ssyncset.done $0x0;
	p1 =	sne.s32 s24, s6  }
0x68: {  	[sflag:s8] =	ssyncadd.s32 $0xFFFFC180;
	s2 =	sadd.s32 @!p1 $0x203F, s0  }
0x69: {  	[spmem:s13] =	stream.linear.scatter @!p1 [tilespmem:s2], [sflag:$0x1], $0x1, $0x38;
	[tilespmem:$0x11A60] =	vst v63  }
0x6a: {  	s2 =	simm.s32 @!p1 $0x1  }
0x6b: {  	_ =	swait.ge @!p1 [sflag:s2], $0x1  }
0x6c: {  	s6 =	sshll.u32 s24, $0x4;
	[sflag:s2] =	ssyncset.done @!p1 $0x0  }
0x6d: {  	s25 =	sand.u32 $0x10, s6;
	[sflag:s2] =	ssyncadd.s32 @!p1 $0xFFFFFFFF  }
0x6e: {  	s2 =	sxor.u32 $0x10, s25;
	v5 =	vld [tilespmem:s25+$0x10]  }
0x6f: {  	v6 =	vld [tilespmem:s2+$0x60]  }
0x70: {  	v4 =	vld [tilespmem:$0x80];
	_ =	sdelay $0x2  }
0x71: {  	(v2sf) =	vpush v5, $0x0  }
0x72: {  	(v2sf) =	vpush v6, $0x0  }
0x73: {  	(v2sf) =	vpush v4, $0x0;
	_ =	sdelay $0xc  }
0x74: {  	s11 =	spop (v2sf)  }
0x75: {  	s22 =	spop (v2sf)  }
0x76: {  	s28 =	spop (v2sf)  }
0x77: {  	p2 =	seq.s32 s11, s22;
	p3 =	seq.s32 s28, s11  }
0x78: {  	p3 =	por p2, p3  }
0x79: {  	s26 =	sand.u32 $0x1, s24;
	v5 =	vpsel p3, $0xFFFFFFFF, v5  }
0x7a: {  	s29 =	smul.u32 $0x1F40, s26;
	[tilespmem:s25+$0x10] =	vst.msk $0x1, v5  }
0x7b: {  	v5 =	vld [tilespmem:$0x30]  }
0x7c: {  	v6 =	vld [tilespmem:s29+$0x9D40]  }
0x7d: {  	v7 =	vld [tilespmem:s25+$0x40];
	_ =	sdelay $0x2  }
0x7e: {  	vm4 =	vmmov vm1  }
0x7f: {  	vm5 =	vmmov vm2;
	s6 =	sshll.u32 s26, $0x4;
	vm4 =	vmmov @p2 vm2;
	v6 =	vmax.f32 v5, v6  }
0x80: {  	s26 =	sor.u32 $0x11A40, s6;
	vm5 =	vmmov @p3 vm1;
	v5 =	vmax.f32 v5, v7;
	[tilespmem:s29+$0x9D40] =	vst.msk vm4, v6  }
0x81: {  	[tilespmem:s26+$0x0] =	vst.msk vm5, v5  }
0x82: {  	v5 =	vld [tilespmem:s29+$0x7DF0];
	_ =	sdelay $0x4  }
0x83: {  	v5 =	vshift.insert v5, v3, s21  }
0x84: {  	s11 =	sor.u32 $0x40, s2  }
0x85: {  	v6 =	vimm.f32 $-Inf;
	[tilespmem:s11+$0x0] =	vst.msk $0x1, v5  }
0x86: {  	[tilespmem:s29+$0x7DFF] =	vst.msk $0x1, v6  }
0x87: {  	v5 =	vld [tilespmem:s0+$0x2030]  }
0x88: {  	s22 =	smulhi.u32 $0xAAAAAAAB, s20;
	_ =	sdelay $0x1  }
0x89: {  	s6 =	simm.s32 $0x1;
	s0 =	sshrl.u32 s22, $0x1  }
0x8a: {  	s6 =	simm.s32 @!p0 $0x0;
	s0 =	smul.u32 $0xFFFE8900, s0  }
0x8b: {  	s6 =	smul.u32 $0x7D00, s6;
	v5 =	vshift.insert v5, v1, s21  }
0x8c: {  	s0 =	sshra.s32 s0, $0x2  }
0x8d: {  	s6 =	sshrl.u32 s6, $0x2;
	s22 =	sadd.s32 s0, s19;
	[tilespmem:s2+$0x10] =	vst.msk $0x1, v5  }
0x8e: {  	s2 =	sadd.s32 $0x9D40, s6;
	v7 =	vld [tilespmem:s22+$0x0]  }
0x8f: {  	v8 =	vld [tilespmem:s2+$0x0];
	_ =	sdelay $0x4  }
0x90: {  	vm4 =	vne.s32 v7, $0xFFFFFFFF;
	v6 =	vmax.f32 v8, v6  }
0x91: {  	(xrf0) =	vmax.seg.scan.f32 vm4, v6  }
0x92: {  	s11 =	sadd.s32 $0x5EC0, s6;
	v8 =	vld [tilespmem:$0xA0]  }
0x93: {  	v9 =	vld [tilespmem:s11+$0x0];
	_ =	sdelay $0x1  }
0x94: {  	v6 =	vperm.xlane v5, v1;
	_ =	sdelay $0x1  }
0x95: {  	vm6 =	veq.s32 v7, v4;
	vm7 =	veq.s32 v7, v6;
	vm5 =	veq.s32 v8, $0x1;
	v8, _, _ =	vpop (xrf0)  }
0x96: {  	vm8 =	vgt.u32 v7, $0xFFFFFFFD;
	vm7 =	vmor vm7, vm6;
	v9 =	vmax.f32 v8, v9  }
0x97: {  	s30 =	sadd.s32 $0xDBC0, s6;
	v10 =	vld [tilespmem:$0x90];
	vm7 =	vmor vm7, vm8;
	v9 =	vsel vm6, v8, v9  }
0x98: {  	[tilespmem:s30+$0x0] =	vst v9;
	v9 =	vsel vm7, $0xFFFFFFFF, v7;
	_ =	sdelay $0x1  }
0x99: {  	vm9 =	vmand vm4, vm3  }
0x9a: {  	s31 =	simm.s32 $0x0;
	s6 =	sadd.s32 $0x10, s11;
	s0 =	sadd.s32 $0x10, s2;
	v11 =	vsel vm9, $0xFF800000, v8  }
0x9b: {  	s2 =	sadd.s32 $0x10, s22;
	s22 =	sadd.s32 $0x10, s30;
	vm4 =	vmor vm5, vm6;
	v7 =	vsel vm6, v8, v10;
	v8 =	vshift.insert v11, v0, s21;
	(ifvalue) =	ssetifvalue $0xFFFFFFFF  }
.LBB2_7:
0x9c: {  	[hbm4b:s1+s16] =	stream.indirect_vreg.scatter [tilespmem:s30], [sflag:$0x2], $0x1, v9, vm0, $0x4038;
	[tilespmem:$0x11A60] =	vst v63  }
0x9d: {  	s31 =	sadd.s32 $0x10, s31;
	s30 =	smov.u32 s22;
	v9 =	vld [tilespmem:s2+$0x0]  }
0x9e: {  	p2 =	slt.u32 s31, $0x1F30;
	v10 =	vld [tilespmem:s0+$0x0];
	_ =	sdelay $0x4  }
0x9f: {  	vm5 =	vne.s32 v9, $0xFFFFFFFF;
	v8 =	vmax.f32 v10, v8  }
0xa0: {  	(xrf0) =	vmax.seg.scan.f32 vm5, v8;
	_ =	sdelay $0x1  }
0xa1: {  	v8 =	vld [tilespmem:s6+$0x0]  }
0xa2: {  	vm6 =	veq.s32 v9, v4;
	vm7 =	veq.s32 v9, v6  }
0xa3: {  	vm8 =	vgt.u32 v9, $0xFFFFFFFD;
	vm4 =	vmor vm4, vm6;
	vm7 =	vmor vm7, vm6  }
0xa4: {  	vm7 =	vmor vm7, vm8  }
.Ltmp5:
0xa5: {  	vm5 =	vmand vm5, vm3;
	v9 =	vsel vm7, $0xFFFFFFFF, v9;
	v10, _, _ =	vpop (xrf0);
	(pc) =	sbr.rel @p2 .LBB2_7-.Ltmp5, $4  }
0xa6: {  	v7 =	vsel vm6, v10, v7;
	v8 =	vmax.f32 v10, v8;
	v11 =	vsel vm5, $0xFF800000, v10  }
0xa7: {  	v10 =	vsel vm6, v10, v8;
	v8 =	vshift.insert v11, v0, s21  }
0xa8: {  	s2 =	sadd.s32 $0x10, s2;
	s0 =	sadd.s32 $0x10, s0;
	[tilespmem:s22+$0x0] =	vst v10  }
0xa9: {  	s6 =	sadd.s32 $0x10, s6;
	s22 =	sadd.s32 $0x10, s22;
	(ifvalue) =	ssetifvalue $0xFFFFFFFF  }
0xaa: {  	_ =	sdelay $0x3  }
0xab: {  	[hbm4b:s1+s16] =	stream.indirect_vreg.scatter [tilespmem:s30], [sflag:$0x2], $0x1, v9, vm0, $0x4038;
	[tilespmem:$0x11A60] =	vst v63  }
0xac: {  	v4 =	vld [tilespmem:s29+$0xFAF0];
	_ =	sdelay $0x4  }
0xad: {  	v4 =	vshift.insert v4, v3, s21  }
0xae: {  	s0 =	simm.s32 $0x30  }
0xaf: {  	[tilespmem:s0+$0x0] =	vst.msk $0x1, v4  }
0xb0: {  	v4 =	vsel vm4, $0x1, v1;
	[tilespmem:$0x90] =	vst v7  }
0xb1: {  	s0 =	sadd.s32 @!p1 $0xFAFF, s29;
	[tilespmem:$0xA0] =	vst v4  }
0xb2: {  	[spmem:s14] =	stream.linear.scatter @!p1 [tilespmem:s0], [sflag:$0x1], $0x1, $0x38;
	[tilespmem:$0x11A60] =	vst v63  }
0xb3: {  	s0 =	simm.s32 @!p1 $0x1  }
0xb4: {  	v4 =	vmctz.xlane @!p1 vm4;
	_ =	swait.ge @!p1 [sflag:s0], $0x1  }
0xb5: {  	(v2sf) =	vpush @!p1 v5, $0x0  }
0xb6: {  	(v2sf) =	vpush @!p1 v4, $0x0;
	_ =	sdelay $0xd  }
0xb7: {  	s2 =	spop @!p1 (v2sf)  }
0xb8: {  	s6 =	spop @!p1 (v2sf)  }
0xb9: {  	p2 =	sne.s32 @!p1 s28, s2;
	p3 =	slt.s32 @!p1 s6, $0xF  }
0xba: {  	[sflag:s0] =	ssyncset.done @!p1 $0x0;
	p2 =	por p2, p1;
	p3 =	por !p3, p1  }
0xbb: {  	[sflag:s0] =	ssyncadd.s32 @!p1 $0xFFFFFFFF;
	v4 =	vimm.s32 @!p2 $0xFFFFFFFF;
	s6 =	simm.s32 @p3 $0xF  }
0xbc: {  	[tilespmem:$0x80] =	vst @!p2 v4;
	s2 =	sadd.s32 @!p1 $0x90, s6  }
0xbd: {  	[spmem:s10] =	stream.linear.scatter @!p1 [tilespmem:s2], [sflag:$0x1], $0x1, $0x38;
	[tilespmem:$0x11A60] =	vst v63  }
0xbe: {  	_ =	swait.ge @!p1 [sflag:s0], $0x1  }
0xbf: {  	[sflag:s0] =	ssyncset.done @!p1 $0x0  }
0xc0: {  	s2 =	simm.s32 @!p1 $0x80;
	[sflag:s0] =	ssyncadd.s32 @!p1 $0xFFFFFFFF  }
0xc1: {  	[spmem:s15] =	stream.linear.scatter @!p1 [tilespmem:s2], [sflag:$0x1], $0x1, $0x38;
	[tilespmem:$0x11A60] =	vst v63  }
0xc2: {  	_ =	swait.ge @!p1 [sflag:s0], $0x1  }
0xc3: {  	[sflag:s0] =	ssyncset.done @!p1 $0x0  }
0xc4: {  	[sflag:s0] =	ssyncadd.s32 @!p1 $0xFFFFFFFF;
	(ifvalue) =	ssetifvalue $0xFFFFFFFF;
	v4 =	vld [tilespmem:s25+$0x10];
	_ =	sdelay $0x3  }
.Ltmp6:
0xc5: {  	_ = 	snop;
	(pc) =	sbr.rel .LBB2_9-.Ltmp6, $3  }
0xc6: {  	_ =	sdelay $0x1  }
0xc7: {  	(ifvalue) =	ssetifvalue $0xFFFFFFFF  }
0xc8: {  	[hbm4b:s1+s16] =	stream.indirect_vreg.scatter [tilespmem:s26], [sflag:$0x9], $0x1, v4, vm0, $0x4038;
	[tilespmem:$0x11A60] =	vst v63  }
.LBB2_10:
0xc9: {  	_ =	sfence.sel $0x180000  }
0xca: {  	s0 =	simm.s32 $0x7;
	[bflag:$0x0] =	sbarrier.arrive $0xFFFF  }
0xcb: {  	s26 =	simm.s32 $0x8;
	[sflag:s0] =	ssyncpa.u1 $0x1  }
0xcc: {  	s28 =	simm.s32 $0x9;
	[sflag:s26] =	ssyncpa.u1 $0x1  }
0xcd: {  	[sflag:s28] =	ssyncpa.u1 $0x1  }
0xce: {  	_ =	sfence.stream.spmem  }
0xcf: {  	s29 =	simm.s32 $0x3;
	[bflag:$0x0] =	sbarrier.arrive $0xFFFF  }
0xd0: {  	s30 =	simm.s32 $0x4;
	[sflag:s29] =	ssyncpa.u1 $0x1  }
0xd1: {  	s31 =	simm.s32 $0x3C;
	s2 =	stileid.u32;
	[sflag:s30] =	ssyncpa.u1 $0x1  }
0xd2: {  	p0 =	sne.s32 s2, $0x0;
	[sflag:s31] =	ssyncpa.u1 $0x1  }
0xd3: {  	s0 =	simm.s32 @p0 $0x1;
	_ =	sfence @p0  }
0xd4: {  	[sflag:s0] =	ssyncpa.u1 @p0 $0x1;
	s0 =	simm.s32 @p0 $0x2  }
0xd5: {  	[sflag:s0] =	ssyncpa.u1 @p0 $0x1  }
0xd6: {  	_ =	strace @p0 $0x9000004A  }
0xd7: {  	[bflag:$0x2] =	sbarrier.arrive @p0 $0xFFFF  }
0xd8: {  	_ =	shalt @p0  }
.LBB2_11:
0xd9: {  	_ =	sfence.stream.spmem;
	s0 =	simm.s32 $0x5  }
0xda: {  	s2 =	simm.s32 $0x80;
	s3 =	simm.s32 $0xC0;
	[sflag:s0] =	ssyncpa.u1 $0x0  }
0xdb: {  	[tilespmem:s3], [sflag:$0x5] =	stream.linear.gather [spmem:s2], $0x20, $0x38;
	[tilespmem:$0x11A60] =	vst v63  }
0xdc: {  	s30 =	simm.s32 $0xE0;
	s2 =	simm.s32 $0x0  }
0xdd: {  	[tilespmem:s30], [sflag:$0x5] =	stream.linear.gather [spmem:s2], $0x20, $0x38;
	[tilespmem:$0x11A60] =	vst v63  }
.Ltmp7:
0xde: {  	_ = 	snop;
	(pc) =	sbr.rel .LBB2_12-.Ltmp7, $4  }
0xdf: {  	_ =	swait.ge [sflag:s0], $0x40  }
0xe0: {  	[sflag:s0] =	ssyncset.done $0x0  }
0xe1: {  	s31 =	simm.s32 $0x6;
	[sflag:s0] =	ssyncadd.s32 $0xFFFFFFC0  }
0xe2: {  	s3 =	simm.s32 $0x0;
	[sflag:s31] =	ssyncpa.u1 $0x0  }
.LBB2_17:
0xe3: {  	p0 =	sgt.u32 s4, $0x27FF  }
0xe4: {  	s0 =	sshrl.u32 @!p0 s4, $0x3  }
0xe5: {  	s4 =	sand.u32 @!p0 $0x7, s4;
	s5 =	simm.s32 @!p0 $0xB0;
	s0 =	sadd.s32 @!p0 s1, s0  }
0xe6: {  	[tilespmem:s5], [sflag:$0x6] =	stream.linear.gather @!p0 [hbm4b:s0+s4], $0x1, $0x38;
	[tilespmem:$0x11A60] =	vst v63  }
0xe7: {  	s0 =	simm.s32 @!p0 $0x6  }
0xe8: {  	_ =	swait.ge @!p0 [sflag:s0], $0x1  }
0xe9: {  	[sflag:s0] =	ssyncset.done @!p0 $0x0  }
0xea: {  	[sflag:s0] =	ssyncadd.s32 @!p0 $0xFFFFFFFF  }
0xeb: {  	v1 =	vld.msk @!p0 [tilespmem:$0xB0], $0x1  }
0xec: {  	v2 =	vld.msk @!p0 [tilespmem:s3+$0xE0], $0x1;
	_ =	sdelay $0x4  }
0xed: {  	v1 =	vmax.f32 @!p0 v2, v1  }
0xee: {  	[tilespmem:s3+$0xE0] =	vst.msk @!p0 $0x1, v1  }
0xef: {  	[tilespmem:s2+$0xC0] =	vst.msk $0x1, v0  }
0xf0: {  	v0 =	vld.msk [tilespmem:s3+$0xE0], $0x1;
	_ =	sdelay $0x4  }
0xf1: {  	[tilespmem:s2+$0xE0] =	vst.msk $0x1, v0;
	s2 =	sadd.s32 $0x1, s2  }
.LBB2_19:
0xf2: {  	s3 =	sadd.s32 $0x1, s3  }
0xf3: {  	p0 =	sne.s32 s3, $0x20  }
.Ltmp8:
0xf4: {  	_ = 	snop;
	(pc) =	sbr.rel @!p0 .LBB2_20-.Ltmp8, $1  }
0xf5: {  	_ =	sdelay $0x3  }
.LBB2_12:
0xf6: {  	v0 =	vld.msk [tilespmem:s3+$0xC0], $0x1;
	_ =	sdelay $0x4  }
0xf7: {  	(v2sf) =	vpush v0, $0x0;
	_ =	sdelay $0xe  }
0xf8: {  	s4 =	spop (v2sf)  }
0xf9: {  	p0 =	seq.s32 s4, $0xFFFFFFFF  }
.Ltmp9:
0xfa: {  	_ = 	snop;
	(pc) =	sbr.rel @p0 .LBB2_19-.Ltmp9, $1  }
0xfb: {  	_ =	sdelay $0x3  }
0xfc: {  	p0 =	slt.s32 s2, $0x1  }
.Ltmp10:
0xfd: {  	_ = 	snop;
	(pc) =	sbr.rel @p0 .LBB2_17-.Ltmp10, $1  }
0xfe: {  	_ =	sdelay $0x3  }
0xff: {  	s0 =	simm.s32 $0xC0;
	p0 =	por $0x0, $0x0  }
0x100: {  	v1 =	vld.msk @!p0 [tilespmem:s0+$0x0], $0x1;
	_ =	sdelay $0x4  }
0x101: {  	(v2sf) =	vpush @!p0 v1, $0x0;
	_ =	sdelay $0xd  }
0x102: {  	p2 =	sne.s32 s2, $0x1  }
.Ltmp11:
0x103: {  	s5 =	spop @!p0 (v2sf);
	(pc) =	sbr.rel @!p2 .LBB2_16-.Ltmp11, $4  }
0x104: {  	p1 =	seq.s32 @!p0 s4, s5  }
0x105: {  	s5 =	simm.s32 $0x0;
	p1 =	por !p1, p0  }
0x106: {  	s7 =	simm.s32 $0xFFFFFFFF;
	s5 =	simm.s32 @p1 $0xFFFFFFFF  }
0x107: {  	s6 =	simm.s32 $0x1;
	s5 =	smov.u32 @p0 s7  }
.LBB2_15:
0x108: {  	s7 =	smov.u32 s5;
	p0 =	sne.s32 s5, $0xFFFFFFFF  }
0x109: {  	s0 =	sadd.s32 $0x1, s0;
	s5 =	smov.u32 s6;
	s6 =	sadd.s32 $0x1, s6  }
0x10a: {  	p1 =	sne.s32 s2, s6;
	v1 =	vld.msk @!p0 [tilespmem:s0+$0x0], $0x1;
	_ =	sdelay $0x4  }
0x10b: {  	(v2sf) =	vpush @!p0 v1, $0x0;
	_ =	sdelay $0xe  }
.Ltmp12:
0x10c: {  	s8 =	spop @!p0 (v2sf);
	(pc) =	sbr.rel @p1 .LBB2_15-.Ltmp12, $4  }
0x10d: {  	p2 =	seq.s32 @!p0 s4, s8  }
0x10e: {  	p2 =	por !p2, p0  }
0x10f: {  	s5 =	simm.s32 @p2 $0xFFFFFFFF  }
0x110: {  	s5 =	smov.u32 @p0 s7  }
.LBB2_16:
0x111: {  	p0 =	sne.s32 s5, $0xFFFFFFFF  }
.Ltmp13:
0x112: {  	_ = 	snop;
	(pc) =	sbr.rel @!p0 .LBB2_17-.Ltmp13, $1  }
0x113: {  	_ =	sdelay $0x3  }
0x114: {  	v0 =	vld.msk [tilespmem:s3+$0xE0], $0x1  }
0x115: {  	v1 =	vld.msk [tilespmem:s5+$0xE0], $0x1;
	_ =	sdelay $0x1  }
.Ltmp14:
0x116: {  	_ = 	snop;
	(pc) =	sbr.rel .LBB2_19-.Ltmp14, $3  }
0x117: {  	_ =	sdelay $0x1  }
0x118: {  	v0 =	vmax.f32 v1, v0  }
0x119: {  	[tilespmem:s5+$0xE0] =	vst.msk $0x1, v0  }
.LBB2_20:
0x11a: {  	p0 =	slt.s32 s2, $0x1  }
.Ltmp15:
0x11b: {  	_ = 	snop;
	(pc) =	sbr.rel @p0 .LBB2_24-.Ltmp15, $3  }
0x11c: {  	_ =	sdelay $0x1  }
0x11d: {  	s0 =	simm.s32 $0x6  }
0x11e: {  	s3 =	simm.s32 $0x0;
	[sflag:s0] =	ssyncpa.u1 $0x1  }
0x11f: {  	s0 =	simm.s32 $0xC0  }
0x120: {  	v0 =	vld.msk [tilespmem:s0+$0x0], $0x1;
	_ =	sdelay $0x4  }
0x121: {  	(v2sf) =	vpush v0, $0x0;
	_ =	sdelay $0xe  }
0x122: {  	s2 =	sadd.s32 $0xFFFFFFFF, s2;
	s4 =	spop (v2sf)  }
0x123: {  	p1 =	sne.s32 s2, $0x0;
	p0 =	sgt.u32 s4, $0x27FF  }
.Ltmp16:
0x124: {  	s5 =	sshrl.u32 @!p0 s4, $0x3;
	(pc) =	sbr.rel @!p1 .LBB2_23-.Ltmp16, $4  }
0x125: {  	s0 =	simm.s32 $0xE0;
	s4 =	sand.u32 @!p0 $0x7, s4;
	s5 =	sadd.s32 @!p0 s1, s5  }
0x126: {  	[hbm4b:s5+s4] =	stream.linear.scatter @!p0 [tilespmem:s0], [sflag:$0x5], $0x1, $0x38;
	[tilespmem:$0x11A60] =	vst v63  }
0x127: {  	s5 =	simm.s32 $0x0  }
0x128: {  	s4 =	simm.s32 $0xC1;
	s5 =	simm.s32 @!p0 $0x4  }
.LBB2_22:
0x129: {  	v0 =	vld.msk [tilespmem:s4+$0x0], $0x1;
	s2 =	sadd.s32 $0xFFFFFFFF, s2;
	s3 =	sadd.s32 s3, s5  }
0x12a: {  	p0 =	sne.s32 s2, $0x0;
	_ =	sdelay $0x3  }
0x12b: {  	(v2sf) =	vpush v0, $0x0;
	_ =	sdelay $0xe  }
.Ltmp17:
0x12c: {  	s6 =	spop (v2sf);
	(pc) =	sbr.rel @p0 .LBB2_22-.Ltmp17, $4  }
0x12d: {  	s5 =	simm.s32 $0x0;
	p1 =	sgt.u32 s6, $0x27FF  }
0x12e: {  	s0 =	sadd.s32 $0x1, s0;
	s5 =	simm.s32 @!p1 $0x4;
	s7 =	sshrl.u32 @!p1 s6, $0x3  }
0x12f: {  	s4 =	sadd.s32 $0x1, s4;
	s6 =	sand.u32 @!p1 $0x7, s6;
	s7 =	sadd.s32 @!p1 s1, s7  }
0x130: {  	[hbm4b:s7+s6] =	stream.linear.scatter @!p1 [tilespmem:s0], [sflag:$0x5], $0x1, $0x38;
	[tilespmem:$0x11A60] =	vst v63  }
.LBB2_23:
0x131: {  	s0 =	sadd.s32 s3, s5  }
0x132: {  	s3 =	sshrl.u32 s0, $0x2  }
.LBB2_24:
0x133: {  	s0 =	simm.s32 $0x5  }
0x134: {  	_ =	swait.ge [sflag:s0], s3  }
0x135: {  	s1 =	ssub.s32 $0x0, s3;
	[sflag:s0] =	ssyncset.done $0x0  }
0x136: {  	[sflag:s0] =	ssyncadd.s32 s1  }
0x137: {  	[sflag:s0] =	ssyncpa.u1 $0x1  }
0x138: {  	s29 =	simm.s32 $0x1;
	_ =	sfence  }
0x139: {  	s30 =	simm.s32 $0x2;
	[sflag:s29] =	ssyncpa.u1 $0x1  }
0x13a: {  	[sflag:s30] =	ssyncpa.u1 $0x1  }
0x13b: {  	_ =	strace $0x9000004A  }
0x13c: {  	[bflag:$0x2] =	sbarrier.arrive $0xFFFF  }
0x13d: {  	s31 =	rddreg [dreg:$0x2]  }
0x13e: {  	s0 =	sadd.s32 $0x100000, s31  }
0x13f: {  	[sflag:s0] =	ssyncadd.tile.s32 $0x1;
	_ =	shalt  }
.Lfunc_end2:
_tile_overlayer_lowered:
.L_overlay_start_2:
0x140: {  	(tag) =	ssettag $0x2  }
0x141: {  	s0 =	rddreg [dreg:$0x0];
	s2 =	stileid.u32  }
0x142: {  	s1 =	rddreg [dreg:$0x1];
	p0 =	sne.s32 s2, $0x0  }
0x143: {  	s3 =	rddreg [dreg:$0x2];
	[bflag:$0x3] =	sbarrier.arrive $0xFFFF;
	s2 =	simm.s32 @!p0 $0x1C01  }
0x144: {  	[timem:s3], [sflag:s2] =	dma.local @!p0 [hbm:s0], s1  }
0x145: {  	s0 =	simm.s32 @!p0 $0x1  }
0x146: {  	_ =	swait.ge @!p0 [sflag:s0], s1  }
0x147: {  	s1 =	ssub.s32 @!p0 $0x0, s1;
	[sflag:s0] =	ssyncset.done @!p0 $0x0  }
0x148: {  	[sflag:s0] =	ssyncadd.s32 @!p0 s1  }
0x149: {  	[bflag:$0x3] =	sbarrier.arrive $0xFFFF  }
0x14a: {  	_ =	shalt  }

</sc_bundles>
